<compile_context>
chip_gen: v7x
topology: tpu7x:2x2x1
jax: 0.10.2.dev20260603
libtpu: 0.0.44.dev20260713+nightly
codegen_flags: <defaults>
</compile_context>

<pallas_src>
import functools

import jax
import jax.numpy as jnp
from jax import lax
from jax.experimental import pallas as pl
from jax.experimental.pallas import tpu as pltpu
from jax.experimental.pallas import tpu_sc as plsc

N, E, F, D, B = 10000, 320000, 128, 16, 64

NC, NS = 2, 16
NW = NC * NS

CHUNK = 128
K = 4
NB = 2 * K
NCHUNK = -(-E // (NW * CHUNK * NB)) * NB
PER_W = NCHUNK * CHUNK
EPAD = NW * PER_W
NBLK = NCHUNK // NB
RPT = -(-N // NS) // 8 * 8 + 8
NPAD = RPT * NS


def _sc_seg_sum_body(with_counts, table, srcp, dstp, *refs):
    if with_counts:
        (out_acc, out_cnt, sidx2, didx2, rows, ones_v, zbuf,
         tbl_sh, acc_sh, cnt_sh, gsem, ssem, csem) = refs
    else:
        out_acc, sidx2, didx2, rows, zbuf, tbl_sh, acc_sh, gsem, ssem = refs
        out_cnt = ones_v = cnt_sh = csem = None

    c = lax.axis_index("c")
    s = lax.axis_index("s")
    w = s * NC + c

    def _zero_row(i, _):
        zbuf[i, :] = jnp.zeros((D,), jnp.float32)
        return 0

    lax.fori_loop(0, RPT, _zero_row, 0)
    pltpu.sync_copy(zbuf, acc_sh.at[pl.ds(s * RPT, RPT)])
    if with_counts:
        def _one_row(i, _):
            ones_v[i, :] = jnp.ones((D,), jnp.float32)
            return 0

        lax.fori_loop(0, CHUNK, _one_row, 0)
        pltpu.sync_copy(zbuf, cnt_sh.at[pl.ds(s * RPT, RPT)])

    pltpu.sync_copy(srcp.at[w], sidx2)
    pltpu.sync_copy(dstp.at[w], didx2)
    pltpu.sync_copy(table.at[pl.ds(s * RPT, RPT)],
                    tbl_sh.at[pl.ds(s * RPT, RPT)])
    plsc.subcore_barrier()

    def g_issue(j, b):
        pltpu.async_copy(tbl_sh.at[sidx2.at[j]], rows.at[b], gsem.at[b])

    def g_wait(j, b):
        pltpu.make_async_copy(
            tbl_sh.at[sidx2.at[j]], rows.at[b], gsem.at[b]
        ).wait()

    def s_issue(j, b):
        pltpu.async_copy(rows.at[b], acc_sh.at[didx2.at[j]], ssem.at[b],
                         add=True)
        if with_counts:
            pltpu.async_copy(ones_v, cnt_sh.at[didx2.at[j]], csem.at[b],
                             add=True)

    def s_wait(j, b):
        pltpu.make_async_copy(
            rows.at[b], acc_sh.at[didx2.at[j]], ssem.at[b]
        ).wait()
        if with_counts:
            pltpu.make_async_copy(
                ones_v, cnt_sh.at[didx2.at[j]], csem.at[b]
            ).wait()

    for b in range(NB):
        g_issue(b, b)

    def _blk(t, _):
        j0 = t * NB
        for b in range(NB):
            j = j0 + b
            g_wait(j, b)
            s_issue(j, b)
            br = (b - K) % NB
            jr = j0 + br + (NB if b >= K else 0)
            @pl.when(jnp.logical_and(jr >= NB, jr < NCHUNK))
            def _():
                s_wait(jr - NB, br)
                g_issue(jr, br)
        return 0

    lax.fori_loop(0, NBLK, _blk, 0)
    for b in range(NB):
        s_wait((NBLK - 1) * NB + b, b)
    plsc.subcore_barrier()

    pltpu.sync_copy(
        acc_sh.at[pl.ds(s * RPT, RPT)], out_acc.at[c, pl.ds(s * RPT, RPT)]
    )
    if with_counts:
        pltpu.sync_copy(
            cnt_sh.at[pl.ds(s * RPT, RPT)], out_cnt.at[c, pl.ds(s * RPT, RPT)]
        )


@functools.lru_cache(maxsize=None)
def _make_sc_seg_sum(with_counts):
    mesh = plsc.VectorSubcoreMesh(
        core_axis_name="c", subcore_axis_name="s", num_cores=NC, num_subcores=NS
    )
    out_type = [jax.ShapeDtypeStruct((NC, NPAD, D), jnp.float32)]
    if with_counts:
        out_type.append(jax.ShapeDtypeStruct((NC, NPAD, D), jnp.float32))
        scratch = [
            pltpu.VMEM((NCHUNK, CHUNK), jnp.int32),
            pltpu.VMEM((NCHUNK, CHUNK), jnp.int32),
            pltpu.VMEM((NB, CHUNK, D), jnp.float32),
            pltpu.VMEM((CHUNK, D), jnp.float32),
            pltpu.VMEM((RPT, D), jnp.float32),
            pltpu.VMEM_SHARED((NPAD, D), jnp.float32),
            pltpu.VMEM_SHARED((NPAD, D), jnp.float32),
            pltpu.VMEM_SHARED((NPAD, D), jnp.float32),
            pltpu.SemaphoreType.DMA((NB,)),
            pltpu.SemaphoreType.DMA((NB,)),
            pltpu.SemaphoreType.DMA((NB,)),
        ]
    else:
        scratch = [
            pltpu.VMEM((NCHUNK, CHUNK), jnp.int32),
            pltpu.VMEM((NCHUNK, CHUNK), jnp.int32),
            pltpu.VMEM((NB, CHUNK, D), jnp.float32),
            pltpu.VMEM((RPT, D), jnp.float32),
            pltpu.VMEM_SHARED((NPAD, D), jnp.float32),
            pltpu.VMEM_SHARED((NPAD, D), jnp.float32),
            pltpu.SemaphoreType.DMA((NB,)),
            pltpu.SemaphoreType.DMA((NB,)),
        ]
    return pl.kernel(
        functools.partial(_sc_seg_sum_body, with_counts),
        out_type=out_type,
        mesh=mesh,
        scratch_types=scratch,
        compiler_params=pltpu.CompilerParams(use_tc_tiling_on_sc=False),
    )


def _t0_body(x_ref, w0_ref, b0_ref, w1_ref, b1_ref, w2_ref, b2_ref,
             out_ref, wf_ref):
    out_ref[:N, :] = jax.nn.relu(
        jnp.dot(x_ref[...], w0_ref[...], preferred_element_type=jnp.float32)
        + b0_ref[...]
    )
    out_ref[N:, :] = jnp.zeros((NPAD - N, D), jnp.float32)
    hidden = jax.nn.relu(w1_ref[...] + b1_ref[...])
    wf_ref[...] = (
        jnp.dot(hidden, w2_ref[...], preferred_element_type=jnp.float32)
        + b2_ref[...]
    )


_t0_call = pl.pallas_call(
    _t0_body,
    out_shape=[
        jax.ShapeDtypeStruct((NPAD, D), jnp.float32),
        jax.ShapeDtypeStruct((1, D * D), jnp.float32),
    ],
)


def _t1_body(acc_ref, cnt_ref, h_ref, wf_ref, cb_ref,
             wih_ref, whh_ref, bih_ref, bhh_ref, out_ref):
    seg = acc_ref[0, :N, :] + acc_ref[1, :N, :]
    cnt = cnt_ref[0, :N, :] + cnt_ref[1, :N, :]
    mean = seg / jnp.maximum(cnt, 1.0)
    m = jax.nn.relu(
        jnp.dot(mean, wf_ref[...], preferred_element_type=jnp.float32)
        + cb_ref[...]
    )
    h = h_ref[:N, :]
    gi = jnp.dot(m, wih_ref[...], preferred_element_type=jnp.float32) + bih_ref[...]
    gh = jnp.dot(h, whh_ref[...], preferred_element_type=jnp.float32) + bhh_ref[...]
    r = jax.nn.sigmoid(gi[:, :D] + gh[:, :D])
    z = jax.nn.sigmoid(gi[:, D:2 * D] + gh[:, D:2 * D])
    n = jnp.tanh(gi[:, 2 * D:] + r * gh[:, 2 * D:])
    out_ref[:N, :] = (1.0 - z) * n + z * h
    out_ref[N:, :] = jnp.zeros((NPAD - N, D), jnp.float32)


_t1_call = pl.pallas_call(
    _t1_body,
    out_shape=jax.ShapeDtypeStruct((NPAD, D), jnp.float32),
)


def _t2_body(out_node_ref, batch_ref, wih_ref, whh_ref, bih_ref, bhh_ref,
             q_ref):
    out = out_node_ref[:N, :]
    bidx = batch_ref[...]
    cols = lax.broadcasted_iota(jnp.int32, (N, B), 1)
    oh = (bidx == cols).astype(jnp.float32)
    q_star = jnp.zeros((B, 2 * D), jnp.float32)
    hs = jnp.zeros((B, D), jnp.float32)
    cs = jnp.zeros((B, D), jnp.float32)
    for _ in range(3):
        gates = (
            jnp.dot(q_star, wih_ref[...], preferred_element_type=jnp.float32)
            + bih_ref[...]
            + jnp.dot(hs, whh_ref[...], preferred_element_type=jnp.float32)
            + bhh_ref[...]
        )
        ig = jax.nn.sigmoid(gates[:, :D])
        fg = jax.nn.sigmoid(gates[:, D:2 * D])
        gg = jnp.tanh(gates[:, 2 * D:3 * D])
        og = jax.nn.sigmoid(gates[:, 3 * D:])
        cs = fg * cs + ig * gg
        hs = og * jnp.tanh(cs)
        qb = jnp.dot(oh, hs, preferred_element_type=jnp.float32)
        e = jnp.sum(out * qb, axis=1, keepdims=True)
        e_masked = jnp.where(oh > 0.0, e, -1e30)
        e_max = jnp.max(e_masked, axis=0, keepdims=True)
        e_max_n = jnp.dot(oh, e_max.T, preferred_element_type=jnp.float32)
        a_un = jnp.exp(e - e_max_n)
        denom = lax.dot_general(
            oh, a_un, (((0,), (0,)), ((), ())),
            preferred_element_type=jnp.float32,
        )
        den_n = jnp.dot(oh, denom, preferred_element_type=jnp.float32)
        a = a_un / (den_n + 1e-16)
        r = lax.dot_general(
            oh, a * out, (((0,), (0,)), ((), ())),
            preferred_element_type=jnp.float32,
        )
        q_star = jnp.concatenate([hs, r], axis=1)
    q_ref[...] = q_star


_t2_call = pl.pallas_call(
    _t2_body,
    out_shape=jax.ShapeDtypeStruct((B, 2 * D), jnp.float32),
)


def kernel(x, edge_index, batch, W0, b0, W1, b1, W2, b2, conv_b,
           gru_Wih, gru_Whh, gru_bih, gru_bhh,
           lstm_Wih, lstm_Whh, lstm_bih, lstm_bhh):
    src = edge_index[0]
    dst = edge_index[1]
    npad = EPAD - E
    src_p = jnp.concatenate(
        [src, jnp.zeros((npad,), jnp.int32)]).reshape(NW, NCHUNK, CHUNK)
    dst_p = jnp.concatenate(
        [dst, jnp.full((npad,), NPAD - 1, jnp.int32)]).reshape(NW, NCHUNK, CHUNK)

    out0, wf_flat = _t0_call(
        x, W0, b0.reshape(1, D), W1, b1.reshape(1, D), W2, b2.reshape(1, D * D)
    )
    wfix = wf_flat.reshape(D, D)
    cb = conv_b.reshape(1, D)
    wihT, bihT = gru_Wih.T, gru_bih.reshape(1, 3 * D)
    whhT, bhhT = gru_Whh.T, gru_bhh.reshape(1, 3 * D)

    h = out0
    cnt2 = None
    for layer in range(3):
        if layer == 0:
            acc2, cnt2 = _make_sc_seg_sum(True)(h, src_p, dst_p)
        else:
            (acc2,) = _make_sc_seg_sum(False)(h, src_p, dst_p)
        h = _t1_call(acc2, cnt2, h, wfix, cb, wihT, whhT, bihT, bhhT)

    q_star = _t2_call(
        h, batch.reshape(N, 1), lstm_Wih.T, lstm_Whh.T,
        lstm_bih.reshape(1, 4 * D), lstm_bhh.reshape(1, 4 * D),
    )
    return (q_star, h[:N, :])

# --- scband reference (transcript-rebuilt; emitter-appended) ---
"""Pipeline reference for scband-encoder-79628693668029 (READ-ONLY COPY).

The authoritative reference and input builder live on the scoring server;
editing this copy changes nothing except your own understanding.
"""

import jax, jax.numpy as jnp
import numpy as np

N, E, F, D, B = 10000, 320000, 128, 16, 64


def _gru_cell(x, h, Wih, Whh, bih, bhh):
    gi = x @ Wih.T + bih
    gh = h @ Whh.T + bhh
    i_r, i_z, i_n = jnp.split(gi, 3, axis=-1)
    h_r, h_z, h_n = jnp.split(gh, 3, axis=-1)
    r = jax.nn.sigmoid(i_r + h_r)
    z = jax.nn.sigmoid(i_z + h_z)
    n = jnp.tanh(i_n + r * h_n)
    return (1.0 - z) * n + z * h


def _lstm_cell(x, h, c, Wih, Whh, bih, bhh):
    gates = x @ Wih.T + bih + h @ Whh.T + bhh
    i, f, g, o = jnp.split(gates, 4, axis=-1)
    i = jax.nn.sigmoid(i)
    f = jax.nn.sigmoid(f)
    g = jnp.tanh(g)
    o = jax.nn.sigmoid(o)
    c_new = f * c + i * g
    h_new = o * jnp.tanh(c_new)
    return h_new, c_new


def setup_inputs(seed: int = 0):
    key = jax.random.key(seed)
    ks = jax.random.split(key, 12)
    s = 0.1
    x = jax.random.normal(ks[0], (N, F), dtype=jnp.float32)
    edge_index = jax.random.randint(ks[1], (2, E), 0, N, dtype=jnp.int32)
    batch = jnp.sort(jax.random.randint(ks[2], (N,), 0, B, dtype=jnp.int32))
    W0 = jax.random.normal(ks[3], (F, D), dtype=jnp.float32) * s
    b0 = jnp.zeros((D,), dtype=jnp.float32)
    W1 = jax.random.normal(ks[4], (1, D), dtype=jnp.float32) * s
    b1 = jnp.zeros((D,), dtype=jnp.float32)
    W2 = jax.random.normal(ks[5], (D, D * D), dtype=jnp.float32) * s
    b2 = jnp.zeros((D * D,), dtype=jnp.float32)
    conv_b = jnp.zeros((D,), dtype=jnp.float32)
    gru_Wih = jax.random.normal(ks[6], (3 * D, D), dtype=jnp.float32) * s
    gru_Whh = jax.random.normal(ks[7], (3 * D, D), dtype=jnp.float32) * s
    gru_bih = jnp.zeros((3 * D,), dtype=jnp.float32)
    gru_bhh = jnp.zeros((3 * D,), dtype=jnp.float32)
    lstm_Wih = jax.random.normal(ks[8], (4 * D, 2 * D), dtype=jnp.float32) * s
    lstm_Whh = jax.random.normal(ks[9], (4 * D, D), dtype=jnp.float32) * s
    lstm_bih = jnp.zeros((4 * D,), dtype=jnp.float32)
    lstm_bhh = jnp.zeros((4 * D,), dtype=jnp.float32)
    return {"x": x, "edge_index": edge_index, "batch": batch, "W0": W0, "b0": b0,
            "W1": W1, "b1": b1, "W2": W2, "b2": b2, "conv_b": conv_b,
            "gru_Wih": gru_Wih, "gru_Whh": gru_Whh, "gru_bih": gru_bih, "gru_bhh": gru_bhh,
            "lstm_Wih": lstm_Wih, "lstm_Whh": lstm_Whh, "lstm_bih": lstm_bih, "lstm_bhh": lstm_bhh}


def reference(x, edge_index, batch, W0, b0, W1, b1, W2, b2, conv_b,
              gru_Wih, gru_Whh, gru_bih, gru_bhh,
              lstm_Wih, lstm_Whh, lstm_bih, lstm_bhh):
    src = edge_index[0]
    dst = edge_index[1]
    out = jax.nn.relu(x @ W0 + b0)
    h = out
    feat_map = out
    for _ in range(3):
        # NNConv: edge_attr = ones(E, 1); edge-MLP produces per-edge [D, D] weight
        edge_attr = jnp.ones((E, 1), dtype=jnp.float32)
        hidden = jax.nn.relu(edge_attr @ W1 + b1)
        weight = (hidden @ W2 + b2).reshape(E, D, D)
        x_j = out[src]
        msg = jnp.einsum('ei,eio->eo', x_j, weight)
        agg = jax.ops.segment_sum(msg, dst, num_segments=N)
        cnt = jax.ops.segment_sum(jnp.ones((E,), dtype=jnp.float32), dst, num_segments=N)
        agg = agg / jnp.maximum(cnt, 1.0)[:, None]
        m = jax.nn.relu(agg + conv_b)
        out = _gru_cell(m, h, gru_Wih, gru_Whh, gru_bih, gru_bhh)
        h = out
        feat_map = out
    # Set2Set with processing_steps=3
    q_star = jnp.zeros((B, 2 * D), dtype=jnp.float32)
    hs = jnp.zeros((B, D), dtype=jnp.float32)
    cs = jnp.zeros((B, D), dtype=jnp.float32)
    for _ in range(3):
        hs, cs = _lstm_cell(q_star, hs, cs, lstm_Wih, lstm_Whh, lstm_bih, lstm_bhh)
        q = hs
        e = jnp.sum(out * q[batch], axis=-1)
        e_max = jax.ops.segment_max(e, batch, num_segments=B)
        a_un = jnp.exp(e - e_max[batch])
        denom = jax.ops.segment_sum(a_un, batch, num_segments=B)
        a = a_un / (denom[batch] + 1e-16)
        r = jax.ops.segment_sum(a[:, None] * out, batch, num_segments=B)
        q_star = jnp.concatenate([q, r], axis=-1)
    return (q_star, feat_map)

if __name__ == "__main__":
    import jax
    _d = setup_inputs()
    print(jax.jit(kernel)(*tuple(_d.values())))

</pallas_src>

<mosaic_0001>
#map = affine_map<(d0, d1) -> (0, 0)>
#map1 = affine_map<(d0, d1) -> (0, 0, 0)>
module attributes {stable_mosaic.version = 14 : i64} {
  func.func @_sc_seg_sum_body(%arg0: i32, %arg1: i32, %arg2: memref<10112x16xf32, #tpu.memory_space<hbm>>, %arg3: memref<32x80x128xi32, #tpu.memory_space<hbm>>, %arg4: memref<32x80x128xi32, #tpu.memory_space<hbm>>, %arg5: memref<2x10112x16xf32, #tpu.memory_space<hbm>>, %arg6: memref<80x128xi32, #tpu.memory_space<vmem>>, %arg7: memref<80x128xi32, #tpu.memory_space<vmem>>, %arg8: memref<8x128x16xf32, #tpu.memory_space<vmem>>, %arg9: memref<632x16xf32, #tpu.memory_space<vmem>>, %arg10: memref<10112x16xf32, #tpu.memory_space<vmem_shared>>, %arg11: memref<10112x16xf32, #tpu.memory_space<vmem_shared>>, %arg12: memref<8x!tpu.dma_semaphore, #tpu.memory_space<semaphore_mem>>, %arg13: memref<8x!tpu.dma_semaphore, #tpu.memory_space<semaphore_mem>>) attributes {dimension_semantics = [#tpu.dimension_semantics<core_parallel>, #tpu.dimension_semantics<subcore_parallel>], iteration_bounds = array<i64: 2, 16>, scalar_prefetch = 0 : i64, scratch_operands = 8 : i64, tpu.core_type = #tpu.core_type<sc_vector_subcore>, window_params = [{transform_indices = #map}, {transform_indices = #map1}, {transform_indices = #map1}, {transform_indices = #map1}]} {
    %mul3A = arith.constant 2 : i32
    %mul3A_0 = arith.muli %arg1, %mul3A : i32
    %add3A = arith.addi %mul3A_0, %arg0 : i32
    %scan3A = arith.constant 0 : i32
    %scan3A_1 = arith.constant 0 : i32
    %scan3A_2 = arith.constant 632 : i32
    %scan3A_3 = arith.addi %scan3A_1, %scan3A_2 : i32
    %scan3A_4 = arith.constant 1 : i32
    %scan3A_5 = scf.for %scan3A_263 = %scan3A_1 to %scan3A_3 step %scan3A_4 iter_args(%scan3A_264 = %scan3A) -> (i32)  : i32 {
      %broadcast_in_dim3A = arith.constant 0.000000e+00 : f32
      %broadcast_in_dim3A_265 = vector.broadcast %broadcast_in_dim3A : f32 to vector<16xf32>
      %swap3A = arith.index_cast %scan3A_263 : i32 to index
      %swap3A_266 = arith.constant 0 : index
      %swap3A_267 = tpu.vector_load %arg9[%swap3A, %swap3A_266] {strides = array<i32>} : memref<632x16xf32, #tpu.memory_space<vmem>>, vector<1x16xf32>,
      %swap3A_268 = vector.shape_cast %swap3A_267 : vector<1x16xf32> to vector<16xf32>
      %swap3A_269 = vector.shape_cast %broadcast_in_dim3A_265 : vector<16xf32> to vector<1x16xf32>
      tpu.vector_store %arg9[%swap3A, %swap3A_266], %swap3A_269 {strides = array<i32>} : memref<632x16xf32, #tpu.memory_space<vmem>>, vector<1x16xf32>,
      %scan3A_270 = arith.constant 0 : i32
      scf.yield %scan3A_270 : i32
    }
    %scan3A_6 = arith.constant 632 : i32
    %mul3A_7 = arith.constant 632 : i32
    %mul3A_8 = arith.muli %arg1, %mul3A_7 : i32
    "tpu.region"() ({
      %run_scoped3A = tpu.sem_alloc : memref<!tpu.dma_semaphore, #tpu.memory_space<semaphore_mem>>
      %dma_start3A_263 = arith.constant 0 : i32
      %dma_start3A_264 = tpu.memref_slice %arg11[%mul3A_8, %dma_start3A_263] : memref<10112x16xf32, #tpu.memory_space<vmem_shared>> -> memref<632x16xf32, #tpu.memory_space<vmem_shared>>
      %dma_start3A_265 = arith.constant 0 : i32
      %dma_start3A_266 = tpu.memref_slice %arg11[%mul3A_8, %dma_start3A_265] : memref<10112x16xf32, #tpu.memory_space<vmem_shared>> -> memref<632x16xf32, #tpu.memory_space<vmem_shared>>
      tpu.enqueue_dma source(%arg9 : memref<632x16xf32, #tpu.memory_space<vmem>>) target(%dma_start3A_266 : memref<632x16xf32, #tpu.memory_space<vmem_shared>>) target_semaphore(%run_scoped3A : memref<!tpu.dma_semaphore, #tpu.memory_space<semaphore_mem>>)
      %dma_wait3A_267 = arith.constant 0 : i32
      %dma_wait3A_268 = tpu.memref_slice %arg11[%mul3A_8, %dma_wait3A_267] : memref<10112x16xf32, #tpu.memory_space<vmem_shared>> -> memref<632x16xf32, #tpu.memory_space<vmem_shared>>
      %dma_wait3A_269 = arith.constant 0 : i32
      %dma_wait3A_270 = tpu.memref_slice %arg11[%mul3A_8, %dma_wait3A_269] : memref<10112x16xf32, #tpu.memory_space<vmem_shared>> -> memref<632x16xf32, #tpu.memory_space<vmem_shared>>
      tpu.wait_dma2 semaphore(%run_scoped3A : memref<!tpu.dma_semaphore, #tpu.memory_space<semaphore_mem>>) src(%arg9 : memref<632x16xf32, #tpu.memory_space<vmem>>) dst(%dma_wait3A_270 : memref<632x16xf32, #tpu.memory_space<vmem_shared>>)
      tpu.yield
    }) : () -> ()
    "tpu.region"() ({
      %run_scoped3A = tpu.sem_alloc : memref<!tpu.dma_semaphore, #tpu.memory_space<semaphore_mem>>
      %dma_start3A_263 = arith.constant 0 : i32
      %dma_start3A_264 = arith.constant 0 : i32
      %dma_start3A_265 = tpu.memref_slice %arg3[%add3A, %dma_start3A_263, %dma_start3A_264] : memref<32x80x128xi32, #tpu.memory_space<hbm>> -> memref<1x80x128xi32, #tpu.memory_space<hbm>>
      %dma_start3A_266 = tpu.memref_squeeze %dma_start3A_265 : memref<1x80x128xi32, #tpu.memory_space<hbm>> -> memref<80x128xi32, #tpu.memory_space<hbm>>
      %dma_start3A_267 = arith.constant 0 : i32
      %dma_start3A_268 = arith.constant 0 : i32
      %dma_start3A_269 = tpu.memref_slice %arg3[%add3A, %dma_start3A_267, %dma_start3A_268] : memref<32x80x128xi32, #tpu.memory_space<hbm>> -> memref<1x80x128xi32, #tpu.memory_space<hbm>>
      %dma_start3A_270 = tpu.memref_squeeze %dma_start3A_269 : memref<1x80x128xi32, #tpu.memory_space<hbm>> -> memref<80x128xi32, #tpu.memory_space<hbm>>
      tpu.enqueue_dma source(%dma_start3A_270 : memref<80x128xi32, #tpu.memory_space<hbm>>) target(%arg6 : memref<80x128xi32, #tpu.memory_space<vmem>>) target_semaphore(%run_scoped3A : memref<!tpu.dma_semaphore, #tpu.memory_space<semaphore_mem>>)
      %dma_wait3A_271 = arith.constant 0 : i32
      %dma_wait3A_272 = arith.constant 0 : i32
      %dma_wait3A_273 = tpu.memref_slice %arg3[%add3A, %dma_wait3A_271, %dma_wait3A_272] : memref<32x80x128xi32, #tpu.memory_space<hbm>> -> memref<1x80x128xi32, #tpu.memory_space<hbm>>
      %dma_wait3A_274 = tpu.memref_squeeze %dma_wait3A_273 : memref<1x80x128xi32, #tpu.memory_space<hbm>> -> memref<80x128xi32, #tpu.memory_space<hbm>>
      %dma_wait3A_275 = arith.constant 0 : i32
      %dma_wait3A_276 = arith.constant 0 : i32
      %dma_wait3A_277 = tpu.memref_slice %arg3[%add3A, %dma_wait3A_275, %dma_wait3A_276] : memref<32x80x128xi32, #tpu.memory_space<hbm>> -> memref<1x80x128xi32, #tpu.memory_space<hbm>>
      %dma_wait3A_278 = tpu.memref_squeeze %dma_wait3A_277 : memref<1x80x128xi32, #tpu.memory_space<hbm>> -> memref<80x128xi32, #tpu.memory_space<hbm>>
      tpu.wait_dma2 semaphore(%run_scoped3A : memref<!tpu.dma_semaphore, #tpu.memory_space<semaphore_mem>>) src(%dma_wait3A_278 : memref<80x128xi32, #tpu.memory_space<hbm>>) dst(%arg6 : memref<80x128xi32, #tpu.memory_space<vmem>>)
      tpu.yield
    }) : () -> ()
    "tpu.region"() ({
      %run_scoped3A = tpu.sem_alloc : memref<!tpu.dma_semaphore, #tpu.memory_space<semaphore_mem>>
      %dma_start3A_263 = arith.constant 0 : i32
      %dma_start3A_264 = arith.constant 0 : i32
      %dma_start3A_265 = tpu.memref_slice %arg4[%add3A, %dma_start3A_263, %dma_start3A_264] : memref<32x80x128xi32, #tpu.memory_space<hbm>> -> memref<1x80x128xi32, #tpu.memory_space<hbm>>
      %dma_start3A_266 = tpu.memref_squeeze %dma_start3A_265 : memref<1x80x128xi32, #tpu.memory_space<hbm>> -> memref<80x128xi32, #tpu.memory_space<hbm>>
      %dma_start3A_267 = arith.constant 0 : i32
      %dma_start3A_268 = arith.constant 0 : i32
      %dma_start3A_269 = tpu.memref_slice %arg4[%add3A, %dma_start3A_267, %dma_start3A_268] : memref<32x80x128xi32, #tpu.memory_space<hbm>> -> memref<1x80x128xi32, #tpu.memory_space<hbm>>
      %dma_start3A_270 = tpu.memref_squeeze %dma_start3A_269 : memref<1x80x128xi32, #tpu.memory_space<hbm>> -> memref<80x128xi32, #tpu.memory_space<hbm>>
      tpu.enqueue_dma source(%dma_start3A_270 : memref<80x128xi32, #tpu.memory_space<hbm>>) target(%arg7 : memref<80x128xi32, #tpu.memory_space<vmem>>) target_semaphore(%run_scoped3A : memref<!tpu.dma_semaphore, #tpu.memory_space<semaphore_mem>>)
      %dma_wait3A_271 = arith.constant 0 : i32
      %dma_wait3A_272 = arith.constant 0 : i32
      %dma_wait3A_273 = tpu.memref_slice %arg4[%add3A, %dma_wait3A_271, %dma_wait3A_272] : memref<32x80x128xi32, #tpu.memory_space<hbm>> -> memref<1x80x128xi32, #tpu.memory_space<hbm>>
      %dma_wait3A_274 = tpu.memref_squeeze %dma_wait3A_273 : memref<1x80x128xi32, #tpu.memory_space<hbm>> -> memref<80x128xi32, #tpu.memory_space<hbm>>
      %dma_wait3A_275 = arith.constant 0 : i32
      %dma_wait3A_276 = arith.constant 0 : i32
      %dma_wait3A_277 = tpu.memref_slice %arg4[%add3A, %dma_wait3A_275, %dma_wait3A_276] : memref<32x80x128xi32, #tpu.memory_space<hbm>> -> memref<1x80x128xi32, #tpu.memory_space<hbm>>
      %dma_wait3A_278 = tpu.memref_squeeze %dma_wait3A_277 : memref<1x80x128xi32, #tpu.memory_space<hbm>> -> memref<80x128xi32, #tpu.memory_space<hbm>>
      tpu.wait_dma2 semaphore(%run_scoped3A : memref<!tpu.dma_semaphore, #tpu.memory_space<semaphore_mem>>) src(%dma_wait3A_278 : memref<80x128xi32, #tpu.memory_space<hbm>>) dst(%arg7 : memref<80x128xi32, #tpu.memory_space<vmem>>)
      tpu.yield
    }) : () -> ()
    %mul3A_9 = arith.constant 632 : i32
    %mul3A_10 = arith.muli %arg1, %mul3A_9 : i32
    %mul3A_11 = arith.constant 632 : i32
    %mul3A_12 = arith.muli %arg1, %mul3A_11 : i32
    "tpu.region"() ({
      %run_scoped3A = tpu.sem_alloc : memref<!tpu.dma_semaphore, #tpu.memory_space<semaphore_mem>>
      %dma_start3A_263 = arith.constant 0 : i32
      %dma_start3A_264 = tpu.memref_slice %arg10[%mul3A_12, %dma_start3A_263] : memref<10112x16xf32, #tpu.memory_space<vmem_shared>> -> memref<632x16xf32, #tpu.memory_space<vmem_shared>>
      %dma_start3A_265 = arith.constant 0 : i32
      %dma_start3A_266 = tpu.memref_slice %arg2[%mul3A_10, %dma_start3A_265] : memref<10112x16xf32, #tpu.memory_space<hbm>> -> memref<632x16xf32, #tpu.memory_space<hbm>>
      tpu.enqueue_dma source(%dma_start3A_266 : memref<632x16xf32, #tpu.memory_space<hbm>>) target(%dma_start3A_264 : memref<632x16xf32, #tpu.memory_space<vmem_shared>>) target_semaphore(%run_scoped3A : memref<!tpu.dma_semaphore, #tpu.memory_space<semaphore_mem>>)
      %dma_wait3A_267 = arith.constant 0 : i32
      %dma_wait3A_268 = tpu.memref_slice %arg10[%mul3A_12, %dma_wait3A_267] : memref<10112x16xf32, #tpu.memory_space<vmem_shared>> -> memref<632x16xf32, #tpu.memory_space<vmem_shared>>
      %dma_wait3A_269 = arith.constant 0 : i32
      %dma_wait3A_270 = tpu.memref_slice %arg2[%mul3A_10, %dma_wait3A_269] : memref<10112x16xf32, #tpu.memory_space<hbm>> -> memref<632x16xf32, #tpu.memory_space<hbm>>
      tpu.wait_dma2 semaphore(%run_scoped3A : memref<!tpu.dma_semaphore, #tpu.memory_space<semaphore_mem>>) src(%dma_wait3A_270 : memref<632x16xf32, #tpu.memory_space<hbm>>) dst(%dma_wait3A_268 : memref<632x16xf32, #tpu.memory_space<vmem_shared>>)
      tpu.yield
    }) : () -> ()
    %barrier3A = arith.constant 0 : index
    tpu.barrier barrier_id(%barrier3A)
    %dma_start3A = arith.constant 0 : i32
    %dma_start3A_13 = arith.constant 0 : i32
    %dma_start3A_14 = arith.constant 0 : i32
    %dma_start3A_15 = arith.constant 0 : i32
    %dma_start3A_16 = arith.constant 0 : i32
    %dma_start3A_17 = tpu.memref_slice %arg8[%dma_start3A_13, %dma_start3A_15, %dma_start3A_16] : memref<8x128x16xf32, #tpu.memory_space<vmem>> -> memref<1x128x16xf32, #tpu.memory_space<vmem>>
    %dma_start3A_18 = tpu.memref_squeeze %dma_start3A_17 : memref<1x128x16xf32, #tpu.memory_space<vmem>> -> memref<128x16xf32, #tpu.memory_space<vmem>>
    %dma_start3A_19 = arith.constant 0 : i32
    %dma_start3A_20 = tpu.memref_slice %arg6[%dma_start3A, %dma_start3A_19] : memref<80x128xi32, #tpu.memory_space<vmem>> -> memref<1x128xi32, #tpu.memory_space<vmem>>
    %dma_start3A_21 = tpu.memref_squeeze %dma_start3A_20 : memref<1x128xi32, #tpu.memory_space<vmem>> -> memref<128xi32, #tpu.memory_space<vmem>>
    %dma_start3A_22 = arith.constant 0 : i32
    %dma_start3A_23 = arith.constant 0 : i32
    %dma_start3A_24 = tpu.memref_slice %arg10[%dma_start3A_22, %dma_start3A_23] : memref<10112x16xf32, #tpu.memory_space<vmem_shared>> -> memref<10112x16xf32, #tpu.memory_space<vmem_shared>>
    %dma_start3A_25 = tpu.memref_slice %arg12[%dma_start3A_14] : memref<8x!tpu.dma_semaphore, #tpu.memory_space<semaphore_mem>> -> memref<1x!tpu.dma_semaphore, #tpu.memory_space<semaphore_mem>>
    %dma_start3A_26 = tpu.memref_squeeze %dma_start3A_25 : memref<1x!tpu.dma_semaphore, #tpu.memory_space<semaphore_mem>> -> memref<!tpu.dma_semaphore, #tpu.memory_space<semaphore_mem>>
    tpu.enqueue_indirect_dma source(%dma_start3A_24 : memref<10112x16xf32, #tpu.memory_space<vmem_shared>>) target(%dma_start3A_18 : memref<128x16xf32, #tpu.memory_space<vmem>>) offsets(%dma_start3A_21 : memref<128xi32, #tpu.memory_space<vmem>>) semaphore(%dma_start3A_26 : memref<!tpu.dma_semaphore, #tpu.memory_space<semaphore_mem>>)
    %dma_start3A_27 = arith.constant 1 : i32
    %dma_start3A_28 = arith.constant 1 : i32
    %dma_start3A_29 = arith.constant 1 : i32
    %dma_start3A_30 = arith.constant 0 : i32
    %dma_start3A_31 = arith.constant 0 : i32
    %dma_start3A_32 = tpu.memref_slice %arg8[%dma_start3A_28, %dma_start3A_30, %dma_start3A_31] : memref<8x128x16xf32, #tpu.memory_space<vmem>> -> memref<1x128x16xf32, #tpu.memory_space<vmem>>
    %dma_start3A_33 = tpu.memref_squeeze %dma_start3A_32 : memref<1x128x16xf32, #tpu.memory_space<vmem>> -> memref<128x16xf32, #tpu.memory_space<vmem>>
    %dma_start3A_34 = arith.constant 0 : i32
    %dma_start3A_35 = tpu.memref_slice %arg6[%dma_start3A_27, %dma_start3A_34] : memref<80x128xi32, #tpu.memory_space<vmem>> -> memref<1x128xi32, #tpu.memory_space<vmem>>
    %dma_start3A_36 = tpu.memref_squeeze %dma_start3A_35 : memref<1x128xi32, #tpu.memory_space<vmem>> -> memref<128xi32, #tpu.memory_space<vmem>>
    %dma_start3A_37 = arith.constant 0 : i32
    %dma_start3A_38 = arith.constant 0 : i32
    %dma_start3A_39 = tpu.memref_slice %arg10[%dma_start3A_37, %dma_start3A_38] : memref<10112x16xf32, #tpu.memory_space<vmem_shared>> -> memref<10112x16xf32, #tpu.memory_space<vmem_shared>>
    %dma_start3A_40 = tpu.memref_slice %arg12[%dma_start3A_29] : memref<8x!tpu.dma_semaphore, #tpu.memory_space<semaphore_mem>> -> memref<1x!tpu.dma_semaphore, #tpu.memory_space<semaphore_mem>>
    %dma_start3A_41 = tpu.memref_squeeze %dma_start3A_40 : memref<1x!tpu.dma_semaphore, #tpu.memory_space<semaphore_mem>> -> memref<!tpu.dma_semaphore, #tpu.memory_space<semaphore_mem>>
    tpu.enqueue_indirect_dma source(%dma_start3A_39 : memref<10112x16xf32, #tpu.memory_space<vmem_shared>>) target(%dma_start3A_33 : memref<128x16xf32, #tpu.memory_space<vmem>>) offsets(%dma_start3A_36 : memref<128xi32, #tpu.memory_space<vmem>>) semaphore(%dma_start3A_41 : memref<!tpu.dma_semaphore, #tpu.memory_space<semaphore_mem>>)
    %dma_start3A_42 = arith.constant 2 : i32
    %dma_start3A_43 = arith.constant 2 : i32
    %dma_start3A_44 = arith.constant 2 : i32
    %dma_start3A_45 = arith.constant 0 : i32
    %dma_start3A_46 = arith.constant 0 : i32
    %dma_start3A_47 = tpu.memref_slice %arg8[%dma_start3A_43, %dma_start3A_45, %dma_start3A_46] : memref<8x128x16xf32, #tpu.memory_space<vmem>> -> memref<1x128x16xf32, #tpu.memory_space<vmem>>
    %dma_start3A_48 = tpu.memref_squeeze %dma_start3A_47 : memref<1x128x16xf32, #tpu.memory_space<vmem>> -> memref<128x16xf32, #tpu.memory_space<vmem>>
    %dma_start3A_49 = arith.constant 0 : i32
    %dma_start3A_50 = tpu.memref_slice %arg6[%dma_start3A_42, %dma_start3A_49] : memref<80x128xi32, #tpu.memory_space<vmem>> -> memref<1x128xi32, #tpu.memory_space<vmem>>
    %dma_start3A_51 = tpu.memref_squeeze %dma_start3A_50 : memref<1x128xi32, #tpu.memory_space<vmem>> -> memref<128xi32, #tpu.memory_space<vmem>>
    %dma_start3A_52 = arith.constant 0 : i32
    %dma_start3A_53 = arith.constant 0 : i32
    %dma_start3A_54 = tpu.memref_slice %arg10[%dma_start3A_52, %dma_start3A_53] : memref<10112x16xf32, #tpu.memory_space<vmem_shared>> -> memref<10112x16xf32, #tpu.memory_space<vmem_shared>>
    %dma_start3A_55 = tpu.memref_slice %arg12[%dma_start3A_44] : memref<8x!tpu.dma_semaphore, #tpu.memory_space<semaphore_mem>> -> memref<1x!tpu.dma_semaphore, #tpu.memory_space<semaphore_mem>>
    %dma_start3A_56 = tpu.memref_squeeze %dma_start3A_55 : memref<1x!tpu.dma_semaphore, #tpu.memory_space<semaphore_mem>> -> memref<!tpu.dma_semaphore, #tpu.memory_space<semaphore_mem>>
    tpu.enqueue_indirect_dma source(%dma_start3A_54 : memref<10112x16xf32, #tpu.memory_space<vmem_shared>>) target(%dma_start3A_48 : memref<128x16xf32, #tpu.memory_space<vmem>>) offsets(%dma_start3A_51 : memref<128xi32, #tpu.memory_space<vmem>>) semaphore(%dma_start3A_56 : memref<!tpu.dma_semaphore, #tpu.memory_space<semaphore_mem>>)
    %dma_start3A_57 = arith.constant 3 : i32
    %dma_start3A_58 = arith.constant 3 : i32
    %dma_start3A_59 = arith.constant 3 : i32
    %dma_start3A_60 = arith.constant 0 : i32
    %dma_start3A_61 = arith.constant 0 : i32
    %dma_start3A_62 = tpu.memref_slice %arg8[%dma_start3A_58, %dma_start3A_60, %dma_start3A_61] : memref<8x128x16xf32, #tpu.memory_space<vmem>> -> memref<1x128x16xf32, #tpu.memory_space<vmem>>
    %dma_start3A_63 = tpu.memref_squeeze %dma_start3A_62 : memref<1x128x16xf32, #tpu.memory_space<vmem>> -> memref<128x16xf32, #tpu.memory_space<vmem>>
    %dma_start3A_64 = arith.constant 0 : i32
    %dma_start3A_65 = tpu.memref_slice %arg6[%dma_start3A_57, %dma_start3A_64] : memref<80x128xi32, #tpu.memory_space<vmem>> -> memref<1x128xi32, #tpu.memory_space<vmem>>
    %dma_start3A_66 = tpu.memref_squeeze %dma_start3A_65 : memref<1x128xi32, #tpu.memory_space<vmem>> -> memref<128xi32, #tpu.memory_space<vmem>>
    %dma_start3A_67 = arith.constant 0 : i32
    %dma_start3A_68 = arith.constant 0 : i32
    %dma_start3A_69 = tpu.memref_slice %arg10[%dma_start3A_67, %dma_start3A_68] : memref<10112x16xf32, #tpu.memory_space<vmem_shared>> -> memref<10112x16xf32, #tpu.memory_space<vmem_shared>>
    %dma_start3A_70 = tpu.memref_slice %arg12[%dma_start3A_59] : memref<8x!tpu.dma_semaphore, #tpu.memory_space<semaphore_mem>> -> memref<1x!tpu.dma_semaphore, #tpu.memory_space<semaphore_mem>>
    %dma_start3A_71 = tpu.memref_squeeze %dma_start3A_70 : memref<1x!tpu.dma_semaphore, #tpu.memory_space<semaphore_mem>> -> memref<!tpu.dma_semaphore, #tpu.memory_space<semaphore_mem>>
    tpu.enqueue_indirect_dma source(%dma_start3A_69 : memref<10112x16xf32, #tpu.memory_space<vmem_shared>>) target(%dma_start3A_63 : memref<128x16xf32, #tpu.memory_space<vmem>>) offsets(%dma_start3A_66 : memref<128xi32, #tpu.memory_space<vmem>>) semaphore(%dma_start3A_71 : memref<!tpu.dma_semaphore, #tpu.memory_space<semaphore_mem>>)
    %dma_start3A_72 = arith.constant 4 : i32
    %dma_start3A_73 = arith.constant 4 : i32
    %dma_start3A_74 = arith.constant 4 : i32
    %dma_start3A_75 = arith.constant 0 : i32
    %dma_start3A_76 = arith.constant 0 : i32
    %dma_start3A_77 = tpu.memref_slice %arg8[%dma_start3A_73, %dma_start3A_75, %dma_start3A_76] : memref<8x128x16xf32, #tpu.memory_space<vmem>> -> memref<1x128x16xf32, #tpu.memory_space<vmem>>
    %dma_start3A_78 = tpu.memref_squeeze %dma_start3A_77 : memref<1x128x16xf32, #tpu.memory_space<vmem>> -> memref<128x16xf32, #tpu.memory_space<vmem>>
    %dma_start3A_79 = arith.constant 0 : i32
    %dma_start3A_80 = tpu.memref_slice %arg6[%dma_start3A_72, %dma_start3A_79] : memref<80x128xi32, #tpu.memory_space<vmem>> -> memref<1x128xi32, #tpu.memory_space<vmem>>
    %dma_start3A_81 = tpu.memref_squeeze %dma_start3A_80 : memref<1x128xi32, #tpu.memory_space<vmem>> -> memref<128xi32, #tpu.memory_space<vmem>>
    %dma_start3A_82 = arith.constant 0 : i32
    %dma_start3A_83 = arith.constant 0 : i32
    %dma_start3A_84 = tpu.memref_slice %arg10[%dma_start3A_82, %dma_start3A_83] : memref<10112x16xf32, #tpu.memory_space<vmem_shared>> -> memref<10112x16xf32, #tpu.memory_space<vmem_shared>>
    %dma_start3A_85 = tpu.memref_slice %arg12[%dma_start3A_74] : memref<8x!tpu.dma_semaphore, #tpu.memory_space<semaphore_mem>> -> memref<1x!tpu.dma_semaphore, #tpu.memory_space<semaphore_mem>>
    %dma_start3A_86 = tpu.memref_squeeze %dma_start3A_85 : memref<1x!tpu.dma_semaphore, #tpu.memory_space<semaphore_mem>> -> memref<!tpu.dma_semaphore, #tpu.memory_space<semaphore_mem>>
    tpu.enqueue_indirect_dma source(%dma_start3A_84 : memref<10112x16xf32, #tpu.memory_space<vmem_shared>>) target(%dma_start3A_78 : memref<128x16xf32, #tpu.memory_space<vmem>>) offsets(%dma_start3A_81 : memref<128xi32, #tpu.memory_space<vmem>>) semaphore(%dma_start3A_86 : memref<!tpu.dma_semaphore, #tpu.memory_space<semaphore_mem>>)
    %dma_start3A_87 = arith.constant 5 : i32
    %dma_start3A_88 = arith.constant 5 : i32
    %dma_start3A_89 = arith.constant 5 : i32
    %dma_start3A_90 = arith.constant 0 : i32
    %dma_start3A_91 = arith.constant 0 : i32
    %dma_start3A_92 = tpu.memref_slice %arg8[%dma_start3A_88, %dma_start3A_90, %dma_start3A_91] : memref<8x128x16xf32, #tpu.memory_space<vmem>> -> memref<1x128x16xf32, #tpu.memory_space<vmem>>
    %dma_start3A_93 = tpu.memref_squeeze %dma_start3A_92 : memref<1x128x16xf32, #tpu.memory_space<vmem>> -> memref<128x16xf32, #tpu.memory_space<vmem>>
    %dma_start3A_94 = arith.constant 0 : i32
    %dma_start3A_95 = tpu.memref_slice %arg6[%dma_start3A_87, %dma_start3A_94] : memref<80x128xi32, #tpu.memory_space<vmem>> -> memref<1x128xi32, #tpu.memory_space<vmem>>
    %dma_start3A_96 = tpu.memref_squeeze %dma_start3A_95 : memref<1x128xi32, #tpu.memory_space<vmem>> -> memref<128xi32, #tpu.memory_space<vmem>>
    %dma_start3A_97 = arith.constant 0 : i32
    %dma_start3A_98 = arith.constant 0 : i32
    %dma_start3A_99 = tpu.memref_slice %arg10[%dma_start3A_97, %dma_start3A_98] : memref<10112x16xf32, #tpu.memory_space<vmem_shared>> -> memref<10112x16xf32, #tpu.memory_space<vmem_shared>>
    %dma_start3A_100 = tpu.memref_slice %arg12[%dma_start3A_89] : memref<8x!tpu.dma_semaphore, #tpu.memory_space<semaphore_mem>> -> memref<1x!tpu.dma_semaphore, #tpu.memory_space<semaphore_mem>>
    %dma_start3A_101 = tpu.memref_squeeze %dma_start3A_100 : memref<1x!tpu.dma_semaphore, #tpu.memory_space<semaphore_mem>> -> memref<!tpu.dma_semaphore, #tpu.memory_space<semaphore_mem>>
    tpu.enqueue_indirect_dma source(%dma_start3A_99 : memref<10112x16xf32, #tpu.memory_space<vmem_shared>>) target(%dma_start3A_93 : memref<128x16xf32, #tpu.memory_space<vmem>>) offsets(%dma_start3A_96 : memref<128xi32, #tpu.memory_space<vmem>>) semaphore(%dma_start3A_101 : memref<!tpu.dma_semaphore, #tpu.memory_space<semaphore_mem>>)
    %dma_start3A_102 = arith.constant 6 : i32
    %dma_start3A_103 = arith.constant 6 : i32
    %dma_start3A_104 = arith.constant 6 : i32
    %dma_start3A_105 = arith.constant 0 : i32
    %dma_start3A_106 = arith.constant 0 : i32
    %dma_start3A_107 = tpu.memref_slice %arg8[%dma_start3A_103, %dma_start3A_105, %dma_start3A_106] : memref<8x128x16xf32, #tpu.memory_space<vmem>> -> memref<1x128x16xf32, #tpu.memory_space<vmem>>
    %dma_start3A_108 = tpu.memref_squeeze %dma_start3A_107 : memref<1x128x16xf32, #tpu.memory_space<vmem>> -> memref<128x16xf32, #tpu.memory_space<vmem>>
    %dma_start3A_109 = arith.constant 0 : i32
    %dma_start3A_110 = tpu.memref_slice %arg6[%dma_start3A_102, %dma_start3A_109] : memref<80x128xi32, #tpu.memory_space<vmem>> -> memref<1x128xi32, #tpu.memory_space<vmem>>
    %dma_start3A_111 = tpu.memref_squeeze %dma_start3A_110 : memref<1x128xi32, #tpu.memory_space<vmem>> -> memref<128xi32, #tpu.memory_space<vmem>>
    %dma_start3A_112 = arith.constant 0 : i32
    %dma_start3A_113 = arith.constant 0 : i32
    %dma_start3A_114 = tpu.memref_slice %arg10[%dma_start3A_112, %dma_start3A_113] : memref<10112x16xf32, #tpu.memory_space<vmem_shared>> -> memref<10112x16xf32, #tpu.memory_space<vmem_shared>>
    %dma_start3A_115 = tpu.memref_slice %arg12[%dma_start3A_104] : memref<8x!tpu.dma_semaphore, #tpu.memory_space<semaphore_mem>> -> memref<1x!tpu.dma_semaphore, #tpu.memory_space<semaphore_mem>>
    %dma_start3A_116 = tpu.memref_squeeze %dma_start3A_115 : memref<1x!tpu.dma_semaphore, #tpu.memory_space<semaphore_mem>> -> memref<!tpu.dma_semaphore, #tpu.memory_space<semaphore_mem>>
    tpu.enqueue_indirect_dma source(%dma_start3A_114 : memref<10112x16xf32, #tpu.memory_space<vmem_shared>>) target(%dma_start3A_108 : memref<128x16xf32, #tpu.memory_space<vmem>>) offsets(%dma_start3A_111 : memref<128xi32, #tpu.memory_space<vmem>>) semaphore(%dma_start3A_116 : memref<!tpu.dma_semaphore, #tpu.memory_space<semaphore_mem>>)
    %dma_start3A_117 = arith.constant 7 : i32
    %dma_start3A_118 = arith.constant 7 : i32
    %dma_start3A_119 = arith.constant 7 : i32
    %dma_start3A_120 = arith.constant 0 : i32
    %dma_start3A_121 = arith.constant 0 : i32
    %dma_start3A_122 = tpu.memref_slice %arg8[%dma_start3A_118, %dma_start3A_120, %dma_start3A_121] : memref<8x128x16xf32, #tpu.memory_space<vmem>> -> memref<1x128x16xf32, #tpu.memory_space<vmem>>
    %dma_start3A_123 = tpu.memref_squeeze %dma_start3A_122 : memref<1x128x16xf32, #tpu.memory_space<vmem>> -> memref<128x16xf32, #tpu.memory_space<vmem>>
    %dma_start3A_124 = arith.constant 0 : i32
    %dma_start3A_125 = tpu.memref_slice %arg6[%dma_start3A_117, %dma_start3A_124] : memref<80x128xi32, #tpu.memory_space<vmem>> -> memref<1x128xi32, #tpu.memory_space<vmem>>
    %dma_start3A_126 = tpu.memref_squeeze %dma_start3A_125 : memref<1x128xi32, #tpu.memory_space<vmem>> -> memref<128xi32, #tpu.memory_space<vmem>>
    %dma_start3A_127 = arith.constant 0 : i32
    %dma_start3A_128 = arith.constant 0 : i32
    %dma_start3A_129 = tpu.memref_slice %arg10[%dma_start3A_127, %dma_start3A_128] : memref<10112x16xf32, #tpu.memory_space<vmem_shared>> -> memref<10112x16xf32, #tpu.memory_space<vmem_shared>>
    %dma_start3A_130 = tpu.memref_slice %arg12[%dma_start3A_119] : memref<8x!tpu.dma_semaphore, #tpu.memory_space<semaphore_mem>> -> memref<1x!tpu.dma_semaphore, #tpu.memory_space<semaphore_mem>>
    %dma_start3A_131 = tpu.memref_squeeze %dma_start3A_130 : memref<1x!tpu.dma_semaphore, #tpu.memory_space<semaphore_mem>> -> memref<!tpu.dma_semaphore, #tpu.memory_space<semaphore_mem>>
    tpu.enqueue_indirect_dma source(%dma_start3A_129 : memref<10112x16xf32, #tpu.memory_space<vmem_shared>>) target(%dma_start3A_123 : memref<128x16xf32, #tpu.memory_space<vmem>>) offsets(%dma_start3A_126 : memref<128xi32, #tpu.memory_space<vmem>>) semaphore(%dma_start3A_131 : memref<!tpu.dma_semaphore, #tpu.memory_space<semaphore_mem>>)
    %scan3A_132 = arith.constant 0 : i32
    %scan3A_133 = arith.constant 0 : i32
    %scan3A_134 = arith.constant 10 : i32
    %scan3A_135 = arith.addi %scan3A_133, %scan3A_134 : i32
    %scan3A_136 = arith.constant 1 : i32
    %scan3A_137 = scf.for %scan3A_263 = %scan3A_133 to %scan3A_135 step %scan3A_136 iter_args(%scan3A_264 = %scan3A_132) -> (i32)  : i32 {
      %mul3A_265 = arith.constant 8 : i32
      %mul3A_266 = arith.muli %scan3A_263, %mul3A_265 : i32
      %add3A_267 = arith.constant 0 : i32
      %add3A_268 = arith.addi %mul3A_266, %add3A_267 : i32
      %dma_wait3A_269 = arith.constant 0 : i32
      %dma_wait3A_270 = arith.constant 0 : i32
      %dma_wait3A_271 = arith.constant 0 : i32
      %dma_wait3A_272 = arith.constant 0 : i32
      %dma_wait3A_273 = tpu.memref_slice %arg8[%dma_wait3A_269, %dma_wait3A_271, %dma_wait3A_272] : memref<8x128x16xf32, #tpu.memory_space<vmem>> -> memref<1x128x16xf32, #tpu.memory_space<vmem>>
      %dma_wait3A_274 = tpu.memref_squeeze %dma_wait3A_273 : memref<1x128x16xf32, #tpu.memory_space<vmem>> -> memref<128x16xf32, #tpu.memory_space<vmem>>
      %dma_wait3A_275 = arith.constant 0 : i32
      %dma_wait3A_276 = tpu.memref_slice %arg6[%add3A_268, %dma_wait3A_275] : memref<80x128xi32, #tpu.memory_space<vmem>> -> memref<1x128xi32, #tpu.memory_space<vmem>>
      %dma_wait3A_277 = tpu.memref_squeeze %dma_wait3A_276 : memref<1x128xi32, #tpu.memory_space<vmem>> -> memref<128xi32, #tpu.memory_space<vmem>>
      %dma_wait3A_278 = arith.constant 0 : i32
      %dma_wait3A_279 = arith.constant 0 : i32
      %dma_wait3A_280 = tpu.memref_slice %arg10[%dma_wait3A_278, %dma_wait3A_279] : memref<10112x16xf32, #tpu.memory_space<vmem_shared>> -> memref<10112x16xf32, #tpu.memory_space<vmem_shared>>
      %dma_wait3A_281 = tpu.memref_slice %arg12[%dma_wait3A_270] : memref<8x!tpu.dma_semaphore, #tpu.memory_space<semaphore_mem>> -> memref<1x!tpu.dma_semaphore, #tpu.memory_space<semaphore_mem>>
      %dma_wait3A_282 = tpu.memref_squeeze %dma_wait3A_281 : memref<1x!tpu.dma_semaphore, #tpu.memory_space<semaphore_mem>> -> memref<!tpu.dma_semaphore, #tpu.memory_space<semaphore_mem>>
      tpu.wait_indirect_dma semaphore(%dma_wait3A_282 : memref<!tpu.dma_semaphore, #tpu.memory_space<semaphore_mem>>) src(%dma_wait3A_280 : memref<10112x16xf32, #tpu.memory_space<vmem_shared>>) dst(%dma_wait3A_274 : memref<128x16xf32, #tpu.memory_space<vmem>>)
      %dma_start3A_283 = arith.constant 0 : i32
      %dma_start3A_284 = arith.constant 0 : i32
      %dma_start3A_285 = arith.constant 0 : i32
      %dma_start3A_286 = arith.constant 0 : i32
      %dma_start3A_287 = tpu.memref_slice %arg8[%dma_start3A_283, %dma_start3A_285, %dma_start3A_286] : memref<8x128x16xf32, #tpu.memory_space<vmem>> -> memref<1x128x16xf32, #tpu.memory_space<vmem>>
      %dma_start3A_288 = tpu.memref_squeeze %dma_start3A_287 : memref<1x128x16xf32, #tpu.memory_space<vmem>> -> memref<128x16xf32, #tpu.memory_space<vmem>>
      %dma_start3A_289 = arith.constant 0 : i32
      %dma_start3A_290 = tpu.memref_slice %arg7[%add3A_268, %dma_start3A_289] : memref<80x128xi32, #tpu.memory_space<vmem>> -> memref<1x128xi32, #tpu.memory_space<vmem>>
      %dma_start3A_291 = tpu.memref_squeeze %dma_start3A_290 : memref<1x128xi32, #tpu.memory_space<vmem>> -> memref<128xi32, #tpu.memory_space<vmem>>
      %dma_start3A_292 = arith.constant 0 : i32
      %dma_start3A_293 = arith.constant 0 : i32
      %dma_start3A_294 = tpu.memref_slice %arg11[%dma_start3A_292, %dma_start3A_293] : memref<10112x16xf32, #tpu.memory_space<vmem_shared>> -> memref<10112x16xf32, #tpu.memory_space<vmem_shared>>
      %dma_start3A_295 = tpu.memref_slice %arg13[%dma_start3A_284] : memref<8x!tpu.dma_semaphore, #tpu.memory_space<semaphore_mem>> -> memref<1x!tpu.dma_semaphore, #tpu.memory_space<semaphore_mem>>
      %dma_start3A_296 = tpu.memref_squeeze %dma_start3A_295 : memref<1x!tpu.dma_semaphore, #tpu.memory_space<semaphore_mem>> -> memref<!tpu.dma_semaphore, #tpu.memory_space<semaphore_mem>>
      tpu.enqueue_indirect_dma source(%dma_start3A_288 : memref<128x16xf32, #tpu.memory_space<vmem>>) target(%dma_start3A_294 : memref<10112x16xf32, #tpu.memory_space<vmem_shared>>) offsets(%dma_start3A_291 : memref<128xi32, #tpu.memory_space<vmem>>) semaphore(%dma_start3A_296 : memref<!tpu.dma_semaphore, #tpu.memory_space<semaphore_mem>>) {add = true}
      %add3A_297 = arith.constant 4 : i32
      %add3A_298 = arith.addi %mul3A_266, %add3A_297 : i32
      %add3A_299 = arith.constant 0 : i32
      %add3A_300 = arith.addi %add3A_298, %add3A_299 : i32
      %ge3A = arith.constant 8 : i32
      %ge3A_301 = arith.cmpi sge, %add3A_300, %ge3A : i32
      %lt3A = arith.constant 80 : i32
      %lt3A_302 = arith.cmpi slt, %add3A_300, %lt3A : i32
      %and3A = arith.andi %ge3A_301, %lt3A_302 : i1
      %convert_element_type3A = arith.extui %and3A : i1 to i32
      %cond3A = arith.constant 0 : i32
      %cond3A_303 = arith.cmpi ne, %convert_element_type3A, %cond3A : i32
      scf.if %cond3A_303 {
        %sub3A = arith.constant 8 : i32
        %sub3A_599 = arith.subi %add3A_300, %sub3A : i32
        %dma_wait3A_600 = arith.constant 4 : i32
        %dma_wait3A_601 = arith.constant 4 : i32
        %dma_wait3A_602 = arith.constant 0 : i32
        %dma_wait3A_603 = arith.constant 0 : i32
        %dma_wait3A_604 = tpu.memref_slice %arg8[%dma_wait3A_600, %dma_wait3A_602, %dma_wait3A_603] : memref<8x128x16xf32, #tpu.memory_space<vmem>> -> memref<1x128x16xf32, #tpu.memory_space<vmem>>
        %dma_wait3A_605 = tpu.memref_squeeze %dma_wait3A_604 : memref<1x128x16xf32, #tpu.memory_space<vmem>> -> memref<128x16xf32, #tpu.memory_space<vmem>>
        %dma_wait3A_606 = arith.constant 0 : i32
        %dma_wait3A_607 = tpu.memref_slice %arg7[%sub3A_599, %dma_wait3A_606] : memref<80x128xi32, #tpu.memory_space<vmem>> -> memref<1x128xi32, #tpu.memory_space<vmem>>
        %dma_wait3A_608 = tpu.memref_squeeze %dma_wait3A_607 : memref<1x128xi32, #tpu.memory_space<vmem>> -> memref<128xi32, #tpu.memory_space<vmem>>
        %dma_wait3A_609 = arith.constant 0 : i32
        %dma_wait3A_610 = arith.constant 0 : i32
        %dma_wait3A_611 = tpu.memref_slice %arg11[%dma_wait3A_609, %dma_wait3A_610] : memref<10112x16xf32, #tpu.memory_space<vmem_shared>> -> memref<10112x16xf32, #tpu.memory_space<vmem_shared>>
        %dma_wait3A_612 = tpu.memref_slice %arg13[%dma_wait3A_601] : memref<8x!tpu.dma_semaphore, #tpu.memory_space<semaphore_mem>> -> memref<1x!tpu.dma_semaphore, #tpu.memory_space<semaphore_mem>>
        %dma_wait3A_613 = tpu.memref_squeeze %dma_wait3A_612 : memref<1x!tpu.dma_semaphore, #tpu.memory_space<semaphore_mem>> -> memref<!tpu.dma_semaphore, #tpu.memory_space<semaphore_mem>>
        tpu.wait_indirect_dma semaphore(%dma_wait3A_613 : memref<!tpu.dma_semaphore, #tpu.memory_space<semaphore_mem>>) src(%dma_wait3A_605 : memref<128x16xf32, #tpu.memory_space<vmem>>) dst(%dma_wait3A_611 : memref<10112x16xf32, #tpu.memory_space<vmem_shared>>)
        %dma_start3A_614 = arith.constant 4 : i32
        %dma_start3A_615 = arith.constant 4 : i32
        %dma_start3A_616 = arith.constant 0 : i32
        %dma_start3A_617 = arith.constant 0 : i32
        %dma_start3A_618 = tpu.memref_slice %arg8[%dma_start3A_614, %dma_start3A_616, %dma_start3A_617] : memref<8x128x16xf32, #tpu.memory_space<vmem>> -> memref<1x128x16xf32, #tpu.memory_space<vmem>>
        %dma_start3A_619 = tpu.memref_squeeze %dma_start3A_618 : memref<1x128x16xf32, #tpu.memory_space<vmem>> -> memref<128x16xf32, #tpu.memory_space<vmem>>
        %dma_start3A_620 = arith.constant 0 : i32
        %dma_start3A_621 = tpu.memref_slice %arg6[%add3A_300, %dma_start3A_620] : memref<80x128xi32, #tpu.memory_space<vmem>> -> memref<1x128xi32, #tpu.memory_space<vmem>>
        %dma_start3A_622 = tpu.memref_squeeze %dma_start3A_621 : memref<1x128xi32, #tpu.memory_space<vmem>> -> memref<128xi32, #tpu.memory_space<vmem>>
        %dma_start3A_623 = arith.constant 0 : i32
        %dma_start3A_624 = arith.constant 0 : i32
        %dma_start3A_625 = tpu.memref_slice %arg10[%dma_start3A_623, %dma_start3A_624] : memref<10112x16xf32, #tpu.memory_space<vmem_shared>> -> memref<10112x16xf32, #tpu.memory_space<vmem_shared>>
        %dma_start3A_626 = tpu.memref_slice %arg12[%dma_start3A_615] : memref<8x!tpu.dma_semaphore, #tpu.memory_space<semaphore_mem>> -> memref<1x!tpu.dma_semaphore, #tpu.memory_space<semaphore_mem>>
        %dma_start3A_627 = tpu.memref_squeeze %dma_start3A_626 : memref<1x!tpu.dma_semaphore, #tpu.memory_space<semaphore_mem>> -> memref<!tpu.dma_semaphore, #tpu.memory_space<semaphore_mem>>
        tpu.enqueue_indirect_dma source(%dma_start3A_625 : memref<10112x16xf32, #tpu.memory_space<vmem_shared>>) target(%dma_start3A_619 : memref<128x16xf32, #tpu.memory_space<vmem>>) offsets(%dma_start3A_622 : memref<128xi32, #tpu.memory_space<vmem>>) semaphore(%dma_start3A_627 : memref<!tpu.dma_semaphore, #tpu.memory_space<semaphore_mem>>)
      } else {
      }
      %add3A_304 = arith.constant 1 : i32
      %add3A_305 = arith.addi %mul3A_266, %add3A_304 : i32
      %dma_wait3A_306 = arith.constant 1 : i32
      %dma_wait3A_307 = arith.constant 1 : i32
      %dma_wait3A_308 = arith.constant 0 : i32
      %dma_wait3A_309 = arith.constant 0 : i32
      %dma_wait3A_310 = tpu.memref_slice %arg8[%dma_wait3A_306, %dma_wait3A_308, %dma_wait3A_309] : memref<8x128x16xf32, #tpu.memory_space<vmem>> -> memref<1x128x16xf32, #tpu.memory_space<vmem>>
      %dma_wait3A_311 = tpu.memref_squeeze %dma_wait3A_310 : memref<1x128x16xf32, #tpu.memory_space<vmem>> -> memref<128x16xf32, #tpu.memory_space<vmem>>
      %dma_wait3A_312 = arith.constant 0 : i32
      %dma_wait3A_313 = tpu.memref_slice %arg6[%add3A_305, %dma_wait3A_312] : memref<80x128xi32, #tpu.memory_space<vmem>> -> memref<1x128xi32, #tpu.memory_space<vmem>>
      %dma_wait3A_314 = tpu.memref_squeeze %dma_wait3A_313 : memref<1x128xi32, #tpu.memory_space<vmem>> -> memref<128xi32, #tpu.memory_space<vmem>>
      %dma_wait3A_315 = arith.constant 0 : i32
      %dma_wait3A_316 = arith.constant 0 : i32
      %dma_wait3A_317 = tpu.memref_slice %arg10[%dma_wait3A_315, %dma_wait3A_316] : memref<10112x16xf32, #tpu.memory_space<vmem_shared>> -> memref<10112x16xf32, #tpu.memory_space<vmem_shared>>
      %dma_wait3A_318 = tpu.memref_slice %arg12[%dma_wait3A_307] : memref<8x!tpu.dma_semaphore, #tpu.memory_space<semaphore_mem>> -> memref<1x!tpu.dma_semaphore, #tpu.memory_space<semaphore_mem>>
      %dma_wait3A_319 = tpu.memref_squeeze %dma_wait3A_318 : memref<1x!tpu.dma_semaphore, #tpu.memory_space<semaphore_mem>> -> memref<!tpu.dma_semaphore, #tpu.memory_space<semaphore_mem>>
      tpu.wait_indirect_dma semaphore(%dma_wait3A_319 : memref<!tpu.dma_semaphore, #tpu.memory_space<semaphore_mem>>) src(%dma_wait3A_317 : memref<10112x16xf32, #tpu.memory_space<vmem_shared>>) dst(%dma_wait3A_311 : memref<128x16xf32, #tpu.memory_space<vmem>>)
      %dma_start3A_320 = arith.constant 1 : i32
      %dma_start3A_321 = arith.constant 1 : i32
      %dma_start3A_322 = arith.constant 0 : i32
      %dma_start3A_323 = arith.constant 0 : i32
      %dma_start3A_324 = tpu.memref_slice %arg8[%dma_start3A_320, %dma_start3A_322, %dma_start3A_323] : memref<8x128x16xf32, #tpu.memory_space<vmem>> -> memref<1x128x16xf32, #tpu.memory_space<vmem>>
      %dma_start3A_325 = tpu.memref_squeeze %dma_start3A_324 : memref<1x128x16xf32, #tpu.memory_space<vmem>> -> memref<128x16xf32, #tpu.memory_space<vmem>>
      %dma_start3A_326 = arith.constant 0 : i32
      %dma_start3A_327 = tpu.memref_slice %arg7[%add3A_305, %dma_start3A_326] : memref<80x128xi32, #tpu.memory_space<vmem>> -> memref<1x128xi32, #tpu.memory_space<vmem>>
      %dma_start3A_328 = tpu.memref_squeeze %dma_start3A_327 : memref<1x128xi32, #tpu.memory_space<vmem>> -> memref<128xi32, #tpu.memory_space<vmem>>
      %dma_start3A_329 = arith.constant 0 : i32
      %dma_start3A_330 = arith.constant 0 : i32
      %dma_start3A_331 = tpu.memref_slice %arg11[%dma_start3A_329, %dma_start3A_330] : memref<10112x16xf32, #tpu.memory_space<vmem_shared>> -> memref<10112x16xf32, #tpu.memory_space<vmem_shared>>
      %dma_start3A_332 = tpu.memref_slice %arg13[%dma_start3A_321] : memref<8x!tpu.dma_semaphore, #tpu.memory_space<semaphore_mem>> -> memref<1x!tpu.dma_semaphore, #tpu.memory_space<semaphore_mem>>
      %dma_start3A_333 = tpu.memref_squeeze %dma_start3A_332 : memref<1x!tpu.dma_semaphore, #tpu.memory_space<semaphore_mem>> -> memref<!tpu.dma_semaphore, #tpu.memory_space<semaphore_mem>>
      tpu.enqueue_indirect_dma source(%dma_start3A_325 : memref<128x16xf32, #tpu.memory_space<vmem>>) target(%dma_start3A_331 : memref<10112x16xf32, #tpu.memory_space<vmem_shared>>) offsets(%dma_start3A_328 : memref<128xi32, #tpu.memory_space<vmem>>) semaphore(%dma_start3A_333 : memref<!tpu.dma_semaphore, #tpu.memory_space<semaphore_mem>>) {add = true}
      %add3A_334 = arith.constant 5 : i32
      %add3A_335 = arith.addi %mul3A_266, %add3A_334 : i32
      %add3A_336 = arith.constant 0 : i32
      %add3A_337 = arith.addi %add3A_335, %add3A_336 : i32
      %ge3A_338 = arith.constant 8 : i32
      %ge3A_339 = arith.cmpi sge, %add3A_337, %ge3A_338 : i32
      %lt3A_340 = arith.constant 80 : i32
      %lt3A_341 = arith.cmpi slt, %add3A_337, %lt3A_340 : i32
      %and3A_342 = arith.andi %ge3A_339, %lt3A_341 : i1
      %convert_element_type3A_343 = arith.extui %and3A_342 : i1 to i32
      %cond3A_344 = arith.constant 0 : i32
      %cond3A_345 = arith.cmpi ne, %convert_element_type3A_343, %cond3A_344 : i32
      scf.if %cond3A_345 {
        %sub3A = arith.constant 8 : i32
        %sub3A_599 = arith.subi %add3A_337, %sub3A : i32
        %dma_wait3A_600 = arith.constant 5 : i32
        %dma_wait3A_601 = arith.constant 5 : i32
        %dma_wait3A_602 = arith.constant 0 : i32
        %dma_wait3A_603 = arith.constant 0 : i32
        %dma_wait3A_604 = tpu.memref_slice %arg8[%dma_wait3A_600, %dma_wait3A_602, %dma_wait3A_603] : memref<8x128x16xf32, #tpu.memory_space<vmem>> -> memref<1x128x16xf32, #tpu.memory_space<vmem>>
        %dma_wait3A_605 = tpu.memref_squeeze %dma_wait3A_604 : memref<1x128x16xf32, #tpu.memory_space<vmem>> -> memref<128x16xf32, #tpu.memory_space<vmem>>
        %dma_wait3A_606 = arith.constant 0 : i32
        %dma_wait3A_607 = tpu.memref_slice %arg7[%sub3A_599, %dma_wait3A_606] : memref<80x128xi32, #tpu.memory_space<vmem>> -> memref<1x128xi32, #tpu.memory_space<vmem>>
        %dma_wait3A_608 = tpu.memref_squeeze %dma_wait3A_607 : memref<1x128xi32, #tpu.memory_space<vmem>> -> memref<128xi32, #tpu.memory_space<vmem>>
        %dma_wait3A_609 = arith.constant 0 : i32
        %dma_wait3A_610 = arith.constant 0 : i32
        %dma_wait3A_611 = tpu.memref_slice %arg11[%dma_wait3A_609, %dma_wait3A_610] : memref<10112x16xf32, #tpu.memory_space<vmem_shared>> -> memref<10112x16xf32, #tpu.memory_space<vmem_shared>>
        %dma_wait3A_612 = tpu.memref_slice %arg13[%dma_wait3A_601] : memref<8x!tpu.dma_semaphore, #tpu.memory_space<semaphore_mem>> -> memref<1x!tpu.dma_semaphore, #tpu.memory_space<semaphore_mem>>
        %dma_wait3A_613 = tpu.memref_squeeze %dma_wait3A_612 : memref<1x!tpu.dma_semaphore, #tpu.memory_space<semaphore_mem>> -> memref<!tpu.dma_semaphore, #tpu.memory_space<semaphore_mem>>
        tpu.wait_indirect_dma semaphore(%dma_wait3A_613 : memref<!tpu.dma_semaphore, #tpu.memory_space<semaphore_mem>>) src(%dma_wait3A_605 : memref<128x16xf32, #tpu.memory_space<vmem>>) dst(%dma_wait3A_611 : memref<10112x16xf32, #tpu.memory_space<vmem_shared>>)
        %dma_start3A_614 = arith.constant 5 : i32
        %dma_start3A_615 = arith.constant 5 : i32
        %dma_start3A_616 = arith.constant 0 : i32
        %dma_start3A_617 = arith.constant 0 : i32
        %dma_start3A_618 = tpu.memref_slice %arg8[%dma_start3A_614, %dma_start3A_616, %dma_start3A_617] : memref<8x128x16xf32, #tpu.memory_space<vmem>> -> memref<1x128x16xf32, #tpu.memory_space<vmem>>
        %dma_start3A_619 = tpu.memref_squeeze %dma_start3A_618 : memref<1x128x16xf32, #tpu.memory_space<vmem>> -> memref<128x16xf32, #tpu.memory_space<vmem>>
        %dma_start3A_620 = arith.constant 0 : i32
        %dma_start3A_621 = tpu.memref_slice %arg6[%add3A_337, %dma_start3A_620] : memref<80x128xi32, #tpu.memory_space<vmem>> -> memref<1x128xi32, #tpu.memory_space<vmem>>
        %dma_start3A_622 = tpu.memref_squeeze %dma_start3A_621 : memref<1x128xi32, #tpu.memory_space<vmem>> -> memref<128xi32, #tpu.memory_space<vmem>>
        %dma_start3A_623 = arith.constant 0 : i32
        %dma_start3A_624 = arith.constant 0 : i32
        %dma_start3A_625 = tpu.memref_slice %arg10[%dma_start3A_623, %dma_start3A_624] : memref<10112x16xf32, #tpu.memory_space<vmem_shared>> -> memref<10112x16xf32, #tpu.memory_space<vmem_shared>>
        %dma_start3A_626 = tpu.memref_slice %arg12[%dma_start3A_615] : memref<8x!tpu.dma_semaphore, #tpu.memory_space<semaphore_mem>> -> memref<1x!tpu.dma_semaphore, #tpu.memory_space<semaphore_mem>>
        %dma_start3A_627 = tpu.memref_squeeze %dma_start3A_626 : memref<1x!tpu.dma_semaphore, #tpu.memory_space<semaphore_mem>> -> memref<!tpu.dma_semaphore, #tpu.memory_space<semaphore_mem>>
        tpu.enqueue_indirect_dma source(%dma_start3A_625 : memref<10112x16xf32, #tpu.memory_space<vmem_shared>>) target(%dma_start3A_619 : memref<128x16xf32, #tpu.memory_space<vmem>>) offsets(%dma_start3A_622 : memref<128xi32, #tpu.memory_space<vmem>>) semaphore(%dma_start3A_627 : memref<!tpu.dma_semaphore, #tpu.memory_space<semaphore_mem>>)
      } else {
      }
      %add3A_346 = arith.constant 2 : i32
      %add3A_347 = arith.addi %mul3A_266, %add3A_346 : i32
      %dma_wait3A_348 = arith.constant 2 : i32
      %dma_wait3A_349 = arith.constant 2 : i32
      %dma_wait3A_350 = arith.constant 0 : i32
      %dma_wait3A_351 = arith.constant 0 : i32
      %dma_wait3A_352 = tpu.memref_slice %arg8[%dma_wait3A_348, %dma_wait3A_350, %dma_wait3A_351] : memref<8x128x16xf32, #tpu.memory_space<vmem>> -> memref<1x128x16xf32, #tpu.memory_space<vmem>>
      %dma_wait3A_353 = tpu.memref_squeeze %dma_wait3A_352 : memref<1x128x16xf32, #tpu.memory_space<vmem>> -> memref<128x16xf32, #tpu.memory_space<vmem>>
      %dma_wait3A_354 = arith.constant 0 : i32
      %dma_wait3A_355 = tpu.memref_slice %arg6[%add3A_347, %dma_wait3A_354] : memref<80x128xi32, #tpu.memory_space<vmem>> -> memref<1x128xi32, #tpu.memory_space<vmem>>
      %dma_wait3A_356 = tpu.memref_squeeze %dma_wait3A_355 : memref<1x128xi32, #tpu.memory_space<vmem>> -> memref<128xi32, #tpu.memory_space<vmem>>
      %dma_wait3A_357 = arith.constant 0 : i32
      %dma_wait3A_358 = arith.constant 0 : i32
      %dma_wait3A_359 = tpu.memref_slice %arg10[%dma_wait3A_357, %dma_wait3A_358] : memref<10112x16xf32, #tpu.memory_space<vmem_shared>> -> memref<10112x16xf32, #tpu.memory_space<vmem_shared>>
      %dma_wait3A_360 = tpu.memref_slice %arg12[%dma_wait3A_349] : memref<8x!tpu.dma_semaphore, #tpu.memory_space<semaphore_mem>> -> memref<1x!tpu.dma_semaphore, #tpu.memory_space<semaphore_mem>>
      %dma_wait3A_361 = tpu.memref_squeeze %dma_wait3A_360 : memref<1x!tpu.dma_semaphore, #tpu.memory_space<semaphore_mem>> -> memref<!tpu.dma_semaphore, #tpu.memory_space<semaphore_mem>>
      tpu.wait_indirect_dma semaphore(%dma_wait3A_361 : memref<!tpu.dma_semaphore, #tpu.memory_space<semaphore_mem>>) src(%dma_wait3A_359 : memref<10112x16xf32, #tpu.memory_space<vmem_shared>>) dst(%dma_wait3A_353 : memref<128x16xf32, #tpu.memory_space<vmem>>)
      %dma_start3A_362 = arith.constant 2 : i32
      %dma_start3A_363 = arith.constant 2 : i32
      %dma_start3A_364 = arith.constant 0 : i32
      %dma_start3A_365 = arith.constant 0 : i32
      %dma_start3A_366 = tpu.memref_slice %arg8[%dma_start3A_362, %dma_start3A_364, %dma_start3A_365] : memref<8x128x16xf32, #tpu.memory_space<vmem>> -> memref<1x128x16xf32, #tpu.memory_space<vmem>>
      %dma_start3A_367 = tpu.memref_squeeze %dma_start3A_366 : memref<1x128x16xf32, #tpu.memory_space<vmem>> -> memref<128x16xf32, #tpu.memory_space<vmem>>
      %dma_start3A_368 = arith.constant 0 : i32
      %dma_start3A_369 = tpu.memref_slice %arg7[%add3A_347, %dma_start3A_368] : memref<80x128xi32, #tpu.memory_space<vmem>> -> memref<1x128xi32, #tpu.memory_space<vmem>>
      %dma_start3A_370 = tpu.memref_squeeze %dma_start3A_369 : memref<1x128xi32, #tpu.memory_space<vmem>> -> memref<128xi32, #tpu.memory_space<vmem>>
      %dma_start3A_371 = arith.constant 0 : i32
      %dma_start3A_372 = arith.constant 0 : i32
      %dma_start3A_373 = tpu.memref_slice %arg11[%dma_start3A_371, %dma_start3A_372] : memref<10112x16xf32, #tpu.memory_space<vmem_shared>> -> memref<10112x16xf32, #tpu.memory_space<vmem_shared>>
      %dma_start3A_374 = tpu.memref_slice %arg13[%dma_start3A_363] : memref<8x!tpu.dma_semaphore, #tpu.memory_space<semaphore_mem>> -> memref<1x!tpu.dma_semaphore, #tpu.memory_space<semaphore_mem>>
      %dma_start3A_375 = tpu.memref_squeeze %dma_start3A_374 : memref<1x!tpu.dma_semaphore, #tpu.memory_space<semaphore_mem>> -> memref<!tpu.dma_semaphore, #tpu.memory_space<semaphore_mem>>
      tpu.enqueue_indirect_dma source(%dma_start3A_367 : memref<128x16xf32, #tpu.memory_space<vmem>>) target(%dma_start3A_373 : memref<10112x16xf32, #tpu.memory_space<vmem_shared>>) offsets(%dma_start3A_370 : memref<128xi32, #tpu.memory_space<vmem>>) semaphore(%dma_start3A_375 : memref<!tpu.dma_semaphore, #tpu.memory_space<semaphore_mem>>) {add = true}
      %add3A_376 = arith.constant 6 : i32
      %add3A_377 = arith.addi %mul3A_266, %add3A_376 : i32
      %add3A_378 = arith.constant 0 : i32
      %add3A_379 = arith.addi %add3A_377, %add3A_378 : i32
      %ge3A_380 = arith.constant 8 : i32
      %ge3A_381 = arith.cmpi sge, %add3A_379, %ge3A_380 : i32
      %lt3A_382 = arith.constant 80 : i32
      %lt3A_383 = arith.cmpi slt, %add3A_379, %lt3A_382 : i32
      %and3A_384 = arith.andi %ge3A_381, %lt3A_383 : i1
      %convert_element_type3A_385 = arith.extui %and3A_384 : i1 to i32
      %cond3A_386 = arith.constant 0 : i32
      %cond3A_387 = arith.cmpi ne, %convert_element_type3A_385, %cond3A_386 : i32
      scf.if %cond3A_387 {
        %sub3A = arith.constant 8 : i32
        %sub3A_599 = arith.subi %add3A_379, %sub3A : i32
        %dma_wait3A_600 = arith.constant 6 : i32
        %dma_wait3A_601 = arith.constant 6 : i32
        %dma_wait3A_602 = arith.constant 0 : i32
        %dma_wait3A_603 = arith.constant 0 : i32
        %dma_wait3A_604 = tpu.memref_slice %arg8[%dma_wait3A_600, %dma_wait3A_602, %dma_wait3A_603] : memref<8x128x16xf32, #tpu.memory_space<vmem>> -> memref<1x128x16xf32, #tpu.memory_space<vmem>>
        %dma_wait3A_605 = tpu.memref_squeeze %dma_wait3A_604 : memref<1x128x16xf32, #tpu.memory_space<vmem>> -> memref<128x16xf32, #tpu.memory_space<vmem>>
        %dma_wait3A_606 = arith.constant 0 : i32
        %dma_wait3A_607 = tpu.memref_slice %arg7[%sub3A_599, %dma_wait3A_606] : memref<80x128xi32, #tpu.memory_space<vmem>> -> memref<1x128xi32, #tpu.memory_space<vmem>>
        %dma_wait3A_608 = tpu.memref_squeeze %dma_wait3A_607 : memref<1x128xi32, #tpu.memory_space<vmem>> -> memref<128xi32, #tpu.memory_space<vmem>>
        %dma_wait3A_609 = arith.constant 0 : i32
        %dma_wait3A_610 = arith.constant 0 : i32
        %dma_wait3A_611 = tpu.memref_slice %arg11[%dma_wait3A_609, %dma_wait3A_610] : memref<10112x16xf32, #tpu.memory_space<vmem_shared>> -> memref<10112x16xf32, #tpu.memory_space<vmem_shared>>
        %dma_wait3A_612 = tpu.memref_slice %arg13[%dma_wait3A_601] : memref<8x!tpu.dma_semaphore, #tpu.memory_space<semaphore_mem>> -> memref<1x!tpu.dma_semaphore, #tpu.memory_space<semaphore_mem>>
        %dma_wait3A_613 = tpu.memref_squeeze %dma_wait3A_612 : memref<1x!tpu.dma_semaphore, #tpu.memory_space<semaphore_mem>> -> memref<!tpu.dma_semaphore, #tpu.memory_space<semaphore_mem>>
        tpu.wait_indirect_dma semaphore(%dma_wait3A_613 : memref<!tpu.dma_semaphore, #tpu.memory_space<semaphore_mem>>) src(%dma_wait3A_605 : memref<128x16xf32, #tpu.memory_space<vmem>>) dst(%dma_wait3A_611 : memref<10112x16xf32, #tpu.memory_space<vmem_shared>>)
        %dma_start3A_614 = arith.constant 6 : i32
        %dma_start3A_615 = arith.constant 6 : i32
        %dma_start3A_616 = arith.constant 0 : i32
        %dma_start3A_617 = arith.constant 0 : i32
        %dma_start3A_618 = tpu.memref_slice %arg8[%dma_start3A_614, %dma_start3A_616, %dma_start3A_617] : memref<8x128x16xf32, #tpu.memory_space<vmem>> -> memref<1x128x16xf32, #tpu.memory_space<vmem>>
        %dma_start3A_619 = tpu.memref_squeeze %dma_start3A_618 : memref<1x128x16xf32, #tpu.memory_space<vmem>> -> memref<128x16xf32, #tpu.memory_space<vmem>>
        %dma_start3A_620 = arith.constant 0 : i32
        %dma_start3A_621 = tpu.memref_slice %arg6[%add3A_379, %dma_start3A_620] : memref<80x128xi32, #tpu.memory_space<vmem>> -> memref<1x128xi32, #tpu.memory_space<vmem>>
        %dma_start3A_622 = tpu.memref_squeeze %dma_start3A_621 : memref<1x128xi32, #tpu.memory_space<vmem>> -> memref<128xi32, #tpu.memory_space<vmem>>
        %dma_start3A_623 = arith.constant 0 : i32
        %dma_start3A_624 = arith.constant 0 : i32
        %dma_start3A_625 = tpu.memref_slice %arg10[%dma_start3A_623, %dma_start3A_624] : memref<10112x16xf32, #tpu.memory_space<vmem_shared>> -> memref<10112x16xf32, #tpu.memory_space<vmem_shared>>
        %dma_start3A_626 = tpu.memref_slice %arg12[%dma_start3A_615] : memref<8x!tpu.dma_semaphore, #tpu.memory_space<semaphore_mem>> -> memref<1x!tpu.dma_semaphore, #tpu.memory_space<semaphore_mem>>
        %dma_start3A_627 = tpu.memref_squeeze %dma_start3A_626 : memref<1x!tpu.dma_semaphore, #tpu.memory_space<semaphore_mem>> -> memref<!tpu.dma_semaphore, #tpu.memory_space<semaphore_mem>>
        tpu.enqueue_indirect_dma source(%dma_start3A_625 : memref<10112x16xf32, #tpu.memory_space<vmem_shared>>) target(%dma_start3A_619 : memref<128x16xf32, #tpu.memory_space<vmem>>) offsets(%dma_start3A_622 : memref<128xi32, #tpu.memory_space<vmem>>) semaphore(%dma_start3A_627 : memref<!tpu.dma_semaphore, #tpu.memory_space<semaphore_mem>>)
      } else {
      }
      %add3A_388 = arith.constant 3 : i32
      %add3A_389 = arith.addi %mul3A_266, %add3A_388 : i32
      %dma_wait3A_390 = arith.constant 3 : i32
      %dma_wait3A_391 = arith.constant 3 : i32
      %dma_wait3A_392 = arith.constant 0 : i32
      %dma_wait3A_393 = arith.constant 0 : i32
      %dma_wait3A_394 = tpu.memref_slice %arg8[%dma_wait3A_390, %dma_wait3A_392, %dma_wait3A_393] : memref<8x128x16xf32, #tpu.memory_space<vmem>> -> memref<1x128x16xf32, #tpu.memory_space<vmem>>
      %dma_wait3A_395 = tpu.memref_squeeze %dma_wait3A_394 : memref<1x128x16xf32, #tpu.memory_space<vmem>> -> memref<128x16xf32, #tpu.memory_space<vmem>>
      %dma_wait3A_396 = arith.constant 0 : i32
      %dma_wait3A_397 = tpu.memref_slice %arg6[%add3A_389, %dma_wait3A_396] : memref<80x128xi32, #tpu.memory_space<vmem>> -> memref<1x128xi32, #tpu.memory_space<vmem>>
      %dma_wait3A_398 = tpu.memref_squeeze %dma_wait3A_397 : memref<1x128xi32, #tpu.memory_space<vmem>> -> memref<128xi32, #tpu.memory_space<vmem>>
      %dma_wait3A_399 = arith.constant 0 : i32
      %dma_wait3A_400 = arith.constant 0 : i32
      %dma_wait3A_401 = tpu.memref_slice %arg10[%dma_wait3A_399, %dma_wait3A_400] : memref<10112x16xf32, #tpu.memory_space<vmem_shared>> -> memref<10112x16xf32, #tpu.memory_space<vmem_shared>>
      %dma_wait3A_402 = tpu.memref_slice %arg12[%dma_wait3A_391] : memref<8x!tpu.dma_semaphore, #tpu.memory_space<semaphore_mem>> -> memref<1x!tpu.dma_semaphore, #tpu.memory_space<semaphore_mem>>
      %dma_wait3A_403 = tpu.memref_squeeze %dma_wait3A_402 : memref<1x!tpu.dma_semaphore, #tpu.memory_space<semaphore_mem>> -> memref<!tpu.dma_semaphore, #tpu.memory_space<semaphore_mem>>
      tpu.wait_indirect_dma semaphore(%dma_wait3A_403 : memref<!tpu.dma_semaphore, #tpu.memory_space<semaphore_mem>>) src(%dma_wait3A_401 : memref<10112x16xf32, #tpu.memory_space<vmem_shared>>) dst(%dma_wait3A_395 : memref<128x16xf32, #tpu.memory_space<vmem>>)
      %dma_start3A_404 = arith.constant 3 : i32
      %dma_start3A_405 = arith.constant 3 : i32
      %dma_start3A_406 = arith.constant 0 : i32
      %dma_start3A_407 = arith.constant 0 : i32
      %dma_start3A_408 = tpu.memref_slice %arg8[%dma_start3A_404, %dma_start3A_406, %dma_start3A_407] : memref<8x128x16xf32, #tpu.memory_space<vmem>> -> memref<1x128x16xf32, #tpu.memory_space<vmem>>
      %dma_start3A_409 = tpu.memref_squeeze %dma_start3A_408 : memref<1x128x16xf32, #tpu.memory_space<vmem>> -> memref<128x16xf32, #tpu.memory_space<vmem>>
      %dma_start3A_410 = arith.constant 0 : i32
      %dma_start3A_411 = tpu.memref_slice %arg7[%add3A_389, %dma_start3A_410] : memref<80x128xi32, #tpu.memory_space<vmem>> -> memref<1x128xi32, #tpu.memory_space<vmem>>
      %dma_start3A_412 = tpu.memref_squeeze %dma_start3A_411 : memref<1x128xi32, #tpu.memory_space<vmem>> -> memref<128xi32, #tpu.memory_space<vmem>>
      %dma_start3A_413 = arith.constant 0 : i32
      %dma_start3A_414 = arith.constant 0 : i32
      %dma_start3A_415 = tpu.memref_slice %arg11[%dma_start3A_413, %dma_start3A_414] : memref<10112x16xf32, #tpu.memory_space<vmem_shared>> -> memref<10112x16xf32, #tpu.memory_space<vmem_shared>>
      %dma_start3A_416 = tpu.memref_slice %arg13[%dma_start3A_405] : memref<8x!tpu.dma_semaphore, #tpu.memory_space<semaphore_mem>> -> memref<1x!tpu.dma_semaphore, #tpu.memory_space<semaphore_mem>>
      %dma_start3A_417 = tpu.memref_squeeze %dma_start3A_416 : memref<1x!tpu.dma_semaphore, #tpu.memory_space<semaphore_mem>> -> memref<!tpu.dma_semaphore, #tpu.memory_space<semaphore_mem>>
      tpu.enqueue_indirect_dma source(%dma_start3A_409 : memref<128x16xf32, #tpu.memory_space<vmem>>) target(%dma_start3A_415 : memref<10112x16xf32, #tpu.memory_space<vmem_shared>>) offsets(%dma_start3A_412 : memref<128xi32, #tpu.memory_space<vmem>>) semaphore(%dma_start3A_417 : memref<!tpu.dma_semaphore, #tpu.memory_space<semaphore_mem>>) {add = true}
      %add3A_418 = arith.constant 7 : i32
      %add3A_419 = arith.addi %mul3A_266, %add3A_418 : i32
      %add3A_420 = arith.constant 0 : i32
      %add3A_421 = arith.addi %add3A_419, %add3A_420 : i32
      %ge3A_422 = arith.constant 8 : i32
      %ge3A_423 = arith.cmpi sge, %add3A_421, %ge3A_422 : i32
      %lt3A_424 = arith.constant 80 : i32
      %lt3A_425 = arith.cmpi slt, %add3A_421, %lt3A_424 : i32
      %and3A_426 = arith.andi %ge3A_423, %lt3A_425 : i1
      %convert_element_type3A_427 = arith.extui %and3A_426 : i1 to i32
      %cond3A_428 = arith.constant 0 : i32
      %cond3A_429 = arith.cmpi ne, %convert_element_type3A_427, %cond3A_428 : i32
      scf.if %cond3A_429 {
        %sub3A = arith.constant 8 : i32
        %sub3A_599 = arith.subi %add3A_421, %sub3A : i32
        %dma_wait3A_600 = arith.constant 7 : i32
        %dma_wait3A_601 = arith.constant 7 : i32
        %dma_wait3A_602 = arith.constant 0 : i32
        %dma_wait3A_603 = arith.constant 0 : i32
        %dma_wait3A_604 = tpu.memref_slice %arg8[%dma_wait3A_600, %dma_wait3A_602, %dma_wait3A_603] : memref<8x128x16xf32, #tpu.memory_space<vmem>> -> memref<1x128x16xf32, #tpu.memory_space<vmem>>
        %dma_wait3A_605 = tpu.memref_squeeze %dma_wait3A_604 : memref<1x128x16xf32, #tpu.memory_space<vmem>> -> memref<128x16xf32, #tpu.memory_space<vmem>>
        %dma_wait3A_606 = arith.constant 0 : i32
        %dma_wait3A_607 = tpu.memref_slice %arg7[%sub3A_599, %dma_wait3A_606] : memref<80x128xi32, #tpu.memory_space<vmem>> -> memref<1x128xi32, #tpu.memory_space<vmem>>
        %dma_wait3A_608 = tpu.memref_squeeze %dma_wait3A_607 : memref<1x128xi32, #tpu.memory_space<vmem>> -> memref<128xi32, #tpu.memory_space<vmem>>
        %dma_wait3A_609 = arith.constant 0 : i32
        %dma_wait3A_610 = arith.constant 0 : i32
        %dma_wait3A_611 = tpu.memref_slice %arg11[%dma_wait3A_609, %dma_wait3A_610] : memref<10112x16xf32, #tpu.memory_space<vmem_shared>> -> memref<10112x16xf32, #tpu.memory_space<vmem_shared>>
        %dma_wait3A_612 = tpu.memref_slice %arg13[%dma_wait3A_601] : memref<8x!tpu.dma_semaphore, #tpu.memory_space<semaphore_mem>> -> memref<1x!tpu.dma_semaphore, #tpu.memory_space<semaphore_mem>>
        %dma_wait3A_613 = tpu.memref_squeeze %dma_wait3A_612 : memref<1x!tpu.dma_semaphore, #tpu.memory_space<semaphore_mem>> -> memref<!tpu.dma_semaphore, #tpu.memory_space<semaphore_mem>>
        tpu.wait_indirect_dma semaphore(%dma_wait3A_613 : memref<!tpu.dma_semaphore, #tpu.memory_space<semaphore_mem>>) src(%dma_wait3A_605 : memref<128x16xf32, #tpu.memory_space<vmem>>) dst(%dma_wait3A_611 : memref<10112x16xf32, #tpu.memory_space<vmem_shared>>)
        %dma_start3A_614 = arith.constant 7 : i32
        %dma_start3A_615 = arith.constant 7 : i32
        %dma_start3A_616 = arith.constant 0 : i32
        %dma_start3A_617 = arith.constant 0 : i32
        %dma_start3A_618 = tpu.memref_slice %arg8[%dma_start3A_614, %dma_start3A_616, %dma_start3A_617] : memref<8x128x16xf32, #tpu.memory_space<vmem>> -> memref<1x128x16xf32, #tpu.memory_space<vmem>>
        %dma_start3A_619 = tpu.memref_squeeze %dma_start3A_618 : memref<1x128x16xf32, #tpu.memory_space<vmem>> -> memref<128x16xf32, #tpu.memory_space<vmem>>
        %dma_start3A_620 = arith.constant 0 : i32
        %dma_start3A_621 = tpu.memref_slice %arg6[%add3A_421, %dma_start3A_620] : memref<80x128xi32, #tpu.memory_space<vmem>> -> memref<1x128xi32, #tpu.memory_space<vmem>>
        %dma_start3A_622 = tpu.memref_squeeze %dma_start3A_621 : memref<1x128xi32, #tpu.memory_space<vmem>> -> memref<128xi32, #tpu.memory_space<vmem>>
        %dma_start3A_623 = arith.constant 0 : i32
        %dma_start3A_624 = arith.constant 0 : i32
        %dma_start3A_625 = tpu.memref_slice %arg10[%dma_start3A_623, %dma_start3A_624] : memref<10112x16xf32, #tpu.memory_space<vmem_shared>> -> memref<10112x16xf32, #tpu.memory_space<vmem_shared>>
        %dma_start3A_626 = tpu.memref_slice %arg12[%dma_start3A_615] : memref<8x!tpu.dma_semaphore, #tpu.memory_space<semaphore_mem>> -> memref<1x!tpu.dma_semaphore, #tpu.memory_space<semaphore_mem>>
        %dma_start3A_627 = tpu.memref_squeeze %dma_start3A_626 : memref<1x!tpu.dma_semaphore, #tpu.memory_space<semaphore_mem>> -> memref<!tpu.dma_semaphore, #tpu.memory_space<semaphore_mem>>
        tpu.enqueue_indirect_dma source(%dma_start3A_625 : memref<10112x16xf32, #tpu.memory_space<vmem_shared>>) target(%dma_start3A_619 : memref<128x16xf32, #tpu.memory_space<vmem>>) offsets(%dma_start3A_622 : memref<128xi32, #tpu.memory_space<vmem>>) semaphore(%dma_start3A_627 : memref<!tpu.dma_semaphore, #tpu.memory_space<semaphore_mem>>)
      } else {
      }
      %add3A_430 = arith.constant 4 : i32
      %add3A_431 = arith.addi %mul3A_266, %add3A_430 : i32
      %dma_wait3A_432 = arith.constant 4 : i32
      %dma_wait3A_433 = arith.constant 4 : i32
      %dma_wait3A_434 = arith.constant 0 : i32
      %dma_wait3A_435 = arith.constant 0 : i32
      %dma_wait3A_436 = tpu.memref_slice %arg8[%dma_wait3A_432, %dma_wait3A_434, %dma_wait3A_435] : memref<8x128x16xf32, #tpu.memory_space<vmem>> -> memref<1x128x16xf32, #tpu.memory_space<vmem>>
      %dma_wait3A_437 = tpu.memref_squeeze %dma_wait3A_436 : memref<1x128x16xf32, #tpu.memory_space<vmem>> -> memref<128x16xf32, #tpu.memory_space<vmem>>
      %dma_wait3A_438 = arith.constant 0 : i32
      %dma_wait3A_439 = tpu.memref_slice %arg6[%add3A_431, %dma_wait3A_438] : memref<80x128xi32, #tpu.memory_space<vmem>> -> memref<1x128xi32, #tpu.memory_space<vmem>>
      %dma_wait3A_440 = tpu.memref_squeeze %dma_wait3A_439 : memref<1x128xi32, #tpu.memory_space<vmem>> -> memref<128xi32, #tpu.memory_space<vmem>>
      %dma_wait3A_441 = arith.constant 0 : i32
      %dma_wait3A_442 = arith.constant 0 : i32
      %dma_wait3A_443 = tpu.memref_slice %arg10[%dma_wait3A_441, %dma_wait3A_442] : memref<10112x16xf32, #tpu.memory_space<vmem_shared>> -> memref<10112x16xf32, #tpu.memory_space<vmem_shared>>
      %dma_wait3A_444 = tpu.memref_slice %arg12[%dma_wait3A_433] : memref<8x!tpu.dma_semaphore, #tpu.memory_space<semaphore_mem>> -> memref<1x!tpu.dma_semaphore, #tpu.memory_space<semaphore_mem>>
      %dma_wait3A_445 = tpu.memref_squeeze %dma_wait3A_444 : memref<1x!tpu.dma_semaphore, #tpu.memory_space<semaphore_mem>> -> memref<!tpu.dma_semaphore, #tpu.memory_space<semaphore_mem>>
      tpu.wait_indirect_dma semaphore(%dma_wait3A_445 : memref<!tpu.dma_semaphore, #tpu.memory_space<semaphore_mem>>) src(%dma_wait3A_443 : memref<10112x16xf32, #tpu.memory_space<vmem_shared>>) dst(%dma_wait3A_437 : memref<128x16xf32, #tpu.memory_space<vmem>>)
      %dma_start3A_446 = arith.constant 4 : i32
      %dma_start3A_447 = arith.constant 4 : i32
      %dma_start3A_448 = arith.constant 0 : i32
      %dma_start3A_449 = arith.constant 0 : i32
      %dma_start3A_450 = tpu.memref_slice %arg8[%dma_start3A_446, %dma_start3A_448, %dma_start3A_449] : memref<8x128x16xf32, #tpu.memory_space<vmem>> -> memref<1x128x16xf32, #tpu.memory_space<vmem>>
      %dma_start3A_451 = tpu.memref_squeeze %dma_start3A_450 : memref<1x128x16xf32, #tpu.memory_space<vmem>> -> memref<128x16xf32, #tpu.memory_space<vmem>>
      %dma_start3A_452 = arith.constant 0 : i32
      %dma_start3A_453 = tpu.memref_slice %arg7[%add3A_431, %dma_start3A_452] : memref<80x128xi32, #tpu.memory_space<vmem>> -> memref<1x128xi32, #tpu.memory_space<vmem>>
      %dma_start3A_454 = tpu.memref_squeeze %dma_start3A_453 : memref<1x128xi32, #tpu.memory_space<vmem>> -> memref<128xi32, #tpu.memory_space<vmem>>
      %dma_start3A_455 = arith.constant 0 : i32
      %dma_start3A_456 = arith.constant 0 : i32
      %dma_start3A_457 = tpu.memref_slice %arg11[%dma_start3A_455, %dma_start3A_456] : memref<10112x16xf32, #tpu.memory_space<vmem_shared>> -> memref<10112x16xf32, #tpu.memory_space<vmem_shared>>
      %dma_start3A_458 = tpu.memref_slice %arg13[%dma_start3A_447] : memref<8x!tpu.dma_semaphore, #tpu.memory_space<semaphore_mem>> -> memref<1x!tpu.dma_semaphore, #tpu.memory_space<semaphore_mem>>
      %dma_start3A_459 = tpu.memref_squeeze %dma_start3A_458 : memref<1x!tpu.dma_semaphore, #tpu.memory_space<semaphore_mem>> -> memref<!tpu.dma_semaphore, #tpu.memory_space<semaphore_mem>>
      tpu.enqueue_indirect_dma source(%dma_start3A_451 : memref<128x16xf32, #tpu.memory_space<vmem>>) target(%dma_start3A_457 : memref<10112x16xf32, #tpu.memory_space<vmem_shared>>) offsets(%dma_start3A_454 : memref<128xi32, #tpu.memory_space<vmem>>) semaphore(%dma_start3A_459 : memref<!tpu.dma_semaphore, #tpu.memory_space<semaphore_mem>>) {add = true}
      %add3A_460 = arith.constant 0 : i32
      %add3A_461 = arith.addi %mul3A_266, %add3A_460 : i32
      %add3A_462 = arith.constant 8 : i32
      %add3A_463 = arith.addi %add3A_461, %add3A_462 : i32
      %ge3A_464 = arith.constant 8 : i32
      %ge3A_465 = arith.cmpi sge, %add3A_463, %ge3A_464 : i32
      %lt3A_466 = arith.constant 80 : i32
      %lt3A_467 = arith.cmpi slt, %add3A_463, %lt3A_466 : i32
      %and3A_468 = arith.andi %ge3A_465, %lt3A_467 : i1
      %convert_element_type3A_469 = arith.extui %and3A_468 : i1 to i32
      %cond3A_470 = arith.constant 0 : i32
      %cond3A_471 = arith.cmpi ne, %convert_element_type3A_469, %cond3A_470 : i32
      scf.if %cond3A_471 {
        %sub3A = arith.constant 8 : i32
        %sub3A_599 = arith.subi %add3A_463, %sub3A : i32
        %dma_wait3A_600 = arith.constant 0 : i32
        %dma_wait3A_601 = arith.constant 0 : i32
        %dma_wait3A_602 = arith.constant 0 : i32
        %dma_wait3A_603 = arith.constant 0 : i32
        %dma_wait3A_604 = tpu.memref_slice %arg8[%dma_wait3A_600, %dma_wait3A_602, %dma_wait3A_603] : memref<8x128x16xf32, #tpu.memory_space<vmem>> -> memref<1x128x16xf32, #tpu.memory_space<vmem>>
        %dma_wait3A_605 = tpu.memref_squeeze %dma_wait3A_604 : memref<1x128x16xf32, #tpu.memory_space<vmem>> -> memref<128x16xf32, #tpu.memory_space<vmem>>
        %dma_wait3A_606 = arith.constant 0 : i32
        %dma_wait3A_607 = tpu.memref_slice %arg7[%sub3A_599, %dma_wait3A_606] : memref<80x128xi32, #tpu.memory_space<vmem>> -> memref<1x128xi32, #tpu.memory_space<vmem>>
        %dma_wait3A_608 = tpu.memref_squeeze %dma_wait3A_607 : memref<1x128xi32, #tpu.memory_space<vmem>> -> memref<128xi32, #tpu.memory_space<vmem>>
        %dma_wait3A_609 = arith.constant 0 : i32
        %dma_wait3A_610 = arith.constant 0 : i32
        %dma_wait3A_611 = tpu.memref_slice %arg11[%dma_wait3A_609, %dma_wait3A_610] : memref<10112x16xf32, #tpu.memory_space<vmem_shared>> -> memref<10112x16xf32, #tpu.memory_space<vmem_shared>>
        %dma_wait3A_612 = tpu.memref_slice %arg13[%dma_wait3A_601] : memref<8x!tpu.dma_semaphore, #tpu.memory_space<semaphore_mem>> -> memref<1x!tpu.dma_semaphore, #tpu.memory_space<semaphore_mem>>
        %dma_wait3A_613 = tpu.memref_squeeze %dma_wait3A_612 : memref<1x!tpu.dma_semaphore, #tpu.memory_space<semaphore_mem>> -> memref<!tpu.dma_semaphore, #tpu.memory_space<semaphore_mem>>
        tpu.wait_indirect_dma semaphore(%dma_wait3A_613 : memref<!tpu.dma_semaphore, #tpu.memory_space<semaphore_mem>>) src(%dma_wait3A_605 : memref<128x16xf32, #tpu.memory_space<vmem>>) dst(%dma_wait3A_611 : memref<10112x16xf32, #tpu.memory_space<vmem_shared>>)
        %dma_start3A_614 = arith.constant 0 : i32
        %dma_start3A_615 = arith.constant 0 : i32
        %dma_start3A_616 = arith.constant 0 : i32
        %dma_start3A_617 = arith.constant 0 : i32
        %dma_start3A_618 = tpu.memref_slice %arg8[%dma_start3A_614, %dma_start3A_616, %dma_start3A_617] : memref<8x128x16xf32, #tpu.memory_space<vmem>> -> memref<1x128x16xf32, #tpu.memory_space<vmem>>
        %dma_start3A_619 = tpu.memref_squeeze %dma_start3A_618 : memref<1x128x16xf32, #tpu.memory_space<vmem>> -> memref<128x16xf32, #tpu.memory_space<vmem>>
        %dma_start3A_620 = arith.constant 0 : i32
        %dma_start3A_621 = tpu.memref_slice %arg6[%add3A_463, %dma_start3A_620] : memref<80x128xi32, #tpu.memory_space<vmem>> -> memref<1x128xi32, #tpu.memory_space<vmem>>
        %dma_start3A_622 = tpu.memref_squeeze %dma_start3A_621 : memref<1x128xi32, #tpu.memory_space<vmem>> -> memref<128xi32, #tpu.memory_space<vmem>>
        %dma_start3A_623 = arith.constant 0 : i32
        %dma_start3A_624 = arith.constant 0 : i32
        %dma_start3A_625 = tpu.memref_slice %arg10[%dma_start3A_623, %dma_start3A_624] : memref<10112x16xf32, #tpu.memory_space<vmem_shared>> -> memref<10112x16xf32, #tpu.memory_space<vmem_shared>>
        %dma_start3A_626 = tpu.memref_slice %arg12[%dma_start3A_615] : memref<8x!tpu.dma_semaphore, #tpu.memory_space<semaphore_mem>> -> memref<1x!tpu.dma_semaphore, #tpu.memory_space<semaphore_mem>>
        %dma_start3A_627 = tpu.memref_squeeze %dma_start3A_626 : memref<1x!tpu.dma_semaphore, #tpu.memory_space<semaphore_mem>> -> memref<!tpu.dma_semaphore, #tpu.memory_space<semaphore_mem>>
        tpu.enqueue_indirect_dma source(%dma_start3A_625 : memref<10112x16xf32, #tpu.memory_space<vmem_shared>>) target(%dma_start3A_619 : memref<128x16xf32, #tpu.memory_space<vmem>>) offsets(%dma_start3A_622 : memref<128xi32, #tpu.memory_space<vmem>>) semaphore(%dma_start3A_627 : memref<!tpu.dma_semaphore, #tpu.memory_space<semaphore_mem>>)
      } else {
      }
      %add3A_472 = arith.constant 5 : i32
      %add3A_473 = arith.addi %mul3A_266, %add3A_472 : i32
      %dma_wait3A_474 = arith.constant 5 : i32
      %dma_wait3A_475 = arith.constant 5 : i32
      %dma_wait3A_476 = arith.constant 0 : i32
      %dma_wait3A_477 = arith.constant 0 : i32
      %dma_wait3A_478 = tpu.memref_slice %arg8[%dma_wait3A_474, %dma_wait3A_476, %dma_wait3A_477] : memref<8x128x16xf32, #tpu.memory_space<vmem>> -> memref<1x128x16xf32, #tpu.memory_space<vmem>>
      %dma_wait3A_479 = tpu.memref_squeeze %dma_wait3A_478 : memref<1x128x16xf32, #tpu.memory_space<vmem>> -> memref<128x16xf32, #tpu.memory_space<vmem>>
      %dma_wait3A_480 = arith.constant 0 : i32
      %dma_wait3A_481 = tpu.memref_slice %arg6[%add3A_473, %dma_wait3A_480] : memref<80x128xi32, #tpu.memory_space<vmem>> -> memref<1x128xi32, #tpu.memory_space<vmem>>
      %dma_wait3A_482 = tpu.memref_squeeze %dma_wait3A_481 : memref<1x128xi32, #tpu.memory_space<vmem>> -> memref<128xi32, #tpu.memory_space<vmem>>
      %dma_wait3A_483 = arith.constant 0 : i32
      %dma_wait3A_484 = arith.constant 0 : i32
      %dma_wait3A_485 = tpu.memref_slice %arg10[%dma_wait3A_483, %dma_wait3A_484] : memref<10112x16xf32, #tpu.memory_space<vmem_shared>> -> memref<10112x16xf32, #tpu.memory_space<vmem_shared>>
      %dma_wait3A_486 = tpu.memref_slice %arg12[%dma_wait3A_475] : memref<8x!tpu.dma_semaphore, #tpu.memory_space<semaphore_mem>> -> memref<1x!tpu.dma_semaphore, #tpu.memory_space<semaphore_mem>>
      %dma_wait3A_487 = tpu.memref_squeeze %dma_wait3A_486 : memref<1x!tpu.dma_semaphore, #tpu.memory_space<semaphore_mem>> -> memref<!tpu.dma_semaphore, #tpu.memory_space<semaphore_mem>>
      tpu.wait_indirect_dma semaphore(%dma_wait3A_487 : memref<!tpu.dma_semaphore, #tpu.memory_space<semaphore_mem>>) src(%dma_wait3A_485 : memref<10112x16xf32, #tpu.memory_space<vmem_shared>>) dst(%dma_wait3A_479 : memref<128x16xf32, #tpu.memory_space<vmem>>)
      %dma_start3A_488 = arith.constant 5 : i32
      %dma_start3A_489 = arith.constant 5 : i32
      %dma_start3A_490 = arith.constant 0 : i32
      %dma_start3A_491 = arith.constant 0 : i32
      %dma_start3A_492 = tpu.memref_slice %arg8[%dma_start3A_488, %dma_start3A_490, %dma_start3A_491] : memref<8x128x16xf32, #tpu.memory_space<vmem>> -> memref<1x128x16xf32, #tpu.memory_space<vmem>>
      %dma_start3A_493 = tpu.memref_squeeze %dma_start3A_492 : memref<1x128x16xf32, #tpu.memory_space<vmem>> -> memref<128x16xf32, #tpu.memory_space<vmem>>
      %dma_start3A_494 = arith.constant 0 : i32
      %dma_start3A_495 = tpu.memref_slice %arg7[%add3A_473, %dma_start3A_494] : memref<80x128xi32, #tpu.memory_space<vmem>> -> memref<1x128xi32, #tpu.memory_space<vmem>>
      %dma_start3A_496 = tpu.memref_squeeze %dma_start3A_495 : memref<1x128xi32, #tpu.memory_space<vmem>> -> memref<128xi32, #tpu.memory_space<vmem>>
      %dma_start3A_497 = arith.constant 0 : i32
      %dma_start3A_498 = arith.constant 0 : i32
      %dma_start3A_499 = tpu.memref_slice %arg11[%dma_start3A_497, %dma_start3A_498] : memref<10112x16xf32, #tpu.memory_space<vmem_shared>> -> memref<10112x16xf32, #tpu.memory_space<vmem_shared>>
      %dma_start3A_500 = tpu.memref_slice %arg13[%dma_start3A_489] : memref<8x!tpu.dma_semaphore, #tpu.memory_space<semaphore_mem>> -> memref<1x!tpu.dma_semaphore, #tpu.memory_space<semaphore_mem>>
      %dma_start3A_501 = tpu.memref_squeeze %dma_start3A_500 : memref<1x!tpu.dma_semaphore, #tpu.memory_space<semaphore_mem>> -> memref<!tpu.dma_semaphore, #tpu.memory_space<semaphore_mem>>
      tpu.enqueue_indirect_dma source(%dma_start3A_493 : memref<128x16xf32, #tpu.memory_space<vmem>>) target(%dma_start3A_499 : memref<10112x16xf32, #tpu.memory_space<vmem_shared>>) offsets(%dma_start3A_496 : memref<128xi32, #tpu.memory_space<vmem>>) semaphore(%dma_start3A_501 : memref<!tpu.dma_semaphore, #tpu.memory_space<semaphore_mem>>) {add = true}
      %add3A_502 = arith.constant 1 : i32
      %add3A_503 = arith.addi %mul3A_266, %add3A_502 : i32
      %add3A_504 = arith.constant 8 : i32
      %add3A_505 = arith.addi %add3A_503, %add3A_504 : i32
      %ge3A_506 = arith.constant 8 : i32
      %ge3A_507 = arith.cmpi sge, %add3A_505, %ge3A_506 : i32
      %lt3A_508 = arith.constant 80 : i32
      %lt3A_509 = arith.cmpi slt, %add3A_505, %lt3A_508 : i32
      %and3A_510 = arith.andi %ge3A_507, %lt3A_509 : i1
      %convert_element_type3A_511 = arith.extui %and3A_510 : i1 to i32
      %cond3A_512 = arith.constant 0 : i32
      %cond3A_513 = arith.cmpi ne, %convert_element_type3A_511, %cond3A_512 : i32
      scf.if %cond3A_513 {
        %sub3A = arith.constant 8 : i32
        %sub3A_599 = arith.subi %add3A_505, %sub3A : i32
        %dma_wait3A_600 = arith.constant 1 : i32
        %dma_wait3A_601 = arith.constant 1 : i32
        %dma_wait3A_602 = arith.constant 0 : i32
        %dma_wait3A_603 = arith.constant 0 : i32
        %dma_wait3A_604 = tpu.memref_slice %arg8[%dma_wait3A_600, %dma_wait3A_602, %dma_wait3A_603] : memref<8x128x16xf32, #tpu.memory_space<vmem>> -> memref<1x128x16xf32, #tpu.memory_space<vmem>>
        %dma_wait3A_605 = tpu.memref_squeeze %dma_wait3A_604 : memref<1x128x16xf32, #tpu.memory_space<vmem>> -> memref<128x16xf32, #tpu.memory_space<vmem>>
        %dma_wait3A_606 = arith.constant 0 : i32
        %dma_wait3A_607 = tpu.memref_slice %arg7[%sub3A_599, %dma_wait3A_606] : memref<80x128xi32, #tpu.memory_space<vmem>> -> memref<1x128xi32, #tpu.memory_space<vmem>>
        %dma_wait3A_608 = tpu.memref_squeeze %dma_wait3A_607 : memref<1x128xi32, #tpu.memory_space<vmem>> -> memref<128xi32, #tpu.memory_space<vmem>>
        %dma_wait3A_609 = arith.constant 0 : i32
        %dma_wait3A_610 = arith.constant 0 : i32
        %dma_wait3A_611 = tpu.memref_slice %arg11[%dma_wait3A_609, %dma_wait3A_610] : memref<10112x16xf32, #tpu.memory_space<vmem_shared>> -> memref<10112x16xf32, #tpu.memory_space<vmem_shared>>
        %dma_wait3A_612 = tpu.memref_slice %arg13[%dma_wait3A_601] : memref<8x!tpu.dma_semaphore, #tpu.memory_space<semaphore_mem>> -> memref<1x!tpu.dma_semaphore, #tpu.memory_space<semaphore_mem>>
        %dma_wait3A_613 = tpu.memref_squeeze %dma_wait3A_612 : memref<1x!tpu.dma_semaphore, #tpu.memory_space<semaphore_mem>> -> memref<!tpu.dma_semaphore, #tpu.memory_space<semaphore_mem>>
        tpu.wait_indirect_dma semaphore(%dma_wait3A_613 : memref<!tpu.dma_semaphore, #tpu.memory_space<semaphore_mem>>) src(%dma_wait3A_605 : memref<128x16xf32, #tpu.memory_space<vmem>>) dst(%dma_wait3A_611 : memref<10112x16xf32, #tpu.memory_space<vmem_shared>>)
        %dma_start3A_614 = arith.constant 1 : i32
        %dma_start3A_615 = arith.constant 1 : i32
        %dma_start3A_616 = arith.constant 0 : i32
        %dma_start3A_617 = arith.constant 0 : i32
        %dma_start3A_618 = tpu.memref_slice %arg8[%dma_start3A_614, %dma_start3A_616, %dma_start3A_617] : memref<8x128x16xf32, #tpu.memory_space<vmem>> -> memref<1x128x16xf32, #tpu.memory_space<vmem>>
        %dma_start3A_619 = tpu.memref_squeeze %dma_start3A_618 : memref<1x128x16xf32, #tpu.memory_space<vmem>> -> memref<128x16xf32, #tpu.memory_space<vmem>>
        %dma_start3A_620 = arith.constant 0 : i32
        %dma_start3A_621 = tpu.memref_slice %arg6[%add3A_505, %dma_start3A_620] : memref<80x128xi32, #tpu.memory_space<vmem>> -> memref<1x128xi32, #tpu.memory_space<vmem>>
        %dma_start3A_622 = tpu.memref_squeeze %dma_start3A_621 : memref<1x128xi32, #tpu.memory_space<vmem>> -> memref<128xi32, #tpu.memory_space<vmem>>
        %dma_start3A_623 = arith.constant 0 : i32
        %dma_start3A_624 = arith.constant 0 : i32
        %dma_start3A_625 = tpu.memref_slice %arg10[%dma_start3A_623, %dma_start3A_624] : memref<10112x16xf32, #tpu.memory_space<vmem_shared>> -> memref<10112x16xf32, #tpu.memory_space<vmem_shared>>
        %dma_start3A_626 = tpu.memref_slice %arg12[%dma_start3A_615] : memref<8x!tpu.dma_semaphore, #tpu.memory_space<semaphore_mem>> -> memref<1x!tpu.dma_semaphore, #tpu.memory_space<semaphore_mem>>
        %dma_start3A_627 = tpu.memref_squeeze %dma_start3A_626 : memref<1x!tpu.dma_semaphore, #tpu.memory_space<semaphore_mem>> -> memref<!tpu.dma_semaphore, #tpu.memory_space<semaphore_mem>>
        tpu.enqueue_indirect_dma source(%dma_start3A_625 : memref<10112x16xf32, #tpu.memory_space<vmem_shared>>) target(%dma_start3A_619 : memref<128x16xf32, #tpu.memory_space<vmem>>) offsets(%dma_start3A_622 : memref<128xi32, #tpu.memory_space<vmem>>) semaphore(%dma_start3A_627 : memref<!tpu.dma_semaphore, #tpu.memory_space<semaphore_mem>>)
      } else {
      }
      %add3A_514 = arith.constant 6 : i32
      %add3A_515 = arith.addi %mul3A_266, %add3A_514 : i32
      %dma_wait3A_516 = arith.constant 6 : i32
      %dma_wait3A_517 = arith.constant 6 : i32
      %dma_wait3A_518 = arith.constant 0 : i32
      %dma_wait3A_519 = arith.constant 0 : i32
      %dma_wait3A_520 = tpu.memref_slice %arg8[%dma_wait3A_516, %dma_wait3A_518, %dma_wait3A_519] : memref<8x128x16xf32, #tpu.memory_space<vmem>> -> memref<1x128x16xf32, #tpu.memory_space<vmem>>
      %dma_wait3A_521 = tpu.memref_squeeze %dma_wait3A_520 : memref<1x128x16xf32, #tpu.memory_space<vmem>> -> memref<128x16xf32, #tpu.memory_space<vmem>>
      %dma_wait3A_522 = arith.constant 0 : i32
      %dma_wait3A_523 = tpu.memref_slice %arg6[%add3A_515, %dma_wait3A_522] : memref<80x128xi32, #tpu.memory_space<vmem>> -> memref<1x128xi32, #tpu.memory_space<vmem>>
      %dma_wait3A_524 = tpu.memref_squeeze %dma_wait3A_523 : memref<1x128xi32, #tpu.memory_space<vmem>> -> memref<128xi32, #tpu.memory_space<vmem>>
      %dma_wait3A_525 = arith.constant 0 : i32
      %dma_wait3A_526 = arith.constant 0 : i32
      %dma_wait3A_527 = tpu.memref_slice %arg10[%dma_wait3A_525, %dma_wait3A_526] : memref<10112x16xf32, #tpu.memory_space<vmem_shared>> -> memref<10112x16xf32, #tpu.memory_space<vmem_shared>>
      %dma_wait3A_528 = tpu.memref_slice %arg12[%dma_wait3A_517] : memref<8x!tpu.dma_semaphore, #tpu.memory_space<semaphore_mem>> -> memref<1x!tpu.dma_semaphore, #tpu.memory_space<semaphore_mem>>
      %dma_wait3A_529 = tpu.memref_squeeze %dma_wait3A_528 : memref<1x!tpu.dma_semaphore, #tpu.memory_space<semaphore_mem>> -> memref<!tpu.dma_semaphore, #tpu.memory_space<semaphore_mem>>
      tpu.wait_indirect_dma semaphore(%dma_wait3A_529 : memref<!tpu.dma_semaphore, #tpu.memory_space<semaphore_mem>>) src(%dma_wait3A_527 : memref<10112x16xf32, #tpu.memory_space<vmem_shared>>) dst(%dma_wait3A_521 : memref<128x16xf32, #tpu.memory_space<vmem>>)
      %dma_start3A_530 = arith.constant 6 : i32
      %dma_start3A_531 = arith.constant 6 : i32
      %dma_start3A_532 = arith.constant 0 : i32
      %dma_start3A_533 = arith.constant 0 : i32
      %dma_start3A_534 = tpu.memref_slice %arg8[%dma_start3A_530, %dma_start3A_532, %dma_start3A_533] : memref<8x128x16xf32, #tpu.memory_space<vmem>> -> memref<1x128x16xf32, #tpu.memory_space<vmem>>
      %dma_start3A_535 = tpu.memref_squeeze %dma_start3A_534 : memref<1x128x16xf32, #tpu.memory_space<vmem>> -> memref<128x16xf32, #tpu.memory_space<vmem>>
      %dma_start3A_536 = arith.constant 0 : i32
      %dma_start3A_537 = tpu.memref_slice %arg7[%add3A_515, %dma_start3A_536] : memref<80x128xi32, #tpu.memory_space<vmem>> -> memref<1x128xi32, #tpu.memory_space<vmem>>
      %dma_start3A_538 = tpu.memref_squeeze %dma_start3A_537 : memref<1x128xi32, #tpu.memory_space<vmem>> -> memref<128xi32, #tpu.memory_space<vmem>>
      %dma_start3A_539 = arith.constant 0 : i32
      %dma_start3A_540 = arith.constant 0 : i32
      %dma_start3A_541 = tpu.memref_slice %arg11[%dma_start3A_539, %dma_start3A_540] : memref<10112x16xf32, #tpu.memory_space<vmem_shared>> -> memref<10112x16xf32, #tpu.memory_space<vmem_shared>>
      %dma_start3A_542 = tpu.memref_slice %arg13[%dma_start3A_531] : memref<8x!tpu.dma_semaphore, #tpu.memory_space<semaphore_mem>> -> memref<1x!tpu.dma_semaphore, #tpu.memory_space<semaphore_mem>>
      %dma_start3A_543 = tpu.memref_squeeze %dma_start3A_542 : memref<1x!tpu.dma_semaphore, #tpu.memory_space<semaphore_mem>> -> memref<!tpu.dma_semaphore, #tpu.memory_space<semaphore_mem>>
      tpu.enqueue_indirect_dma source(%dma_start3A_535 : memref<128x16xf32, #tpu.memory_space<vmem>>) target(%dma_start3A_541 : memref<10112x16xf32, #tpu.memory_space<vmem_shared>>) offsets(%dma_start3A_538 : memref<128xi32, #tpu.memory_space<vmem>>) semaphore(%dma_start3A_543 : memref<!tpu.dma_semaphore, #tpu.memory_space<semaphore_mem>>) {add = true}
      %add3A_544 = arith.constant 2 : i32
      %add3A_545 = arith.addi %mul3A_266, %add3A_544 : i32
      %add3A_546 = arith.constant 8 : i32
      %add3A_547 = arith.addi %add3A_545, %add3A_546 : i32
      %ge3A_548 = arith.constant 8 : i32
      %ge3A_549 = arith.cmpi sge, %add3A_547, %ge3A_548 : i32
      %lt3A_550 = arith.constant 80 : i32
      %lt3A_551 = arith.cmpi slt, %add3A_547, %lt3A_550 : i32
      %and3A_552 = arith.andi %ge3A_549, %lt3A_551 : i1
      %convert_element_type3A_553 = arith.extui %and3A_552 : i1 to i32
      %cond3A_554 = arith.constant 0 : i32
      %cond3A_555 = arith.cmpi ne, %convert_element_type3A_553, %cond3A_554 : i32
      scf.if %cond3A_555 {
        %sub3A = arith.constant 8 : i32
        %sub3A_599 = arith.subi %add3A_547, %sub3A : i32
        %dma_wait3A_600 = arith.constant 2 : i32
        %dma_wait3A_601 = arith.constant 2 : i32
        %dma_wait3A_602 = arith.constant 0 : i32
        %dma_wait3A_603 = arith.constant 0 : i32
        %dma_wait3A_604 = tpu.memref_slice %arg8[%dma_wait3A_600, %dma_wait3A_602, %dma_wait3A_603] : memref<8x128x16xf32, #tpu.memory_space<vmem>> -> memref<1x128x16xf32, #tpu.memory_space<vmem>>
        %dma_wait3A_605 = tpu.memref_squeeze %dma_wait3A_604 : memref<1x128x16xf32, #tpu.memory_space<vmem>> -> memref<128x16xf32, #tpu.memory_space<vmem>>
        %dma_wait3A_606 = arith.constant 0 : i32
        %dma_wait3A_607 = tpu.memref_slice %arg7[%sub3A_599, %dma_wait3A_606] : memref<80x128xi32, #tpu.memory_space<vmem>> -> memref<1x128xi32, #tpu.memory_space<vmem>>
        %dma_wait3A_608 = tpu.memref_squeeze %dma_wait3A_607 : memref<1x128xi32, #tpu.memory_space<vmem>> -> memref<128xi32, #tpu.memory_space<vmem>>
        %dma_wait3A_609 = arith.constant 0 : i32
        %dma_wait3A_610 = arith.constant 0 : i32
        %dma_wait3A_611 = tpu.memref_slice %arg11[%dma_wait3A_609, %dma_wait3A_610] : memref<10112x16xf32, #tpu.memory_space<vmem_shared>> -> memref<10112x16xf32, #tpu.memory_space<vmem_shared>>
        %dma_wait3A_612 = tpu.memref_slice %arg13[%dma_wait3A_601] : memref<8x!tpu.dma_semaphore, #tpu.memory_space<semaphore_mem>> -> memref<1x!tpu.dma_semaphore, #tpu.memory_space<semaphore_mem>>
        %dma_wait3A_613 = tpu.memref_squeeze %dma_wait3A_612 : memref<1x!tpu.dma_semaphore, #tpu.memory_space<semaphore_mem>> -> memref<!tpu.dma_semaphore, #tpu.memory_space<semaphore_mem>>
        tpu.wait_indirect_dma semaphore(%dma_wait3A_613 : memref<!tpu.dma_semaphore, #tpu.memory_space<semaphore_mem>>) src(%dma_wait3A_605 : memref<128x16xf32, #tpu.memory_space<vmem>>) dst(%dma_wait3A_611 : memref<10112x16xf32, #tpu.memory_space<vmem_shared>>)
        %dma_start3A_614 = arith.constant 2 : i32
        %dma_start3A_615 = arith.constant 2 : i32
        %dma_start3A_616 = arith.constant 0 : i32
        %dma_start3A_617 = arith.constant 0 : i32
        %dma_start3A_618 = tpu.memref_slice %arg8[%dma_start3A_614, %dma_start3A_616, %dma_start3A_617] : memref<8x128x16xf32, #tpu.memory_space<vmem>> -> memref<1x128x16xf32, #tpu.memory_space<vmem>>
        %dma_start3A_619 = tpu.memref_squeeze %dma_start3A_618 : memref<1x128x16xf32, #tpu.memory_space<vmem>> -> memref<128x16xf32, #tpu.memory_space<vmem>>
        %dma_start3A_620 = arith.constant 0 : i32
        %dma_start3A_621 = tpu.memref_slice %arg6[%add3A_547, %dma_start3A_620] : memref<80x128xi32, #tpu.memory_space<vmem>> -> memref<1x128xi32, #tpu.memory_space<vmem>>
        %dma_start3A_622 = tpu.memref_squeeze %dma_start3A_621 : memref<1x128xi32, #tpu.memory_space<vmem>> -> memref<128xi32, #tpu.memory_space<vmem>>
        %dma_start3A_623 = arith.constant 0 : i32
        %dma_start3A_624 = arith.constant 0 : i32
        %dma_start3A_625 = tpu.memref_slice %arg10[%dma_start3A_623, %dma_start3A_624] : memref<10112x16xf32, #tpu.memory_space<vmem_shared>> -> memref<10112x16xf32, #tpu.memory_space<vmem_shared>>
        %dma_start3A_626 = tpu.memref_slice %arg12[%dma_start3A_615] : memref<8x!tpu.dma_semaphore, #tpu.memory_space<semaphore_mem>> -> memref<1x!tpu.dma_semaphore, #tpu.memory_space<semaphore_mem>>
        %dma_start3A_627 = tpu.memref_squeeze %dma_start3A_626 : memref<1x!tpu.dma_semaphore, #tpu.memory_space<semaphore_mem>> -> memref<!tpu.dma_semaphore, #tpu.memory_space<semaphore_mem>>
        tpu.enqueue_indirect_dma source(%dma_start3A_625 : memref<10112x16xf32, #tpu.memory_space<vmem_shared>>) target(%dma_start3A_619 : memref<128x16xf32, #tpu.memory_space<vmem>>) offsets(%dma_start3A_622 : memref<128xi32, #tpu.memory_space<vmem>>) semaphore(%dma_start3A_627 : memref<!tpu.dma_semaphore, #tpu.memory_space<semaphore_mem>>)
      } else {
      }
      %add3A_556 = arith.constant 7 : i32
      %add3A_557 = arith.addi %mul3A_266, %add3A_556 : i32
      %dma_wait3A_558 = arith.constant 7 : i32
      %dma_wait3A_559 = arith.constant 7 : i32
      %dma_wait3A_560 = arith.constant 0 : i32
      %dma_wait3A_561 = arith.constant 0 : i32
      %dma_wait3A_562 = tpu.memref_slice %arg8[%dma_wait3A_558, %dma_wait3A_560, %dma_wait3A_561] : memref<8x128x16xf32, #tpu.memory_space<vmem>> -> memref<1x128x16xf32, #tpu.memory_space<vmem>>
      %dma_wait3A_563 = tpu.memref_squeeze %dma_wait3A_562 : memref<1x128x16xf32, #tpu.memory_space<vmem>> -> memref<128x16xf32, #tpu.memory_space<vmem>>
      %dma_wait3A_564 = arith.constant 0 : i32
      %dma_wait3A_565 = tpu.memref_slice %arg6[%add3A_557, %dma_wait3A_564] : memref<80x128xi32, #tpu.memory_space<vmem>> -> memref<1x128xi32, #tpu.memory_space<vmem>>
      %dma_wait3A_566 = tpu.memref_squeeze %dma_wait3A_565 : memref<1x128xi32, #tpu.memory_space<vmem>> -> memref<128xi32, #tpu.memory_space<vmem>>
      %dma_wait3A_567 = arith.constant 0 : i32
      %dma_wait3A_568 = arith.constant 0 : i32
      %dma_wait3A_569 = tpu.memref_slice %arg10[%dma_wait3A_567, %dma_wait3A_568] : memref<10112x16xf32, #tpu.memory_space<vmem_shared>> -> memref<10112x16xf32, #tpu.memory_space<vmem_shared>>
      %dma_wait3A_570 = tpu.memref_slice %arg12[%dma_wait3A_559] : memref<8x!tpu.dma_semaphore, #tpu.memory_space<semaphore_mem>> -> memref<1x!tpu.dma_semaphore, #tpu.memory_space<semaphore_mem>>
      %dma_wait3A_571 = tpu.memref_squeeze %dma_wait3A_570 : memref<1x!tpu.dma_semaphore, #tpu.memory_space<semaphore_mem>> -> memref<!tpu.dma_semaphore, #tpu.memory_space<semaphore_mem>>
      tpu.wait_indirect_dma semaphore(%dma_wait3A_571 : memref<!tpu.dma_semaphore, #tpu.memory_space<semaphore_mem>>) src(%dma_wait3A_569 : memref<10112x16xf32, #tpu.memory_space<vmem_shared>>) dst(%dma_wait3A_563 : memref<128x16xf32, #tpu.memory_space<vmem>>)
      %dma_start3A_572 = arith.constant 7 : i32
      %dma_start3A_573 = arith.constant 7 : i32
      %dma_start3A_574 = arith.constant 0 : i32
      %dma_start3A_575 = arith.constant 0 : i32
      %dma_start3A_576 = tpu.memref_slice %arg8[%dma_start3A_572, %dma_start3A_574, %dma_start3A_575] : memref<8x128x16xf32, #tpu.memory_space<vmem>> -> memref<1x128x16xf32, #tpu.memory_space<vmem>>
      %dma_start3A_577 = tpu.memref_squeeze %dma_start3A_576 : memref<1x128x16xf32, #tpu.memory_space<vmem>> -> memref<128x16xf32, #tpu.memory_space<vmem>>
      %dma_start3A_578 = arith.constant 0 : i32
      %dma_start3A_579 = tpu.memref_slice %arg7[%add3A_557, %dma_start3A_578] : memref<80x128xi32, #tpu.memory_space<vmem>> -> memref<1x128xi32, #tpu.memory_space<vmem>>
      %dma_start3A_580 = tpu.memref_squeeze %dma_start3A_579 : memref<1x128xi32, #tpu.memory_space<vmem>> -> memref<128xi32, #tpu.memory_space<vmem>>
      %dma_start3A_581 = arith.constant 0 : i32
      %dma_start3A_582 = arith.constant 0 : i32
      %dma_start3A_583 = tpu.memref_slice %arg11[%dma_start3A_581, %dma_start3A_582] : memref<10112x16xf32, #tpu.memory_space<vmem_shared>> -> memref<10112x16xf32, #tpu.memory_space<vmem_shared>>
      %dma_start3A_584 = tpu.memref_slice %arg13[%dma_start3A_573] : memref<8x!tpu.dma_semaphore, #tpu.memory_space<semaphore_mem>> -> memref<1x!tpu.dma_semaphore, #tpu.memory_space<semaphore_mem>>
      %dma_start3A_585 = tpu.memref_squeeze %dma_start3A_584 : memref<1x!tpu.dma_semaphore, #tpu.memory_space<semaphore_mem>> -> memref<!tpu.dma_semaphore, #tpu.memory_space<semaphore_mem>>
      tpu.enqueue_indirect_dma source(%dma_start3A_577 : memref<128x16xf32, #tpu.memory_space<vmem>>) target(%dma_start3A_583 : memref<10112x16xf32, #tpu.memory_space<vmem_shared>>) offsets(%dma_start3A_580 : memref<128xi32, #tpu.memory_space<vmem>>) semaphore(%dma_start3A_585 : memref<!tpu.dma_semaphore, #tpu.memory_space<semaphore_mem>>) {add = true}
      %add3A_586 = arith.constant 3 : i32
      %add3A_587 = arith.addi %mul3A_266, %add3A_586 : i32
      %add3A_588 = arith.constant 8 : i32
      %add3A_589 = arith.addi %add3A_587, %add3A_588 : i32
      %ge3A_590 = arith.constant 8 : i32
      %ge3A_591 = arith.cmpi sge, %add3A_589, %ge3A_590 : i32
      %lt3A_592 = arith.constant 80 : i32
      %lt3A_593 = arith.cmpi slt, %add3A_589, %lt3A_592 : i32
      %and3A_594 = arith.andi %ge3A_591, %lt3A_593 : i1
      %convert_element_type3A_595 = arith.extui %and3A_594 : i1 to i32
      %cond3A_596 = arith.constant 0 : i32
      %cond3A_597 = arith.cmpi ne, %convert_element_type3A_595, %cond3A_596 : i32
      scf.if %cond3A_597 {
        %sub3A = arith.constant 8 : i32
        %sub3A_599 = arith.subi %add3A_589, %sub3A : i32
        %dma_wait3A_600 = arith.constant 3 : i32
        %dma_wait3A_601 = arith.constant 3 : i32
        %dma_wait3A_602 = arith.constant 0 : i32
        %dma_wait3A_603 = arith.constant 0 : i32
        %dma_wait3A_604 = tpu.memref_slice %arg8[%dma_wait3A_600, %dma_wait3A_602, %dma_wait3A_603] : memref<8x128x16xf32, #tpu.memory_space<vmem>> -> memref<1x128x16xf32, #tpu.memory_space<vmem>>
        %dma_wait3A_605 = tpu.memref_squeeze %dma_wait3A_604 : memref<1x128x16xf32, #tpu.memory_space<vmem>> -> memref<128x16xf32, #tpu.memory_space<vmem>>
        %dma_wait3A_606 = arith.constant 0 : i32
        %dma_wait3A_607 = tpu.memref_slice %arg7[%sub3A_599, %dma_wait3A_606] : memref<80x128xi32, #tpu.memory_space<vmem>> -> memref<1x128xi32, #tpu.memory_space<vmem>>
        %dma_wait3A_608 = tpu.memref_squeeze %dma_wait3A_607 : memref<1x128xi32, #tpu.memory_space<vmem>> -> memref<128xi32, #tpu.memory_space<vmem>>
        %dma_wait3A_609 = arith.constant 0 : i32
        %dma_wait3A_610 = arith.constant 0 : i32
        %dma_wait3A_611 = tpu.memref_slice %arg11[%dma_wait3A_609, %dma_wait3A_610] : memref<10112x16xf32, #tpu.memory_space<vmem_shared>> -> memref<10112x16xf32, #tpu.memory_space<vmem_shared>>
        %dma_wait3A_612 = tpu.memref_slice %arg13[%dma_wait3A_601] : memref<8x!tpu.dma_semaphore, #tpu.memory_space<semaphore_mem>> -> memref<1x!tpu.dma_semaphore, #tpu.memory_space<semaphore_mem>>
        %dma_wait3A_613 = tpu.memref_squeeze %dma_wait3A_612 : memref<1x!tpu.dma_semaphore, #tpu.memory_space<semaphore_mem>> -> memref<!tpu.dma_semaphore, #tpu.memory_space<semaphore_mem>>
        tpu.wait_indirect_dma semaphore(%dma_wait3A_613 : memref<!tpu.dma_semaphore, #tpu.memory_space<semaphore_mem>>) src(%dma_wait3A_605 : memref<128x16xf32, #tpu.memory_space<vmem>>) dst(%dma_wait3A_611 : memref<10112x16xf32, #tpu.memory_space<vmem_shared>>)
        %dma_start3A_614 = arith.constant 3 : i32
        %dma_start3A_615 = arith.constant 3 : i32
        %dma_start3A_616 = arith.constant 0 : i32
        %dma_start3A_617 = arith.constant 0 : i32
        %dma_start3A_618 = tpu.memref_slice %arg8[%dma_start3A_614, %dma_start3A_616, %dma_start3A_617] : memref<8x128x16xf32, #tpu.memory_space<vmem>> -> memref<1x128x16xf32, #tpu.memory_space<vmem>>
        %dma_start3A_619 = tpu.memref_squeeze %dma_start3A_618 : memref<1x128x16xf32, #tpu.memory_space<vmem>> -> memref<128x16xf32, #tpu.memory_space<vmem>>
        %dma_start3A_620 = arith.constant 0 : i32
        %dma_start3A_621 = tpu.memref_slice %arg6[%add3A_589, %dma_start3A_620] : memref<80x128xi32, #tpu.memory_space<vmem>> -> memref<1x128xi32, #tpu.memory_space<vmem>>
        %dma_start3A_622 = tpu.memref_squeeze %dma_start3A_621 : memref<1x128xi32, #tpu.memory_space<vmem>> -> memref<128xi32, #tpu.memory_space<vmem>>
        %dma_start3A_623 = arith.constant 0 : i32
        %dma_start3A_624 = arith.constant 0 : i32
        %dma_start3A_625 = tpu.memref_slice %arg10[%dma_start3A_623, %dma_start3A_624] : memref<10112x16xf32, #tpu.memory_space<vmem_shared>> -> memref<10112x16xf32, #tpu.memory_space<vmem_shared>>
        %dma_start3A_626 = tpu.memref_slice %arg12[%dma_start3A_615] : memref<8x!tpu.dma_semaphore, #tpu.memory_space<semaphore_mem>> -> memref<1x!tpu.dma_semaphore, #tpu.memory_space<semaphore_mem>>
        %dma_start3A_627 = tpu.memref_squeeze %dma_start3A_626 : memref<1x!tpu.dma_semaphore, #tpu.memory_space<semaphore_mem>> -> memref<!tpu.dma_semaphore, #tpu.memory_space<semaphore_mem>>
        tpu.enqueue_indirect_dma source(%dma_start3A_625 : memref<10112x16xf32, #tpu.memory_space<vmem_shared>>) target(%dma_start3A_619 : memref<128x16xf32, #tpu.memory_space<vmem>>) offsets(%dma_start3A_622 : memref<128xi32, #tpu.memory_space<vmem>>) semaphore(%dma_start3A_627 : memref<!tpu.dma_semaphore, #tpu.memory_space<semaphore_mem>>)
      } else {
      }
      %scan3A_598 = arith.constant 0 : i32
      scf.yield %scan3A_598 : i32
    }
    %scan3A_138 = arith.constant 10 : i32
    %dma_wait3A = arith.constant 0 : i32
    %dma_wait3A_139 = arith.constant 72 : i32
    %dma_wait3A_140 = arith.constant 0 : i32
    %dma_wait3A_141 = arith.constant 0 : i32
    %dma_wait3A_142 = arith.constant 0 : i32
    %dma_wait3A_143 = tpu.memref_slice %arg8[%dma_wait3A, %dma_wait3A_141, %dma_wait3A_142] : memref<8x128x16xf32, #tpu.memory_space<vmem>> -> memref<1x128x16xf32, #tpu.memory_space<vmem>>
    %dma_wait3A_144 = tpu.memref_squeeze %dma_wait3A_143 : memref<1x128x16xf32, #tpu.memory_space<vmem>> -> memref<128x16xf32, #tpu.memory_space<vmem>>
    %dma_wait3A_145 = arith.constant 0 : i32
    %dma_wait3A_146 = tpu.memref_slice %arg7[%dma_wait3A_139, %dma_wait3A_145] : memref<80x128xi32, #tpu.memory_space<vmem>> -> memref<1x128xi32, #tpu.memory_space<vmem>>
    %dma_wait3A_147 = tpu.memref_squeeze %dma_wait3A_146 : memref<1x128xi32, #tpu.memory_space<vmem>> -> memref<128xi32, #tpu.memory_space<vmem>>
    %dma_wait3A_148 = arith.constant 0 : i32
    %dma_wait3A_149 = arith.constant 0 : i32
    %dma_wait3A_150 = tpu.memref_slice %arg11[%dma_wait3A_148, %dma_wait3A_149] : memref<10112x16xf32, #tpu.memory_space<vmem_shared>> -> memref<10112x16xf32, #tpu.memory_space<vmem_shared>>
    %dma_wait3A_151 = tpu.memref_slice %arg13[%dma_wait3A_140] : memref<8x!tpu.dma_semaphore, #tpu.memory_space<semaphore_mem>> -> memref<1x!tpu.dma_semaphore, #tpu.memory_space<semaphore_mem>>
    %dma_wait3A_152 = tpu.memref_squeeze %dma_wait3A_151 : memref<1x!tpu.dma_semaphore, #tpu.memory_space<semaphore_mem>> -> memref<!tpu.dma_semaphore, #tpu.memory_space<semaphore_mem>>
    tpu.wait_indirect_dma semaphore(%dma_wait3A_152 : memref<!tpu.dma_semaphore, #tpu.memory_space<semaphore_mem>>) src(%dma_wait3A_144 : memref<128x16xf32, #tpu.memory_space<vmem>>) dst(%dma_wait3A_150 : memref<10112x16xf32, #tpu.memory_space<vmem_shared>>)
    %dma_wait3A_153 = arith.constant 1 : i32
    %dma_wait3A_154 = arith.constant 73 : i32
    %dma_wait3A_155 = arith.constant 1 : i32
    %dma_wait3A_156 = arith.constant 0 : i32
    %dma_wait3A_157 = arith.constant 0 : i32
    %dma_wait3A_158 = tpu.memref_slice %arg8[%dma_wait3A_153, %dma_wait3A_156, %dma_wait3A_157] : memref<8x128x16xf32, #tpu.memory_space<vmem>> -> memref<1x128x16xf32, #tpu.memory_space<vmem>>
    %dma_wait3A_159 = tpu.memref_squeeze %dma_wait3A_158 : memref<1x128x16xf32, #tpu.memory_space<vmem>> -> memref<128x16xf32, #tpu.memory_space<vmem>>
    %dma_wait3A_160 = arith.constant 0 : i32
    %dma_wait3A_161 = tpu.memref_slice %arg7[%dma_wait3A_154, %dma_wait3A_160] : memref<80x128xi32, #tpu.memory_space<vmem>> -> memref<1x128xi32, #tpu.memory_space<vmem>>
    %dma_wait3A_162 = tpu.memref_squeeze %dma_wait3A_161 : memref<1x128xi32, #tpu.memory_space<vmem>> -> memref<128xi32, #tpu.memory_space<vmem>>
    %dma_wait3A_163 = arith.constant 0 : i32
    %dma_wait3A_164 = arith.constant 0 : i32
    %dma_wait3A_165 = tpu.memref_slice %arg11[%dma_wait3A_163, %dma_wait3A_164] : memref<10112x16xf32, #tpu.memory_space<vmem_shared>> -> memref<10112x16xf32, #tpu.memory_space<vmem_shared>>
    %dma_wait3A_166 = tpu.memref_slice %arg13[%dma_wait3A_155] : memref<8x!tpu.dma_semaphore, #tpu.memory_space<semaphore_mem>> -> memref<1x!tpu.dma_semaphore, #tpu.memory_space<semaphore_mem>>
    %dma_wait3A_167 = tpu.memref_squeeze %dma_wait3A_166 : memref<1x!tpu.dma_semaphore, #tpu.memory_space<semaphore_mem>> -> memref<!tpu.dma_semaphore, #tpu.memory_space<semaphore_mem>>
    tpu.wait_indirect_dma semaphore(%dma_wait3A_167 : memref<!tpu.dma_semaphore, #tpu.memory_space<semaphore_mem>>) src(%dma_wait3A_159 : memref<128x16xf32, #tpu.memory_space<vmem>>) dst(%dma_wait3A_165 : memref<10112x16xf32, #tpu.memory_space<vmem_shared>>)
    %dma_wait3A_168 = arith.constant 2 : i32
    %dma_wait3A_169 = arith.constant 74 : i32
    %dma_wait3A_170 = arith.constant 2 : i32
    %dma_wait3A_171 = arith.constant 0 : i32
    %dma_wait3A_172 = arith.constant 0 : i32
    %dma_wait3A_173 = tpu.memref_slice %arg8[%dma_wait3A_168, %dma_wait3A_171, %dma_wait3A_172] : memref<8x128x16xf32, #tpu.memory_space<vmem>> -> memref<1x128x16xf32, #tpu.memory_space<vmem>>
    %dma_wait3A_174 = tpu.memref_squeeze %dma_wait3A_173 : memref<1x128x16xf32, #tpu.memory_space<vmem>> -> memref<128x16xf32, #tpu.memory_space<vmem>>
    %dma_wait3A_175 = arith.constant 0 : i32
    %dma_wait3A_176 = tpu.memref_slice %arg7[%dma_wait3A_169, %dma_wait3A_175] : memref<80x128xi32, #tpu.memory_space<vmem>> -> memref<1x128xi32, #tpu.memory_space<vmem>>
    %dma_wait3A_177 = tpu.memref_squeeze %dma_wait3A_176 : memref<1x128xi32, #tpu.memory_space<vmem>> -> memref<128xi32, #tpu.memory_space<vmem>>
    %dma_wait3A_178 = arith.constant 0 : i32
    %dma_wait3A_179 = arith.constant 0 : i32
    %dma_wait3A_180 = tpu.memref_slice %arg11[%dma_wait3A_178, %dma_wait3A_179] : memref<10112x16xf32, #tpu.memory_space<vmem_shared>> -> memref<10112x16xf32, #tpu.memory_space<vmem_shared>>
    %dma_wait3A_181 = tpu.memref_slice %arg13[%dma_wait3A_170] : memref<8x!tpu.dma_semaphore, #tpu.memory_space<semaphore_mem>> -> memref<1x!tpu.dma_semaphore, #tpu.memory_space<semaphore_mem>>
    %dma_wait3A_182 = tpu.memref_squeeze %dma_wait3A_181 : memref<1x!tpu.dma_semaphore, #tpu.memory_space<semaphore_mem>> -> memref<!tpu.dma_semaphore, #tpu.memory_space<semaphore_mem>>
    tpu.wait_indirect_dma semaphore(%dma_wait3A_182 : memref<!tpu.dma_semaphore, #tpu.memory_space<semaphore_mem>>) src(%dma_wait3A_174 : memref<128x16xf32, #tpu.memory_space<vmem>>) dst(%dma_wait3A_180 : memref<10112x16xf32, #tpu.memory_space<vmem_shared>>)
    %dma_wait3A_183 = arith.constant 3 : i32
    %dma_wait3A_184 = arith.constant 75 : i32
    %dma_wait3A_185 = arith.constant 3 : i32
    %dma_wait3A_186 = arith.constant 0 : i32
    %dma_wait3A_187 = arith.constant 0 : i32
    %dma_wait3A_188 = tpu.memref_slice %arg8[%dma_wait3A_183, %dma_wait3A_186, %dma_wait3A_187] : memref<8x128x16xf32, #tpu.memory_space<vmem>> -> memref<1x128x16xf32, #tpu.memory_space<vmem>>
    %dma_wait3A_189 = tpu.memref_squeeze %dma_wait3A_188 : memref<1x128x16xf32, #tpu.memory_space<vmem>> -> memref<128x16xf32, #tpu.memory_space<vmem>>
    %dma_wait3A_190 = arith.constant 0 : i32
    %dma_wait3A_191 = tpu.memref_slice %arg7[%dma_wait3A_184, %dma_wait3A_190] : memref<80x128xi32, #tpu.memory_space<vmem>> -> memref<1x128xi32, #tpu.memory_space<vmem>>
    %dma_wait3A_192 = tpu.memref_squeeze %dma_wait3A_191 : memref<1x128xi32, #tpu.memory_space<vmem>> -> memref<128xi32, #tpu.memory_space<vmem>>
    %dma_wait3A_193 = arith.constant 0 : i32
    %dma_wait3A_194 = arith.constant 0 : i32
    %dma_wait3A_195 = tpu.memref_slice %arg11[%dma_wait3A_193, %dma_wait3A_194] : memref<10112x16xf32, #tpu.memory_space<vmem_shared>> -> memref<10112x16xf32, #tpu.memory_space<vmem_shared>>
    %dma_wait3A_196 = tpu.memref_slice %arg13[%dma_wait3A_185] : memref<8x!tpu.dma_semaphore, #tpu.memory_space<semaphore_mem>> -> memref<1x!tpu.dma_semaphore, #tpu.memory_space<semaphore_mem>>
    %dma_wait3A_197 = tpu.memref_squeeze %dma_wait3A_196 : memref<1x!tpu.dma_semaphore, #tpu.memory_space<semaphore_mem>> -> memref<!tpu.dma_semaphore, #tpu.memory_space<semaphore_mem>>
    tpu.wait_indirect_dma semaphore(%dma_wait3A_197 : memref<!tpu.dma_semaphore, #tpu.memory_space<semaphore_mem>>) src(%dma_wait3A_189 : memref<128x16xf32, #tpu.memory_space<vmem>>) dst(%dma_wait3A_195 : memref<10112x16xf32, #tpu.memory_space<vmem_shared>>)
    %dma_wait3A_198 = arith.constant 4 : i32
    %dma_wait3A_199 = arith.constant 76 : i32
    %dma_wait3A_200 = arith.constant 4 : i32
    %dma_wait3A_201 = arith.constant 0 : i32
    %dma_wait3A_202 = arith.constant 0 : i32
    %dma_wait3A_203 = tpu.memref_slice %arg8[%dma_wait3A_198, %dma_wait3A_201, %dma_wait3A_202] : memref<8x128x16xf32, #tpu.memory_space<vmem>> -> memref<1x128x16xf32, #tpu.memory_space<vmem>>
    %dma_wait3A_204 = tpu.memref_squeeze %dma_wait3A_203 : memref<1x128x16xf32, #tpu.memory_space<vmem>> -> memref<128x16xf32, #tpu.memory_space<vmem>>
    %dma_wait3A_205 = arith.constant 0 : i32
    %dma_wait3A_206 = tpu.memref_slice %arg7[%dma_wait3A_199, %dma_wait3A_205] : memref<80x128xi32, #tpu.memory_space<vmem>> -> memref<1x128xi32, #tpu.memory_space<vmem>>
    %dma_wait3A_207 = tpu.memref_squeeze %dma_wait3A_206 : memref<1x128xi32, #tpu.memory_space<vmem>> -> memref<128xi32, #tpu.memory_space<vmem>>
    %dma_wait3A_208 = arith.constant 0 : i32
    %dma_wait3A_209 = arith.constant 0 : i32
    %dma_wait3A_210 = tpu.memref_slice %arg11[%dma_wait3A_208, %dma_wait3A_209] : memref<10112x16xf32, #tpu.memory_space<vmem_shared>> -> memref<10112x16xf32, #tpu.memory_space<vmem_shared>>
    %dma_wait3A_211 = tpu.memref_slice %arg13[%dma_wait3A_200] : memref<8x!tpu.dma_semaphore, #tpu.memory_space<semaphore_mem>> -> memref<1x!tpu.dma_semaphore, #tpu.memory_space<semaphore_mem>>
    %dma_wait3A_212 = tpu.memref_squeeze %dma_wait3A_211 : memref<1x!tpu.dma_semaphore, #tpu.memory_space<semaphore_mem>> -> memref<!tpu.dma_semaphore, #tpu.memory_space<semaphore_mem>>
    tpu.wait_indirect_dma semaphore(%dma_wait3A_212 : memref<!tpu.dma_semaphore, #tpu.memory_space<semaphore_mem>>) src(%dma_wait3A_204 : memref<128x16xf32, #tpu.memory_space<vmem>>) dst(%dma_wait3A_210 : memref<10112x16xf32, #tpu.memory_space<vmem_shared>>)
    %dma_wait3A_213 = arith.constant 5 : i32
    %dma_wait3A_214 = arith.constant 77 : i32
    %dma_wait3A_215 = arith.constant 5 : i32
    %dma_wait3A_216 = arith.constant 0 : i32
    %dma_wait3A_217 = arith.constant 0 : i32
    %dma_wait3A_218 = tpu.memref_slice %arg8[%dma_wait3A_213, %dma_wait3A_216, %dma_wait3A_217] : memref<8x128x16xf32, #tpu.memory_space<vmem>> -> memref<1x128x16xf32, #tpu.memory_space<vmem>>
    %dma_wait3A_219 = tpu.memref_squeeze %dma_wait3A_218 : memref<1x128x16xf32, #tpu.memory_space<vmem>> -> memref<128x16xf32, #tpu.memory_space<vmem>>
    %dma_wait3A_220 = arith.constant 0 : i32
    %dma_wait3A_221 = tpu.memref_slice %arg7[%dma_wait3A_214, %dma_wait3A_220] : memref<80x128xi32, #tpu.memory_space<vmem>> -> memref<1x128xi32, #tpu.memory_space<vmem>>
    %dma_wait3A_222 = tpu.memref_squeeze %dma_wait3A_221 : memref<1x128xi32, #tpu.memory_space<vmem>> -> memref<128xi32, #tpu.memory_space<vmem>>
    %dma_wait3A_223 = arith.constant 0 : i32
    %dma_wait3A_224 = arith.constant 0 : i32
    %dma_wait3A_225 = tpu.memref_slice %arg11[%dma_wait3A_223, %dma_wait3A_224] : memref<10112x16xf32, #tpu.memory_space<vmem_shared>> -> memref<10112x16xf32, #tpu.memory_space<vmem_shared>>
    %dma_wait3A_226 = tpu.memref_slice %arg13[%dma_wait3A_215] : memref<8x!tpu.dma_semaphore, #tpu.memory_space<semaphore_mem>> -> memref<1x!tpu.dma_semaphore, #tpu.memory_space<semaphore_mem>>
    %dma_wait3A_227 = tpu.memref_squeeze %dma_wait3A_226 : memref<1x!tpu.dma_semaphore, #tpu.memory_space<semaphore_mem>> -> memref<!tpu.dma_semaphore, #tpu.memory_space<semaphore_mem>>
    tpu.wait_indirect_dma semaphore(%dma_wait3A_227 : memref<!tpu.dma_semaphore, #tpu.memory_space<semaphore_mem>>) src(%dma_wait3A_219 : memref<128x16xf32, #tpu.memory_space<vmem>>) dst(%dma_wait3A_225 : memref<10112x16xf32, #tpu.memory_space<vmem_shared>>)
    %dma_wait3A_228 = arith.constant 6 : i32
    %dma_wait3A_229 = arith.constant 78 : i32
    %dma_wait3A_230 = arith.constant 6 : i32
    %dma_wait3A_231 = arith.constant 0 : i32
    %dma_wait3A_232 = arith.constant 0 : i32
    %dma_wait3A_233 = tpu.memref_slice %arg8[%dma_wait3A_228, %dma_wait3A_231, %dma_wait3A_232] : memref<8x128x16xf32, #tpu.memory_space<vmem>> -> memref<1x128x16xf32, #tpu.memory_space<vmem>>
    %dma_wait3A_234 = tpu.memref_squeeze %dma_wait3A_233 : memref<1x128x16xf32, #tpu.memory_space<vmem>> -> memref<128x16xf32, #tpu.memory_space<vmem>>
    %dma_wait3A_235 = arith.constant 0 : i32
    %dma_wait3A_236 = tpu.memref_slice %arg7[%dma_wait3A_229, %dma_wait3A_235] : memref<80x128xi32, #tpu.memory_space<vmem>> -> memref<1x128xi32, #tpu.memory_space<vmem>>
    %dma_wait3A_237 = tpu.memref_squeeze %dma_wait3A_236 : memref<1x128xi32, #tpu.memory_space<vmem>> -> memref<128xi32, #tpu.memory_space<vmem>>
    %dma_wait3A_238 = arith.constant 0 : i32
    %dma_wait3A_239 = arith.constant 0 : i32
    %dma_wait3A_240 = tpu.memref_slice %arg11[%dma_wait3A_238, %dma_wait3A_239] : memref<10112x16xf32, #tpu.memory_space<vmem_shared>> -> memref<10112x16xf32, #tpu.memory_space<vmem_shared>>
    %dma_wait3A_241 = tpu.memref_slice %arg13[%dma_wait3A_230] : memref<8x!tpu.dma_semaphore, #tpu.memory_space<semaphore_mem>> -> memref<1x!tpu.dma_semaphore, #tpu.memory_space<semaphore_mem>>
    %dma_wait3A_242 = tpu.memref_squeeze %dma_wait3A_241 : memref<1x!tpu.dma_semaphore, #tpu.memory_space<semaphore_mem>> -> memref<!tpu.dma_semaphore, #tpu.memory_space<semaphore_mem>>
    tpu.wait_indirect_dma semaphore(%dma_wait3A_242 : memref<!tpu.dma_semaphore, #tpu.memory_space<semaphore_mem>>) src(%dma_wait3A_234 : memref<128x16xf32, #tpu.memory_space<vmem>>) dst(%dma_wait3A_240 : memref<10112x16xf32, #tpu.memory_space<vmem_shared>>)
    %dma_wait3A_243 = arith.constant 7 : i32
    %dma_wait3A_244 = arith.constant 79 : i32
    %dma_wait3A_245 = arith.constant 7 : i32
    %dma_wait3A_246 = arith.constant 0 : i32
    %dma_wait3A_247 = arith.constant 0 : i32
    %dma_wait3A_248 = tpu.memref_slice %arg8[%dma_wait3A_243, %dma_wait3A_246, %dma_wait3A_247] : memref<8x128x16xf32, #tpu.memory_space<vmem>> -> memref<1x128x16xf32, #tpu.memory_space<vmem>>
    %dma_wait3A_249 = tpu.memref_squeeze %dma_wait3A_248 : memref<1x128x16xf32, #tpu.memory_space<vmem>> -> memref<128x16xf32, #tpu.memory_space<vmem>>
    %dma_wait3A_250 = arith.constant 0 : i32
    %dma_wait3A_251 = tpu.memref_slice %arg7[%dma_wait3A_244, %dma_wait3A_250] : memref<80x128xi32, #tpu.memory_space<vmem>> -> memref<1x128xi32, #tpu.memory_space<vmem>>
    %dma_wait3A_252 = tpu.memref_squeeze %dma_wait3A_251 : memref<1x128xi32, #tpu.memory_space<vmem>> -> memref<128xi32, #tpu.memory_space<vmem>>
    %dma_wait3A_253 = arith.constant 0 : i32
    %dma_wait3A_254 = arith.constant 0 : i32
    %dma_wait3A_255 = tpu.memref_slice %arg11[%dma_wait3A_253, %dma_wait3A_254] : memref<10112x16xf32, #tpu.memory_space<vmem_shared>> -> memref<10112x16xf32, #tpu.memory_space<vmem_shared>>
    %dma_wait3A_256 = tpu.memref_slice %arg13[%dma_wait3A_245] : memref<8x!tpu.dma_semaphore, #tpu.memory_space<semaphore_mem>> -> memref<1x!tpu.dma_semaphore, #tpu.memory_space<semaphore_mem>>
    %dma_wait3A_257 = tpu.memref_squeeze %dma_wait3A_256 : memref<1x!tpu.dma_semaphore, #tpu.memory_space<semaphore_mem>> -> memref<!tpu.dma_semaphore, #tpu.memory_space<semaphore_mem>>
    tpu.wait_indirect_dma semaphore(%dma_wait3A_257 : memref<!tpu.dma_semaphore, #tpu.memory_space<semaphore_mem>>) src(%dma_wait3A_249 : memref<128x16xf32, #tpu.memory_space<vmem>>) dst(%dma_wait3A_255 : memref<10112x16xf32, #tpu.memory_space<vmem_shared>>)
    %barrier3A_258 = arith.constant 0 : index
    tpu.barrier barrier_id(%barrier3A_258)
    %mul3A_259 = arith.constant 632 : i32
    %mul3A_260 = arith.muli %arg1, %mul3A_259 : i32
    %mul3A_261 = arith.constant 632 : i32
    %mul3A_262 = arith.muli %arg1, %mul3A_261 : i32
    "tpu.region"() ({
      %run_scoped3A = tpu.sem_alloc : memref<!tpu.dma_semaphore, #tpu.memory_space<semaphore_mem>>
      %dma_start3A_263 = arith.constant 0 : i32
      %dma_start3A_264 = tpu.memref_slice %arg5[%arg0, %mul3A_262, %dma_start3A_263] : memref<2x10112x16xf32, #tpu.memory_space<hbm>> -> memref<1x632x16xf32, #tpu.memory_space<hbm>>
      %dma_start3A_265 = tpu.memref_squeeze %dma_start3A_264 : memref<1x632x16xf32, #tpu.memory_space<hbm>> -> memref<632x16xf32, #tpu.memory_space<hbm>>
      %dma_start3A_266 = arith.constant 0 : i32
      %dma_start3A_267 = tpu.memref_slice %arg11[%mul3A_260, %dma_start3A_266] : memref<10112x16xf32, #tpu.memory_space<vmem_shared>> -> memref<632x16xf32, #tpu.memory_space<vmem_shared>>
      tpu.enqueue_dma source(%dma_start3A_267 : memref<632x16xf32, #tpu.memory_space<vmem_shared>>) target(%dma_start3A_265 : memref<632x16xf32, #tpu.memory_space<hbm>>) target_semaphore(%run_scoped3A : memref<!tpu.dma_semaphore, #tpu.memory_space<semaphore_mem>>)
      %dma_wait3A_268 = arith.constant 0 : i32
      %dma_wait3A_269 = tpu.memref_slice %arg5[%arg0, %mul3A_262, %dma_wait3A_268] : memref<2x10112x16xf32, #tpu.memory_space<hbm>> -> memref<1x632x16xf32, #tpu.memory_space<hbm>>
      %dma_wait3A_270 = tpu.memref_squeeze %dma_wait3A_269 : memref<1x632x16xf32, #tpu.memory_space<hbm>> -> memref<632x16xf32, #tpu.memory_space<hbm>>
      %dma_wait3A_271 = arith.constant 0 : i32
      %dma_wait3A_272 = tpu.memref_slice %arg11[%mul3A_260, %dma_wait3A_271] : memref<10112x16xf32, #tpu.memory_space<vmem_shared>> -> memref<632x16xf32, #tpu.memory_space<vmem_shared>>
      tpu.wait_dma2 semaphore(%run_scoped3A : memref<!tpu.dma_semaphore, #tpu.memory_space<semaphore_mem>>) src(%dma_wait3A_272 : memref<632x16xf32, #tpu.memory_space<vmem_shared>>) dst(%dma_wait3A_270 : memref<632x16xf32, #tpu.memory_space<hbm>>)
      tpu.yield
    }) : () -> ()
    return
  }
}

#map = affine_map<(d0, d1) -> (0, 0)>
#map1 = affine_map<(d0, d1) -> (0, 0, 0)>
module attributes {stable_mosaic.version = 14 : i64} {
  func.func @_sc_seg_sum_body(%arg0: i32, %arg1: i32, %arg2: memref<10112x16xf32, #tpu.memory_space<hbm>>, %arg3: memref<32x80x128xi32, #tpu.memory_space<hbm>>, %arg4: memref<32x80x128xi32, #tpu.memory_space<hbm>>, %arg5: memref<2x10112x16xf32, #tpu.memory_space<hbm>>, %arg6: memref<80x128xi32, #tpu.memory_space<vmem>>, %arg7: memref<80x128xi32, #tpu.memory_space<vmem>>, %arg8: memref<8x128x16xf32, #tpu.memory_space<vmem>>, %arg9: memref<632x16xf32, #tpu.memory_space<vmem>>, %arg10: memref<10112x16xf32, #tpu.memory_space<vmem_shared>>, %arg11: memref<10112x16xf32, #tpu.memory_space<vmem_shared>>, %arg12: memref<8x!tpu.dma_semaphore, #tpu.memory_space<semaphore_mem>>, %arg13: memref<8x!tpu.dma_semaphore, #tpu.memory_space<semaphore_mem>>) attributes {dimension_semantics = [#tpu.dimension_semantics<core_parallel>, #tpu.dimension_semantics<subcore_parallel>], iteration_bounds = array<i64: 2, 16>, scalar_prefetch = 0 : i64, scratch_operands = 8 : i64, tpu.core_type = #tpu.core_type<sc_vector_subcore>, window_params = [{transform_indices = #map}, {transform_indices = #map1}, {transform_indices = #map1}, {transform_indices = #map1}]} {
    %mul3A = arith.constant 2 : i32
    %mul3A_0 = arith.muli %arg1, %mul3A : i32
    %add3A = arith.addi %mul3A_0, %arg0 : i32
    %scan3A = arith.constant 0 : i32
    %scan3A_1 = arith.constant 0 : i32
    %scan3A_2 = arith.constant 632 : i32
    %scan3A_3 = arith.addi %scan3A_1, %scan3A_2 : i32
    %scan3A_4 = arith.constant 1 : i32
    %scan3A_5 = scf.for %scan3A_263 = %scan3A_1 to %scan3A_3 step %scan3A_4 iter_args(%scan3A_264 = %scan3A) -> (i32)  : i32 {
      %broadcast_in_dim3A = arith.constant 0.000000e+00 : f32
      %broadcast_in_dim3A_265 = vector.broadcast %broadcast_in_dim3A : f32 to vector<16xf32>
      %swap3A = arith.index_cast %scan3A_263 : i32 to index
      %swap3A_266 = arith.constant 0 : index
      %swap3A_267 = tpu.vector_load %arg9[%swap3A, %swap3A_266] {strides = array<i32>} : memref<632x16xf32, #tpu.memory_space<vmem>>, vector<1x16xf32>,
      %swap3A_268 = vector.shape_cast %swap3A_267 : vector<1x16xf32> to vector<16xf32>
      %swap3A_269 = vector.shape_cast %broadcast_in_dim3A_265 : vector<16xf32> to vector<1x16xf32>
      tpu.vector_store %arg9[%swap3A, %swap3A_266], %swap3A_269 {strides = array<i32>} : memref<632x16xf32, #tpu.memory_space<vmem>>, vector<1x16xf32>,
      %scan3A_270 = arith.constant 0 : i32
      scf.yield %scan3A_270 : i32
    }
    %scan3A_6 = arith.constant 632 : i32
    %mul3A_7 = arith.constant 632 : i32
    %mul3A_8 = arith.muli %arg1, %mul3A_7 : i32
    "tpu.region"() ({
      %run_scoped3A = tpu.sem_alloc : memref<!tpu.dma_semaphore, #tpu.memory_space<semaphore_mem>>
      %dma_start3A_263 = arith.constant 0 : i32
      %dma_start3A_264 = tpu.memref_slice %arg11[%mul3A_8, %dma_start3A_263] : memref<10112x16xf32, #tpu.memory_space<vmem_shared>> -> memref<632x16xf32, #tpu.memory_space<vmem_shared>>
      %dma_start3A_265 = arith.constant 0 : i32
      %dma_start3A_266 = tpu.memref_slice %arg11[%mul3A_8, %dma_start3A_265] : memref<10112x16xf32, #tpu.memory_space<vmem_shared>> -> memref<632x16xf32, #tpu.memory_space<vmem_shared>>
      tpu.enqueue_dma source(%arg9 : memref<632x16xf32, #tpu.memory_space<vmem>>) target(%dma_start3A_266 : memref<632x16xf32, #tpu.memory_space<vmem_shared>>) target_semaphore(%run_scoped3A : memref<!tpu.dma_semaphore, #tpu.memory_space<semaphore_mem>>)
      %dma_wait3A_267 = arith.constant 0 : i32
      %dma_wait3A_268 = tpu.memref_slice %arg11[%mul3A_8, %dma_wait3A_267] : memref<10112x16xf32, #tpu.memory_space<vmem_shared>> -> memref<632x16xf32, #tpu.memory_space<vmem_shared>>
      %dma_wait3A_269 = arith.constant 0 : i32
      %dma_wait3A_270 = tpu.memref_slice %arg11[%mul3A_8, %dma_wait3A_269] : memref<10112x16xf32, #tpu.memory_space<vmem_shared>> -> memref<632x16xf32, #tpu.memory_space<vmem_shared>>
      tpu.wait_dma2 semaphore(%run_scoped3A : memref<!tpu.dma_semaphore, #tpu.memory_space<semaphore_mem>>) src(%arg9 : memref<632x16xf32, #tpu.memory_space<vmem>>) dst(%dma_wait3A_270 : memref<632x16xf32, #tpu.memory_space<vmem_shared>>)
      tpu.yield
    }) : () -> ()
    "tpu.region"() ({
      %run_scoped3A = tpu.sem_alloc : memref<!tpu.dma_semaphore, #tpu.memory_space<semaphore_mem>>
      %dma_start3A_263 = arith.constant 0 : i32
      %dma_start3A_264 = arith.constant 0 : i32
      %dma_start3A_265 = tpu.memref_slice %arg3[%add3A, %dma_start3A_263, %dma_start3A_264] : memref<32x80x128xi32, #tpu.memory_space<hbm>> -> memref<1x80x128xi32, #tpu.memory_space<hbm>>
      %dma_start3A_266 = tpu.memref_squeeze %dma_start3A_265 : memref<1x80x128xi32, #tpu.memory_space<hbm>> -> memref<80x128xi32, #tpu.memory_space<hbm>>
      %dma_start3A_267 = arith.constant 0 : i32
      %dma_start3A_268 = arith.constant 0 : i32
      %dma_start3A_269 = tpu.memref_slice %arg3[%add3A, %dma_start3A_267, %dma_start3A_268] : memref<32x80x128xi32, #tpu.memory_space<hbm>> -> memref<1x80x128xi32, #tpu.memory_space<hbm>>
      %dma_start3A_270 = tpu.memref_squeeze %dma_start3A_269 : memref<1x80x128xi32, #tpu.memory_space<hbm>> -> memref<80x128xi32, #tpu.memory_space<hbm>>
      tpu.enqueue_dma source(%dma_start3A_270 : memref<80x128xi32, #tpu.memory_space<hbm>>) target(%arg6 : memref<80x128xi32, #tpu.memory_space<vmem>>) target_semaphore(%run_scoped3A : memref<!tpu.dma_semaphore, #tpu.memory_space<semaphore_mem>>)
      %dma_wait3A_271 = arith.constant 0 : i32
      %dma_wait3A_272 = arith.constant 0 : i32
      %dma_wait3A_273 = tpu.memref_slice %arg3[%add3A, %dma_wait3A_271, %dma_wait3A_272] : memref<32x80x128xi32, #tpu.memory_space<hbm>> -> memref<1x80x128xi32, #tpu.memory_space<hbm>>
      %dma_wait3A_274 = tpu.memref_squeeze %dma_wait3A_273 : memref<1x80x128xi32, #tpu.memory_space<hbm>> -> memref<80x128xi32, #tpu.memory_space<hbm>>
      %dma_wait3A_275 = arith.constant 0 : i32
      %dma_wait3A_276 = arith.constant 0 : i32
      %dma_wait3A_277 = tpu.memref_slice %arg3[%add3A, %dma_wait3A_275, %dma_wait3A_276] : memref<32x80x128xi32, #tpu.memory_space<hbm>> -> memref<1x80x128xi32, #tpu.memory_space<hbm>>
      %dma_wait3A_278 = tpu.memref_squeeze %dma_wait3A_277 : memref<1x80x128xi32, #tpu.memory_space<hbm>> -> memref<80x128xi32, #tpu.memory_space<hbm>>
      tpu.wait_dma2 semaphore(%run_scoped3A : memref<!tpu.dma_semaphore, #tpu.memory_space<semaphore_mem>>) src(%dma_wait3A_278 : memref<80x128xi32, #tpu.memory_space<hbm>>) dst(%arg6 : memref<80x128xi32, #tpu.memory_space<vmem>>)
      tpu.yield
    }) : () -> ()
    "tpu.region"() ({
      %run_scoped3A = tpu.sem_alloc : memref<!tpu.dma_semaphore, #tpu.memory_space<semaphore_mem>>
      %dma_start3A_263 = arith.constant 0 : i32
      %dma_start3A_264 = arith.constant 0 : i32
      %dma_start3A_265 = tpu.memref_slice %arg4[%add3A, %dma_start3A_263, %dma_start3A_264] : memref<32x80x128xi32, #tpu.memory_space<hbm>> -> memref<1x80x128xi32, #tpu.memory_space<hbm>>
      %dma_start3A_266 = tpu.memref_squeeze %dma_start3A_265 : memref<1x80x128xi32, #tpu.memory_space<hbm>> -> memref<80x128xi32, #tpu.memory_space<hbm>>
      %dma_start3A_267 = arith.constant 0 : i32
      %dma_start3A_268 = arith.constant 0 : i32
      %dma_start3A_269 = tpu.memref_slice %arg4[%add3A, %dma_start3A_267, %dma_start3A_268] : memref<32x80x128xi32, #tpu.memory_space<hbm>> -> memref<1x80x128xi32, #tpu.memory_space<hbm>>
      %dma_start3A_270 = tpu.memref_squeeze %dma_start3A_269 : memref<1x80x128xi32, #tpu.memory_space<hbm>> -> memref<80x128xi32, #tpu.memory_space<hbm>>
      tpu.enqueue_dma source(%dma_start3A_270 : memref<80x128xi32, #tpu.memory_space<hbm>>) target(%arg7 : memref<80x128xi32, #tpu.memory_space<vmem>>) target_semaphore(%run_scoped3A : memref<!tpu.dma_semaphore, #tpu.memory_space<semaphore_mem>>)
      %dma_wait3A_271 = arith.constant 0 : i32
      %dma_wait3A_272 = arith.constant 0 : i32
      %dma_wait3A_273 = tpu.memref_slice %arg4[%add3A, %dma_wait3A_271, %dma_wait3A_272] : memref<32x80x128xi32, #tpu.memory_space<hbm>> -> memref<1x80x128xi32, #tpu.memory_space<hbm>>
      %dma_wait3A_274 = tpu.memref_squeeze %dma_wait3A_273 : memref<1x80x128xi32, #tpu.memory_space<hbm>> -> memref<80x128xi32, #tpu.memory_space<hbm>>
      %dma_wait3A_275 = arith.constant 0 : i32
      %dma_wait3A_276 = arith.constant 0 : i32
      %dma_wait3A_277 = tpu.memref_slice %arg4[%add3A, %dma_wait3A_275, %dma_wait3A_276] : memref<32x80x128xi32, #tpu.memory_space<hbm>> -> memref<1x80x128xi32, #tpu.memory_space<hbm>>
      %dma_wait3A_278 = tpu.memref_squeeze %dma_wait3A_277 : memref<1x80x128xi32, #tpu.memory_space<hbm>> -> memref<80x128xi32, #tpu.memory_space<hbm>>
      tpu.wait_dma2 semaphore(%run_scoped3A : memref<!tpu.dma_semaphore, #tpu.memory_space<semaphore_mem>>) src(%dma_wait3A_278 : memref<80x128xi32, #tpu.memory_space<hbm>>) dst(%arg7 : memref<80x128xi32, #tpu.memory_space<vmem>>)
      tpu.yield
    }) : () -> ()
    %mul3A_9 = arith.constant 632 : i32
    %mul3A_10 = arith.muli %arg1, %mul3A_9 : i32
    %mul3A_11 = arith.constant 632 : i32
    %mul3A_12 = arith.muli %arg1, %mul3A_11 : i32
    "tpu.region"() ({
      %run_scoped3A = tpu.sem_alloc : memref<!tpu.dma_semaphore, #tpu.memory_space<semaphore_mem>>
      %dma_start3A_263 = arith.constant 0 : i32
      %dma_start3A_264 = tpu.memref_slice %arg10[%mul3A_12, %dma_start3A_263] : memref<10112x16xf32, #tpu.memory_space<vmem_shared>> -> memref<632x16xf32, #tpu.memory_space<vmem_shared>>
      %dma_start3A_265 = arith.constant 0 : i32
      %dma_start3A_266 = tpu.memref_slice %arg2[%mul3A_10, %dma_start3A_265] : memref<10112x16xf32, #tpu.memory_space<hbm>> -> memref<632x16xf32, #tpu.memory_space<hbm>>
      tpu.enqueue_dma source(%dma_start3A_266 : memref<632x16xf32, #tpu.memory_space<hbm>>) target(%dma_start3A_264 : memref<632x16xf32, #tpu.memory_space<vmem_shared>>) target_semaphore(%run_scoped3A : memref<!tpu.dma_semaphore, #tpu.memory_space<semaphore_mem>>)
      %dma_wait3A_267 = arith.constant 0 : i32
      %dma_wait3A_268 = tpu.memref_slice %arg10[%mul3A_12, %dma_wait3A_267] : memref<10112x16xf32, #tpu.memory_space<vmem_shared>> -> memref<632x16xf32, #tpu.memory_space<vmem_shared>>
      %dma_wait3A_269 = arith.constant 0 : i32
      %dma_wait3A_270 = tpu.memref_slice %arg2[%mul3A_10, %dma_wait3A_269] : memref<10112x16xf32, #tpu.memory_space<hbm>> -> memref<632x16xf32, #tpu.memory_space<hbm>>
      tpu.wait_dma2 semaphore(%run_scoped3A : memref<!tpu.dma_semaphore, #tpu.memory_space<semaphore_mem>>) src(%dma_wait3A_270 : memref<632x16xf32, #tpu.memory_space<hbm>>) dst(%dma_wait3A_268 : memref<632x16xf32, #tpu.memory_space<vmem_shared>>)
      tpu.yield
    }) : () -> ()
    %barrier3A = arith.constant 0 : index
    tpu.barrier barrier_id(%barrier3A)
    %dma_start3A = arith.constant 0 : i32
    %dma_start3A_13 = arith.constant 0 : i32
    %dma_start3A_14 = arith.constant 0 : i32
    %dma_start3A_15 = arith.constant 0 : i32
    %dma_start3A_16 = arith.constant 0 : i32
    %dma_start3A_17 = tpu.memref_slice %arg8[%dma_start3A_13, %dma_start3A_15, %dma_start3A_16] : memref<8x128x16xf32, #tpu.memory_space<vmem>> -> memref<1x128x16xf32, #tpu.memory_space<vmem>>
    %dma_start3A_18 = tpu.memref_squeeze %dma_start3A_17 : memref<1x128x16xf32, #tpu.memory_space<vmem>> -> memref<128x16xf32, #tpu.memory_space<vmem>>
    %dma_start3A_19 = arith.constant 0 : i32
    %dma_start3A_20 = tpu.memref_slice %arg6[%dma_start3A, %dma_start3A_19] : memref<80x128xi32, #tpu.memory_space<vmem>> -> memref<1x128xi32, #tpu.memory_space<vmem>>
    %dma_start3A_21 = tpu.memref_squeeze %dma_start3A_20 : memref<1x128xi32, #tpu.memory_space<vmem>> -> memref<128xi32, #tpu.memory_space<vmem>>
    %dma_start3A_22 = arith.constant 0 : i32
    %dma_start3A_23 = arith.constant 0 : i32
    %dma_start3A_24 = tpu.memref_slice %arg10[%dma_start3A_22, %dma_start3A_23] : memref<10112x16xf32, #tpu.memory_space<vmem_shared>> -> memref<10112x16xf32, #tpu.memory_space<vmem_shared>>
    %dma_start3A_25 = tpu.memref_slice %arg12[%dma_start3A_14] : memref<8x!tpu.dma_semaphore, #tpu.memory_space<semaphore_mem>> -> memref<1x!tpu.dma_semaphore, #tpu.memory_space<semaphore_mem>>
    %dma_start3A_26 = tpu.memref_squeeze %dma_start3A_25 : memref<1x!tpu.dma_semaphore, #tpu.memory_space<semaphore_mem>> -> memref<!tpu.dma_semaphore, #tpu.memory_space<semaphore_mem>>
    tpu.enqueue_indirect_dma source(%dma_start3A_24 : memref<10112x16xf32, #tpu.memory_space<vmem_shared>>) target(%dma_start3A_18 : memref<128x16xf32, #tpu.memory_space<vmem>>) offsets(%dma_start3A_21 : memref<128xi32, #tpu.memory_space<vmem>>) semaphore(%dma_start3A_26 : memref<!tpu.dma_semaphore, #tpu.memory_space<semaphore_mem>>)
    %dma_start3A_27 = arith.constant 1 : i32
    %dma_start3A_28 = arith.constant 1 : i32
    %dma_start3A_29 = arith.constant 1 : i32
    %dma_start3A_30 = arith.constant 0 : i32
    %dma_start3A_31 = arith.constant 0 : i32
    %dma_start3A_32 = tpu.memref_slice %arg8[%dma_start3A_28, %dma_start3A_30, %dma_start3A_31] : memref<8x128x16xf32, #tpu.memory_space<vmem>> -> memref<1x128x16xf32, #tpu.memory_space<vmem>>
    %dma_start3A_33 = tpu.memref_squeeze %dma_start3A_32 : memref<1x128x16xf32, #tpu.memory_space<vmem>> -> memref<128x16xf32, #tpu.memory_space<vmem>>
    %dma_start3A_34 = arith.constant 0 : i32
    %dma_start3A_35 = tpu.memref_slice %arg6[%dma_start3A_27, %dma_start3A_34] : memref<80x128xi32, #tpu.memory_space<vmem>> -> memref<1x128xi32, #tpu.memory_space<vmem>>
    %dma_start3A_36 = tpu.memref_squeeze %dma_start3A_35 : memref<1x128xi32, #tpu.memory_space<vmem>> -> memref<128xi32, #tpu.memory_space<vmem>>
    %dma_start3A_37 = arith.constant 0 : i32
    %dma_start3A_38 = arith.constant 0 : i32
    %dma_start3A_39 = tpu.memref_slice %arg10[%dma_start3A_37, %dma_start3A_38] : memref<10112x16xf32, #tpu.memory_space<vmem_shared>> -> memref<10112x16xf32, #tpu.memory_space<vmem_shared>>
    %dma_start3A_40 = tpu.memref_slice %arg12[%dma_start3A_29] : memref<8x!tpu.dma_semaphore, #tpu.memory_space<semaphore_mem>> -> memref<1x!tpu.dma_semaphore, #tpu.memory_space<semaphore_mem>>
    %dma_start3A_41 = tpu.memref_squeeze %dma_start3A_40 : memref<1x!tpu.dma_semaphore, #tpu.memory_space<semaphore_mem>> -> memref<!tpu.dma_semaphore, #tpu.memory_space<semaphore_mem>>
    tpu.enqueue_indirect_dma source(%dma_start3A_39 : memref<10112x16xf32, #tpu.memory_space<vmem_shared>>) target(%dma_start3A_33 : memref<128x16xf32, #tpu.memory_space<vmem>>) offsets(%dma_start3A_36 : memref<128xi32, #tpu.memory_space<vmem>>) semaphore(%dma_start3A_41 : memref<!tpu.dma_semaphore, #tpu.memory_space<semaphore_mem>>)
    %dma_start3A_42 = arith.constant 2 : i32
    %dma_start3A_43 = arith.constant 2 : i32
    %dma_start3A_44 = arith.constant 2 : i32
    %dma_start3A_45 = arith.constant 0 : i32
    %dma_start3A_46 = arith.constant 0 : i32
    %dma_start3A_47 = tpu.memref_slice %arg8[%dma_start3A_43, %dma_start3A_45, %dma_start3A_46] : memref<8x128x16xf32, #tpu.memory_space<vmem>> -> memref<1x128x16xf32, #tpu.memory_space<vmem>>
    %dma_start3A_48 = tpu.memref_squeeze %dma_start3A_47 : memref<1x128x16xf32, #tpu.memory_space<vmem>> -> memref<128x16xf32, #tpu.memory_space<vmem>>
    %dma_start3A_49 = arith.constant 0 : i32
    %dma_start3A_50 = tpu.memref_slice %arg6[%dma_start3A_42, %dma_start3A_49] : memref<80x128xi32, #tpu.memory_space<vmem>> -> memref<1x128xi32, #tpu.memory_space<vmem>>
    %dma_start3A_51 = tpu.memref_squeeze %dma_start3A_50 : memref<1x128xi32, #tpu.memory_space<vmem>> -> memref<128xi32, #tpu.memory_space<vmem>>
    %dma_start3A_52 = arith.constant 0 : i32
    %dma_start3A_53 = arith.constant 0 : i32
    %dma_start3A_54 = tpu.memref_slice %arg10[%dma_start3A_52, %dma_start3A_53] : memref<10112x16xf32, #tpu.memory_space<vmem_shared>> -> memref<10112x16xf32, #tpu.memory_space<vmem_shared>>
    %dma_start3A_55 = tpu.memref_slice %arg12[%dma_start3A_44] : memref<8x!tpu.dma_semaphore, #tpu.memory_space<semaphore_mem>> -> memref<1x!tpu.dma_semaphore, #tpu.memory_space<semaphore_mem>>
    %dma_start3A_56 = tpu.memref_squeeze %dma_start3A_55 : memref<1x!tpu.dma_semaphore, #tpu.memory_space<semaphore_mem>> -> memref<!tpu.dma_semaphore, #tpu.memory_space<semaphore_mem>>
    tpu.enqueue_indirect_dma source(%dma_start3A_54 : memref<10112x16xf32, #tpu.memory_space<vmem_shared>>) target(%dma_start3A_48 : memref<128x16xf32, #tpu.memory_space<vmem>>) offsets(%dma_start3A_51 : memref<128xi32, #tpu.memory_space<vmem>>) semaphore(%dma_start3A_56 : memref<!tpu.dma_semaphore, #tpu.memory_space<semaphore_mem>>)
    %dma_start3A_57 = arith.constant 3 : i32
    %dma_start3A_58 = arith.constant 3 : i32
    %dma_start3A_59 = arith.constant 3 : i32
    %dma_start3A_60 = arith.constant 0 : i32
    %dma_start3A_61 = arith.constant 0 : i32
    %dma_start3A_62 = tpu.memref_slice %arg8[%dma_start3A_58, %dma_start3A_60, %dma_start3A_61] : memref<8x128x16xf32, #tpu.memory_space<vmem>> -> memref<1x128x16xf32, #tpu.memory_space<vmem>>
    %dma_start3A_63 = tpu.memref_squeeze %dma_start3A_62 : memref<1x128x16xf32, #tpu.memory_space<vmem>> -> memref<128x16xf32, #tpu.memory_space<vmem>>
    %dma_start3A_64 = arith.constant 0 : i32
    %dma_start3A_65 = tpu.memref_slice %arg6[%dma_start3A_57, %dma_start3A_64] : memref<80x128xi32, #tpu.memory_space<vmem>> -> memref<1x128xi32, #tpu.memory_space<vmem>>
    %dma_start3A_66 = tpu.memref_squeeze %dma_start3A_65 : memref<1x128xi32, #tpu.memory_space<vmem>> -> memref<128xi32, #tpu.memory_space<vmem>>
    %dma_start3A_67 = arith.constant 0 : i32
    %dma_start3A_68 = arith.constant 0 : i32
    %dma_start3A_69 = tpu.memref_slice %arg10[%dma_start3A_67, %dma_start3A_68] : memref<10112x16xf32, #tpu.memory_space<vmem_shared>> -> memref<10112x16xf32, #tpu.memory_space<vmem_shared>>
    %dma_start3A_70 = tpu.memref_slice %arg12[%dma_start3A_59] : memref<8x!tpu.dma_semaphore, #tpu.memory_space<semaphore_mem>> -> memref<1x!tpu.dma_semaphore, #tpu.memory_space<semaphore_mem>>
    %dma_start3A_71 = tpu.memref_squeeze %dma_start3A_70 : memref<1x!tpu.dma_semaphore, #tpu.memory_space<semaphore_mem>> -> memref<!tpu.dma_semaphore, #tpu.memory_space<semaphore_mem>>
    tpu.enqueue_indirect_dma source(%dma_start3A_69 : memref<10112x16xf32, #tpu.memory_space<vmem_shared>>) target(%dma_start3A_63 : memref<128x16xf32, #tpu.memory_space<vmem>>) offsets(%dma_start3A_66 : memref<128xi32, #tpu.memory_space<vmem>>) semaphore(%dma_start3A_71 : memref<!tpu.dma_semaphore, #tpu.memory_space<semaphore_mem>>)
    %dma_start3A_72 = arith.constant 4 : i32
    %dma_start3A_73 = arith.constant 4 : i32
    %dma_start3A_74 = arith.constant 4 : i32
    %dma_start3A_75 = arith.constant 0 : i32
    %dma_start3A_76 = arith.constant 0 : i32
    %dma_start3A_77 = tpu.memref_slice %arg8[%dma_start3A_73, %dma_start3A_75, %dma_start3A_76] : memref<8x128x16xf32, #tpu.memory_space<vmem>> -> memref<1x128x16xf32, #tpu.memory_space<vmem>>
    %dma_start3A_78 = tpu.memref_squeeze %dma_start3A_77 : memref<1x128x16xf32, #tpu.memory_space<vmem>> -> memref<128x16xf32, #tpu.memory_space<vmem>>
    %dma_start3A_79 = arith.constant 0 : i32
    %dma_start3A_80 = tpu.memref_slice %arg6[%dma_start3A_72, %dma_start3A_79] : memref<80x128xi32, #tpu.memory_space<vmem>> -> memref<1x128xi32, #tpu.memory_space<vmem>>
    %dma_start3A_81 = tpu.memref_squeeze %dma_start3A_80 : memref<1x128xi32, #tpu.memory_space<vmem>> -> memref<128xi32, #tpu.memory_space<vmem>>
    %dma_start3A_82 = arith.constant 0 : i32
    %dma_start3A_83 = arith.constant 0 : i32
    %dma_start3A_84 = tpu.memref_slice %arg10[%dma_start3A_82, %dma_start3A_83] : memref<10112x16xf32, #tpu.memory_space<vmem_shared>> -> memref<10112x16xf32, #tpu.memory_space<vmem_shared>>
    %dma_start3A_85 = tpu.memref_slice %arg12[%dma_start3A_74] : memref<8x!tpu.dma_semaphore, #tpu.memory_space<semaphore_mem>> -> memref<1x!tpu.dma_semaphore, #tpu.memory_space<semaphore_mem>>
    %dma_start3A_86 = tpu.memref_squeeze %dma_start3A_85 : memref<1x!tpu.dma_semaphore, #tpu.memory_space<semaphore_mem>> -> memref<!tpu.dma_semaphore, #tpu.memory_space<semaphore_mem>>
    tpu.enqueue_indirect_dma source(%dma_start3A_84 : memref<10112x16xf32, #tpu.memory_space<vmem_shared>>) target(%dma_start3A_78 : memref<128x16xf32, #tpu.memory_space<vmem>>) offsets(%dma_start3A_81 : memref<128xi32, #tpu.memory_space<vmem>>) semaphore(%dma_start3A_86 : memref<!tpu.dma_semaphore, #tpu.memory_space<semaphore_mem>>)
    %dma_start3A_87 = arith.constant 5 : i32
    %dma_start3A_88 = arith.constant 5 : i32
    %dma_start3A_89 = arith.constant 5 : i32
    %dma_start3A_90 = arith.constant 0 : i32
    %dma_start3A_91 = arith.constant 0 : i32
    %dma_start3A_92 = tpu.memref_slice %arg8[%dma_start3A_88, %dma_start3A_90, %dma_start3A_91] : memref<8x128x16xf32, #tpu.memory_space<vmem>> -> memref<1x128x16xf32, #tpu.memory_space<vmem>>
    %dma_start3A_93 = tpu.memref_squeeze %dma_start3A_92 : memref<1x128x16xf32, #tpu.memory_space<vmem>> -> memref<128x16xf32, #tpu.memory_space<vmem>>
    %dma_start3A_94 = arith.constant 0 : i32
    %dma_start3A_95 = tpu.memref_slice %arg6[%dma_start3A_87, %dma_start3A_94] : memref<80x128xi32, #tpu.memory_space<vmem>> -> memref<1x128xi32, #tpu.memory_space<vmem>>
    %dma_start3A_96 = tpu.memref_squeeze %dma_start3A_95 : memref<1x128xi32, #tpu.memory_space<vmem>> -> memref<128xi32, #tpu.memory_space<vmem>>
    %dma_start3A_97 = arith.constant 0 : i32
    %dma_start3A_98 = arith.constant 0 : i32
    %dma_start3A_99 = tpu.memref_slice %arg10[%dma_start3A_97, %dma_start3A_98] : memref<10112x16xf32, #tpu.memory_space<vmem_shared>> -> memref<10112x16xf32, #tpu.memory_space<vmem_shared>>
    %dma_start3A_100 = tpu.memref_slice %arg12[%dma_start3A_89] : memref<8x!tpu.dma_semaphore, #tpu.memory_space<semaphore_mem>> -> memref<1x!tpu.dma_semaphore, #tpu.memory_space<semaphore_mem>>
    %dma_start3A_101 = tpu.memref_squeeze %dma_start3A_100 : memref<1x!tpu.dma_semaphore, #tpu.memory_space<semaphore_mem>> -> memref<!tpu.dma_semaphore, #tpu.memory_space<semaphore_mem>>
    tpu.enqueue_indirect_dma source(%dma_start3A_99 : memref<10112x16xf32, #tpu.memory_space<vmem_shared>>) target(%dma_start3A_93 : memref<128x16xf32, #tpu.memory_space<vmem>>) offsets(%dma_start3A_96 : memref<128xi32, #tpu.memory_space<vmem>>) semaphore(%dma_start3A_101 : memref<!tpu.dma_semaphore, #tpu.memory_space<semaphore_mem>>)
    %dma_start3A_102 = arith.constant 6 : i32
    %dma_start3A_103 = arith.constant 6 : i32
    %dma_start3A_104 = arith.constant 6 : i32
    %dma_start3A_105 = arith.constant 0 : i32
    %dma_start3A_106 = arith.constant 0 : i32
    %dma_start3A_107 = tpu.memref_slice %arg8[%dma_start3A_103, %dma_start3A_105, %dma_start3A_106] : memref<8x128x16xf32, #tpu.memory_space<vmem>> -> memref<1x128x16xf32, #tpu.memory_space<vmem>>
    %dma_start3A_108 = tpu.memref_squeeze %dma_start3A_107 : memref<1x128x16xf32, #tpu.memory_space<vmem>> -> memref<128x16xf32, #tpu.memory_space<vmem>>
    %dma_start3A_109 = arith.constant 0 : i32
    %dma_start3A_110 = tpu.memref_slice %arg6[%dma_start3A_102, %dma_start3A_109] : memref<80x128xi32, #tpu.memory_space<vmem>> -> memref<1x128xi32, #tpu.memory_space<vmem>>
    %dma_start3A_111 = tpu.memref_squeeze %dma_start3A_110 : memref<1x128xi32, #tpu.memory_space<vmem>> -> memref<128xi32, #tpu.memory_space<vmem>>
    %dma_start3A_112 = arith.constant 0 : i32
    %dma_start3A_113 = arith.constant 0 : i32
    %dma_start3A_114 = tpu.memref_slice %arg10[%dma_start3A_112, %dma_start3A_113] : memref<10112x16xf32, #tpu.memory_space<vmem_shared>> -> memref<10112x16xf32, #tpu.memory_space<vmem_shared>>
    %dma_start3A_115 = tpu.memref_slice %arg12[%dma_start3A_104] : memref<8x!tpu.dma_semaphore, #tpu.memory_space<semaphore_mem>> -> memref<1x!tpu.dma_semaphore, #tpu.memory_space<semaphore_mem>>
    %dma_start3A_116 = tpu.memref_squeeze %dma_start3A_115 : memref<1x!tpu.dma_semaphore, #tpu.memory_space<semaphore_mem>> -> memref<!tpu.dma_semaphore, #tpu.memory_space<semaphore_mem>>
    tpu.enqueue_indirect_dma source(%dma_start3A_114 : memref<10112x16xf32, #tpu.memory_space<vmem_shared>>) target(%dma_start3A_108 : memref<128x16xf32, #tpu.memory_space<vmem>>) offsets(%dma_start3A_111 : memref<128xi32, #tpu.memory_space<vmem>>) semaphore(%dma_start3A_116 : memref<!tpu.dma_semaphore, #tpu.memory_space<semaphore_mem>>)
    %dma_start3A_117 = arith.constant 7 : i32
    %dma_start3A_118 = arith.constant 7 : i32
    %dma_start3A_119 = arith.constant 7 : i32
    %dma_start3A_120 = arith.constant 0 : i32
    %dma_start3A_121 = arith.constant 0 : i32
    %dma_start3A_122 = tpu.memref_slice %arg8[%dma_start3A_118, %dma_start3A_120, %dma_start3A_121] : memref<8x128x16xf32, #tpu.memory_space<vmem>> -> memref<1x128x16xf32, #tpu.memory_space<vmem>>
    %dma_start3A_123 = tpu.memref_squeeze %dma_start3A_122 : memref<1x128x16xf32, #tpu.memory_space<vmem>> -> memref<128x16xf32, #tpu.memory_space<vmem>>
    %dma_start3A_124 = arith.constant 0 : i32
    %dma_start3A_125 = tpu.memref_slice %arg6[%dma_start3A_117, %dma_start3A_124] : memref<80x128xi32, #tpu.memory_space<vmem>> -> memref<1x128xi32, #tpu.memory_space<vmem>>
    %dma_start3A_126 = tpu.memref_squeeze %dma_start3A_125 : memref<1x128xi32, #tpu.memory_space<vmem>> -> memref<128xi32, #tpu.memory_space<vmem>>
    %dma_start3A_127 = arith.constant 0 : i32
    %dma_start3A_128 = arith.constant 0 : i32
    %dma_start3A_129 = tpu.memref_slice %arg10[%dma_start3A_127, %dma_start3A_128] : memref<10112x16xf32, #tpu.memory_space<vmem_shared>> -> memref<10112x16xf32, #tpu.memory_space<vmem_shared>>
    %dma_start3A_130 = tpu.memref_slice %arg12[%dma_start3A_119] : memref<8x!tpu.dma_semaphore, #tpu.memory_space<semaphore_mem>> -> memref<1x!tpu.dma_semaphore, #tpu.memory_space<semaphore_mem>>
    %dma_start3A_131 = tpu.memref_squeeze %dma_start3A_130 : memref<1x!tpu.dma_semaphore, #tpu.memory_space<semaphore_mem>> -> memref<!tpu.dma_semaphore, #tpu.memory_space<semaphore_mem>>
    tpu.enqueue_indirect_dma source(%dma_start3A_129 : memref<10112x16xf32, #tpu.memory_space<vmem_shared>>) target(%dma_start3A_123 : memref<128x16xf32, #tpu.memory_space<vmem>>) offsets(%dma_start3A_126 : memref<128xi32, #tpu.memory_space<vmem>>) semaphore(%dma_start3A_131 : memref<!tpu.dma_semaphore, #tpu.memory_space<semaphore_mem>>)
    %scan3A_132 = arith.constant 0 : i32
    %scan3A_133 = arith.constant 0 : i32
    %scan3A_134 = arith.constant 10 : i32
    %scan3A_135 = arith.addi %scan3A_133, %scan3A_134 : i32
    %scan3A_136 = arith.constant 1 : i32
    %scan3A_137 = scf.for %scan3A_263 = %scan3A_133 to %scan3A_135 step %scan3A_136 iter_args(%scan3A_264 = %scan3A_132) -> (i32)  : i32 {
      %mul3A_265 = arith.constant 8 : i32
      %mul3A_266 = arith.muli %scan3A_263, %mul3A_265 : i32
      %add3A_267 = arith.constant 0 : i32
      %add3A_268 = arith.addi %mul3A_266, %add3A_267 : i32
      %dma_wait3A_269 = arith.constant 0 : i32
      %dma_wait3A_270 = arith.constant 0 : i32
      %dma_wait3A_271 = arith.constant 0 : i32
      %dma_wait3A_272 = arith.constant 0 : i32
      %dma_wait3A_273 = tpu.memref_slice %arg8[%dma_wait3A_269, %dma_wait3A_271, %dma_wait3A_272] : memref<8x128x16xf32, #tpu.memory_space<vmem>> -> memref<1x128x16xf32, #tpu.memory_space<vmem>>
      %dma_wait3A_274 = tpu.memref_squeeze %dma_wait3A_273 : memref<1x128x16xf32, #tpu.memory_space<vmem>> -> memref<128x16xf32, #tpu.memory_space<vmem>>
      %dma_wait3A_275 = arith.constant 0 : i32
      %dma_wait3A_276 = tpu.memref_slice %arg6[%add3A_268, %dma_wait3A_275] : memref<80x128xi32, #tpu.memory_space<vmem>> -> memref<1x128xi32, #tpu.memory_space<vmem>>
      %dma_wait3A_277 = tpu.memref_squeeze %dma_wait3A_276 : memref<1x128xi32, #tpu.memory_space<vmem>> -> memref<128xi32, #tpu.memory_space<vmem>>
      %dma_wait3A_278 = arith.constant 0 : i32
      %dma_wait3A_279 = arith.constant 0 : i32
      %dma_wait3A_280 = tpu.memref_slice %arg10[%dma_wait3A_278, %dma_wait3A_279] : memref<10112x16xf32, #tpu.memory_space<vmem_shared>> -> memref<10112x16xf32, #tpu.memory_space<vmem_shared>>
      %dma_wait3A_281 = tpu.memref_slice %arg12[%dma_wait3A_270] : memref<8x!tpu.dma_semaphore, #tpu.memory_space<semaphore_mem>> -> memref<1x!tpu.dma_semaphore, #tpu.memory_space<semaphore_mem>>
      %dma_wait3A_282 = tpu.memref_squeeze %dma_wait3A_281 : memref<1x!tpu.dma_semaphore, #tpu.memory_space<semaphore_mem>> -> memref<!tpu.dma_semaphore, #tpu.memory_space<semaphore_mem>>
      tpu.wait_indirect_dma semaphore(%dma_wait3A_282 : memref<!tpu.dma_semaphore, #tpu.memory_space<semaphore_mem>>) src(%dma_wait3A_280 : memref<10112x16xf32, #tpu.memory_space<vmem_shared>>) dst(%dma_wait3A_274 : memref<128x16xf32, #tpu.memory_space<vmem>>)
      %dma_start3A_283 = arith.constant 0 : i32
      %dma_start3A_284 = arith.constant 0 : i32
      %dma_start3A_285 = arith.constant 0 : i32
      %dma_start3A_286 = arith.constant 0 : i32
      %dma_start3A_287 = tpu.memref_slice %arg8[%dma_start3A_283, %dma_start3A_285, %dma_start3A_286] : memref<8x128x16xf32, #tpu.memory_space<vmem>> -> memref<1x128x16xf32, #tpu.memory_space<vmem>>
      %dma_start3A_288 = tpu.memref_squeeze %dma_start3A_287 : memref<1x128x16xf32, #tpu.memory_space<vmem>> -> memref<128x16xf32, #tpu.memory_space<vmem>>
      %dma_start3A_289 = arith.constant 0 : i32
      %dma_start3A_290 = tpu.memref_slice %arg7[%add3A_268, %dma_start3A_289] : memref<80x128xi32, #tpu.memory_space<vmem>> -> memref<1x128xi32, #tpu.memory_space<vmem>>
      %dma_start3A_291 = tpu.memref_squeeze %dma_start3A_290 : memref<1x128xi32, #tpu.memory_space<vmem>> -> memref<128xi32, #tpu.memory_space<vmem>>
      %dma_start3A_292 = arith.constant 0 : i32
      %dma_start3A_293 = arith.constant 0 : i32
      %dma_start3A_294 = tpu.memref_slice %arg11[%dma_start3A_292, %dma_start3A_293] : memref<10112x16xf32, #tpu.memory_space<vmem_shared>> -> memref<10112x16xf32, #tpu.memory_space<vmem_shared>>
      %dma_start3A_295 = tpu.memref_slice %arg13[%dma_start3A_284] : memref<8x!tpu.dma_semaphore, #tpu.memory_space<semaphore_mem>> -> memref<1x!tpu.dma_semaphore, #tpu.memory_space<semaphore_mem>>
      %dma_start3A_296 = tpu.memref_squeeze %dma_start3A_295 : memref<1x!tpu.dma_semaphore, #tpu.memory_space<semaphore_mem>> -> memref<!tpu.dma_semaphore, #tpu.memory_space<semaphore_mem>>
      tpu.enqueue_indirect_dma source(%dma_start3A_288 : memref<128x16xf32, #tpu.memory_space<vmem>>) target(%dma_start3A_294 : memref<10112x16xf32, #tpu.memory_space<vmem_shared>>) offsets(%dma_start3A_291 : memref<128xi32, #tpu.memory_space<vmem>>) semaphore(%dma_start3A_296 : memref<!tpu.dma_semaphore, #tpu.memory_space<semaphore_mem>>) {add = true}
      %add3A_297 = arith.constant 4 : i32
      %add3A_298 = arith.addi %mul3A_266, %add3A_297 : i32
      %add3A_299 = arith.constant 0 : i32
      %add3A_300 = arith.addi %add3A_298, %add3A_299 : i32
      %ge3A = arith.constant 8 : i32
      %ge3A_301 = arith.cmpi sge, %add3A_300, %ge3A : i32
      %lt3A = arith.constant 80 : i32
      %lt3A_302 = arith.cmpi slt, %add3A_300, %lt3A : i32
      %and3A = arith.andi %ge3A_301, %lt3A_302 : i1
      %convert_element_type3A = arith.extui %and3A : i1 to i32
      %cond3A = arith.constant 0 : i32
      %cond3A_303 = arith.cmpi ne, %convert_element_type3A, %cond3A : i32
      scf.if %cond3A_303 {
        %sub3A = arith.constant 8 : i32
        %sub3A_599 = arith.subi %add3A_300, %sub3A : i32
        %dma_wait3A_600 = arith.constant 4 : i32
        %dma_wait3A_601 = arith.constant 4 : i32
        %dma_wait3A_602 = arith.constant 0 : i32
        %dma_wait3A_603 = arith.constant 0 : i32
        %dma_wait3A_604 = tpu.memref_slice %arg8[%dma_wait3A_600, %dma_wait3A_602, %dma_wait3A_603] : memref<8x128x16xf32, #tpu.memory_space<vmem>> -> memref<1x128x16xf32, #tpu.memory_space<vmem>>
        %dma_wait3A_605 = tpu.memref_squeeze %dma_wait3A_604 : memref<1x128x16xf32, #tpu.memory_space<vmem>> -> memref<128x16xf32, #tpu.memory_space<vmem>>
        %dma_wait3A_606 = arith.constant 0 : i32
        %dma_wait3A_607 = tpu.memref_slice %arg7[%sub3A_599, %dma_wait3A_606] : memref<80x128xi32, #tpu.memory_space<vmem>> -> memref<1x128xi32, #tpu.memory_space<vmem>>
        %dma_wait3A_608 = tpu.memref_squeeze %dma_wait3A_607 : memref<1x128xi32, #tpu.memory_space<vmem>> -> memref<128xi32, #tpu.memory_space<vmem>>
        %dma_wait3A_609 = arith.constant 0 : i32
        %dma_wait3A_610 = arith.constant 0 : i32
        %dma_wait3A_611 = tpu.memref_slice %arg11[%dma_wait3A_609, %dma_wait3A_610] : memref<10112x16xf32, #tpu.memory_space<vmem_shared>> -> memref<10112x16xf32, #tpu.memory_space<vmem_shared>>
        %dma_wait3A_612 = tpu.memref_slice %arg13[%dma_wait3A_601] : memref<8x!tpu.dma_semaphore, #tpu.memory_space<semaphore_mem>> -> memref<1x!tpu.dma_semaphore, #tpu.memory_space<semaphore_mem>>
        %dma_wait3A_613 = tpu.memref_squeeze %dma_wait3A_612 : memref<1x!tpu.dma_semaphore, #tpu.memory_space<semaphore_mem>> -> memref<!tpu.dma_semaphore, #tpu.memory_space<semaphore_mem>>
        tpu.wait_indirect_dma semaphore(%dma_wait3A_613 : memref<!tpu.dma_semaphore, #tpu.memory_space<semaphore_mem>>) src(%dma_wait3A_605 : memref<128x16xf32, #tpu.memory_space<vmem>>) dst(%dma_wait3A_611 : memref<10112x16xf32, #tpu.memory_space<vmem_shared>>)
        %dma_start3A_614 = arith.constant 4 : i32
        %dma_start3A_615 = arith.constant 4 : i32
        %dma_start3A_616 = arith.constant 0 : i32
        %dma_start3A_617 = arith.constant 0 : i32
        %dma_start3A_618 = tpu.memref_slice %arg8[%dma_start3A_614, %dma_start3A_616, %dma_start3A_617] : memref<8x128x16xf32, #tpu.memory_space<vmem>> -> memref<1x128x16xf32, #tpu.memory_space<vmem>>
        %dma_start3A_619 = tpu.memref_squeeze %dma_start3A_618 : memref<1x128x16xf32, #tpu.memory_space<vmem>> -> memref<128x16xf32, #tpu.memory_space<vmem>>
        %dma_start3A_620 = arith.constant 0 : i32
        %dma_start3A_621 = tpu.memref_slice %arg6[%add3A_300, %dma_start3A_620] : memref<80x128xi32, #tpu.memory_space<vmem>> -> memref<1x128xi32, #tpu.memory_space<vmem>>
        %dma_start3A_622 = tpu.memref_squeeze %dma_start3A_621 : memref<1x128xi32, #tpu.memory_space<vmem>> -> memref<128xi32, #tpu.memory_space<vmem>>
        %dma_start3A_623 = arith.constant 0 : i32
        %dma_start3A_624 = arith.constant 0 : i32
        %dma_start3A_625 = tpu.memref_slice %arg10[%dma_start3A_623, %dma_start3A_624] : memref<10112x16xf32, #tpu.memory_space<vmem_shared>> -> memref<10112x16xf32, #tpu.memory_space<vmem_shared>>
        %dma_start3A_626 = tpu.memref_slice %arg12[%dma_start3A_615] : memref<8x!tpu.dma_semaphore, #tpu.memory_space<semaphore_mem>> -> memref<1x!tpu.dma_semaphore, #tpu.memory_space<semaphore_mem>>
        %dma_start3A_627 = tpu.memref_squeeze %dma_start3A_626 : memref<1x!tpu.dma_semaphore, #tpu.memory_space<semaphore_mem>> -> memref<!tpu.dma_semaphore, #tpu.memory_space<semaphore_mem>>
        tpu.enqueue_indirect_dma source(%dma_start3A_625 : memref<10112x16xf32, #tpu.memory_space<vmem_shared>>) target(%dma_start3A_619 : memref<128x16xf32, #tpu.memory_space<vmem>>) offsets(%dma_start3A_622 : memref<128xi32, #tpu.memory_space<vmem>>) semaphore(%dma_start3A_627 : memref<!tpu.dma_semaphore, #tpu.memory_space<semaphore_mem>>)
      } else {
      }
      %add3A_304 = arith.constant 1 : i32
      %add3A_305 = arith.addi %mul3A_266, %add3A_304 : i32
      %dma_wait3A_306 = arith.constant 1 : i32
      %dma_wait3A_307 = arith.constant 1 : i32
      %dma_wait3A_308 = arith.constant 0 : i32
      %dma_wait3A_309 = arith.constant 0 : i32
      %dma_wait3A_310 = tpu.memref_slice %arg8[%dma_wait3A_306, %dma_wait3A_308, %dma_wait3A_309] : memref<8x128x16xf32, #tpu.memory_space<vmem>> -> memref<1x128x16xf32, #tpu.memory_space<vmem>>
      %dma_wait3A_311 = tpu.memref_squeeze %dma_wait3A_310 : memref<1x128x16xf32, #tpu.memory_space<vmem>> -> memref<128x16xf32, #tpu.memory_space<vmem>>
      %dma_wait3A_312 = arith.constant 0 : i32
      %dma_wait3A_313 = tpu.memref_slice %arg6[%add3A_305, %dma_wait3A_312] : memref<80x128xi32, #tpu.memory_space<vmem>> -> memref<1x128xi32, #tpu.memory_space<vmem>>
      %dma_wait3A_314 = tpu.memref_squeeze %dma_wait3A_313 : memref<1x128xi32, #tpu.memory_space<vmem>> -> memref<128xi32, #tpu.memory_space<vmem>>
      %dma_wait3A_315 = arith.constant 0 : i32
      %dma_wait3A_316 = arith.constant 0 : i32
      %dma_wait3A_317 = tpu.memref_slice %arg10[%dma_wait3A_315, %dma_wait3A_316] : memref<10112x16xf32, #tpu.memory_space<vmem_shared>> -> memref<10112x16xf32, #tpu.memory_space<vmem_shared>>
      %dma_wait3A_318 = tpu.memref_slice %arg12[%dma_wait3A_307] : memref<8x!tpu.dma_semaphore, #tpu.memory_space<semaphore_mem>> -> memref<1x!tpu.dma_semaphore, #tpu.memory_space<semaphore_mem>>
      %dma_wait3A_319 = tpu.memref_squeeze %dma_wait3A_318 : memref<1x!tpu.dma_semaphore, #tpu.memory_space<semaphore_mem>> -> memref<!tpu.dma_semaphore, #tpu.memory_space<semaphore_mem>>
      tpu.wait_indirect_dma semaphore(%dma_wait3A_319 : memref<!tpu.dma_semaphore, #tpu.memory_space<semaphore_mem>>) src(%dma_wait3A_317 : memref<10112x16xf32, #tpu.memory_space<vmem_shared>>) dst(%dma_wait3A_311 : memref<128x16xf32, #tpu.memory_space<vmem>>)
      %dma_start3A_320 = arith.constant 1 : i32
      %dma_start3A_321 = arith.constant 1 : i32
      %dma_start3A_322 = arith.constant 0 : i32
      %dma_start3A_323 = arith.constant 0 : i32
      %dma_start3A_324 = tpu.memref_slice %arg8[%dma_start3A_320, %dma_start3A_322, %dma_start3A_323] : memref<8x128x16xf32, #tpu.memory_space<vmem>> -> memref<1x128x16xf32, #tpu.memory_space<vmem>>
      %dma_start3A_325 = tpu.memref_squeeze %dma_start3A_324 : memref<1x128x16xf32, #tpu.memory_space<vmem>> -> memref<128x16xf32, #tpu.memory_space<vmem>>
      %dma_start3A_326 = arith.constant 0 : i32
      %dma_start3A_327 = tpu.memref_slice %arg7[%add3A_305, %dma_start3A_326] : memref<80x128xi32, #tpu.memory_space<vmem>> -> memref<1x128xi32, #tpu.memory_space<vmem>>
      %dma_start3A_328 = tpu.memref_squeeze %dma_start3A_327 : memref<1x128xi32, #tpu.memory_space<vmem>> -> memref<128xi32, #tpu.memory_space<vmem>>
      %dma_start3A_329 = arith.constant 0 : i32
      %dma_start3A_330 = arith.constant 0 : i32
      %dma_start3A_331 = tpu.memref_slice %arg11[%dma_start3A_329, %dma_start3A_330] : memref<10112x16xf32, #tpu.memory_space<vmem_shared>> -> memref<10112x16xf32, #tpu.memory_space<vmem_shared>>
      %dma_start3A_332 = tpu.memref_slice %arg13[%dma_start3A_321] : memref<8x!tpu.dma_semaphore, #tpu.memory_space<semaphore_mem>> -> memref<1x!tpu.dma_semaphore, #tpu.memory_space<semaphore_mem>>
      %dma_start3A_333 = tpu.memref_squeeze %dma_start3A_332 : memref<1x!tpu.dma_semaphore, #tpu.memory_space<semaphore_mem>> -> memref<!tpu.dma_semaphore, #tpu.memory_space<semaphore_mem>>
      tpu.enqueue_indirect_dma source(%dma_start3A_325 : memref<128x16xf32, #tpu.memory_space<vmem>>) target(%dma_start3A_331 : memref<10112x16xf32, #tpu.memory_space<vmem_shared>>) offsets(%dma_start3A_328 : memref<128xi32, #tpu.memory_space<vmem>>) semaphore(%dma_start3A_333 : memref<!tpu.dma_semaphore, #tpu.memory_space<semaphore_mem>>) {add = true}
      %add3A_334 = arith.constant 5 : i32
      %add3A_335 = arith.addi %mul3A_266, %add3A_334 : i32
      %add3A_336 = arith.constant 0 : i32
      %add3A_337 = arith.addi %add3A_335, %add3A_336 : i32
      %ge3A_338 = arith.constant 8 : i32
      %ge3A_339 = arith.cmpi sge, %add3A_337, %ge3A_338 : i32
      %lt3A_340 = arith.constant 80 : i32
      %lt3A_341 = arith.cmpi slt, %add3A_337, %lt3A_340 : i32
      %and3A_342 = arith.andi %ge3A_339, %lt3A_341 : i1
      %convert_element_type3A_343 = arith.extui %and3A_342 : i1 to i32
      %cond3A_344 = arith.constant 0 : i32
      %cond3A_345 = arith.cmpi ne, %convert_element_type3A_343, %cond3A_344 : i32
      scf.if %cond3A_345 {
        %sub3A = arith.constant 8 : i32
        %sub3A_599 = arith.subi %add3A_337, %sub3A : i32
        %dma_wait3A_600 = arith.constant 5 : i32
        %dma_wait3A_601 = arith.constant 5 : i32
        %dma_wait3A_602 = arith.constant 0 : i32
        %dma_wait3A_603 = arith.constant 0 : i32
        %dma_wait3A_604 = tpu.memref_slice %arg8[%dma_wait3A_600, %dma_wait3A_602, %dma_wait3A_603] : memref<8x128x16xf32, #tpu.memory_space<vmem>> -> memref<1x128x16xf32, #tpu.memory_space<vmem>>
        %dma_wait3A_605 = tpu.memref_squeeze %dma_wait3A_604 : memref<1x128x16xf32, #tpu.memory_space<vmem>> -> memref<128x16xf32, #tpu.memory_space<vmem>>
        %dma_wait3A_606 = arith.constant 0 : i32
        %dma_wait3A_607 = tpu.memref_slice %arg7[%sub3A_599, %dma_wait3A_606] : memref<80x128xi32, #tpu.memory_space<vmem>> -> memref<1x128xi32, #tpu.memory_space<vmem>>
        %dma_wait3A_608 = tpu.memref_squeeze %dma_wait3A_607 : memref<1x128xi32, #tpu.memory_space<vmem>> -> memref<128xi32, #tpu.memory_space<vmem>>
        %dma_wait3A_609 = arith.constant 0 : i32
        %dma_wait3A_610 = arith.constant 0 : i32
        %dma_wait3A_611 = tpu.memref_slice %arg11[%dma_wait3A_609, %dma_wait3A_610] : memref<10112x16xf32, #tpu.memory_space<vmem_shared>> -> memref<10112x16xf32, #tpu.memory_space<vmem_shared>>
        %dma_wait3A_612 = tpu.memref_slice %arg13[%dma_wait3A_601] : memref<8x!tpu.dma_semaphore, #tpu.memory_space<semaphore_mem>> -> memref<1x!tpu.dma_semaphore, #tpu.memory_space<semaphore_mem>>
        %dma_wait3A_613 = tpu.memref_squeeze %dma_wait3A_612 : memref<1x!tpu.dma_semaphore, #tpu.memory_space<semaphore_mem>> -> memref<!tpu.dma_semaphore, #tpu.memory_space<semaphore_mem>>
        tpu.wait_indirect_dma semaphore(%dma_wait3A_613 : memref<!tpu.dma_semaphore, #tpu.memory_space<semaphore_mem>>) src(%dma_wait3A_605 : memref<128x16xf32, #tpu.memory_space<vmem>>) dst(%dma_wait3A_611 : memref<10112x16xf32, #tpu.memory_space<vmem_shared>>)
        %dma_start3A_614 = arith.constant 5 : i32
        %dma_start3A_615 = arith.constant 5 : i32
        %dma_start3A_616 = arith.constant 0 : i32
        %dma_start3A_617 = arith.constant 0 : i32
        %dma_start3A_618 = tpu.memref_slice %arg8[%dma_start3A_614, %dma_start3A_616, %dma_start3A_617] : memref<8x128x16xf32, #tpu.memory_space<vmem>> -> memref<1x128x16xf32, #tpu.memory_space<vmem>>
        %dma_start3A_619 = tpu.memref_squeeze %dma_start3A_618 : memref<1x128x16xf32, #tpu.memory_space<vmem>> -> memref<128x16xf32, #tpu.memory_space<vmem>>
        %dma_start3A_620 = arith.constant 0 : i32
        %dma_start3A_621 = tpu.memref_slice %arg6[%add3A_337, %dma_start3A_620] : memref<80x128xi32, #tpu.memory_space<vmem>> -> memref<1x128xi32, #tpu.memory_space<vmem>>
        %dma_start3A_622 = tpu.memref_squeeze %dma_start3A_621 : memref<1x128xi32, #tpu.memory_space<vmem>> -> memref<128xi32, #tpu.memory_space<vmem>>
        %dma_start3A_623 = arith.constant 0 : i32
        %dma_start3A_624 = arith.constant 0 : i32
        %dma_start3A_625 = tpu.memref_slice %arg10[%dma_start3A_623, %dma_start3A_624] : memref<10112x16xf32, #tpu.memory_space<vmem_shared>> -> memref<10112x16xf32, #tpu.memory_space<vmem_shared>>
        %dma_start3A_626 = tpu.memref_slice %arg12[%dma_start3A_615] : memref<8x!tpu.dma_semaphore, #tpu.memory_space<semaphore_mem>> -> memref<1x!tpu.dma_semaphore, #tpu.memory_space<semaphore_mem>>
        %dma_start3A_627 = tpu.memref_squeeze %dma_start3A_626 : memref<1x!tpu.dma_semaphore, #tpu.memory_space<semaphore_mem>> -> memref<!tpu.dma_semaphore, #tpu.memory_space<semaphore_mem>>
        tpu.enqueue_indirect_dma source(%dma_start3A_625 : memref<10112x16xf32, #tpu.memory_space<vmem_shared>>) target(%dma_start3A_619 : memref<128x16xf32, #tpu.memory_space<vmem>>) offsets(%dma_start3A_622 : memref<128xi32, #tpu.memory_space<vmem>>) semaphore(%dma_start3A_627 : memref<!tpu.dma_semaphore, #tpu.memory_space<semaphore_mem>>)
      } else {
      }
      %add3A_346 = arith.constant 2 : i32
      %add3A_347 = arith.addi %mul3A_266, %add3A_346 : i32
      %dma_wait3A_348 = arith.constant 2 : i32
      %dma_wait3A_349 = arith.constant 2 : i32
      %dma_wait3A_350 = arith.constant 0 : i32
      %dma_wait3A_351 = arith.constant 0 : i32
      %dma_wait3A_352 = tpu.memref_slice %arg8[%dma_wait3A_348, %dma_wait3A_350, %dma_wait3A_351] : memref<8x128x16xf32, #tpu.memory_space<vmem>> -> memref<1x128x16xf32, #tpu.memory_space<vmem>>
      %dma_wait3A_353 = tpu.memref_squeeze %dma_wait3A_352 : memref<1x128x16xf32, #tpu.memory_space<vmem>> -> memref<128x16xf32, #tpu.memory_space<vmem>>
      %dma_wait3A_354 = arith.constant 0 : i32
      %dma_wait3A_355 = tpu.memref_slice %arg6[%add3A_347, %dma_wait3A_354] : memref<80x128xi32, #tpu.memory_space<vmem>> -> memref<1x128xi32, #tpu.memory_space<vmem>>
      %dma_wait3A_356 = tpu.memref_squeeze %dma_wait3A_355 : memref<1x128xi32, #tpu.memory_space<vmem>> -> memref<128xi32, #tpu.memory_space<vmem>>
      %dma_wait3A_357 = arith.constant 0 : i32
      %dma_wait3A_358 = arith.constant 0 : i32
      %dma_wait3A_359 = tpu.memref_slice %arg10[%dma_wait3A_357, %dma_wait3A_358] : memref<10112x16xf32, #tpu.memory_space<vmem_shared>> -> memref<10112x16xf32, #tpu.memory_space<vmem_shared>>
      %dma_wait3A_360 = tpu.memref_slice %arg12[%dma_wait3A_349] : memref<8x!tpu.dma_semaphore, #tpu.memory_space<semaphore_mem>> -> memref<1x!tpu.dma_semaphore, #tpu.memory_space<semaphore_mem>>
      %dma_wait3A_361 = tpu.memref_squeeze %dma_wait3A_360 : memref<1x!tpu.dma_semaphore, #tpu.memory_space<semaphore_mem>> -> memref<!tpu.dma_semaphore, #tpu.memory_space<semaphore_mem>>
      tpu.wait_indirect_dma semaphore(%dma_wait3A_361 : memref<!tpu.dma_semaphore, #tpu.memory_space<semaphore_mem>>) src(%dma_wait3A_359 : memref<10112x16xf32, #tpu.memory_space<vmem_shared>>) dst(%dma_wait3A_353 : memref<128x16xf32, #tpu.memory_space<vmem>>)
      %dma_start3A_362 = arith.constant 2 : i32
      %dma_start3A_363 = arith.constant 2 : i32
      %dma_start3A_364 = arith.constant 0 : i32
      %dma_start3A_365 = arith.constant 0 : i32
      %dma_start3A_366 = tpu.memref_slice %arg8[%dma_start3A_362, %dma_start3A_364, %dma_start3A_365] : memref<8x128x16xf32, #tpu.memory_space<vmem>> -> memref<1x128x16xf32, #tpu.memory_space<vmem>>
      %dma_start3A_367 = tpu.memref_squeeze %dma_start3A_366 : memref<1x128x16xf32, #tpu.memory_space<vmem>> -> memref<128x16xf32, #tpu.memory_space<vmem>>
      %dma_start3A_368 = arith.constant 0 : i32
      %dma_start3A_369 = tpu.memref_slice %arg7[%add3A_347, %dma_start3A_368] : memref<80x128xi32, #tpu.memory_space<vmem>> -> memref<1x128xi32, #tpu.memory_space<vmem>>
      %dma_start3A_370 = tpu.memref_squeeze %dma_start3A_369 : memref<1x128xi32, #tpu.memory_space<vmem>> -> memref<128xi32, #tpu.memory_space<vmem>>
      %dma_start3A_371 = arith.constant 0 : i32
      %dma_start3A_372 = arith.constant 0 : i32
      %dma_start3A_373 = tpu.memref_slice %arg11[%dma_start3A_371, %dma_start3A_372] : memref<10112x16xf32, #tpu.memory_space<vmem_shared>> -> memref<10112x16xf32, #tpu.memory_space<vmem_shared>>
      %dma_start3A_374 = tpu.memref_slice %arg13[%dma_start3A_363] : memref<8x!tpu.dma_semaphore, #tpu.memory_space<semaphore_mem>> -> memref<1x!tpu.dma_semaphore, #tpu.memory_space<semaphore_mem>>
      %dma_start3A_375 = tpu.memref_squeeze %dma_start3A_374 : memref<1x!tpu.dma_semaphore, #tpu.memory_space<semaphore_mem>> -> memref<!tpu.dma_semaphore, #tpu.memory_space<semaphore_mem>>
      tpu.enqueue_indirect_dma source(%dma_start3A_367 : memref<128x16xf32, #tpu.memory_space<vmem>>) target(%dma_start3A_373 : memref<10112x16xf32, #tpu.memory_space<vmem_shared>>) offsets(%dma_start3A_370 : memref<128xi32, #tpu.memory_space<vmem>>) semaphore(%dma_start3A_375 : memref<!tpu.dma_semaphore, #tpu.memory_space<semaphore_mem>>) {add = true}
      %add3A_376 = arith.constant 6 : i32
      %add3A_377 = arith.addi %mul3A_266, %add3A_376 : i32
      %add3A_378 = arith.constant 0 : i32
      %add3A_379 = arith.addi %add3A_377, %add3A_378 : i32
      %ge3A_380 = arith.constant 8 : i32
      %ge3A_381 = arith.cmpi sge, %add3A_379, %ge3A_380 : i32
      %lt3A_382 = arith.constant 80 : i32
      %lt3A_383 = arith.cmpi slt, %add3A_379, %lt3A_382 : i32
      %and3A_384 = arith.andi %ge3A_381, %lt3A_383 : i1
      %convert_element_type3A_385 = arith.extui %and3A_384 : i1 to i32
      %cond3A_386 = arith.constant 0 : i32
      %cond3A_387 = arith.cmpi ne, %convert_element_type3A_385, %cond3A_386 : i32
      scf.if %cond3A_387 {
        %sub3A = arith.constant 8 : i32
        %sub3A_599 = arith.subi %add3A_379, %sub3A : i32
        %dma_wait3A_600 = arith.constant 6 : i32
        %dma_wait3A_601 = arith.constant 6 : i32
        %dma_wait3A_602 = arith.constant 0 : i32
        %dma_wait3A_603 = arith.constant 0 : i32
        %dma_wait3A_604 = tpu.memref_slice %arg8[%dma_wait3A_600, %dma_wait3A_602, %dma_wait3A_603] : memref<8x128x16xf32, #tpu.memory_space<vmem>> -> memref<1x128x16xf32, #tpu.memory_space<vmem>>
        %dma_wait3A_605 = tpu.memref_squeeze %dma_wait3A_604 : memref<1x128x16xf32, #tpu.memory_space<vmem>> -> memref<128x16xf32, #tpu.memory_space<vmem>>
        %dma_wait3A_606 = arith.constant 0 : i32
        %dma_wait3A_607 = tpu.memref_slice %arg7[%sub3A_599, %dma_wait3A_606] : memref<80x128xi32, #tpu.memory_space<vmem>> -> memref<1x128xi32, #tpu.memory_space<vmem>>
        %dma_wait3A_608 = tpu.memref_squeeze %dma_wait3A_607 : memref<1x128xi32, #tpu.memory_space<vmem>> -> memref<128xi32, #tpu.memory_space<vmem>>
        %dma_wait3A_609 = arith.constant 0 : i32
        %dma_wait3A_610 = arith.constant 0 : i32
        %dma_wait3A_611 = tpu.memref_slice %arg11[%dma_wait3A_609, %dma_wait3A_610] : memref<10112x16xf32, #tpu.memory_space<vmem_shared>> -> memref<10112x16xf32, #tpu.memory_space<vmem_shared>>
        %dma_wait3A_612 = tpu.memref_slice %arg13[%dma_wait3A_601] : memref<8x!tpu.dma_semaphore, #tpu.memory_space<semaphore_mem>> -> memref<1x!tpu.dma_semaphore, #tpu.memory_space<semaphore_mem>>
        %dma_wait3A_613 = tpu.memref_squeeze %dma_wait3A_612 : memref<1x!tpu.dma_semaphore, #tpu.memory_space<semaphore_mem>> -> memref<!tpu.dma_semaphore, #tpu.memory_space<semaphore_mem>>
        tpu.wait_indirect_dma semaphore(%dma_wait3A_613 : memref<!tpu.dma_semaphore, #tpu.memory_space<semaphore_mem>>) src(%dma_wait3A_605 : memref<128x16xf32, #tpu.memory_space<vmem>>) dst(%dma_wait3A_611 : memref<10112x16xf32, #tpu.memory_space<vmem_shared>>)
        %dma_start3A_614 = arith.constant 6 : i32
        %dma_start3A_615 = arith.constant 6 : i32
        %dma_start3A_616 = arith.constant 0 : i32
        %dma_start3A_617 = arith.constant 0 : i32
        %dma_start3A_618 = tpu.memref_slice %arg8[%dma_start3A_614, %dma_start3A_616, %dma_start3A_617] : memref<8x128x16xf32, #tpu.memory_space<vmem>> -> memref<1x128x16xf32, #tpu.memory_space<vmem>>
        %dma_start3A_619 = tpu.memref_squeeze %dma_start3A_618 : memref<1x128x16xf32, #tpu.memory_space<vmem>> -> memref<128x16xf32, #tpu.memory_space<vmem>>
        %dma_start3A_620 = arith.constant 0 : i32
        %dma_start3A_621 = tpu.memref_slice %arg6[%add3A_379, %dma_start3A_620] : memref<80x128xi32, #tpu.memory_space<vmem>> -> memref<1x128xi32, #tpu.memory_space<vmem>>
        %dma_start3A_622 = tpu.memref_squeeze %dma_start3A_621 : memref<1x128xi32, #tpu.memory_space<vmem>> -> memref<128xi32, #tpu.memory_space<vmem>>
        %dma_start3A_623 = arith.constant 0 : i32
        %dma_start3A_624 = arith.constant 0 : i32
        %dma_start3A_625 = tpu.memref_slice %arg10[%dma_start3A_623, %dma_start3A_624] : memref<10112x16xf32, #tpu.memory_space<vmem_shared>> -> memref<10112x16xf32, #tpu.memory_space<vmem_shared>>
        %dma_start3A_626 = tpu.memref_slice %arg12[%dma_start3A_615] : memref<8x!tpu.dma_semaphore, #tpu.memory_space<semaphore_mem>> -> memref<1x!tpu.dma_semaphore, #tpu.memory_space<semaphore_mem>>
        %dma_start3A_627 = tpu.memref_squeeze %dma_start3A_626 : memref<1x!tpu.dma_semaphore, #tpu.memory_space<semaphore_mem>> -> memref<!tpu.dma_semaphore, #tpu.memory_space<semaphore_mem>>
        tpu.enqueue_indirect_dma source(%dma_start3A_625 : memref<10112x16xf32, #tpu.memory_space<vmem_shared>>) target(%dma_start3A_619 : memref<128x16xf32, #tpu.memory_space<vmem>>) offsets(%dma_start3A_622 : memref<128xi32, #tpu.memory_space<vmem>>) semaphore(%dma_start3A_627 : memref<!tpu.dma_semaphore, #tpu.memory_space<semaphore_mem>>)
      } else {
      }
      %add3A_388 = arith.constant 3 : i32
      %add3A_389 = arith.addi %mul3A_266, %add3A_388 : i32
      %dma_wait3A_390 = arith.constant 3 : i32
      %dma_wait3A_391 = arith.constant 3 : i32
      %dma_wait3A_392 = arith.constant 0 : i32
      %dma_wait3A_393 = arith.constant 0 : i32
      %dma_wait3A_394 = tpu.memref_slice %arg8[%dma_wait3A_390, %dma_wait3A_392, %dma_wait3A_393] : memref<8x128x16xf32, #tpu.memory_space<vmem>> -> memref<1x128x16xf32, #tpu.memory_space<vmem>>
      %dma_wait3A_395 = tpu.memref_squeeze %dma_wait3A_394 : memref<1x128x16xf32, #tpu.memory_space<vmem>> -> memref<128x16xf32, #tpu.memory_space<vmem>>
      %dma_wait3A_396 = arith.constant 0 : i32
      %dma_wait3A_397 = tpu.memref_slice %arg6[%add3A_389, %dma_wait3A_396] : memref<80x128xi32, #tpu.memory_space<vmem>> -> memref<1x128xi32, #tpu.memory_space<vmem>>
      %dma_wait3A_398 = tpu.memref_squeeze %dma_wait3A_397 : memref<1x128xi32, #tpu.memory_space<vmem>> -> memref<128xi32, #tpu.memory_space<vmem>>
      %dma_wait3A_399 = arith.constant 0 : i32
      %dma_wait3A_400 = arith.constant 0 : i32
      %dma_wait3A_401 = tpu.memref_slice %arg10[%dma_wait3A_399, %dma_wait3A_400] : memref<10112x16xf32, #tpu.memory_space<vmem_shared>> -> memref<10112x16xf32, #tpu.memory_space<vmem_shared>>
      %dma_wait3A_402 = tpu.memref_slice %arg12[%dma_wait3A_391] : memref<8x!tpu.dma_semaphore, #tpu.memory_space<semaphore_mem>> -> memref<1x!tpu.dma_semaphore, #tpu.memory_space<semaphore_mem>>
      %dma_wait3A_403 = tpu.memref_squeeze %dma_wait3A_402 : memref<1x!tpu.dma_semaphore, #tpu.memory_space<semaphore_mem>> -> memref<!tpu.dma_semaphore, #tpu.memory_space<semaphore_mem>>
      tpu.wait_indirect_dma semaphore(%dma_wait3A_403 : memref<!tpu.dma_semaphore, #tpu.memory_space<semaphore_mem>>) src(%dma_wait3A_401 : memref<10112x16xf32, #tpu.memory_space<vmem_shared>>) dst(%dma_wait3A_395 : memref<128x16xf32, #tpu.memory_space<vmem>>)
      %dma_start3A_404 = arith.constant 3 : i32
      %dma_start3A_405 = arith.constant 3 : i32
      %dma_start3A_406 = arith.constant 0 : i32
      %dma_start3A_407 = arith.constant 0 : i32
      %dma_start3A_408 = tpu.memref_slice %arg8[%dma_start3A_404, %dma_start3A_406, %dma_start3A_407] : memref<8x128x16xf32, #tpu.memory_space<vmem>> -> memref<1x128x16xf32, #tpu.memory_space<vmem>>
      %dma_start3A_409 = tpu.memref_squeeze %dma_start3A_408 : memref<1x128x16xf32, #tpu.memory_space<vmem>> -> memref<128x16xf32, #tpu.memory_space<vmem>>
      %dma_start3A_410 = arith.constant 0 : i32
      %dma_start3A_411 = tpu.memref_slice %arg7[%add3A_389, %dma_start3A_410] : memref<80x128xi32, #tpu.memory_space<vmem>> -> memref<1x128xi32, #tpu.memory_space<vmem>>
      %dma_start3A_412 = tpu.memref_squeeze %dma_start3A_411 : memref<1x128xi32, #tpu.memory_space<vmem>> -> memref<128xi32, #tpu.memory_space<vmem>>
      %dma_start3A_413 = arith.constant 0 : i32
      %dma_start3A_414 = arith.constant 0 : i32
      %dma_start3A_415 = tpu.memref_slice %arg11[%dma_start3A_413, %dma_start3A_414] : memref<10112x16xf32, #tpu.memory_space<vmem_shared>> -> memref<10112x16xf32, #tpu.memory_space<vmem_shared>>
      %dma_start3A_416 = tpu.memref_slice %arg13[%dma_start3A_405] : memref<8x!tpu.dma_semaphore, #tpu.memory_space<semaphore_mem>> -> memref<1x!tpu.dma_semaphore, #tpu.memory_space<semaphore_mem>>
      %dma_start3A_417 = tpu.memref_squeeze %dma_start3A_416 : memref<1x!tpu.dma_semaphore, #tpu.memory_space<semaphore_mem>> -> memref<!tpu.dma_semaphore, #tpu.memory_space<semaphore_mem>>
      tpu.enqueue_indirect_dma source(%dma_start3A_409 : memref<128x16xf32, #tpu.memory_space<vmem>>) target(%dma_start3A_415 : memref<10112x16xf32, #tpu.memory_space<vmem_shared>>) offsets(%dma_start3A_412 : memref<128xi32, #tpu.memory_space<vmem>>) semaphore(%dma_start3A_417 : memref<!tpu.dma_semaphore, #tpu.memory_space<semaphore_mem>>) {add = true}
      %add3A_418 = arith.constant 7 : i32
      %add3A_419 = arith.addi %mul3A_266, %add3A_418 : i32
      %add3A_420 = arith.constant 0 : i32
      %add3A_421 = arith.addi %add3A_419, %add3A_420 : i32
      %ge3A_422 = arith.constant 8 : i32
      %ge3A_423 = arith.cmpi sge, %add3A_421, %ge3A_422 : i32
      %lt3A_424 = arith.constant 80 : i32
      %lt3A_425 = arith.cmpi slt, %add3A_421, %lt3A_424 : i32
      %and3A_426 = arith.andi %ge3A_423, %lt3A_425 : i1
      %convert_element_type3A_427 = arith.extui %and3A_426 : i1 to i32
      %cond3A_428 = arith.constant 0 : i32
      %cond3A_429 = arith.cmpi ne, %convert_element_type3A_427, %cond3A_428 : i32
      scf.if %cond3A_429 {
        %sub3A = arith.constant 8 : i32
        %sub3A_599 = arith.subi %add3A_421, %sub3A : i32
        %dma_wait3A_600 = arith.constant 7 : i32
        %dma_wait3A_601 = arith.constant 7 : i32
        %dma_wait3A_602 = arith.constant 0 : i32
        %dma_wait3A_603 = arith.constant 0 : i32
        %dma_wait3A_604 = tpu.memref_slice %arg8[%dma_wait3A_600, %dma_wait3A_602, %dma_wait3A_603] : memref<8x128x16xf32, #tpu.memory_space<vmem>> -> memref<1x128x16xf32, #tpu.memory_space<vmem>>
        %dma_wait3A_605 = tpu.memref_squeeze %dma_wait3A_604 : memref<1x128x16xf32, #tpu.memory_space<vmem>> -> memref<128x16xf32, #tpu.memory_space<vmem>>
        %dma_wait3A_606 = arith.constant 0 : i32
        %dma_wait3A_607 = tpu.memref_slice %arg7[%sub3A_599, %dma_wait3A_606] : memref<80x128xi32, #tpu.memory_space<vmem>> -> memref<1x128xi32, #tpu.memory_space<vmem>>
        %dma_wait3A_608 = tpu.memref_squeeze %dma_wait3A_607 : memref<1x128xi32, #tpu.memory_space<vmem>> -> memref<128xi32, #tpu.memory_space<vmem>>
        %dma_wait3A_609 = arith.constant 0 : i32
        %dma_wait3A_610 = arith.constant 0 : i32
        %dma_wait3A_611 = tpu.memref_slice %arg11[%dma_wait3A_609, %dma_wait3A_610] : memref<10112x16xf32, #tpu.memory_space<vmem_shared>> -> memref<10112x16xf32, #tpu.memory_space<vmem_shared>>
        %dma_wait3A_612 = tpu.memref_slice %arg13[%dma_wait3A_601] : memref<8x!tpu.dma_semaphore, #tpu.memory_space<semaphore_mem>> -> memref<1x!tpu.dma_semaphore, #tpu.memory_space<semaphore_mem>>
        %dma_wait3A_613 = tpu.memref_squeeze %dma_wait3A_612 : memref<1x!tpu.dma_semaphore, #tpu.memory_space<semaphore_mem>> -> memref<!tpu.dma_semaphore, #tpu.memory_space<semaphore_mem>>
        tpu.wait_indirect_dma semaphore(%dma_wait3A_613 : memref<!tpu.dma_semaphore, #tpu.memory_space<semaphore_mem>>) src(%dma_wait3A_605 : memref<128x16xf32, #tpu.memory_space<vmem>>) dst(%dma_wait3A_611 : memref<10112x16xf32, #tpu.memory_space<vmem_shared>>)
        %dma_start3A_614 = arith.constant 7 : i32
        %dma_start3A_615 = arith.constant 7 : i32
        %dma_start3A_616 = arith.constant 0 : i32
        %dma_start3A_617 = arith.constant 0 : i32
        %dma_start3A_618 = tpu.memref_slice %arg8[%dma_start3A_614, %dma_start3A_616, %dma_start3A_617] : memref<8x128x16xf32, #tpu.memory_space<vmem>> -> memref<1x128x16xf32, #tpu.memory_space<vmem>>
        %dma_start3A_619 = tpu.memref_squeeze %dma_start3A_618 : memref<1x128x16xf32, #tpu.memory_space<vmem>> -> memref<128x16xf32, #tpu.memory_space<vmem>>
        %dma_start3A_620 = arith.constant 0 : i32
        %dma_start3A_621 = tpu.memref_slice %arg6[%add3A_421, %dma_start3A_620] : memref<80x128xi32, #tpu.memory_space<vmem>> -> memref<1x128xi32, #tpu.memory_space<vmem>>
        %dma_start3A_622 = tpu.memref_squeeze %dma_start3A_621 : memref<1x128xi32, #tpu.memory_space<vmem>> -> memref<128xi32, #tpu.memory_space<vmem>>
        %dma_start3A_623 = arith.constant 0 : i32
        %dma_start3A_624 = arith.constant 0 : i32
        %dma_start3A_625 = tpu.memref_slice %arg10[%dma_start3A_623, %dma_start3A_624] : memref<10112x16xf32, #tpu.memory_space<vmem_shared>> -> memref<10112x16xf32, #tpu.memory_space<vmem_shared>>
        %dma_start3A_626 = tpu.memref_slice %arg12[%dma_start3A_615] : memref<8x!tpu.dma_semaphore, #tpu.memory_space<semaphore_mem>> -> memref<1x!tpu.dma_semaphore, #tpu.memory_space<semaphore_mem>>
        %dma_start3A_627 = tpu.memref_squeeze %dma_start3A_626 : memref<1x!tpu.dma_semaphore, #tpu.memory_space<semaphore_mem>> -> memref<!tpu.dma_semaphore, #tpu.memory_space<semaphore_mem>>
        tpu.enqueue_indirect_dma source(%dma_start3A_625 : memref<10112x16xf32, #tpu.memory_space<vmem_shared>>) target(%dma_start3A_619 : memref<128x16xf32, #tpu.memory_space<vmem>>) offsets(%dma_start3A_622 : memref<128xi32, #tpu.memory_space<vmem>>) semaphore(%dma_start3A_627 : memref<!tpu.dma_semaphore, #tpu.memory_space<semaphore_mem>>)
      } else {
      }
      %add3A_430 = arith.constant 4 : i32
      %add3A_431 = arith.addi %mul3A_266, %add3A_430 : i32
      %dma_wait3A_432 = arith.constant 4 : i32
      %dma_wait3A_433 = arith.constant 4 : i32
      %dma_wait3A_434 = arith.constant 0 : i32
      %dma_wait3A_435 = arith.constant 0 : i32
      %dma_wait3A_436 = tpu.memref_slice %arg8[%dma_wait3A_432, %dma_wait3A_434, %dma_wait3A_435] : memref<8x128x16xf32, #tpu.memory_space<vmem>> -> memref<1x128x16xf32, #tpu.memory_space<vmem>>
      %dma_wait3A_437 = tpu.memref_squeeze %dma_wait3A_436 : memref<1x128x16xf32, #tpu.memory_space<vmem>> -> memref<128x16xf32, #tpu.memory_space<vmem>>
      %dma_wait3A_438 = arith.constant 0 : i32
      %dma_wait3A_439 = tpu.memref_slice %arg6[%add3A_431, %dma_wait3A_438] : memref<80x128xi32, #tpu.memory_space<vmem>> -> memref<1x128xi32, #tpu.memory_space<vmem>>
      %dma_wait3A_440 = tpu.memref_squeeze %dma_wait3A_439 : memref<1x128xi32, #tpu.memory_space<vmem>> -> memref<128xi32, #tpu.memory_space<vmem>>
      %dma_wait3A_441 = arith.constant 0 : i32
      %dma_wait3A_442 = arith.constant 0 : i32
      %dma_wait3A_443 = tpu.memref_slice %arg10[%dma_wait3A_441, %dma_wait3A_442] : memref<10112x16xf32, #tpu.memory_space<vmem_shared>> -> memref<10112x16xf32, #tpu.memory_space<vmem_shared>>
      %dma_wait3A_444 = tpu.memref_slice %arg12[%dma_wait3A_433] : memref<8x!tpu.dma_semaphore, #tpu.memory_space<semaphore_mem>> -> memref<1x!tpu.dma_semaphore, #tpu.memory_space<semaphore_mem>>
      %dma_wait3A_445 = tpu.memref_squeeze %dma_wait3A_444 : memref<1x!tpu.dma_semaphore, #tpu.memory_space<semaphore_mem>> -> memref<!tpu.dma_semaphore, #tpu.memory_space<semaphore_mem>>
      tpu.wait_indirect_dma semaphore(%dma_wait3A_445 : memref<!tpu.dma_semaphore, #tpu.memory_space<semaphore_mem>>) src(%dma_wait3A_443 : memref<10112x16xf32, #tpu.memory_space<vmem_shared>>) dst(%dma_wait3A_437 : memref<128x16xf32, #tpu.memory_space<vmem>>)
      %dma_start3A_446 = arith.constant 4 : i32
      %dma_start3A_447 = arith.constant 4 : i32
      %dma_start3A_448 = arith.constant 0 : i32
      %dma_start3A_449 = arith.constant 0 : i32
      %dma_start3A_450 = tpu.memref_slice %arg8[%dma_start3A_446, %dma_start3A_448, %dma_start3A_449] : memref<8x128x16xf32, #tpu.memory_space<vmem>> -> memref<1x128x16xf32, #tpu.memory_space<vmem>>
      %dma_start3A_451 = tpu.memref_squeeze %dma_start3A_450 : memref<1x128x16xf32, #tpu.memory_space<vmem>> -> memref<128x16xf32, #tpu.memory_space<vmem>>
      %dma_start3A_452 = arith.constant 0 : i32
      %dma_start3A_453 = tpu.memref_slice %arg7[%add3A_431, %dma_start3A_452] : memref<80x128xi32, #tpu.memory_space<vmem>> -> memref<1x128xi32, #tpu.memory_space<vmem>>
      %dma_start3A_454 = tpu.memref_squeeze %dma_start3A_453 : memref<1x128xi32, #tpu.memory_space<vmem>> -> memref<128xi32, #tpu.memory_space<vmem>>
      %dma_start3A_455 = arith.constant 0 : i32
      %dma_start3A_456 = arith.constant 0 : i32
      %dma_start3A_457 = tpu.memref_slice %arg11[%dma_start3A_455, %dma_start3A_456] : memref<10112x16xf32, #tpu.memory_space<vmem_shared>> -> memref<10112x16xf32, #tpu.memory_space<vmem_shared>>
      %dma_start3A_458 = tpu.memref_slice %arg13[%dma_start3A_447] : memref<8x!tpu.dma_semaphore, #tpu.memory_space<semaphore_mem>> -> memref<1x!tpu.dma_semaphore, #tpu.memory_space<semaphore_mem>>
      %dma_start3A_459 = tpu.memref_squeeze %dma_start3A_458 : memref<1x!tpu.dma_semaphore, #tpu.memory_space<semaphore_mem>> -> memref<!tpu.dma_semaphore, #tpu.memory_space<semaphore_mem>>
      tpu.enqueue_indirect_dma source(%dma_start3A_451 : memref<128x16xf32, #tpu.memory_space<vmem>>) target(%dma_start3A_457 : memref<10112x16xf32, #tpu.memory_space<vmem_shared>>) offsets(%dma_start3A_454 : memref<128xi32, #tpu.memory_space<vmem>>) semaphore(%dma_start3A_459 : memref<!tpu.dma_semaphore, #tpu.memory_space<semaphore_mem>>) {add = true}
      %add3A_460 = arith.constant 0 : i32
      %add3A_461 = arith.addi %mul3A_266, %add3A_460 : i32
      %add3A_462 = arith.constant 8 : i32
      %add3A_463 = arith.addi %add3A_461, %add3A_462 : i32
      %ge3A_464 = arith.constant 8 : i32
      %ge3A_465 = arith.cmpi sge, %add3A_463, %ge3A_464 : i32
      %lt3A_466 = arith.constant 80 : i32
      %lt3A_467 = arith.cmpi slt, %add3A_463, %lt3A_466 : i32
      %and3A_468 = arith.andi %ge3A_465, %lt3A_467 : i1
      %convert_element_type3A_469 = arith.extui %and3A_468 : i1 to i32
      %cond3A_470 = arith.constant 0 : i32
      %cond3A_471 = arith.cmpi ne, %convert_element_type3A_469, %cond3A_470 : i32
      scf.if %cond3A_471 {
        %sub3A = arith.constant 8 : i32
        %sub3A_599 = arith.subi %add3A_463, %sub3A : i32
        %dma_wait3A_600 = arith.constant 0 : i32
        %dma_wait3A_601 = arith.constant 0 : i32
        %dma_wait3A_602 = arith.constant 0 : i32
        %dma_wait3A_603 = arith.constant 0 : i32
        %dma_wait3A_604 = tpu.memref_slice %arg8[%dma_wait3A_600, %dma_wait3A_602, %dma_wait3A_603] : memref<8x128x16xf32, #tpu.memory_space<vmem>> -> memref<1x128x16xf32, #tpu.memory_space<vmem>>
        %dma_wait3A_605 = tpu.memref_squeeze %dma_wait3A_604 : memref<1x128x16xf32, #tpu.memory_space<vmem>> -> memref<128x16xf32, #tpu.memory_space<vmem>>
        %dma_wait3A_606 = arith.constant 0 : i32
        %dma_wait3A_607 = tpu.memref_slice %arg7[%sub3A_599, %dma_wait3A_606] : memref<80x128xi32, #tpu.memory_space<vmem>> -> memref<1x128xi32, #tpu.memory_space<vmem>>
        %dma_wait3A_608 = tpu.memref_squeeze %dma_wait3A_607 : memref<1x128xi32, #tpu.memory_space<vmem>> -> memref<128xi32, #tpu.memory_space<vmem>>
        %dma_wait3A_609 = arith.constant 0 : i32
        %dma_wait3A_610 = arith.constant 0 : i32
        %dma_wait3A_611 = tpu.memref_slice %arg11[%dma_wait3A_609, %dma_wait3A_610] : memref<10112x16xf32, #tpu.memory_space<vmem_shared>> -> memref<10112x16xf32, #tpu.memory_space<vmem_shared>>
        %dma_wait3A_612 = tpu.memref_slice %arg13[%dma_wait3A_601] : memref<8x!tpu.dma_semaphore, #tpu.memory_space<semaphore_mem>> -> memref<1x!tpu.dma_semaphore, #tpu.memory_space<semaphore_mem>>
        %dma_wait3A_613 = tpu.memref_squeeze %dma_wait3A_612 : memref<1x!tpu.dma_semaphore, #tpu.memory_space<semaphore_mem>> -> memref<!tpu.dma_semaphore, #tpu.memory_space<semaphore_mem>>
        tpu.wait_indirect_dma semaphore(%dma_wait3A_613 : memref<!tpu.dma_semaphore, #tpu.memory_space<semaphore_mem>>) src(%dma_wait3A_605 : memref<128x16xf32, #tpu.memory_space<vmem>>) dst(%dma_wait3A_611 : memref<10112x16xf32, #tpu.memory_space<vmem_shared>>)
        %dma_start3A_614 = arith.constant 0 : i32
        %dma_start3A_615 = arith.constant 0 : i32
        %dma_start3A_616 = arith.constant 0 : i32
        %dma_start3A_617 = arith.constant 0 : i32
        %dma_start3A_618 = tpu.memref_slice %arg8[%dma_start3A_614, %dma_start3A_616, %dma_start3A_617] : memref<8x128x16xf32, #tpu.memory_space<vmem>> -> memref<1x128x16xf32, #tpu.memory_space<vmem>>
        %dma_start3A_619 = tpu.memref_squeeze %dma_start3A_618 : memref<1x128x16xf32, #tpu.memory_space<vmem>> -> memref<128x16xf32, #tpu.memory_space<vmem>>
        %dma_start3A_620 = arith.constant 0 : i32
        %dma_start3A_621 = tpu.memref_slice %arg6[%add3A_463, %dma_start3A_620] : memref<80x128xi32, #tpu.memory_space<vmem>> -> memref<1x128xi32, #tpu.memory_space<vmem>>
        %dma_start3A_622 = tpu.memref_squeeze %dma_start3A_621 : memref<1x128xi32, #tpu.memory_space<vmem>> -> memref<128xi32, #tpu.memory_space<vmem>>
        %dma_start3A_623 = arith.constant 0 : i32
        %dma_start3A_624 = arith.constant 0 : i32
        %dma_start3A_625 = tpu.memref_slice %arg10[%dma_start3A_623, %dma_start3A_624] : memref<10112x16xf32, #tpu.memory_space<vmem_shared>> -> memref<10112x16xf32, #tpu.memory_space<vmem_shared>>
        %dma_start3A_626 = tpu.memref_slice %arg12[%dma_start3A_615] : memref<8x!tpu.dma_semaphore, #tpu.memory_space<semaphore_mem>> -> memref<1x!tpu.dma_semaphore, #tpu.memory_space<semaphore_mem>>
        %dma_start3A_627 = tpu.memref_squeeze %dma_start3A_626 : memref<1x!tpu.dma_semaphore, #tpu.memory_space<semaphore_mem>> -> memref<!tpu.dma_semaphore, #tpu.memory_space<semaphore_mem>>
        tpu.enqueue_indirect_dma source(%dma_start3A_625 : memref<10112x16xf32, #tpu.memory_space<vmem_shared>>) target(%dma_start3A_619 : memref<128x16xf32, #tpu.memory_space<vmem>>) offsets(%dma_start3A_622 : memref<128xi32, #tpu.memory_space<vmem>>) semaphore(%dma_start3A_627 : memref<!tpu.dma_semaphore, #tpu.memory_space<semaphore_mem>>)
      } else {
      }
      %add3A_472 = arith.constant 5 : i32
      %add3A_473 = arith.addi %mul3A_266, %add3A_472 : i32
      %dma_wait3A_474 = arith.constant 5 : i32
      %dma_wait3A_475 = arith.constant 5 : i32
      %dma_wait3A_476 = arith.constant 0 : i32
      %dma_wait3A_477 = arith.constant 0 : i32
      %dma_wait3A_478 = tpu.memref_slice %arg8[%dma_wait3A_474, %dma_wait3A_476, %dma_wait3A_477] : memref<8x128x16xf32, #tpu.memory_space<vmem>> -> memref<1x128x16xf32, #tpu.memory_space<vmem>>
      %dma_wait3A_479 = tpu.memref_squeeze %dma_wait3A_478 : memref<1x128x16xf32, #tpu.memory_space<vmem>> -> memref<128x16xf32, #tpu.memory_space<vmem>>
      %dma_wait3A_480 = arith.constant 0 : i32
      %dma_wait3A_481 = tpu.memref_slice %arg6[%add3A_473, %dma_wait3A_480] : memref<80x128xi32, #tpu.memory_space<vmem>> -> memref<1x128xi32, #tpu.memory_space<vmem>>
      %dma_wait3A_482 = tpu.memref_squeeze %dma_wait3A_481 : memref<1x128xi32, #tpu.memory_space<vmem>> -> memref<128xi32, #tpu.memory_space<vmem>>
      %dma_wait3A_483 = arith.constant 0 : i32
      %dma_wait3A_484 = arith.constant 0 : i32
      %dma_wait3A_485 = tpu.memref_slice %arg10[%dma_wait3A_483, %dma_wait3A_484] : memref<10112x16xf32, #tpu.memory_space<vmem_shared>> -> memref<10112x16xf32, #tpu.memory_space<vmem_shared>>
      %dma_wait3A_486 = tpu.memref_slice %arg12[%dma_wait3A_475] : memref<8x!tpu.dma_semaphore, #tpu.memory_space<semaphore_mem>> -> memref<1x!tpu.dma_semaphore, #tpu.memory_space<semaphore_mem>>
      %dma_wait3A_487 = tpu.memref_squeeze %dma_wait3A_486 : memref<1x!tpu.dma_semaphore, #tpu.memory_space<semaphore_mem>> -> memref<!tpu.dma_semaphore, #tpu.memory_space<semaphore_mem>>
      tpu.wait_indirect_dma semaphore(%dma_wait3A_487 : memref<!tpu.dma_semaphore, #tpu.memory_space<semaphore_mem>>) src(%dma_wait3A_485 : memref<10112x16xf32, #tpu.memory_space<vmem_shared>>) dst(%dma_wait3A_479 : memref<128x16xf32, #tpu.memory_space<vmem>>)
      %dma_start3A_488 = arith.constant 5 : i32
      %dma_start3A_489 = arith.constant 5 : i32
      %dma_start3A_490 = arith.constant 0 : i32
      %dma_start3A_491 = arith.constant 0 : i32
      %dma_start3A_492 = tpu.memref_slice %arg8[%dma_start3A_488, %dma_start3A_490, %dma_start3A_491] : memref<8x128x16xf32, #tpu.memory_space<vmem>> -> memref<1x128x16xf32, #tpu.memory_space<vmem>>
      %dma_start3A_493 = tpu.memref_squeeze %dma_start3A_492 : memref<1x128x16xf32, #tpu.memory_space<vmem>> -> memref<128x16xf32, #tpu.memory_space<vmem>>
      %dma_start3A_494 = arith.constant 0 : i32
      %dma_start3A_495 = tpu.memref_slice %arg7[%add3A_473, %dma_start3A_494] : memref<80x128xi32, #tpu.memory_space<vmem>> -> memref<1x128xi32, #tpu.memory_space<vmem>>
      %dma_start3A_496 = tpu.memref_squeeze %dma_start3A_495 : memref<1x128xi32, #tpu.memory_space<vmem>> -> memref<128xi32, #tpu.memory_space<vmem>>
      %dma_start3A_497 = arith.constant 0 : i32
      %dma_start3A_498 = arith.constant 0 : i32
      %dma_start3A_499 = tpu.memref_slice %arg11[%dma_start3A_497, %dma_start3A_498] : memref<10112x16xf32, #tpu.memory_space<vmem_shared>> -> memref<10112x16xf32, #tpu.memory_space<vmem_shared>>
      %dma_start3A_500 = tpu.memref_slice %arg13[%dma_start3A_489] : memref<8x!tpu.dma_semaphore, #tpu.memory_space<semaphore_mem>> -> memref<1x!tpu.dma_semaphore, #tpu.memory_space<semaphore_mem>>
      %dma_start3A_501 = tpu.memref_squeeze %dma_start3A_500 : memref<1x!tpu.dma_semaphore, #tpu.memory_space<semaphore_mem>> -> memref<!tpu.dma_semaphore, #tpu.memory_space<semaphore_mem>>
      tpu.enqueue_indirect_dma source(%dma_start3A_493 : memref<128x16xf32, #tpu.memory_space<vmem>>) target(%dma_start3A_499 : memref<10112x16xf32, #tpu.memory_space<vmem_shared>>) offsets(%dma_start3A_496 : memref<128xi32, #tpu.memory_space<vmem>>) semaphore(%dma_start3A_501 : memref<!tpu.dma_semaphore, #tpu.memory_space<semaphore_mem>>) {add = true}
      %add3A_502 = arith.constant 1 : i32
      %add3A_503 = arith.addi %mul3A_266, %add3A_502 : i32
      %add3A_504 = arith.constant 8 : i32
      %add3A_505 = arith.addi %add3A_503, %add3A_504 : i32
      %ge3A_506 = arith.constant 8 : i32
      %ge3A_507 = arith.cmpi sge, %add3A_505, %ge3A_506 : i32
      %lt3A_508 = arith.constant 80 : i32
      %lt3A_509 = arith.cmpi slt, %add3A_505, %lt3A_508 : i32
      %and3A_510 = arith.andi %ge3A_507, %lt3A_509 : i1
      %convert_element_type3A_511 = arith.extui %and3A_510 : i1 to i32
      %cond3A_512 = arith.constant 0 : i32
      %cond3A_513 = arith.cmpi ne, %convert_element_type3A_511, %cond3A_512 : i32
      scf.if %cond3A_513 {
        %sub3A = arith.constant 8 : i32
        %sub3A_599 = arith.subi %add3A_505, %sub3A : i32
        %dma_wait3A_600 = arith.constant 1 : i32
        %dma_wait3A_601 = arith.constant 1 : i32
        %dma_wait3A_602 = arith.constant 0 : i32
        %dma_wait3A_603 = arith.constant 0 : i32
        %dma_wait3A_604 = tpu.memref_slice %arg8[%dma_wait3A_600, %dma_wait3A_602, %dma_wait3A_603] : memref<8x128x16xf32, #tpu.memory_space<vmem>> -> memref<1x128x16xf32, #tpu.memory_space<vmem>>
        %dma_wait3A_605 = tpu.memref_squeeze %dma_wait3A_604 : memref<1x128x16xf32, #tpu.memory_space<vmem>> -> memref<128x16xf32, #tpu.memory_space<vmem>>
        %dma_wait3A_606 = arith.constant 0 : i32
        %dma_wait3A_607 = tpu.memref_slice %arg7[%sub3A_599, %dma_wait3A_606] : memref<80x128xi32, #tpu.memory_space<vmem>> -> memref<1x128xi32, #tpu.memory_space<vmem>>
        %dma_wait3A_608 = tpu.memref_squeeze %dma_wait3A_607 : memref<1x128xi32, #tpu.memory_space<vmem>> -> memref<128xi32, #tpu.memory_space<vmem>>
        %dma_wait3A_609 = arith.constant 0 : i32
        %dma_wait3A_610 = arith.constant 0 : i32
        %dma_wait3A_611 = tpu.memref_slice %arg11[%dma_wait3A_609, %dma_wait3A_610] : memref<10112x16xf32, #tpu.memory_space<vmem_shared>> -> memref<10112x16xf32, #tpu.memory_space<vmem_shared>>
        %dma_wait3A_612 = tpu.memref_slice %arg13[%dma_wait3A_601] : memref<8x!tpu.dma_semaphore, #tpu.memory_space<semaphore_mem>> -> memref<1x!tpu.dma_semaphore, #tpu.memory_space<semaphore_mem>>
        %dma_wait3A_613 = tpu.memref_squeeze %dma_wait3A_612 : memref<1x!tpu.dma_semaphore, #tpu.memory_space<semaphore_mem>> -> memref<!tpu.dma_semaphore, #tpu.memory_space<semaphore_mem>>
        tpu.wait_indirect_dma semaphore(%dma_wait3A_613 : memref<!tpu.dma_semaphore, #tpu.memory_space<semaphore_mem>>) src(%dma_wait3A_605 : memref<128x16xf32, #tpu.memory_space<vmem>>) dst(%dma_wait3A_611 : memref<10112x16xf32, #tpu.memory_space<vmem_shared>>)
        %dma_start3A_614 = arith.constant 1 : i32
        %dma_start3A_615 = arith.constant 1 : i32
        %dma_start3A_616 = arith.constant 0 : i32
        %dma_start3A_617 = arith.constant 0 : i32
        %dma_start3A_618 = tpu.memref_slice %arg8[%dma_start3A_614, %dma_start3A_616, %dma_start3A_617] : memref<8x128x16xf32, #tpu.memory_space<vmem>> -> memref<1x128x16xf32, #tpu.memory_space<vmem>>
        %dma_start3A_619 = tpu.memref_squeeze %dma_start3A_618 : memref<1x128x16xf32, #tpu.memory_space<vmem>> -> memref<128x16xf32, #tpu.memory_space<vmem>>
        %dma_start3A_620 = arith.constant 0 : i32
        %dma_start3A_621 = tpu.memref_slice %arg6[%add3A_505, %dma_start3A_620] : memref<80x128xi32, #tpu.memory_space<vmem>> -> memref<1x128xi32, #tpu.memory_space<vmem>>
        %dma_start3A_622 = tpu.memref_squeeze %dma_start3A_621 : memref<1x128xi32, #tpu.memory_space<vmem>> -> memref<128xi32, #tpu.memory_space<vmem>>
        %dma_start3A_623 = arith.constant 0 : i32
        %dma_start3A_624 = arith.constant 0 : i32
        %dma_start3A_625 = tpu.memref_slice %arg10[%dma_start3A_623, %dma_start3A_624] : memref<10112x16xf32, #tpu.memory_space<vmem_shared>> -> memref<10112x16xf32, #tpu.memory_space<vmem_shared>>
        %dma_start3A_626 = tpu.memref_slice %arg12[%dma_start3A_615] : memref<8x!tpu.dma_semaphore, #tpu.memory_space<semaphore_mem>> -> memref<1x!tpu.dma_semaphore, #tpu.memory_space<semaphore_mem>>
        %dma_start3A_627 = tpu.memref_squeeze %dma_start3A_626 : memref<1x!tpu.dma_semaphore, #tpu.memory_space<semaphore_mem>> -> memref<!tpu.dma_semaphore, #tpu.memory_space<semaphore_mem>>
        tpu.enqueue_indirect_dma source(%dma_start3A_625 : memref<10112x16xf32, #tpu.memory_space<vmem_shared>>) target(%dma_start3A_619 : memref<128x16xf32, #tpu.memory_space<vmem>>) offsets(%dma_start3A_622 : memref<128xi32, #tpu.memory_space<vmem>>) semaphore(%dma_start3A_627 : memref<!tpu.dma_semaphore, #tpu.memory_space<semaphore_mem>>)
      } else {
      }
      %add3A_514 = arith.constant 6 : i32
      %add3A_515 = arith.addi %mul3A_266, %add3A_514 : i32
      %dma_wait3A_516 = arith.constant 6 : i32
      %dma_wait3A_517 = arith.constant 6 : i32
      %dma_wait3A_518 = arith.constant 0 : i32
      %dma_wait3A_519 = arith.constant 0 : i32
      %dma_wait3A_520 = tpu.memref_slice %arg8[%dma_wait3A_516, %dma_wait3A_518, %dma_wait3A_519] : memref<8x128x16xf32, #tpu.memory_space<vmem>> -> memref<1x128x16xf32, #tpu.memory_space<vmem>>
      %dma_wait3A_521 = tpu.memref_squeeze %dma_wait3A_520 : memref<1x128x16xf32, #tpu.memory_space<vmem>> -> memref<128x16xf32, #tpu.memory_space<vmem>>
      %dma_wait3A_522 = arith.constant 0 : i32
      %dma_wait3A_523 = tpu.memref_slice %arg6[%add3A_515, %dma_wait3A_522] : memref<80x128xi32, #tpu.memory_space<vmem>> -> memref<1x128xi32, #tpu.memory_space<vmem>>
      %dma_wait3A_524 = tpu.memref_squeeze %dma_wait3A_523 : memref<1x128xi32, #tpu.memory_space<vmem>> -> memref<128xi32, #tpu.memory_space<vmem>>
      %dma_wait3A_525 = arith.constant 0 : i32
      %dma_wait3A_526 = arith.constant 0 : i32
      %dma_wait3A_527 = tpu.memref_slice %arg10[%dma_wait3A_525, %dma_wait3A_526] : memref<10112x16xf32, #tpu.memory_space<vmem_shared>> -> memref<10112x16xf32, #tpu.memory_space<vmem_shared>>
      %dma_wait3A_528 = tpu.memref_slice %arg12[%dma_wait3A_517] : memref<8x!tpu.dma_semaphore, #tpu.memory_space<semaphore_mem>> -> memref<1x!tpu.dma_semaphore, #tpu.memory_space<semaphore_mem>>
      %dma_wait3A_529 = tpu.memref_squeeze %dma_wait3A_528 : memref<1x!tpu.dma_semaphore, #tpu.memory_space<semaphore_mem>> -> memref<!tpu.dma_semaphore, #tpu.memory_space<semaphore_mem>>
      tpu.wait_indirect_dma semaphore(%dma_wait3A_529 : memref<!tpu.dma_semaphore, #tpu.memory_space<semaphore_mem>>) src(%dma_wait3A_527 : memref<10112x16xf32, #tpu.memory_space<vmem_shared>>) dst(%dma_wait3A_521 : memref<128x16xf32, #tpu.memory_space<vmem>>)
      %dma_start3A_530 = arith.constant 6 : i32
      %dma_start3A_531 = arith.constant 6 : i32
      %dma_start3A_532 = arith.constant 0 : i32
      %dma_start3A_533 = arith.constant 0 : i32
      %dma_start3A_534 = tpu.memref_slice %arg8[%dma_start3A_530, %dma_start3A_532, %dma_start3A_533] : memref<8x128x16xf32, #tpu.memory_space<vmem>> -> memref<1x128x16xf32, #tpu.memory_space<vmem>>
      %dma_start3A_535 = tpu.memref_squeeze %dma_start3A_534 : memref<1x128x16xf32, #tpu.memory_space<vmem>> -> memref<128x16xf32, #tpu.memory_space<vmem>>
      %dma_start3A_536 = arith.constant 0 : i32
      %dma_start3A_537 = tpu.memref_slice %arg7[%add3A_515, %dma_start3A_536] : memref<80x128xi32, #tpu.memory_space<vmem>> -> memref<1x128xi32, #tpu.memory_space<vmem>>
      %dma_start3A_538 = tpu.memref_squeeze %dma_start3A_537 : memref<1x128xi32, #tpu.memory_space<vmem>> -> memref<128xi32, #tpu.memory_space<vmem>>
      %dma_start3A_539 = arith.constant 0 : i32
      %dma_start3A_540 = arith.constant 0 : i32
      %dma_start3A_541 = tpu.memref_slice %arg11[%dma_start3A_539, %dma_start3A_540] : memref<10112x16xf32, #tpu.memory_space<vmem_shared>> -> memref<10112x16xf32, #tpu.memory_space<vmem_shared>>
      %dma_start3A_542 = tpu.memref_slice %arg13[%dma_start3A_531] : memref<8x!tpu.dma_semaphore, #tpu.memory_space<semaphore_mem>> -> memref<1x!tpu.dma_semaphore, #tpu.memory_space<semaphore_mem>>
      %dma_start3A_543 = tpu.memref_squeeze %dma_start3A_542 : memref<1x!tpu.dma_semaphore, #tpu.memory_space<semaphore_mem>> -> memref<!tpu.dma_semaphore, #tpu.memory_space<semaphore_mem>>
      tpu.enqueue_indirect_dma source(%dma_start3A_535 : memref<128x16xf32, #tpu.memory_space<vmem>>) target(%dma_start3A_541 : memref<10112x16xf32, #tpu.memory_space<vmem_shared>>) offsets(%dma_start3A_538 : memref<128xi32, #tpu.memory_space<vmem>>) semaphore(%dma_start3A_543 : memref<!tpu.dma_semaphore, #tpu.memory_space<semaphore_mem>>) {add = true}
      %add3A_544 = arith.constant 2 : i32
      %add3A_545 = arith.addi %mul3A_266, %add3A_544 : i32
      %add3A_546 = arith.constant 8 : i32
      %add3A_547 = arith.addi %add3A_545, %add3A_546 : i32
      %ge3A_548 = arith.constant 8 : i32
      %ge3A_549 = arith.cmpi sge, %add3A_547, %ge3A_548 : i32
      %lt3A_550 = arith.constant 80 : i32
      %lt3A_551 = arith.cmpi slt, %add3A_547, %lt3A_550 : i32
      %and3A_552 = arith.andi %ge3A_549, %lt3A_551 : i1
      %convert_element_type3A_553 = arith.extui %and3A_552 : i1 to i32
      %cond3A_554 = arith.constant 0 : i32
      %cond3A_555 = arith.cmpi ne, %convert_element_type3A_553, %cond3A_554 : i32
      scf.if %cond3A_555 {
        %sub3A = arith.constant 8 : i32
        %sub3A_599 = arith.subi %add3A_547, %sub3A : i32
        %dma_wait3A_600 = arith.constant 2 : i32
        %dma_wait3A_601 = arith.constant 2 : i32
        %dma_wait3A_602 = arith.constant 0 : i32
        %dma_wait3A_603 = arith.constant 0 : i32
        %dma_wait3A_604 = tpu.memref_slice %arg8[%dma_wait3A_600, %dma_wait3A_602, %dma_wait3A_603] : memref<8x128x16xf32, #tpu.memory_space<vmem>> -> memref<1x128x16xf32, #tpu.memory_space<vmem>>
        %dma_wait3A_605 = tpu.memref_squeeze %dma_wait3A_604 : memref<1x128x16xf32, #tpu.memory_space<vmem>> -> memref<128x16xf32, #tpu.memory_space<vmem>>
        %dma_wait3A_606 = arith.constant 0 : i32
        %dma_wait3A_607 = tpu.memref_slice %arg7[%sub3A_599, %dma_wait3A_606] : memref<80x128xi32, #tpu.memory_space<vmem>> -> memref<1x128xi32, #tpu.memory_space<vmem>>
        %dma_wait3A_608 = tpu.memref_squeeze %dma_wait3A_607 : memref<1x128xi32, #tpu.memory_space<vmem>> -> memref<128xi32, #tpu.memory_space<vmem>>
        %dma_wait3A_609 = arith.constant 0 : i32
        %dma_wait3A_610 = arith.constant 0 : i32
        %dma_wait3A_611 = tpu.memref_slice %arg11[%dma_wait3A_609, %dma_wait3A_610] : memref<10112x16xf32, #tpu.memory_space<vmem_shared>> -> memref<10112x16xf32, #tpu.memory_space<vmem_shared>>
        %dma_wait3A_612 = tpu.memref_slice %arg13[%dma_wait3A_601] : memref<8x!tpu.dma_semaphore, #tpu.memory_space<semaphore_mem>> -> memref<1x!tpu.dma_semaphore, #tpu.memory_space<semaphore_mem>>
        %dma_wait3A_613 = tpu.memref_squeeze %dma_wait3A_612 : memref<1x!tpu.dma_semaphore, #tpu.memory_space<semaphore_mem>> -> memref<!tpu.dma_semaphore, #tpu.memory_space<semaphore_mem>>
        tpu.wait_indirect_dma semaphore(%dma_wait3A_613 : memref<!tpu.dma_semaphore, #tpu.memory_space<semaphore_mem>>) src(%dma_wait3A_605 : memref<128x16xf32, #tpu.memory_space<vmem>>) dst(%dma_wait3A_611 : memref<10112x16xf32, #tpu.memory_space<vmem_shared>>)
        %dma_start3A_614 = arith.constant 2 : i32
        %dma_start3A_615 = arith.constant 2 : i32
        %dma_start3A_616 = arith.constant 0 : i32
        %dma_start3A_617 = arith.constant 0 : i32
        %dma_start3A_618 = tpu.memref_slice %arg8[%dma_start3A_614, %dma_start3A_616, %dma_start3A_617] : memref<8x128x16xf32, #tpu.memory_space<vmem>> -> memref<1x128x16xf32, #tpu.memory_space<vmem>>
        %dma_start3A_619 = tpu.memref_squeeze %dma_start3A_618 : memref<1x128x16xf32, #tpu.memory_space<vmem>> -> memref<128x16xf32, #tpu.memory_space<vmem>>
        %dma_start3A_620 = arith.constant 0 : i32
        %dma_start3A_621 = tpu.memref_slice %arg6[%add3A_547, %dma_start3A_620] : memref<80x128xi32, #tpu.memory_space<vmem>> -> memref<1x128xi32, #tpu.memory_space<vmem>>
        %dma_start3A_622 = tpu.memref_squeeze %dma_start3A_621 : memref<1x128xi32, #tpu.memory_space<vmem>> -> memref<128xi32, #tpu.memory_space<vmem>>
        %dma_start3A_623 = arith.constant 0 : i32
        %dma_start3A_624 = arith.constant 0 : i32
        %dma_start3A_625 = tpu.memref_slice %arg10[%dma_start3A_623, %dma_start3A_624] : memref<10112x16xf32, #tpu.memory_space<vmem_shared>> -> memref<10112x16xf32, #tpu.memory_space<vmem_shared>>
        %dma_start3A_626 = tpu.memref_slice %arg12[%dma_start3A_615] : memref<8x!tpu.dma_semaphore, #tpu.memory_space<semaphore_mem>> -> memref<1x!tpu.dma_semaphore, #tpu.memory_space<semaphore_mem>>
        %dma_start3A_627 = tpu.memref_squeeze %dma_start3A_626 : memref<1x!tpu.dma_semaphore, #tpu.memory_space<semaphore_mem>> -> memref<!tpu.dma_semaphore, #tpu.memory_space<semaphore_mem>>
        tpu.enqueue_indirect_dma source(%dma_start3A_625 : memref<10112x16xf32, #tpu.memory_space<vmem_shared>>) target(%dma_start3A_619 : memref<128x16xf32, #tpu.memory_space<vmem>>) offsets(%dma_start3A_622 : memref<128xi32, #tpu.memory_space<vmem>>) semaphore(%dma_start3A_627 : memref<!tpu.dma_semaphore, #tpu.memory_space<semaphore_mem>>)
      } else {
      }
      %add3A_556 = arith.constant 7 : i32
      %add3A_557 = arith.addi %mul3A_266, %add3A_556 : i32
      %dma_wait3A_558 = arith.constant 7 : i32
      %dma_wait3A_559 = arith.constant 7 : i32
      %dma_wait3A_560 = arith.constant 0 : i32
      %dma_wait3A_561 = arith.constant 0 : i32
      %dma_wait3A_562 = tpu.memref_slice %arg8[%dma_wait3A_558, %dma_wait3A_560, %dma_wait3A_561] : memref<8x128x16xf32, #tpu.memory_space<vmem>> -> memref<1x128x16xf32, #tpu.memory_space<vmem>>
      %dma_wait3A_563 = tpu.memref_squeeze %dma_wait3A_562 : memref<1x128x16xf32, #tpu.memory_space<vmem>> -> memref<128x16xf32, #tpu.memory_space<vmem>>
      %dma_wait3A_564 = arith.constant 0 : i32
      %dma_wait3A_565 = tpu.memref_slice %arg6[%add3A_557, %dma_wait3A_564] : memref<80x128xi32, #tpu.memory_space<vmem>> -> memref<1x128xi32, #tpu.memory_space<vmem>>
      %dma_wait3A_566 = tpu.memref_squeeze %dma_wait3A_565 : memref<1x128xi32, #tpu.memory_space<vmem>> -> memref<128xi32, #tpu.memory_space<vmem>>
      %dma_wait3A_567 = arith.constant 0 : i32
      %dma_wait3A_568 = arith.constant 0 : i32
      %dma_wait3A_569 = tpu.memref_slice %arg10[%dma_wait3A_567, %dma_wait3A_568] : memref<10112x16xf32, #tpu.memory_space<vmem_shared>> -> memref<10112x16xf32, #tpu.memory_space<vmem_shared>>
      %dma_wait3A_570 = tpu.memref_slice %arg12[%dma_wait3A_559] : memref<8x!tpu.dma_semaphore, #tpu.memory_space<semaphore_mem>> -> memref<1x!tpu.dma_semaphore, #tpu.memory_space<semaphore_mem>>
      %dma_wait3A_571 = tpu.memref_squeeze %dma_wait3A_570 : memref<1x!tpu.dma_semaphore, #tpu.memory_space<semaphore_mem>> -> memref<!tpu.dma_semaphore, #tpu.memory_space<semaphore_mem>>
      tpu.wait_indirect_dma semaphore(%dma_wait3A_571 : memref<!tpu.dma_semaphore, #tpu.memory_space<semaphore_mem>>) src(%dma_wait3A_569 : memref<10112x16xf32, #tpu.memory_space<vmem_shared>>) dst(%dma_wait3A_563 : memref<128x16xf32, #tpu.memory_space<vmem>>)
      %dma_start3A_572 = arith.constant 7 : i32
      %dma_start3A_573 = arith.constant 7 : i32
      %dma_start3A_574 = arith.constant 0 : i32
      %dma_start3A_575 = arith.constant 0 : i32
      %dma_start3A_576 = tpu.memref_slice %arg8[%dma_start3A_572, %dma_start3A_574, %dma_start3A_575] : memref<8x128x16xf32, #tpu.memory_space<vmem>> -> memref<1x128x16xf32, #tpu.memory_space<vmem>>
      %dma_start3A_577 = tpu.memref_squeeze %dma_start3A_576 : memref<1x128x16xf32, #tpu.memory_space<vmem>> -> memref<128x16xf32, #tpu.memory_space<vmem>>
      %dma_start3A_578 = arith.constant 0 : i32
      %dma_start3A_579 = tpu.memref_slice %arg7[%add3A_557, %dma_start3A_578] : memref<80x128xi32, #tpu.memory_space<vmem>> -> memref<1x128xi32, #tpu.memory_space<vmem>>
      %dma_start3A_580 = tpu.memref_squeeze %dma_start3A_579 : memref<1x128xi32, #tpu.memory_space<vmem>> -> memref<128xi32, #tpu.memory_space<vmem>>
      %dma_start3A_581 = arith.constant 0 : i32
      %dma_start3A_582 = arith.constant 0 : i32
      %dma_start3A_583 = tpu.memref_slice %arg11[%dma_start3A_581, %dma_start3A_582] : memref<10112x16xf32, #tpu.memory_space<vmem_shared>> -> memref<10112x16xf32, #tpu.memory_space<vmem_shared>>
      %dma_start3A_584 = tpu.memref_slice %arg13[%dma_start3A_573] : memref<8x!tpu.dma_semaphore, #tpu.memory_space<semaphore_mem>> -> memref<1x!tpu.dma_semaphore, #tpu.memory_space<semaphore_mem>>
      %dma_start3A_585 = tpu.memref_squeeze %dma_start3A_584 : memref<1x!tpu.dma_semaphore, #tpu.memory_space<semaphore_mem>> -> memref<!tpu.dma_semaphore, #tpu.memory_space<semaphore_mem>>
      tpu.enqueue_indirect_dma source(%dma_start3A_577 : memref<128x16xf32, #tpu.memory_space<vmem>>) target(%dma_start3A_583 : memref<10112x16xf32, #tpu.memory_space<vmem_shared>>) offsets(%dma_start3A_580 : memref<128xi32, #tpu.memory_space<vmem>>) semaphore(%dma_start3A_585 : memref<!tpu.dma_semaphore, #tpu.memory_space<semaphore_mem>>) {add = true}
      %add3A_586 = arith.constant 3 : i32
      %add3A_587 = arith.addi %mul3A_266, %add3A_586 : i32
      %add3A_588 = arith.constant 8 : i32
      %add3A_589 = arith.addi %add3A_587, %add3A_588 : i32
      %ge3A_590 = arith.constant 8 : i32
      %ge3A_591 = arith.cmpi sge, %add3A_589, %ge3A_590 : i32
      %lt3A_592 = arith.constant 80 : i32
      %lt3A_593 = arith.cmpi slt, %add3A_589, %lt3A_592 : i32
      %and3A_594 = arith.andi %ge3A_591, %lt3A_593 : i1
      %convert_element_type3A_595 = arith.extui %and3A_594 : i1 to i32
      %cond3A_596 = arith.constant 0 : i32
      %cond3A_597 = arith.cmpi ne, %convert_element_type3A_595, %cond3A_596 : i32
      scf.if %cond3A_597 {
        %sub3A = arith.constant 8 : i32
        %sub3A_599 = arith.subi %add3A_589, %sub3A : i32
        %dma_wait3A_600 = arith.constant 3 : i32
        %dma_wait3A_601 = arith.constant 3 : i32
        %dma_wait3A_602 = arith.constant 0 : i32
        %dma_wait3A_603 = arith.constant 0 : i32
        %dma_wait3A_604 = tpu.memref_slice %arg8[%dma_wait3A_600, %dma_wait3A_602, %dma_wait3A_603] : memref<8x128x16xf32, #tpu.memory_space<vmem>> -> memref<1x128x16xf32, #tpu.memory_space<vmem>>
        %dma_wait3A_605 = tpu.memref_squeeze %dma_wait3A_604 : memref<1x128x16xf32, #tpu.memory_space<vmem>> -> memref<128x16xf32, #tpu.memory_space<vmem>>
        %dma_wait3A_606 = arith.constant 0 : i32
        %dma_wait3A_607 = tpu.memref_slice %arg7[%sub3A_599, %dma_wait3A_606] : memref<80x128xi32, #tpu.memory_space<vmem>> -> memref<1x128xi32, #tpu.memory_space<vmem>>
        %dma_wait3A_608 = tpu.memref_squeeze %dma_wait3A_607 : memref<1x128xi32, #tpu.memory_space<vmem>> -> memref<128xi32, #tpu.memory_space<vmem>>
        %dma_wait3A_609 = arith.constant 0 : i32
        %dma_wait3A_610 = arith.constant 0 : i32
        %dma_wait3A_611 = tpu.memref_slice %arg11[%dma_wait3A_609, %dma_wait3A_610] : memref<10112x16xf32, #tpu.memory_space<vmem_shared>> -> memref<10112x16xf32, #tpu.memory_space<vmem_shared>>
        %dma_wait3A_612 = tpu.memref_slice %arg13[%dma_wait3A_601] : memref<8x!tpu.dma_semaphore, #tpu.memory_space<semaphore_mem>> -> memref<1x!tpu.dma_semaphore, #tpu.memory_space<semaphore_mem>>
        %dma_wait3A_613 = tpu.memref_squeeze %dma_wait3A_612 : memref<1x!tpu.dma_semaphore, #tpu.memory_space<semaphore_mem>> -> memref<!tpu.dma_semaphore, #tpu.memory_space<semaphore_mem>>
        tpu.wait_indirect_dma semaphore(%dma_wait3A_613 : memref<!tpu.dma_semaphore, #tpu.memory_space<semaphore_mem>>) src(%dma_wait3A_605 : memref<128x16xf32, #tpu.memory_space<vmem>>) dst(%dma_wait3A_611 : memref<10112x16xf32, #tpu.memory_space<vmem_shared>>)
        %dma_start3A_614 = arith.constant 3 : i32
        %dma_start3A_615 = arith.constant 3 : i32
        %dma_start3A_616 = arith.constant 0 : i32
        %dma_start3A_617 = arith.constant 0 : i32
        %dma_start3A_618 = tpu.memref_slice %arg8[%dma_start3A_614, %dma_start3A_616, %dma_start3A_617] : memref<8x128x16xf32, #tpu.memory_space<vmem>> -> memref<1x128x16xf32, #tpu.memory_space<vmem>>
        %dma_start3A_619 = tpu.memref_squeeze %dma_start3A_618 : memref<1x128x16xf32, #tpu.memory_space<vmem>> -> memref<128x16xf32, #tpu.memory_space<vmem>>
        %dma_start3A_620 = arith.constant 0 : i32
        %dma_start3A_621 = tpu.memref_slice %arg6[%add3A_589, %dma_start3A_620] : memref<80x128xi32, #tpu.memory_space<vmem>> -> memref<1x128xi32, #tpu.memory_space<vmem>>
        %dma_start3A_622 = tpu.memref_squeeze %dma_start3A_621 : memref<1x128xi32, #tpu.memory_space<vmem>> -> memref<128xi32, #tpu.memory_space<vmem>>
        %dma_start3A_623 = arith.constant 0 : i32
        %dma_start3A_624 = arith.constant 0 : i32
        %dma_start3A_625 = tpu.memref_slice %arg10[%dma_start3A_623, %dma_start3A_624] : memref<10112x16xf32, #tpu.memory_space<vmem_shared>> -> memref<10112x16xf32, #tpu.memory_space<vmem_shared>>
        %dma_start3A_626 = tpu.memref_slice %arg12[%dma_start3A_615] : memref<8x!tpu.dma_semaphore, #tpu.memory_space<semaphore_mem>> -> memref<1x!tpu.dma_semaphore, #tpu.memory_space<semaphore_mem>>
        %dma_start3A_627 = tpu.memref_squeeze %dma_start3A_626 : memref<1x!tpu.dma_semaphore, #tpu.memory_space<semaphore_mem>> -> memref<!tpu.dma_semaphore, #tpu.memory_space<semaphore_mem>>
        tpu.enqueue_indirect_dma source(%dma_start3A_625 : memref<10112x16xf32, #tpu.memory_space<vmem_shared>>) target(%dma_start3A_619 : memref<128x16xf32, #tpu.memory_space<vmem>>) offsets(%dma_start3A_622 : memref<128xi32, #tpu.memory_space<vmem>>) semaphore(%dma_start3A_627 : memref<!tpu.dma_semaphore, #tpu.memory_space<semaphore_mem>>)
      } else {
      }
      %scan3A_598 = arith.constant 0 : i32
      scf.yield %scan3A_598 : i32
    }
    %scan3A_138 = arith.constant 10 : i32
    %dma_wait3A = arith.constant 0 : i32
    %dma_wait3A_139 = arith.constant 72 : i32
    %dma_wait3A_140 = arith.constant 0 : i32
    %dma_wait3A_141 = arith.constant 0 : i32
    %dma_wait3A_142 = arith.constant 0 : i32
    %dma_wait3A_143 = tpu.memref_slice %arg8[%dma_wait3A, %dma_wait3A_141, %dma_wait3A_142] : memref<8x128x16xf32, #tpu.memory_space<vmem>> -> memref<1x128x16xf32, #tpu.memory_space<vmem>>
    %dma_wait3A_144 = tpu.memref_squeeze %dma_wait3A_143 : memref<1x128x16xf32, #tpu.memory_space<vmem>> -> memref<128x16xf32, #tpu.memory_space<vmem>>
    %dma_wait3A_145 = arith.constant 0 : i32
    %dma_wait3A_146 = tpu.memref_slice %arg7[%dma_wait3A_139, %dma_wait3A_145] : memref<80x128xi32, #tpu.memory_space<vmem>> -> memref<1x128xi32, #tpu.memory_space<vmem>>
    %dma_wait3A_147 = tpu.memref_squeeze %dma_wait3A_146 : memref<1x128xi32, #tpu.memory_space<vmem>> -> memref<128xi32, #tpu.memory_space<vmem>>
    %dma_wait3A_148 = arith.constant 0 : i32
    %dma_wait3A_149 = arith.constant 0 : i32
    %dma_wait3A_150 = tpu.memref_slice %arg11[%dma_wait3A_148, %dma_wait3A_149] : memref<10112x16xf32, #tpu.memory_space<vmem_shared>> -> memref<10112x16xf32, #tpu.memory_space<vmem_shared>>
    %dma_wait3A_151 = tpu.memref_slice %arg13[%dma_wait3A_140] : memref<8x!tpu.dma_semaphore, #tpu.memory_space<semaphore_mem>> -> memref<1x!tpu.dma_semaphore, #tpu.memory_space<semaphore_mem>>
    %dma_wait3A_152 = tpu.memref_squeeze %dma_wait3A_151 : memref<1x!tpu.dma_semaphore, #tpu.memory_space<semaphore_mem>> -> memref<!tpu.dma_semaphore, #tpu.memory_space<semaphore_mem>>
    tpu.wait_indirect_dma semaphore(%dma_wait3A_152 : memref<!tpu.dma_semaphore, #tpu.memory_space<semaphore_mem>>) src(%dma_wait3A_144 : memref<128x16xf32, #tpu.memory_space<vmem>>) dst(%dma_wait3A_150 : memref<10112x16xf32, #tpu.memory_space<vmem_shared>>)
    %dma_wait3A_153 = arith.constant 1 : i32
    %dma_wait3A_154 = arith.constant 73 : i32
    %dma_wait3A_155 = arith.constant 1 : i32
    %dma_wait3A_156 = arith.constant 0 : i32
    %dma_wait3A_157 = arith.constant 0 : i32
    %dma_wait3A_158 = tpu.memref_slice %arg8[%dma_wait3A_153, %dma_wait3A_156, %dma_wait3A_157] : memref<8x128x16xf32, #tpu.memory_space<vmem>> -> memref<1x128x16xf32, #tpu.memory_space<vmem>>
    %dma_wait3A_159 = tpu.memref_squeeze %dma_wait3A_158 : memref<1x128x16xf32, #tpu.memory_space<vmem>> -> memref<128x16xf32, #tpu.memory_space<vmem>>
    %dma_wait3A_160 = arith.constant 0 : i32
    %dma_wait3A_161 = tpu.memref_slice %arg7[%dma_wait3A_154, %dma_wait3A_160] : memref<80x128xi32, #tpu.memory_space<vmem>> -> memref<1x128xi32, #tpu.memory_space<vmem>>
    %dma_wait3A_162 = tpu.memref_squeeze %dma_wait3A_161 : memref<1x128xi32, #tpu.memory_space<vmem>> -> memref<128xi32, #tpu.memory_space<vmem>>
    %dma_wait3A_163 = arith.constant 0 : i32
    %dma_wait3A_164 = arith.constant 0 : i32
    %dma_wait3A_165 = tpu.memref_slice %arg11[%dma_wait3A_163, %dma_wait3A_164] : memref<10112x16xf32, #tpu.memory_space<vmem_shared>> -> memref<10112x16xf32, #tpu.memory_space<vmem_shared>>
    %dma_wait3A_166 = tpu.memref_slice %arg13[%dma_wait3A_155] : memref<8x!tpu.dma_semaphore, #tpu.memory_space<semaphore_mem>> -> memref<1x!tpu.dma_semaphore, #tpu.memory_space<semaphore_mem>>
    %dma_wait3A_167 = tpu.memref_squeeze %dma_wait3A_166 : memref<1x!tpu.dma_semaphore, #tpu.memory_space<semaphore_mem>> -> memref<!tpu.dma_semaphore, #tpu.memory_space<semaphore_mem>>
    tpu.wait_indirect_dma semaphore(%dma_wait3A_167 : memref<!tpu.dma_semaphore, #tpu.memory_space<semaphore_mem>>) src(%dma_wait3A_159 : memref<128x16xf32, #tpu.memory_space<vmem>>) dst(%dma_wait3A_165 : memref<10112x16xf32, #tpu.memory_space<vmem_shared>>)
    %dma_wait3A_168 = arith.constant 2 : i32
    %dma_wait3A_169 = arith.constant 74 : i32
    %dma_wait3A_170 = arith.constant 2 : i32
    %dma_wait3A_171 = arith.constant 0 : i32
    %dma_wait3A_172 = arith.constant 0 : i32
    %dma_wait3A_173 = tpu.memref_slice %arg8[%dma_wait3A_168, %dma_wait3A_171, %dma_wait3A_172] : memref<8x128x16xf32, #tpu.memory_space<vmem>> -> memref<1x128x16xf32, #tpu.memory_space<vmem>>
    %dma_wait3A_174 = tpu.memref_squeeze %dma_wait3A_173 : memref<1x128x16xf32, #tpu.memory_space<vmem>> -> memref<128x16xf32, #tpu.memory_space<vmem>>
    %dma_wait3A_175 = arith.constant 0 : i32
    %dma_wait3A_176 = tpu.memref_slice %arg7[%dma_wait3A_169, %dma_wait3A_175] : memref<80x128xi32, #tpu.memory_space<vmem>> -> memref<1x128xi32, #tpu.memory_space<vmem>>
    %dma_wait3A_177 = tpu.memref_squeeze %dma_wait3A_176 : memref<1x128xi32, #tpu.memory_space<vmem>> -> memref<128xi32, #tpu.memory_space<vmem>>
    %dma_wait3A_178 = arith.constant 0 : i32
    %dma_wait3A_179 = arith.constant 0 : i32
    %dma_wait3A_180 = tpu.memref_slice %arg11[%dma_wait3A_178, %dma_wait3A_179] : memref<10112x16xf32, #tpu.memory_space<vmem_shared>> -> memref<10112x16xf32, #tpu.memory_space<vmem_shared>>
    %dma_wait3A_181 = tpu.memref_slice %arg13[%dma_wait3A_170] : memref<8x!tpu.dma_semaphore, #tpu.memory_space<semaphore_mem>> -> memref<1x!tpu.dma_semaphore, #tpu.memory_space<semaphore_mem>>
    %dma_wait3A_182 = tpu.memref_squeeze %dma_wait3A_181 : memref<1x!tpu.dma_semaphore, #tpu.memory_space<semaphore_mem>> -> memref<!tpu.dma_semaphore, #tpu.memory_space<semaphore_mem>>
    tpu.wait_indirect_dma semaphore(%dma_wait3A_182 : memref<!tpu.dma_semaphore, #tpu.memory_space<semaphore_mem>>) src(%dma_wait3A_174 : memref<128x16xf32, #tpu.memory_space<vmem>>) dst(%dma_wait3A_180 : memref<10112x16xf32, #tpu.memory_space<vmem_shared>>)
    %dma_wait3A_183 = arith.constant 3 : i32
    %dma_wait3A_184 = arith.constant 75 : i32
    %dma_wait3A_185 = arith.constant 3 : i32
    %dma_wait3A_186 = arith.constant 0 : i32
    %dma_wait3A_187 = arith.constant 0 : i32
    %dma_wait3A_188 = tpu.memref_slice %arg8[%dma_wait3A_183, %dma_wait3A_186, %dma_wait3A_187] : memref<8x128x16xf32, #tpu.memory_space<vmem>> -> memref<1x128x16xf32, #tpu.memory_space<vmem>>
    %dma_wait3A_189 = tpu.memref_squeeze %dma_wait3A_188 : memref<1x128x16xf32, #tpu.memory_space<vmem>> -> memref<128x16xf32, #tpu.memory_space<vmem>>
    %dma_wait3A_190 = arith.constant 0 : i32
    %dma_wait3A_191 = tpu.memref_slice %arg7[%dma_wait3A_184, %dma_wait3A_190] : memref<80x128xi32, #tpu.memory_space<vmem>> -> memref<1x128xi32, #tpu.memory_space<vmem>>
    %dma_wait3A_192 = tpu.memref_squeeze %dma_wait3A_191 : memref<1x128xi32, #tpu.memory_space<vmem>> -> memref<128xi32, #tpu.memory_space<vmem>>
    %dma_wait3A_193 = arith.constant 0 : i32
    %dma_wait3A_194 = arith.constant 0 : i32
    %dma_wait3A_195 = tpu.memref_slice %arg11[%dma_wait3A_193, %dma_wait3A_194] : memref<10112x16xf32, #tpu.memory_space<vmem_shared>> -> memref<10112x16xf32, #tpu.memory_space<vmem_shared>>
    %dma_wait3A_196 = tpu.memref_slice %arg13[%dma_wait3A_185] : memref<8x!tpu.dma_semaphore, #tpu.memory_space<semaphore_mem>> -> memref<1x!tpu.dma_semaphore, #tpu.memory_space<semaphore_mem>>
    %dma_wait3A_197 = tpu.memref_squeeze %dma_wait3A_196 : memref<1x!tpu.dma_semaphore, #tpu.memory_space<semaphore_mem>> -> memref<!tpu.dma_semaphore, #tpu.memory_space<semaphore_mem>>
    tpu.wait_indirect_dma semaphore(%dma_wait3A_197 : memref<!tpu.dma_semaphore, #tpu.memory_space<semaphore_mem>>) src(%dma_wait3A_189 : memref<128x16xf32, #tpu.memory_space<vmem>>) dst(%dma_wait3A_195 : memref<10112x16xf32, #tpu.memory_space<vmem_shared>>)
    %dma_wait3A_198 = arith.constant 4 : i32
    %dma_wait3A_199 = arith.constant 76 : i32
    %dma_wait3A_200 = arith.constant 4 : i32
    %dma_wait3A_201 = arith.constant 0 : i32
    %dma_wait3A_202 = arith.constant 0 : i32
    %dma_wait3A_203 = tpu.memref_slice %arg8[%dma_wait3A_198, %dma_wait3A_201, %dma_wait3A_202] : memref<8x128x16xf32, #tpu.memory_space<vmem>> -> memref<1x128x16xf32, #tpu.memory_space<vmem>>
    %dma_wait3A_204 = tpu.memref_squeeze %dma_wait3A_203 : memref<1x128x16xf32, #tpu.memory_space<vmem>> -> memref<128x16xf32, #tpu.memory_space<vmem>>
    %dma_wait3A_205 = arith.constant 0 : i32
    %dma_wait3A_206 = tpu.memref_slice %arg7[%dma_wait3A_199, %dma_wait3A_205] : memref<80x128xi32, #tpu.memory_space<vmem>> -> memref<1x128xi32, #tpu.memory_space<vmem>>
    %dma_wait3A_207 = tpu.memref_squeeze %dma_wait3A_206 : memref<1x128xi32, #tpu.memory_space<vmem>> -> memref<128xi32, #tpu.memory_space<vmem>>
    %dma_wait3A_208 = arith.constant 0 : i32
    %dma_wait3A_209 = arith.constant 0 : i32
    %dma_wait3A_210 = tpu.memref_slice %arg11[%dma_wait3A_208, %dma_wait3A_209] : memref<10112x16xf32, #tpu.memory_space<vmem_shared>> -> memref<10112x16xf32, #tpu.memory_space<vmem_shared>>
    %dma_wait3A_211 = tpu.memref_slice %arg13[%dma_wait3A_200] : memref<8x!tpu.dma_semaphore, #tpu.memory_space<semaphore_mem>> -> memref<1x!tpu.dma_semaphore, #tpu.memory_space<semaphore_mem>>
    %dma_wait3A_212 = tpu.memref_squeeze %dma_wait3A_211 : memref<1x!tpu.dma_semaphore, #tpu.memory_space<semaphore_mem>> -> memref<!tpu.dma_semaphore, #tpu.memory_space<semaphore_mem>>
    tpu.wait_indirect_dma semaphore(%dma_wait3A_212 : memref<!tpu.dma_semaphore, #tpu.memory_space<semaphore_mem>>) src(%dma_wait3A_204 : memref<128x16xf32, #tpu.memory_space<vmem>>) dst(%dma_wait3A_210 : memref<10112x16xf32, #tpu.memory_space<vmem_shared>>)
    %dma_wait3A_213 = arith.constant 5 : i32
    %dma_wait3A_214 = arith.constant 77 : i32
    %dma_wait3A_215 = arith.constant 5 : i32
    %dma_wait3A_216 = arith.constant 0 : i32
    %dma_wait3A_217 = arith.constant 0 : i32
    %dma_wait3A_218 = tpu.memref_slice %arg8[%dma_wait3A_213, %dma_wait3A_216, %dma_wait3A_217] : memref<8x128x16xf32, #tpu.memory_space<vmem>> -> memref<1x128x16xf32, #tpu.memory_space<vmem>>
    %dma_wait3A_219 = tpu.memref_squeeze %dma_wait3A_218 : memref<1x128x16xf32, #tpu.memory_space<vmem>> -> memref<128x16xf32, #tpu.memory_space<vmem>>
    %dma_wait3A_220 = arith.constant 0 : i32
    %dma_wait3A_221 = tpu.memref_slice %arg7[%dma_wait3A_214, %dma_wait3A_220] : memref<80x128xi32, #tpu.memory_space<vmem>> -> memref<1x128xi32, #tpu.memory_space<vmem>>
    %dma_wait3A_222 = tpu.memref_squeeze %dma_wait3A_221 : memref<1x128xi32, #tpu.memory_space<vmem>> -> memref<128xi32, #tpu.memory_space<vmem>>
    %dma_wait3A_223 = arith.constant 0 : i32
    %dma_wait3A_224 = arith.constant 0 : i32
    %dma_wait3A_225 = tpu.memref_slice %arg11[%dma_wait3A_223, %dma_wait3A_224] : memref<10112x16xf32, #tpu.memory_space<vmem_shared>> -> memref<10112x16xf32, #tpu.memory_space<vmem_shared>>
    %dma_wait3A_226 = tpu.memref_slice %arg13[%dma_wait3A_215] : memref<8x!tpu.dma_semaphore, #tpu.memory_space<semaphore_mem>> -> memref<1x!tpu.dma_semaphore, #tpu.memory_space<semaphore_mem>>
    %dma_wait3A_227 = tpu.memref_squeeze %dma_wait3A_226 : memref<1x!tpu.dma_semaphore, #tpu.memory_space<semaphore_mem>> -> memref<!tpu.dma_semaphore, #tpu.memory_space<semaphore_mem>>
    tpu.wait_indirect_dma semaphore(%dma_wait3A_227 : memref<!tpu.dma_semaphore, #tpu.memory_space<semaphore_mem>>) src(%dma_wait3A_219 : memref<128x16xf32, #tpu.memory_space<vmem>>) dst(%dma_wait3A_225 : memref<10112x16xf32, #tpu.memory_space<vmem_shared>>)
    %dma_wait3A_228 = arith.constant 6 : i32
    %dma_wait3A_229 = arith.constant 78 : i32
    %dma_wait3A_230 = arith.constant 6 : i32
    %dma_wait3A_231 = arith.constant 0 : i32
    %dma_wait3A_232 = arith.constant 0 : i32
    %dma_wait3A_233 = tpu.memref_slice %arg8[%dma_wait3A_228, %dma_wait3A_231, %dma_wait3A_232] : memref<8x128x16xf32, #tpu.memory_space<vmem>> -> memref<1x128x16xf32, #tpu.memory_space<vmem>>
    %dma_wait3A_234 = tpu.memref_squeeze %dma_wait3A_233 : memref<1x128x16xf32, #tpu.memory_space<vmem>> -> memref<128x16xf32, #tpu.memory_space<vmem>>
    %dma_wait3A_235 = arith.constant 0 : i32
    %dma_wait3A_236 = tpu.memref_slice %arg7[%dma_wait3A_229, %dma_wait3A_235] : memref<80x128xi32, #tpu.memory_space<vmem>> -> memref<1x128xi32, #tpu.memory_space<vmem>>
    %dma_wait3A_237 = tpu.memref_squeeze %dma_wait3A_236 : memref<1x128xi32, #tpu.memory_space<vmem>> -> memref<128xi32, #tpu.memory_space<vmem>>
    %dma_wait3A_238 = arith.constant 0 : i32
    %dma_wait3A_239 = arith.constant 0 : i32
    %dma_wait3A_240 = tpu.memref_slice %arg11[%dma_wait3A_238, %dma_wait3A_239] : memref<10112x16xf32, #tpu.memory_space<vmem_shared>> -> memref<10112x16xf32, #tpu.memory_space<vmem_shared>>
    %dma_wait3A_241 = tpu.memref_slice %arg13[%dma_wait3A_230] : memref<8x!tpu.dma_semaphore, #tpu.memory_space<semaphore_mem>> -> memref<1x!tpu.dma_semaphore, #tpu.memory_space<semaphore_mem>>
    %dma_wait3A_242 = tpu.memref_squeeze %dma_wait3A_241 : memref<1x!tpu.dma_semaphore, #tpu.memory_space<semaphore_mem>> -> memref<!tpu.dma_semaphore, #tpu.memory_space<semaphore_mem>>
    tpu.wait_indirect_dma semaphore(%dma_wait3A_242 : memref<!tpu.dma_semaphore, #tpu.memory_space<semaphore_mem>>) src(%dma_wait3A_234 : memref<128x16xf32, #tpu.memory_space<vmem>>) dst(%dma_wait3A_240 : memref<10112x16xf32, #tpu.memory_space<vmem_shared>>)
    %dma_wait3A_243 = arith.constant 7 : i32
    %dma_wait3A_244 = arith.constant 79 : i32
    %dma_wait3A_245 = arith.constant 7 : i32
    %dma_wait3A_246 = arith.constant 0 : i32
    %dma_wait3A_247 = arith.constant 0 : i32
    %dma_wait3A_248 = tpu.memref_slice %arg8[%dma_wait3A_243, %dma_wait3A_246, %dma_wait3A_247] : memref<8x128x16xf32, #tpu.memory_space<vmem>> -> memref<1x128x16xf32, #tpu.memory_space<vmem>>
    %dma_wait3A_249 = tpu.memref_squeeze %dma_wait3A_248 : memref<1x128x16xf32, #tpu.memory_space<vmem>> -> memref<128x16xf32, #tpu.memory_space<vmem>>
    %dma_wait3A_250 = arith.constant 0 : i32
    %dma_wait3A_251 = tpu.memref_slice %arg7[%dma_wait3A_244, %dma_wait3A_250] : memref<80x128xi32, #tpu.memory_space<vmem>> -> memref<1x128xi32, #tpu.memory_space<vmem>>
    %dma_wait3A_252 = tpu.memref_squeeze %dma_wait3A_251 : memref<1x128xi32, #tpu.memory_space<vmem>> -> memref<128xi32, #tpu.memory_space<vmem>>
    %dma_wait3A_253 = arith.constant 0 : i32
    %dma_wait3A_254 = arith.constant 0 : i32
    %dma_wait3A_255 = tpu.memref_slice %arg11[%dma_wait3A_253, %dma_wait3A_254] : memref<10112x16xf32, #tpu.memory_space<vmem_shared>> -> memref<10112x16xf32, #tpu.memory_space<vmem_shared>>
    %dma_wait3A_256 = tpu.memref_slice %arg13[%dma_wait3A_245] : memref<8x!tpu.dma_semaphore, #tpu.memory_space<semaphore_mem>> -> memref<1x!tpu.dma_semaphore, #tpu.memory_space<semaphore_mem>>
    %dma_wait3A_257 = tpu.memref_squeeze %dma_wait3A_256 : memref<1x!tpu.dma_semaphore, #tpu.memory_space<semaphore_mem>> -> memref<!tpu.dma_semaphore, #tpu.memory_space<semaphore_mem>>
    tpu.wait_indirect_dma semaphore(%dma_wait3A_257 : memref<!tpu.dma_semaphore, #tpu.memory_space<semaphore_mem>>) src(%dma_wait3A_249 : memref<128x16xf32, #tpu.memory_space<vmem>>) dst(%dma_wait3A_255 : memref<10112x16xf32, #tpu.memory_space<vmem_shared>>)
    %barrier3A_258 = arith.constant 0 : index
    tpu.barrier barrier_id(%barrier3A_258)
    %mul3A_259 = arith.constant 632 : i32
    %mul3A_260 = arith.muli %arg1, %mul3A_259 : i32
    %mul3A_261 = arith.constant 632 : i32
    %mul3A_262 = arith.muli %arg1, %mul3A_261 : i32
    "tpu.region"() ({
      %run_scoped3A = tpu.sem_alloc : memref<!tpu.dma_semaphore, #tpu.memory_space<semaphore_mem>>
      %dma_start3A_263 = arith.constant 0 : i32
      %dma_start3A_264 = tpu.memref_slice %arg5[%arg0, %mul3A_262, %dma_start3A_263] : memref<2x10112x16xf32, #tpu.memory_space<hbm>> -> memref<1x632x16xf32, #tpu.memory_space<hbm>>
      %dma_start3A_265 = tpu.memref_squeeze %dma_start3A_264 : memref<1x632x16xf32, #tpu.memory_space<hbm>> -> memref<632x16xf32, #tpu.memory_space<hbm>>
      %dma_start3A_266 = arith.constant 0 : i32
      %dma_start3A_267 = tpu.memref_slice %arg11[%mul3A_260, %dma_start3A_266] : memref<10112x16xf32, #tpu.memory_space<vmem_shared>> -> memref<632x16xf32, #tpu.memory_space<vmem_shared>>
      tpu.enqueue_dma source(%dma_start3A_267 : memref<632x16xf32, #tpu.memory_space<vmem_shared>>) target(%dma_start3A_265 : memref<632x16xf32, #tpu.memory_space<hbm>>) target_semaphore(%run_scoped3A : memref<!tpu.dma_semaphore, #tpu.memory_space<semaphore_mem>>)
      %dma_wait3A_268 = arith.constant 0 : i32
      %dma_wait3A_269 = tpu.memref_slice %arg5[%arg0, %mul3A_262, %dma_wait3A_268] : memref<2x10112x16xf32, #tpu.memory_space<hbm>> -> memref<1x632x16xf32, #tpu.memory_space<hbm>>
      %dma_wait3A_270 = tpu.memref_squeeze %dma_wait3A_269 : memref<1x632x16xf32, #tpu.memory_space<hbm>> -> memref<632x16xf32, #tpu.memory_space<hbm>>
      %dma_wait3A_271 = arith.constant 0 : i32
      %dma_wait3A_272 = tpu.memref_slice %arg11[%mul3A_260, %dma_wait3A_271] : memref<10112x16xf32, #tpu.memory_space<vmem_shared>> -> memref<632x16xf32, #tpu.memory_space<vmem_shared>>
      tpu.wait_dma2 semaphore(%run_scoped3A : memref<!tpu.dma_semaphore, #tpu.memory_space<semaphore_mem>>) src(%dma_wait3A_272 : memref<632x16xf32, #tpu.memory_space<vmem_shared>>) dst(%dma_wait3A_270 : memref<632x16xf32, #tpu.memory_space<hbm>>)
      tpu.yield
    }) : () -> ()
    return
  }
}

#map = affine_map<(d0, d1) -> (0, 0)>
#map1 = affine_map<(d0, d1) -> (0, 0, 0)>
module attributes {stable_mosaic.version = 14 : i64} {
  func.func @_sc_seg_sum_body(%arg0: i32, %arg1: i32, %arg2: memref<10112x16xf32, #tpu.memory_space<hbm>>, %arg3: memref<32x80x128xi32, #tpu.memory_space<hbm>>, %arg4: memref<32x80x128xi32, #tpu.memory_space<hbm>>, %arg5: memref<2x10112x16xf32, #tpu.memory_space<hbm>>, %arg6: memref<2x10112x16xf32, #tpu.memory_space<hbm>>, %arg7: memref<80x128xi32, #tpu.memory_space<vmem>>, %arg8: memref<80x128xi32, #tpu.memory_space<vmem>>, %arg9: memref<8x128x16xf32, #tpu.memory_space<vmem>>, %arg10: memref<128x16xf32, #tpu.memory_space<vmem>>, %arg11: memref<632x16xf32, #tpu.memory_space<vmem>>, %arg12: memref<10112x16xf32, #tpu.memory_space<vmem_shared>>, %arg13: memref<10112x16xf32, #tpu.memory_space<vmem_shared>>, %arg14: memref<10112x16xf32, #tpu.memory_space<vmem_shared>>, %arg15: memref<8x!tpu.dma_semaphore, #tpu.memory_space<semaphore_mem>>, %arg16: memref<8x!tpu.dma_semaphore, #tpu.memory_space<semaphore_mem>>, %arg17: memref<8x!tpu.dma_semaphore, #tpu.memory_space<semaphore_mem>>) attributes {dimension_semantics = [#tpu.dimension_semantics<core_parallel>, #tpu.dimension_semantics<subcore_parallel>], iteration_bounds = array<i64: 2, 16>, scalar_prefetch = 0 : i64, scratch_operands = 11 : i64, tpu.core_type = #tpu.core_type<sc_vector_subcore>, window_params = [{transform_indices = #map}, {transform_indices = #map1}, {transform_indices = #map1}, {transform_indices = #map1}, {transform_indices = #map1}]} {
    %mul3A = arith.constant 2 : i32
    %mul3A_0 = arith.muli %arg1, %mul3A : i32
    %add3A = arith.addi %mul3A_0, %arg0 : i32
    %scan3A = arith.constant 0 : i32
    %scan3A_1 = arith.constant 0 : i32
    %scan3A_2 = arith.constant 632 : i32
    %scan3A_3 = arith.addi %scan3A_1, %scan3A_2 : i32
    %scan3A_4 = arith.constant 1 : i32
    %scan3A_5 = scf.for %scan3A_356 = %scan3A_1 to %scan3A_3 step %scan3A_4 iter_args(%scan3A_357 = %scan3A) -> (i32)  : i32 {
      %broadcast_in_dim3A = arith.constant 0.000000e+00 : f32
      %broadcast_in_dim3A_358 = vector.broadcast %broadcast_in_dim3A : f32 to vector<16xf32>
      %swap3A = arith.index_cast %scan3A_356 : i32 to index
      %swap3A_359 = arith.constant 0 : index
      %swap3A_360 = tpu.vector_load %arg11[%swap3A, %swap3A_359] {strides = array<i32>} : memref<632x16xf32, #tpu.memory_space<vmem>>, vector<1x16xf32>,
      %swap3A_361 = vector.shape_cast %swap3A_360 : vector<1x16xf32> to vector<16xf32>
      %swap3A_362 = vector.shape_cast %broadcast_in_dim3A_358 : vector<16xf32> to vector<1x16xf32>
      tpu.vector_store %arg11[%swap3A, %swap3A_359], %swap3A_362 {strides = array<i32>} : memref<632x16xf32, #tpu.memory_space<vmem>>, vector<1x16xf32>,
      %scan3A_363 = arith.constant 0 : i32
      scf.yield %scan3A_363 : i32
    }
    %scan3A_6 = arith.constant 632 : i32
    %mul3A_7 = arith.constant 632 : i32
    %mul3A_8 = arith.muli %arg1, %mul3A_7 : i32
    "tpu.region"() ({
      %run_scoped3A = tpu.sem_alloc : memref<!tpu.dma_semaphore, #tpu.memory_space<semaphore_mem>>
      %dma_start3A_356 = arith.constant 0 : i32
      %dma_start3A_357 = tpu.memref_slice %arg13[%mul3A_8, %dma_start3A_356] : memref<10112x16xf32, #tpu.memory_space<vmem_shared>> -> memref<632x16xf32, #tpu.memory_space<vmem_shared>>
      %dma_start3A_358 = arith.constant 0 : i32
      %dma_start3A_359 = tpu.memref_slice %arg13[%mul3A_8, %dma_start3A_358] : memref<10112x16xf32, #tpu.memory_space<vmem_shared>> -> memref<632x16xf32, #tpu.memory_space<vmem_shared>>
      tpu.enqueue_dma source(%arg11 : memref<632x16xf32, #tpu.memory_space<vmem>>) target(%dma_start3A_359 : memref<632x16xf32, #tpu.memory_space<vmem_shared>>) target_semaphore(%run_scoped3A : memref<!tpu.dma_semaphore, #tpu.memory_space<semaphore_mem>>)
      %dma_wait3A_360 = arith.constant 0 : i32
      %dma_wait3A_361 = tpu.memref_slice %arg13[%mul3A_8, %dma_wait3A_360] : memref<10112x16xf32, #tpu.memory_space<vmem_shared>> -> memref<632x16xf32, #tpu.memory_space<vmem_shared>>
      %dma_wait3A_362 = arith.constant 0 : i32
      %dma_wait3A_363 = tpu.memref_slice %arg13[%mul3A_8, %dma_wait3A_362] : memref<10112x16xf32, #tpu.memory_space<vmem_shared>> -> memref<632x16xf32, #tpu.memory_space<vmem_shared>>
      tpu.wait_dma2 semaphore(%run_scoped3A : memref<!tpu.dma_semaphore, #tpu.memory_space<semaphore_mem>>) src(%arg11 : memref<632x16xf32, #tpu.memory_space<vmem>>) dst(%dma_wait3A_363 : memref<632x16xf32, #tpu.memory_space<vmem_shared>>)
      tpu.yield
    }) : () -> ()
    %scan3A_9 = arith.constant 0 : i32
    %scan3A_10 = arith.constant 0 : i32
    %scan3A_11 = arith.constant 128 : i32
    %scan3A_12 = arith.addi %scan3A_10, %scan3A_11 : i32
    %scan3A_13 = arith.constant 1 : i32
    %scan3A_14 = scf.for %scan3A_356 = %scan3A_10 to %scan3A_12 step %scan3A_13 iter_args(%scan3A_357 = %scan3A_9) -> (i32)  : i32 {
      %broadcast_in_dim3A = arith.constant 1.000000e+00 : f32
      %broadcast_in_dim3A_358 = vector.broadcast %broadcast_in_dim3A : f32 to vector<16xf32>
      %swap3A = arith.index_cast %scan3A_356 : i32 to index
      %swap3A_359 = arith.constant 0 : index
      %swap3A_360 = tpu.vector_load %arg10[%swap3A, %swap3A_359] {strides = array<i32>} : memref<128x16xf32, #tpu.memory_space<vmem>>, vector<1x16xf32>,
      %swap3A_361 = vector.shape_cast %swap3A_360 : vector<1x16xf32> to vector<16xf32>
      %swap3A_362 = vector.shape_cast %broadcast_in_dim3A_358 : vector<16xf32> to vector<1x16xf32>
      tpu.vector_store %arg10[%swap3A, %swap3A_359], %swap3A_362 {strides = array<i32>} : memref<128x16xf32, #tpu.memory_space<vmem>>, vector<1x16xf32>,
      %scan3A_363 = arith.constant 0 : i32
      scf.yield %scan3A_363 : i32
    }
    %scan3A_15 = arith.constant 128 : i32
    %mul3A_16 = arith.constant 632 : i32
    %mul3A_17 = arith.muli %arg1, %mul3A_16 : i32
    "tpu.region"() ({
      %run_scoped3A = tpu.sem_alloc : memref<!tpu.dma_semaphore, #tpu.memory_space<semaphore_mem>>
      %dma_start3A_356 = arith.constant 0 : i32
      %dma_start3A_357 = tpu.memref_slice %arg14[%mul3A_17, %dma_start3A_356] : memref<10112x16xf32, #tpu.memory_space<vmem_shared>> -> memref<632x16xf32, #tpu.memory_space<vmem_shared>>
      %dma_start3A_358 = arith.constant 0 : i32
      %dma_start3A_359 = tpu.memref_slice %arg14[%mul3A_17, %dma_start3A_358] : memref<10112x16xf32, #tpu.memory_space<vmem_shared>> -> memref<632x16xf32, #tpu.memory_space<vmem_shared>>
      tpu.enqueue_dma source(%arg11 : memref<632x16xf32, #tpu.memory_space<vmem>>) target(%dma_start3A_359 : memref<632x16xf32, #tpu.memory_space<vmem_shared>>) target_semaphore(%run_scoped3A : memref<!tpu.dma_semaphore, #tpu.memory_space<semaphore_mem>>)
      %dma_wait3A_360 = arith.constant 0 : i32
      %dma_wait3A_361 = tpu.memref_slice %arg14[%mul3A_17, %dma_wait3A_360] : memref<10112x16xf32, #tpu.memory_space<vmem_shared>> -> memref<632x16xf32, #tpu.memory_space<vmem_shared>>
      %dma_wait3A_362 = arith.constant 0 : i32
      %dma_wait3A_363 = tpu.memref_slice %arg14[%mul3A_17, %dma_wait3A_362] : memref<10112x16xf32, #tpu.memory_space<vmem_shared>> -> memref<632x16xf32, #tpu.memory_space<vmem_shared>>
      tpu.wait_dma2 semaphore(%run_scoped3A : memref<!tpu.dma_semaphore, #tpu.memory_space<semaphore_mem>>) src(%arg11 : memref<632x16xf32, #tpu.memory_space<vmem>>) dst(%dma_wait3A_363 : memref<632x16xf32, #tpu.memory_space<vmem_shared>>)
      tpu.yield
    }) : () -> ()
    "tpu.region"() ({
      %run_scoped3A = tpu.sem_alloc : memref<!tpu.dma_semaphore, #tpu.memory_space<semaphore_mem>>
      %dma_start3A_356 = arith.constant 0 : i32
      %dma_start3A_357 = arith.constant 0 : i32
      %dma_start3A_358 = tpu.memref_slice %arg3[%add3A, %dma_start3A_356, %dma_start3A_357] : memref<32x80x128xi32, #tpu.memory_space<hbm>> -> memref<1x80x128xi32, #tpu.memory_space<hbm>>
      %dma_start3A_359 = tpu.memref_squeeze %dma_start3A_358 : memref<1x80x128xi32, #tpu.memory_space<hbm>> -> memref<80x128xi32, #tpu.memory_space<hbm>>
      %dma_start3A_360 = arith.constant 0 : i32
      %dma_start3A_361 = arith.constant 0 : i32
      %dma_start3A_362 = tpu.memref_slice %arg3[%add3A, %dma_start3A_360, %dma_start3A_361] : memref<32x80x128xi32, #tpu.memory_space<hbm>> -> memref<1x80x128xi32, #tpu.memory_space<hbm>>
      %dma_start3A_363 = tpu.memref_squeeze %dma_start3A_362 : memref<1x80x128xi32, #tpu.memory_space<hbm>> -> memref<80x128xi32, #tpu.memory_space<hbm>>
      tpu.enqueue_dma source(%dma_start3A_363 : memref<80x128xi32, #tpu.memory_space<hbm>>) target(%arg7 : memref<80x128xi32, #tpu.memory_space<vmem>>) target_semaphore(%run_scoped3A : memref<!tpu.dma_semaphore, #tpu.memory_space<semaphore_mem>>)
      %dma_wait3A_364 = arith.constant 0 : i32
      %dma_wait3A_365 = arith.constant 0 : i32
      %dma_wait3A_366 = tpu.memref_slice %arg3[%add3A, %dma_wait3A_364, %dma_wait3A_365] : memref<32x80x128xi32, #tpu.memory_space<hbm>> -> memref<1x80x128xi32, #tpu.memory_space<hbm>>
      %dma_wait3A_367 = tpu.memref_squeeze %dma_wait3A_366 : memref<1x80x128xi32, #tpu.memory_space<hbm>> -> memref<80x128xi32, #tpu.memory_space<hbm>>
      %dma_wait3A_368 = arith.constant 0 : i32
      %dma_wait3A_369 = arith.constant 0 : i32
      %dma_wait3A_370 = tpu.memref_slice %arg3[%add3A, %dma_wait3A_368, %dma_wait3A_369] : memref<32x80x128xi32, #tpu.memory_space<hbm>> -> memref<1x80x128xi32, #tpu.memory_space<hbm>>
      %dma_wait3A_371 = tpu.memref_squeeze %dma_wait3A_370 : memref<1x80x128xi32, #tpu.memory_space<hbm>> -> memref<80x128xi32, #tpu.memory_space<hbm>>
      tpu.wait_dma2 semaphore(%run_scoped3A : memref<!tpu.dma_semaphore, #tpu.memory_space<semaphore_mem>>) src(%dma_wait3A_371 : memref<80x128xi32, #tpu.memory_space<hbm>>) dst(%arg7 : memref<80x128xi32, #tpu.memory_space<vmem>>)
      tpu.yield
    }) : () -> ()
    "tpu.region"() ({
      %run_scoped3A = tpu.sem_alloc : memref<!tpu.dma_semaphore, #tpu.memory_space<semaphore_mem>>
      %dma_start3A_356 = arith.constant 0 : i32
      %dma_start3A_357 = arith.constant 0 : i32
      %dma_start3A_358 = tpu.memref_slice %arg4[%add3A, %dma_start3A_356, %dma_start3A_357] : memref<32x80x128xi32, #tpu.memory_space<hbm>> -> memref<1x80x128xi32, #tpu.memory_space<hbm>>
      %dma_start3A_359 = tpu.memref_squeeze %dma_start3A_358 : memref<1x80x128xi32, #tpu.memory_space<hbm>> -> memref<80x128xi32, #tpu.memory_space<hbm>>
      %dma_start3A_360 = arith.constant 0 : i32
      %dma_start3A_361 = arith.constant 0 : i32
      %dma_start3A_362 = tpu.memref_slice %arg4[%add3A, %dma_start3A_360, %dma_start3A_361] : memref<32x80x128xi32, #tpu.memory_space<hbm>> -> memref<1x80x128xi32, #tpu.memory_space<hbm>>
      %dma_start3A_363 = tpu.memref_squeeze %dma_start3A_362 : memref<1x80x128xi32, #tpu.memory_space<hbm>> -> memref<80x128xi32, #tpu.memory_space<hbm>>
      tpu.enqueue_dma source(%dma_start3A_363 : memref<80x128xi32, #tpu.memory_space<hbm>>) target(%arg8 : memref<80x128xi32, #tpu.memory_space<vmem>>) target_semaphore(%run_scoped3A : memref<!tpu.dma_semaphore, #tpu.memory_space<semaphore_mem>>)
      %dma_wait3A_364 = arith.constant 0 : i32
      %dma_wait3A_365 = arith.constant 0 : i32
      %dma_wait3A_366 = tpu.memref_slice %arg4[%add3A, %dma_wait3A_364, %dma_wait3A_365] : memref<32x80x128xi32, #tpu.memory_space<hbm>> -> memref<1x80x128xi32, #tpu.memory_space<hbm>>
      %dma_wait3A_367 = tpu.memref_squeeze %dma_wait3A_366 : memref<1x80x128xi32, #tpu.memory_space<hbm>> -> memref<80x128xi32, #tpu.memory_space<hbm>>
      %dma_wait3A_368 = arith.constant 0 : i32
      %dma_wait3A_369 = arith.constant 0 : i32
      %dma_wait3A_370 = tpu.memref_slice %arg4[%add3A, %dma_wait3A_368, %dma_wait3A_369] : memref<32x80x128xi32, #tpu.memory_space<hbm>> -> memref<1x80x128xi32, #tpu.memory_space<hbm>>
      %dma_wait3A_371 = tpu.memref_squeeze %dma_wait3A_370 : memref<1x80x128xi32, #tpu.memory_space<hbm>> -> memref<80x128xi32, #tpu.memory_space<hbm>>
      tpu.wait_dma2 semaphore(%run_scoped3A : memref<!tpu.dma_semaphore, #tpu.memory_space<semaphore_mem>>) src(%dma_wait3A_371 : memref<80x128xi32, #tpu.memory_space<hbm>>) dst(%arg8 : memref<80x128xi32, #tpu.memory_space<vmem>>)
      tpu.yield
    }) : () -> ()
    %mul3A_18 = arith.constant 632 : i32
    %mul3A_19 = arith.muli %arg1, %mul3A_18 : i32
    %mul3A_20 = arith.constant 632 : i32
    %mul3A_21 = arith.muli %arg1, %mul3A_20 : i32
    "tpu.region"() ({
      %run_scoped3A = tpu.sem_alloc : memref<!tpu.dma_semaphore, #tpu.memory_space<semaphore_mem>>
      %dma_start3A_356 = arith.constant 0 : i32
      %dma_start3A_357 = tpu.memref_slice %arg12[%mul3A_21, %dma_start3A_356] : memref<10112x16xf32, #tpu.memory_space<vmem_shared>> -> memref<632x16xf32, #tpu.memory_space<vmem_shared>>
      %dma_start3A_358 = arith.constant 0 : i32
      %dma_start3A_359 = tpu.memref_slice %arg2[%mul3A_19, %dma_start3A_358] : memref<10112x16xf32, #tpu.memory_space<hbm>> -> memref<632x16xf32, #tpu.memory_space<hbm>>
      tpu.enqueue_dma source(%dma_start3A_359 : memref<632x16xf32, #tpu.memory_space<hbm>>) target(%dma_start3A_357 : memref<632x16xf32, #tpu.memory_space<vmem_shared>>) target_semaphore(%run_scoped3A : memref<!tpu.dma_semaphore, #tpu.memory_space<semaphore_mem>>)
      %dma_wait3A_360 = arith.constant 0 : i32
      %dma_wait3A_361 = tpu.memref_slice %arg12[%mul3A_21, %dma_wait3A_360] : memref<10112x16xf32, #tpu.memory_space<vmem_shared>> -> memref<632x16xf32, #tpu.memory_space<vmem_shared>>
      %dma_wait3A_362 = arith.constant 0 : i32
      %dma_wait3A_363 = tpu.memref_slice %arg2[%mul3A_19, %dma_wait3A_362] : memref<10112x16xf32, #tpu.memory_space<hbm>> -> memref<632x16xf32, #tpu.memory_space<hbm>>
      tpu.wait_dma2 semaphore(%run_scoped3A : memref<!tpu.dma_semaphore, #tpu.memory_space<semaphore_mem>>) src(%dma_wait3A_363 : memref<632x16xf32, #tpu.memory_space<hbm>>) dst(%dma_wait3A_361 : memref<632x16xf32, #tpu.memory_space<vmem_shared>>)
      tpu.yield
    }) : () -> ()
    %barrier3A = arith.constant 0 : index
    tpu.barrier barrier_id(%barrier3A)
    %dma_start3A = arith.constant 0 : i32
    %dma_start3A_22 = arith.constant 0 : i32
    %dma_start3A_23 = arith.constant 0 : i32
    %dma_start3A_24 = arith.constant 0 : i32
    %dma_start3A_25 = arith.constant 0 : i32
    %dma_start3A_26 = tpu.memref_slice %arg9[%dma_start3A_22, %dma_start3A_24, %dma_start3A_25] : memref<8x128x16xf32, #tpu.memory_space<vmem>> -> memref<1x128x16xf32, #tpu.memory_space<vmem>>
    %dma_start3A_27 = tpu.memref_squeeze %dma_start3A_26 : memref<1x128x16xf32, #tpu.memory_space<vmem>> -> memref<128x16xf32, #tpu.memory_space<vmem>>
    %dma_start3A_28 = arith.constant 0 : i32
    %dma_start3A_29 = tpu.memref_slice %arg7[%dma_start3A, %dma_start3A_28] : memref<80x128xi32, #tpu.memory_space<vmem>> -> memref<1x128xi32, #tpu.memory_space<vmem>>
    %dma_start3A_30 = tpu.memref_squeeze %dma_start3A_29 : memref<1x128xi32, #tpu.memory_space<vmem>> -> memref<128xi32, #tpu.memory_space<vmem>>
    %dma_start3A_31 = arith.constant 0 : i32
    %dma_start3A_32 = arith.constant 0 : i32
    %dma_start3A_33 = tpu.memref_slice %arg12[%dma_start3A_31, %dma_start3A_32] : memref<10112x16xf32, #tpu.memory_space<vmem_shared>> -> memref<10112x16xf32, #tpu.memory_space<vmem_shared>>
    %dma_start3A_34 = tpu.memref_slice %arg15[%dma_start3A_23] : memref<8x!tpu.dma_semaphore, #tpu.memory_space<semaphore_mem>> -> memref<1x!tpu.dma_semaphore, #tpu.memory_space<semaphore_mem>>
    %dma_start3A_35 = tpu.memref_squeeze %dma_start3A_34 : memref<1x!tpu.dma_semaphore, #tpu.memory_space<semaphore_mem>> -> memref<!tpu.dma_semaphore, #tpu.memory_space<semaphore_mem>>
    tpu.enqueue_indirect_dma source(%dma_start3A_33 : memref<10112x16xf32, #tpu.memory_space<vmem_shared>>) target(%dma_start3A_27 : memref<128x16xf32, #tpu.memory_space<vmem>>) offsets(%dma_start3A_30 : memref<128xi32, #tpu.memory_space<vmem>>) semaphore(%dma_start3A_35 : memref<!tpu.dma_semaphore, #tpu.memory_space<semaphore_mem>>)
    %dma_start3A_36 = arith.constant 1 : i32
    %dma_start3A_37 = arith.constant 1 : i32
    %dma_start3A_38 = arith.constant 1 : i32
    %dma_start3A_39 = arith.constant 0 : i32
    %dma_start3A_40 = arith.constant 0 : i32
    %dma_start3A_41 = tpu.memref_slice %arg9[%dma_start3A_37, %dma_start3A_39, %dma_start3A_40] : memref<8x128x16xf32, #tpu.memory_space<vmem>> -> memref<1x128x16xf32, #tpu.memory_space<vmem>>
    %dma_start3A_42 = tpu.memref_squeeze %dma_start3A_41 : memref<1x128x16xf32, #tpu.memory_space<vmem>> -> memref<128x16xf32, #tpu.memory_space<vmem>>
    %dma_start3A_43 = arith.constant 0 : i32
    %dma_start3A_44 = tpu.memref_slice %arg7[%dma_start3A_36, %dma_start3A_43] : memref<80x128xi32, #tpu.memory_space<vmem>> -> memref<1x128xi32, #tpu.memory_space<vmem>>
    %dma_start3A_45 = tpu.memref_squeeze %dma_start3A_44 : memref<1x128xi32, #tpu.memory_space<vmem>> -> memref<128xi32, #tpu.memory_space<vmem>>
    %dma_start3A_46 = arith.constant 0 : i32
    %dma_start3A_47 = arith.constant 0 : i32
    %dma_start3A_48 = tpu.memref_slice %arg12[%dma_start3A_46, %dma_start3A_47] : memref<10112x16xf32, #tpu.memory_space<vmem_shared>> -> memref<10112x16xf32, #tpu.memory_space<vmem_shared>>
    %dma_start3A_49 = tpu.memref_slice %arg15[%dma_start3A_38] : memref<8x!tpu.dma_semaphore, #tpu.memory_space<semaphore_mem>> -> memref<1x!tpu.dma_semaphore, #tpu.memory_space<semaphore_mem>>
    %dma_start3A_50 = tpu.memref_squeeze %dma_start3A_49 : memref<1x!tpu.dma_semaphore, #tpu.memory_space<semaphore_mem>> -> memref<!tpu.dma_semaphore, #tpu.memory_space<semaphore_mem>>
    tpu.enqueue_indirect_dma source(%dma_start3A_48 : memref<10112x16xf32, #tpu.memory_space<vmem_shared>>) target(%dma_start3A_42 : memref<128x16xf32, #tpu.memory_space<vmem>>) offsets(%dma_start3A_45 : memref<128xi32, #tpu.memory_space<vmem>>) semaphore(%dma_start3A_50 : memref<!tpu.dma_semaphore, #tpu.memory_space<semaphore_mem>>)
    %dma_start3A_51 = arith.constant 2 : i32
    %dma_start3A_52 = arith.constant 2 : i32
    %dma_start3A_53 = arith.constant 2 : i32
    %dma_start3A_54 = arith.constant 0 : i32
    %dma_start3A_55 = arith.constant 0 : i32
    %dma_start3A_56 = tpu.memref_slice %arg9[%dma_start3A_52, %dma_start3A_54, %dma_start3A_55] : memref<8x128x16xf32, #tpu.memory_space<vmem>> -> memref<1x128x16xf32, #tpu.memory_space<vmem>>
    %dma_start3A_57 = tpu.memref_squeeze %dma_start3A_56 : memref<1x128x16xf32, #tpu.memory_space<vmem>> -> memref<128x16xf32, #tpu.memory_space<vmem>>
    %dma_start3A_58 = arith.constant 0 : i32
    %dma_start3A_59 = tpu.memref_slice %arg7[%dma_start3A_51, %dma_start3A_58] : memref<80x128xi32, #tpu.memory_space<vmem>> -> memref<1x128xi32, #tpu.memory_space<vmem>>
    %dma_start3A_60 = tpu.memref_squeeze %dma_start3A_59 : memref<1x128xi32, #tpu.memory_space<vmem>> -> memref<128xi32, #tpu.memory_space<vmem>>
    %dma_start3A_61 = arith.constant 0 : i32
    %dma_start3A_62 = arith.constant 0 : i32
    %dma_start3A_63 = tpu.memref_slice %arg12[%dma_start3A_61, %dma_start3A_62] : memref<10112x16xf32, #tpu.memory_space<vmem_shared>> -> memref<10112x16xf32, #tpu.memory_space<vmem_shared>>
    %dma_start3A_64 = tpu.memref_slice %arg15[%dma_start3A_53] : memref<8x!tpu.dma_semaphore, #tpu.memory_space<semaphore_mem>> -> memref<1x!tpu.dma_semaphore, #tpu.memory_space<semaphore_mem>>
    %dma_start3A_65 = tpu.memref_squeeze %dma_start3A_64 : memref<1x!tpu.dma_semaphore, #tpu.memory_space<semaphore_mem>> -> memref<!tpu.dma_semaphore, #tpu.memory_space<semaphore_mem>>
    tpu.enqueue_indirect_dma source(%dma_start3A_63 : memref<10112x16xf32, #tpu.memory_space<vmem_shared>>) target(%dma_start3A_57 : memref<128x16xf32, #tpu.memory_space<vmem>>) offsets(%dma_start3A_60 : memref<128xi32, #tpu.memory_space<vmem>>) semaphore(%dma_start3A_65 : memref<!tpu.dma_semaphore, #tpu.memory_space<semaphore_mem>>)
    %dma_start3A_66 = arith.constant 3 : i32
    %dma_start3A_67 = arith.constant 3 : i32
    %dma_start3A_68 = arith.constant 3 : i32
    %dma_start3A_69 = arith.constant 0 : i32
    %dma_start3A_70 = arith.constant 0 : i32
    %dma_start3A_71 = tpu.memref_slice %arg9[%dma_start3A_67, %dma_start3A_69, %dma_start3A_70] : memref<8x128x16xf32, #tpu.memory_space<vmem>> -> memref<1x128x16xf32, #tpu.memory_space<vmem>>
    %dma_start3A_72 = tpu.memref_squeeze %dma_start3A_71 : memref<1x128x16xf32, #tpu.memory_space<vmem>> -> memref<128x16xf32, #tpu.memory_space<vmem>>
    %dma_start3A_73 = arith.constant 0 : i32
    %dma_start3A_74 = tpu.memref_slice %arg7[%dma_start3A_66, %dma_start3A_73] : memref<80x128xi32, #tpu.memory_space<vmem>> -> memref<1x128xi32, #tpu.memory_space<vmem>>
    %dma_start3A_75 = tpu.memref_squeeze %dma_start3A_74 : memref<1x128xi32, #tpu.memory_space<vmem>> -> memref<128xi32, #tpu.memory_space<vmem>>
    %dma_start3A_76 = arith.constant 0 : i32
    %dma_start3A_77 = arith.constant 0 : i32
    %dma_start3A_78 = tpu.memref_slice %arg12[%dma_start3A_76, %dma_start3A_77] : memref<10112x16xf32, #tpu.memory_space<vmem_shared>> -> memref<10112x16xf32, #tpu.memory_space<vmem_shared>>
    %dma_start3A_79 = tpu.memref_slice %arg15[%dma_start3A_68] : memref<8x!tpu.dma_semaphore, #tpu.memory_space<semaphore_mem>> -> memref<1x!tpu.dma_semaphore, #tpu.memory_space<semaphore_mem>>
    %dma_start3A_80 = tpu.memref_squeeze %dma_start3A_79 : memref<1x!tpu.dma_semaphore, #tpu.memory_space<semaphore_mem>> -> memref<!tpu.dma_semaphore, #tpu.memory_space<semaphore_mem>>
    tpu.enqueue_indirect_dma source(%dma_start3A_78 : memref<10112x16xf32, #tpu.memory_space<vmem_shared>>) target(%dma_start3A_72 : memref<128x16xf32, #tpu.memory_space<vmem>>) offsets(%dma_start3A_75 : memref<128xi32, #tpu.memory_space<vmem>>) semaphore(%dma_start3A_80 : memref<!tpu.dma_semaphore, #tpu.memory_space<semaphore_mem>>)
    %dma_start3A_81 = arith.constant 4 : i32
    %dma_start3A_82 = arith.constant 4 : i32
    %dma_start3A_83 = arith.constant 4 : i32
    %dma_start3A_84 = arith.constant 0 : i32
    %dma_start3A_85 = arith.constant 0 : i32
    %dma_start3A_86 = tpu.memref_slice %arg9[%dma_start3A_82, %dma_start3A_84, %dma_start3A_85] : memref<8x128x16xf32, #tpu.memory_space<vmem>> -> memref<1x128x16xf32, #tpu.memory_space<vmem>>
    %dma_start3A_87 = tpu.memref_squeeze %dma_start3A_86 : memref<1x128x16xf32, #tpu.memory_space<vmem>> -> memref<128x16xf32, #tpu.memory_space<vmem>>
    %dma_start3A_88 = arith.constant 0 : i32
    %dma_start3A_89 = tpu.memref_slice %arg7[%dma_start3A_81, %dma_start3A_88] : memref<80x128xi32, #tpu.memory_space<vmem>> -> memref<1x128xi32, #tpu.memory_space<vmem>>
    %dma_start3A_90 = tpu.memref_squeeze %dma_start3A_89 : memref<1x128xi32, #tpu.memory_space<vmem>> -> memref<128xi32, #tpu.memory_space<vmem>>
    %dma_start3A_91 = arith.constant 0 : i32
    %dma_start3A_92 = arith.constant 0 : i32
    %dma_start3A_93 = tpu.memref_slice %arg12[%dma_start3A_91, %dma_start3A_92] : memref<10112x16xf32, #tpu.memory_space<vmem_shared>> -> memref<10112x16xf32, #tpu.memory_space<vmem_shared>>
    %dma_start3A_94 = tpu.memref_slice %arg15[%dma_start3A_83] : memref<8x!tpu.dma_semaphore, #tpu.memory_space<semaphore_mem>> -> memref<1x!tpu.dma_semaphore, #tpu.memory_space<semaphore_mem>>
    %dma_start3A_95 = tpu.memref_squeeze %dma_start3A_94 : memref<1x!tpu.dma_semaphore, #tpu.memory_space<semaphore_mem>> -> memref<!tpu.dma_semaphore, #tpu.memory_space<semaphore_mem>>
    tpu.enqueue_indirect_dma source(%dma_start3A_93 : memref<10112x16xf32, #tpu.memory_space<vmem_shared>>) target(%dma_start3A_87 : memref<128x16xf32, #tpu.memory_space<vmem>>) offsets(%dma_start3A_90 : memref<128xi32, #tpu.memory_space<vmem>>) semaphore(%dma_start3A_95 : memref<!tpu.dma_semaphore, #tpu.memory_space<semaphore_mem>>)
    %dma_start3A_96 = arith.constant 5 : i32
    %dma_start3A_97 = arith.constant 5 : i32
    %dma_start3A_98 = arith.constant 5 : i32
    %dma_start3A_99 = arith.constant 0 : i32
    %dma_start3A_100 = arith.constant 0 : i32
    %dma_start3A_101 = tpu.memref_slice %arg9[%dma_start3A_97, %dma_start3A_99, %dma_start3A_100] : memref<8x128x16xf32, #tpu.memory_space<vmem>> -> memref<1x128x16xf32, #tpu.memory_space<vmem>>
    %dma_start3A_102 = tpu.memref_squeeze %dma_start3A_101 : memref<1x128x16xf32, #tpu.memory_space<vmem>> -> memref<128x16xf32, #tpu.memory_space<vmem>>
    %dma_start3A_103 = arith.constant 0 : i32
    %dma_start3A_104 = tpu.memref_slice %arg7[%dma_start3A_96, %dma_start3A_103] : memref<80x128xi32, #tpu.memory_space<vmem>> -> memref<1x128xi32, #tpu.memory_space<vmem>>
    %dma_start3A_105 = tpu.memref_squeeze %dma_start3A_104 : memref<1x128xi32, #tpu.memory_space<vmem>> -> memref<128xi32, #tpu.memory_space<vmem>>
    %dma_start3A_106 = arith.constant 0 : i32
    %dma_start3A_107 = arith.constant 0 : i32
    %dma_start3A_108 = tpu.memref_slice %arg12[%dma_start3A_106, %dma_start3A_107] : memref<10112x16xf32, #tpu.memory_space<vmem_shared>> -> memref<10112x16xf32, #tpu.memory_space<vmem_shared>>
    %dma_start3A_109 = tpu.memref_slice %arg15[%dma_start3A_98] : memref<8x!tpu.dma_semaphore, #tpu.memory_space<semaphore_mem>> -> memref<1x!tpu.dma_semaphore, #tpu.memory_space<semaphore_mem>>
    %dma_start3A_110 = tpu.memref_squeeze %dma_start3A_109 : memref<1x!tpu.dma_semaphore, #tpu.memory_space<semaphore_mem>> -> memref<!tpu.dma_semaphore, #tpu.memory_space<semaphore_mem>>
    tpu.enqueue_indirect_dma source(%dma_start3A_108 : memref<10112x16xf32, #tpu.memory_space<vmem_shared>>) target(%dma_start3A_102 : memref<128x16xf32, #tpu.memory_space<vmem>>) offsets(%dma_start3A_105 : memref<128xi32, #tpu.memory_space<vmem>>) semaphore(%dma_start3A_110 : memref<!tpu.dma_semaphore, #tpu.memory_space<semaphore_mem>>)
    %dma_start3A_111 = arith.constant 6 : i32
    %dma_start3A_112 = arith.constant 6 : i32
    %dma_start3A_113 = arith.constant 6 : i32
    %dma_start3A_114 = arith.constant 0 : i32
    %dma_start3A_115 = arith.constant 0 : i32
    %dma_start3A_116 = tpu.memref_slice %arg9[%dma_start3A_112, %dma_start3A_114, %dma_start3A_115] : memref<8x128x16xf32, #tpu.memory_space<vmem>> -> memref<1x128x16xf32, #tpu.memory_space<vmem>>
    %dma_start3A_117 = tpu.memref_squeeze %dma_start3A_116 : memref<1x128x16xf32, #tpu.memory_space<vmem>> -> memref<128x16xf32, #tpu.memory_space<vmem>>
    %dma_start3A_118 = arith.constant 0 : i32
    %dma_start3A_119 = tpu.memref_slice %arg7[%dma_start3A_111, %dma_start3A_118] : memref<80x128xi32, #tpu.memory_space<vmem>> -> memref<1x128xi32, #tpu.memory_space<vmem>>
    %dma_start3A_120 = tpu.memref_squeeze %dma_start3A_119 : memref<1x128xi32, #tpu.memory_space<vmem>> -> memref<128xi32, #tpu.memory_space<vmem>>
    %dma_start3A_121 = arith.constant 0 : i32
    %dma_start3A_122 = arith.constant 0 : i32
    %dma_start3A_123 = tpu.memref_slice %arg12[%dma_start3A_121, %dma_start3A_122] : memref<10112x16xf32, #tpu.memory_space<vmem_shared>> -> memref<10112x16xf32, #tpu.memory_space<vmem_shared>>
    %dma_start3A_124 = tpu.memref_slice %arg15[%dma_start3A_113] : memref<8x!tpu.dma_semaphore, #tpu.memory_space<semaphore_mem>> -> memref<1x!tpu.dma_semaphore, #tpu.memory_space<semaphore_mem>>
    %dma_start3A_125 = tpu.memref_squeeze %dma_start3A_124 : memref<1x!tpu.dma_semaphore, #tpu.memory_space<semaphore_mem>> -> memref<!tpu.dma_semaphore, #tpu.memory_space<semaphore_mem>>
    tpu.enqueue_indirect_dma source(%dma_start3A_123 : memref<10112x16xf32, #tpu.memory_space<vmem_shared>>) target(%dma_start3A_117 : memref<128x16xf32, #tpu.memory_space<vmem>>) offsets(%dma_start3A_120 : memref<128xi32, #tpu.memory_space<vmem>>) semaphore(%dma_start3A_125 : memref<!tpu.dma_semaphore, #tpu.memory_space<semaphore_mem>>)
    %dma_start3A_126 = arith.constant 7 : i32
    %dma_start3A_127 = arith.constant 7 : i32
    %dma_start3A_128 = arith.constant 7 : i32
    %dma_start3A_129 = arith.constant 0 : i32
    %dma_start3A_130 = arith.constant 0 : i32
    %dma_start3A_131 = tpu.memref_slice %arg9[%dma_start3A_127, %dma_start3A_129, %dma_start3A_130] : memref<8x128x16xf32, #tpu.memory_space<vmem>> -> memref<1x128x16xf32, #tpu.memory_space<vmem>>
    %dma_start3A_132 = tpu.memref_squeeze %dma_start3A_131 : memref<1x128x16xf32, #tpu.memory_space<vmem>> -> memref<128x16xf32, #tpu.memory_space<vmem>>
    %dma_start3A_133 = arith.constant 0 : i32
    %dma_start3A_134 = tpu.memref_slice %arg7[%dma_start3A_126, %dma_start3A_133] : memref<80x128xi32, #tpu.memory_space<vmem>> -> memref<1x128xi32, #tpu.memory_space<vmem>>
    %dma_start3A_135 = tpu.memref_squeeze %dma_start3A_134 : memref<1x128xi32, #tpu.memory_space<vmem>> -> memref<128xi32, #tpu.memory_space<vmem>>
    %dma_start3A_136 = arith.constant 0 : i32
    %dma_start3A_137 = arith.constant 0 : i32
    %dma_start3A_138 = tpu.memref_slice %arg12[%dma_start3A_136, %dma_start3A_137] : memref<10112x16xf32, #tpu.memory_space<vmem_shared>> -> memref<10112x16xf32, #tpu.memory_space<vmem_shared>>
    %dma_start3A_139 = tpu.memref_slice %arg15[%dma_start3A_128] : memref<8x!tpu.dma_semaphore, #tpu.memory_space<semaphore_mem>> -> memref<1x!tpu.dma_semaphore, #tpu.memory_space<semaphore_mem>>
    %dma_start3A_140 = tpu.memref_squeeze %dma_start3A_139 : memref<1x!tpu.dma_semaphore, #tpu.memory_space<semaphore_mem>> -> memref<!tpu.dma_semaphore, #tpu.memory_space<semaphore_mem>>
    tpu.enqueue_indirect_dma source(%dma_start3A_138 : memref<10112x16xf32, #tpu.memory_space<vmem_shared>>) target(%dma_start3A_132 : memref<128x16xf32, #tpu.memory_space<vmem>>) offsets(%dma_start3A_135 : memref<128xi32, #tpu.memory_space<vmem>>) semaphore(%dma_start3A_140 : memref<!tpu.dma_semaphore, #tpu.memory_space<semaphore_mem>>)
    %scan3A_141 = arith.constant 0 : i32
    %scan3A_142 = arith.constant 0 : i32
    %scan3A_143 = arith.constant 10 : i32
    %scan3A_144 = arith.addi %scan3A_142, %scan3A_143 : i32
    %scan3A_145 = arith.constant 1 : i32
    %scan3A_146 = scf.for %scan3A_356 = %scan3A_142 to %scan3A_144 step %scan3A_145 iter_args(%scan3A_357 = %scan3A_141) -> (i32)  : i32 {
      %mul3A_358 = arith.constant 8 : i32
      %mul3A_359 = arith.muli %scan3A_356, %mul3A_358 : i32
      %add3A_360 = arith.constant 0 : i32
      %add3A_361 = arith.addi %mul3A_359, %add3A_360 : i32
      %dma_wait3A_362 = arith.constant 0 : i32
      %dma_wait3A_363 = arith.constant 0 : i32
      %dma_wait3A_364 = arith.constant 0 : i32
      %dma_wait3A_365 = arith.constant 0 : i32
      %dma_wait3A_366 = tpu.memref_slice %arg9[%dma_wait3A_362, %dma_wait3A_364, %dma_wait3A_365] : memref<8x128x16xf32, #tpu.memory_space<vmem>> -> memref<1x128x16xf32, #tpu.memory_space<vmem>>
      %dma_wait3A_367 = tpu.memref_squeeze %dma_wait3A_366 : memref<1x128x16xf32, #tpu.memory_space<vmem>> -> memref<128x16xf32, #tpu.memory_space<vmem>>
      %dma_wait3A_368 = arith.constant 0 : i32
      %dma_wait3A_369 = tpu.memref_slice %arg7[%add3A_361, %dma_wait3A_368] : memref<80x128xi32, #tpu.memory_space<vmem>> -> memref<1x128xi32, #tpu.memory_space<vmem>>
      %dma_wait3A_370 = tpu.memref_squeeze %dma_wait3A_369 : memref<1x128xi32, #tpu.memory_space<vmem>> -> memref<128xi32, #tpu.memory_space<vmem>>
      %dma_wait3A_371 = arith.constant 0 : i32
      %dma_wait3A_372 = arith.constant 0 : i32
      %dma_wait3A_373 = tpu.memref_slice %arg12[%dma_wait3A_371, %dma_wait3A_372] : memref<10112x16xf32, #tpu.memory_space<vmem_shared>> -> memref<10112x16xf32, #tpu.memory_space<vmem_shared>>
      %dma_wait3A_374 = tpu.memref_slice %arg15[%dma_wait3A_363] : memref<8x!tpu.dma_semaphore, #tpu.memory_space<semaphore_mem>> -> memref<1x!tpu.dma_semaphore, #tpu.memory_space<semaphore_mem>>
      %dma_wait3A_375 = tpu.memref_squeeze %dma_wait3A_374 : memref<1x!tpu.dma_semaphore, #tpu.memory_space<semaphore_mem>> -> memref<!tpu.dma_semaphore, #tpu.memory_space<semaphore_mem>>
      tpu.wait_indirect_dma semaphore(%dma_wait3A_375 : memref<!tpu.dma_semaphore, #tpu.memory_space<semaphore_mem>>) src(%dma_wait3A_373 : memref<10112x16xf32, #tpu.memory_space<vmem_shared>>) dst(%dma_wait3A_367 : memref<128x16xf32, #tpu.memory_space<vmem>>)
      %dma_start3A_376 = arith.constant 0 : i32
      %dma_start3A_377 = arith.constant 0 : i32
      %dma_start3A_378 = arith.constant 0 : i32
      %dma_start3A_379 = arith.constant 0 : i32
      %dma_start3A_380 = tpu.memref_slice %arg9[%dma_start3A_376, %dma_start3A_378, %dma_start3A_379] : memref<8x128x16xf32, #tpu.memory_space<vmem>> -> memref<1x128x16xf32, #tpu.memory_space<vmem>>
      %dma_start3A_381 = tpu.memref_squeeze %dma_start3A_380 : memref<1x128x16xf32, #tpu.memory_space<vmem>> -> memref<128x16xf32, #tpu.memory_space<vmem>>
      %dma_start3A_382 = arith.constant 0 : i32
      %dma_start3A_383 = tpu.memref_slice %arg8[%add3A_361, %dma_start3A_382] : memref<80x128xi32, #tpu.memory_space<vmem>> -> memref<1x128xi32, #tpu.memory_space<vmem>>
      %dma_start3A_384 = tpu.memref_squeeze %dma_start3A_383 : memref<1x128xi32, #tpu.memory_space<vmem>> -> memref<128xi32, #tpu.memory_space<vmem>>
      %dma_start3A_385 = arith.constant 0 : i32
      %dma_start3A_386 = arith.constant 0 : i32
      %dma_start3A_387 = tpu.memref_slice %arg13[%dma_start3A_385, %dma_start3A_386] : memref<10112x16xf32, #tpu.memory_space<vmem_shared>> -> memref<10112x16xf32, #tpu.memory_space<vmem_shared>>
      %dma_start3A_388 = tpu.memref_slice %arg16[%dma_start3A_377] : memref<8x!tpu.dma_semaphore, #tpu.memory_space<semaphore_mem>> -> memref<1x!tpu.dma_semaphore, #tpu.memory_space<semaphore_mem>>
      %dma_start3A_389 = tpu.memref_squeeze %dma_start3A_388 : memref<1x!tpu.dma_semaphore, #tpu.memory_space<semaphore_mem>> -> memref<!tpu.dma_semaphore, #tpu.memory_space<semaphore_mem>>
      tpu.enqueue_indirect_dma source(%dma_start3A_381 : memref<128x16xf32, #tpu.memory_space<vmem>>) target(%dma_start3A_387 : memref<10112x16xf32, #tpu.memory_space<vmem_shared>>) offsets(%dma_start3A_384 : memref<128xi32, #tpu.memory_space<vmem>>) semaphore(%dma_start3A_389 : memref<!tpu.dma_semaphore, #tpu.memory_space<semaphore_mem>>) {add = true}
      %dma_start3A_390 = arith.constant 0 : i32
      %dma_start3A_391 = arith.constant 0 : i32
      %dma_start3A_392 = tpu.memref_slice %arg8[%add3A_361, %dma_start3A_391] : memref<80x128xi32, #tpu.memory_space<vmem>> -> memref<1x128xi32, #tpu.memory_space<vmem>>
      %dma_start3A_393 = tpu.memref_squeeze %dma_start3A_392 : memref<1x128xi32, #tpu.memory_space<vmem>> -> memref<128xi32, #tpu.memory_space<vmem>>
      %dma_start3A_394 = arith.constant 0 : i32
      %dma_start3A_395 = arith.constant 0 : i32
      %dma_start3A_396 = tpu.memref_slice %arg14[%dma_start3A_394, %dma_start3A_395] : memref<10112x16xf32, #tpu.memory_space<vmem_shared>> -> memref<10112x16xf32, #tpu.memory_space<vmem_shared>>
      %dma_start3A_397 = tpu.memref_slice %arg17[%dma_start3A_390] : memref<8x!tpu.dma_semaphore, #tpu.memory_space<semaphore_mem>> -> memref<1x!tpu.dma_semaphore, #tpu.memory_space<semaphore_mem>>
      %dma_start3A_398 = tpu.memref_squeeze %dma_start3A_397 : memref<1x!tpu.dma_semaphore, #tpu.memory_space<semaphore_mem>> -> memref<!tpu.dma_semaphore, #tpu.memory_space<semaphore_mem>>
      tpu.enqueue_indirect_dma source(%arg10 : memref<128x16xf32, #tpu.memory_space<vmem>>) target(%dma_start3A_396 : memref<10112x16xf32, #tpu.memory_space<vmem_shared>>) offsets(%dma_start3A_393 : memref<128xi32, #tpu.memory_space<vmem>>) semaphore(%dma_start3A_398 : memref<!tpu.dma_semaphore, #tpu.memory_space<semaphore_mem>>) {add = true}
      %add3A_399 = arith.constant 4 : i32
      %add3A_400 = arith.addi %mul3A_359, %add3A_399 : i32
      %add3A_401 = arith.constant 0 : i32
      %add3A_402 = arith.addi %add3A_400, %add3A_401 : i32
      %ge3A = arith.constant 8 : i32
      %ge3A_403 = arith.cmpi sge, %add3A_402, %ge3A : i32
      %lt3A = arith.constant 80 : i32
      %lt3A_404 = arith.cmpi slt, %add3A_402, %lt3A : i32
      %and3A = arith.andi %ge3A_403, %lt3A_404 : i1
      %convert_element_type3A = arith.extui %and3A : i1 to i32
      %cond3A = arith.constant 0 : i32
      %cond3A_405 = arith.cmpi ne, %convert_element_type3A, %cond3A : i32
      scf.if %cond3A_405 {
        %sub3A = arith.constant 8 : i32
        %sub3A_764 = arith.subi %add3A_402, %sub3A : i32
        %dma_wait3A_765 = arith.constant 4 : i32
        %dma_wait3A_766 = arith.constant 4 : i32
        %dma_wait3A_767 = arith.constant 0 : i32
        %dma_wait3A_768 = arith.constant 0 : i32
        %dma_wait3A_769 = tpu.memref_slice %arg9[%dma_wait3A_765, %dma_wait3A_767, %dma_wait3A_768] : memref<8x128x16xf32, #tpu.memory_space<vmem>> -> memref<1x128x16xf32, #tpu.memory_space<vmem>>
        %dma_wait3A_770 = tpu.memref_squeeze %dma_wait3A_769 : memref<1x128x16xf32, #tpu.memory_space<vmem>> -> memref<128x16xf32, #tpu.memory_space<vmem>>
        %dma_wait3A_771 = arith.constant 0 : i32
        %dma_wait3A_772 = tpu.memref_slice %arg8[%sub3A_764, %dma_wait3A_771] : memref<80x128xi32, #tpu.memory_space<vmem>> -> memref<1x128xi32, #tpu.memory_space<vmem>>
        %dma_wait3A_773 = tpu.memref_squeeze %dma_wait3A_772 : memref<1x128xi32, #tpu.memory_space<vmem>> -> memref<128xi32, #tpu.memory_space<vmem>>
        %dma_wait3A_774 = arith.constant 0 : i32
        %dma_wait3A_775 = arith.constant 0 : i32
        %dma_wait3A_776 = tpu.memref_slice %arg13[%dma_wait3A_774, %dma_wait3A_775] : memref<10112x16xf32, #tpu.memory_space<vmem_shared>> -> memref<10112x16xf32, #tpu.memory_space<vmem_shared>>
        %dma_wait3A_777 = tpu.memref_slice %arg16[%dma_wait3A_766] : memref<8x!tpu.dma_semaphore, #tpu.memory_space<semaphore_mem>> -> memref<1x!tpu.dma_semaphore, #tpu.memory_space<semaphore_mem>>
        %dma_wait3A_778 = tpu.memref_squeeze %dma_wait3A_777 : memref<1x!tpu.dma_semaphore, #tpu.memory_space<semaphore_mem>> -> memref<!tpu.dma_semaphore, #tpu.memory_space<semaphore_mem>>
        tpu.wait_indirect_dma semaphore(%dma_wait3A_778 : memref<!tpu.dma_semaphore, #tpu.memory_space<semaphore_mem>>) src(%dma_wait3A_770 : memref<128x16xf32, #tpu.memory_space<vmem>>) dst(%dma_wait3A_776 : memref<10112x16xf32, #tpu.memory_space<vmem_shared>>)
        %dma_wait3A_779 = arith.constant 4 : i32
        %dma_wait3A_780 = arith.constant 0 : i32
        %dma_wait3A_781 = tpu.memref_slice %arg8[%sub3A_764, %dma_wait3A_780] : memref<80x128xi32, #tpu.memory_space<vmem>> -> memref<1x128xi32, #tpu.memory_space<vmem>>
        %dma_wait3A_782 = tpu.memref_squeeze %dma_wait3A_781 : memref<1x128xi32, #tpu.memory_space<vmem>> -> memref<128xi32, #tpu.memory_space<vmem>>
        %dma_wait3A_783 = arith.constant 0 : i32
        %dma_wait3A_784 = arith.constant 0 : i32
        %dma_wait3A_785 = tpu.memref_slice %arg14[%dma_wait3A_783, %dma_wait3A_784] : memref<10112x16xf32, #tpu.memory_space<vmem_shared>> -> memref<10112x16xf32, #tpu.memory_space<vmem_shared>>
        %dma_wait3A_786 = tpu.memref_slice %arg17[%dma_wait3A_779] : memref<8x!tpu.dma_semaphore, #tpu.memory_space<semaphore_mem>> -> memref<1x!tpu.dma_semaphore, #tpu.memory_space<semaphore_mem>>
        %dma_wait3A_787 = tpu.memref_squeeze %dma_wait3A_786 : memref<1x!tpu.dma_semaphore, #tpu.memory_space<semaphore_mem>> -> memref<!tpu.dma_semaphore, #tpu.memory_space<semaphore_mem>>
        tpu.wait_indirect_dma semaphore(%dma_wait3A_787 : memref<!tpu.dma_semaphore, #tpu.memory_space<semaphore_mem>>) src(%arg10 : memref<128x16xf32, #tpu.memory_space<vmem>>) dst(%dma_wait3A_785 : memref<10112x16xf32, #tpu.memory_space<vmem_shared>>)
        %dma_start3A_788 = arith.constant 4 : i32
        %dma_start3A_789 = arith.constant 4 : i32
        %dma_start3A_790 = arith.constant 0 : i32
        %dma_start3A_791 = arith.constant 0 : i32
        %dma_start3A_792 = tpu.memref_slice %arg9[%dma_start3A_788, %dma_start3A_790, %dma_start3A_791] : memref<8x128x16xf32, #tpu.memory_space<vmem>> -> memref<1x128x16xf32, #tpu.memory_space<vmem>>
        %dma_start3A_793 = tpu.memref_squeeze %dma_start3A_792 : memref<1x128x16xf32, #tpu.memory_space<vmem>> -> memref<128x16xf32, #tpu.memory_space<vmem>>
        %dma_start3A_794 = arith.constant 0 : i32
        %dma_start3A_795 = tpu.memref_slice %arg7[%add3A_402, %dma_start3A_794] : memref<80x128xi32, #tpu.memory_space<vmem>> -> memref<1x128xi32, #tpu.memory_space<vmem>>
        %dma_start3A_796 = tpu.memref_squeeze %dma_start3A_795 : memref<1x128xi32, #tpu.memory_space<vmem>> -> memref<128xi32, #tpu.memory_space<vmem>>
        %dma_start3A_797 = arith.constant 0 : i32
        %dma_start3A_798 = arith.constant 0 : i32
        %dma_start3A_799 = tpu.memref_slice %arg12[%dma_start3A_797, %dma_start3A_798] : memref<10112x16xf32, #tpu.memory_space<vmem_shared>> -> memref<10112x16xf32, #tpu.memory_space<vmem_shared>>
        %dma_start3A_800 = tpu.memref_slice %arg15[%dma_start3A_789] : memref<8x!tpu.dma_semaphore, #tpu.memory_space<semaphore_mem>> -> memref<1x!tpu.dma_semaphore, #tpu.memory_space<semaphore_mem>>
        %dma_start3A_801 = tpu.memref_squeeze %dma_start3A_800 : memref<1x!tpu.dma_semaphore, #tpu.memory_space<semaphore_mem>> -> memref<!tpu.dma_semaphore, #tpu.memory_space<semaphore_mem>>
        tpu.enqueue_indirect_dma source(%dma_start3A_799 : memref<10112x16xf32, #tpu.memory_space<vmem_shared>>) target(%dma_start3A_793 : memref<128x16xf32, #tpu.memory_space<vmem>>) offsets(%dma_start3A_796 : memref<128xi32, #tpu.memory_space<vmem>>) semaphore(%dma_start3A_801 : memref<!tpu.dma_semaphore, #tpu.memory_space<semaphore_mem>>)
      } else {
      }
      %add3A_406 = arith.constant 1 : i32
      %add3A_407 = arith.addi %mul3A_359, %add3A_406 : i32
      %dma_wait3A_408 = arith.constant 1 : i32
      %dma_wait3A_409 = arith.constant 1 : i32
      %dma_wait3A_410 = arith.constant 0 : i32
      %dma_wait3A_411 = arith.constant 0 : i32
      %dma_wait3A_412 = tpu.memref_slice %arg9[%dma_wait3A_408, %dma_wait3A_410, %dma_wait3A_411] : memref<8x128x16xf32, #tpu.memory_space<vmem>> -> memref<1x128x16xf32, #tpu.memory_space<vmem>>
      %dma_wait3A_413 = tpu.memref_squeeze %dma_wait3A_412 : memref<1x128x16xf32, #tpu.memory_space<vmem>> -> memref<128x16xf32, #tpu.memory_space<vmem>>
      %dma_wait3A_414 = arith.constant 0 : i32
      %dma_wait3A_415 = tpu.memref_slice %arg7[%add3A_407, %dma_wait3A_414] : memref<80x128xi32, #tpu.memory_space<vmem>> -> memref<1x128xi32, #tpu.memory_space<vmem>>
      %dma_wait3A_416 = tpu.memref_squeeze %dma_wait3A_415 : memref<1x128xi32, #tpu.memory_space<vmem>> -> memref<128xi32, #tpu.memory_space<vmem>>
      %dma_wait3A_417 = arith.constant 0 : i32
      %dma_wait3A_418 = arith.constant 0 : i32
      %dma_wait3A_419 = tpu.memref_slice %arg12[%dma_wait3A_417, %dma_wait3A_418] : memref<10112x16xf32, #tpu.memory_space<vmem_shared>> -> memref<10112x16xf32, #tpu.memory_space<vmem_shared>>
      %dma_wait3A_420 = tpu.memref_slice %arg15[%dma_wait3A_409] : memref<8x!tpu.dma_semaphore, #tpu.memory_space<semaphore_mem>> -> memref<1x!tpu.dma_semaphore, #tpu.memory_space<semaphore_mem>>
      %dma_wait3A_421 = tpu.memref_squeeze %dma_wait3A_420 : memref<1x!tpu.dma_semaphore, #tpu.memory_space<semaphore_mem>> -> memref<!tpu.dma_semaphore, #tpu.memory_space<semaphore_mem>>
      tpu.wait_indirect_dma semaphore(%dma_wait3A_421 : memref<!tpu.dma_semaphore, #tpu.memory_space<semaphore_mem>>) src(%dma_wait3A_419 : memref<10112x16xf32, #tpu.memory_space<vmem_shared>>) dst(%dma_wait3A_413 : memref<128x16xf32, #tpu.memory_space<vmem>>)
      %dma_start3A_422 = arith.constant 1 : i32
      %dma_start3A_423 = arith.constant 1 : i32
      %dma_start3A_424 = arith.constant 0 : i32
      %dma_start3A_425 = arith.constant 0 : i32
      %dma_start3A_426 = tpu.memref_slice %arg9[%dma_start3A_422, %dma_start3A_424, %dma_start3A_425] : memref<8x128x16xf32, #tpu.memory_space<vmem>> -> memref<1x128x16xf32, #tpu.memory_space<vmem>>
      %dma_start3A_427 = tpu.memref_squeeze %dma_start3A_426 : memref<1x128x16xf32, #tpu.memory_space<vmem>> -> memref<128x16xf32, #tpu.memory_space<vmem>>
      %dma_start3A_428 = arith.constant 0 : i32
      %dma_start3A_429 = tpu.memref_slice %arg8[%add3A_407, %dma_start3A_428] : memref<80x128xi32, #tpu.memory_space<vmem>> -> memref<1x128xi32, #tpu.memory_space<vmem>>
      %dma_start3A_430 = tpu.memref_squeeze %dma_start3A_429 : memref<1x128xi32, #tpu.memory_space<vmem>> -> memref<128xi32, #tpu.memory_space<vmem>>
      %dma_start3A_431 = arith.constant 0 : i32
      %dma_start3A_432 = arith.constant 0 : i32
      %dma_start3A_433 = tpu.memref_slice %arg13[%dma_start3A_431, %dma_start3A_432] : memref<10112x16xf32, #tpu.memory_space<vmem_shared>> -> memref<10112x16xf32, #tpu.memory_space<vmem_shared>>
      %dma_start3A_434 = tpu.memref_slice %arg16[%dma_start3A_423] : memref<8x!tpu.dma_semaphore, #tpu.memory_space<semaphore_mem>> -> memref<1x!tpu.dma_semaphore, #tpu.memory_space<semaphore_mem>>
      %dma_start3A_435 = tpu.memref_squeeze %dma_start3A_434 : memref<1x!tpu.dma_semaphore, #tpu.memory_space<semaphore_mem>> -> memref<!tpu.dma_semaphore, #tpu.memory_space<semaphore_mem>>
      tpu.enqueue_indirect_dma source(%dma_start3A_427 : memref<128x16xf32, #tpu.memory_space<vmem>>) target(%dma_start3A_433 : memref<10112x16xf32, #tpu.memory_space<vmem_shared>>) offsets(%dma_start3A_430 : memref<128xi32, #tpu.memory_space<vmem>>) semaphore(%dma_start3A_435 : memref<!tpu.dma_semaphore, #tpu.memory_space<semaphore_mem>>) {add = true}
      %dma_start3A_436 = arith.constant 1 : i32
      %dma_start3A_437 = arith.constant 0 : i32
      %dma_start3A_438 = tpu.memref_slice %arg8[%add3A_407, %dma_start3A_437] : memref<80x128xi32, #tpu.memory_space<vmem>> -> memref<1x128xi32, #tpu.memory_space<vmem>>
      %dma_start3A_439 = tpu.memref_squeeze %dma_start3A_438 : memref<1x128xi32, #tpu.memory_space<vmem>> -> memref<128xi32, #tpu.memory_space<vmem>>
      %dma_start3A_440 = arith.constant 0 : i32
      %dma_start3A_441 = arith.constant 0 : i32
      %dma_start3A_442 = tpu.memref_slice %arg14[%dma_start3A_440, %dma_start3A_441] : memref<10112x16xf32, #tpu.memory_space<vmem_shared>> -> memref<10112x16xf32, #tpu.memory_space<vmem_shared>>
      %dma_start3A_443 = tpu.memref_slice %arg17[%dma_start3A_436] : memref<8x!tpu.dma_semaphore, #tpu.memory_space<semaphore_mem>> -> memref<1x!tpu.dma_semaphore, #tpu.memory_space<semaphore_mem>>
      %dma_start3A_444 = tpu.memref_squeeze %dma_start3A_443 : memref<1x!tpu.dma_semaphore, #tpu.memory_space<semaphore_mem>> -> memref<!tpu.dma_semaphore, #tpu.memory_space<semaphore_mem>>
      tpu.enqueue_indirect_dma source(%arg10 : memref<128x16xf32, #tpu.memory_space<vmem>>) target(%dma_start3A_442 : memref<10112x16xf32, #tpu.memory_space<vmem_shared>>) offsets(%dma_start3A_439 : memref<128xi32, #tpu.memory_space<vmem>>) semaphore(%dma_start3A_444 : memref<!tpu.dma_semaphore, #tpu.memory_space<semaphore_mem>>) {add = true}
      %add3A_445 = arith.constant 5 : i32
      %add3A_446 = arith.addi %mul3A_359, %add3A_445 : i32
      %add3A_447 = arith.constant 0 : i32
      %add3A_448 = arith.addi %add3A_446, %add3A_447 : i32
      %ge3A_449 = arith.constant 8 : i32
      %ge3A_450 = arith.cmpi sge, %add3A_448, %ge3A_449 : i32
      %lt3A_451 = arith.constant 80 : i32
      %lt3A_452 = arith.cmpi slt, %add3A_448, %lt3A_451 : i32
      %and3A_453 = arith.andi %ge3A_450, %lt3A_452 : i1
      %convert_element_type3A_454 = arith.extui %and3A_453 : i1 to i32
      %cond3A_455 = arith.constant 0 : i32
      %cond3A_456 = arith.cmpi ne, %convert_element_type3A_454, %cond3A_455 : i32
      scf.if %cond3A_456 {
        %sub3A = arith.constant 8 : i32
        %sub3A_764 = arith.subi %add3A_448, %sub3A : i32
        %dma_wait3A_765 = arith.constant 5 : i32
        %dma_wait3A_766 = arith.constant 5 : i32
        %dma_wait3A_767 = arith.constant 0 : i32
        %dma_wait3A_768 = arith.constant 0 : i32
        %dma_wait3A_769 = tpu.memref_slice %arg9[%dma_wait3A_765, %dma_wait3A_767, %dma_wait3A_768] : memref<8x128x16xf32, #tpu.memory_space<vmem>> -> memref<1x128x16xf32, #tpu.memory_space<vmem>>
        %dma_wait3A_770 = tpu.memref_squeeze %dma_wait3A_769 : memref<1x128x16xf32, #tpu.memory_space<vmem>> -> memref<128x16xf32, #tpu.memory_space<vmem>>
        %dma_wait3A_771 = arith.constant 0 : i32
        %dma_wait3A_772 = tpu.memref_slice %arg8[%sub3A_764, %dma_wait3A_771] : memref<80x128xi32, #tpu.memory_space<vmem>> -> memref<1x128xi32, #tpu.memory_space<vmem>>
        %dma_wait3A_773 = tpu.memref_squeeze %dma_wait3A_772 : memref<1x128xi32, #tpu.memory_space<vmem>> -> memref<128xi32, #tpu.memory_space<vmem>>
        %dma_wait3A_774 = arith.constant 0 : i32
        %dma_wait3A_775 = arith.constant 0 : i32
        %dma_wait3A_776 = tpu.memref_slice %arg13[%dma_wait3A_774, %dma_wait3A_775] : memref<10112x16xf32, #tpu.memory_space<vmem_shared>> -> memref<10112x16xf32, #tpu.memory_space<vmem_shared>>
        %dma_wait3A_777 = tpu.memref_slice %arg16[%dma_wait3A_766] : memref<8x!tpu.dma_semaphore, #tpu.memory_space<semaphore_mem>> -> memref<1x!tpu.dma_semaphore, #tpu.memory_space<semaphore_mem>>
        %dma_wait3A_778 = tpu.memref_squeeze %dma_wait3A_777 : memref<1x!tpu.dma_semaphore, #tpu.memory_space<semaphore_mem>> -> memref<!tpu.dma_semaphore, #tpu.memory_space<semaphore_mem>>
        tpu.wait_indirect_dma semaphore(%dma_wait3A_778 : memref<!tpu.dma_semaphore, #tpu.memory_space<semaphore_mem>>) src(%dma_wait3A_770 : memref<128x16xf32, #tpu.memory_space<vmem>>) dst(%dma_wait3A_776 : memref<10112x16xf32, #tpu.memory_space<vmem_shared>>)
        %dma_wait3A_779 = arith.constant 5 : i32
        %dma_wait3A_780 = arith.constant 0 : i32
        %dma_wait3A_781 = tpu.memref_slice %arg8[%sub3A_764, %dma_wait3A_780] : memref<80x128xi32, #tpu.memory_space<vmem>> -> memref<1x128xi32, #tpu.memory_space<vmem>>
        %dma_wait3A_782 = tpu.memref_squeeze %dma_wait3A_781 : memref<1x128xi32, #tpu.memory_space<vmem>> -> memref<128xi32, #tpu.memory_space<vmem>>
        %dma_wait3A_783 = arith.constant 0 : i32
        %dma_wait3A_784 = arith.constant 0 : i32
        %dma_wait3A_785 = tpu.memref_slice %arg14[%dma_wait3A_783, %dma_wait3A_784] : memref<10112x16xf32, #tpu.memory_space<vmem_shared>> -> memref<10112x16xf32, #tpu.memory_space<vmem_shared>>
        %dma_wait3A_786 = tpu.memref_slice %arg17[%dma_wait3A_779] : memref<8x!tpu.dma_semaphore, #tpu.memory_space<semaphore_mem>> -> memref<1x!tpu.dma_semaphore, #tpu.memory_space<semaphore_mem>>
        %dma_wait3A_787 = tpu.memref_squeeze %dma_wait3A_786 : memref<1x!tpu.dma_semaphore, #tpu.memory_space<semaphore_mem>> -> memref<!tpu.dma_semaphore, #tpu.memory_space<semaphore_mem>>
        tpu.wait_indirect_dma semaphore(%dma_wait3A_787 : memref<!tpu.dma_semaphore, #tpu.memory_space<semaphore_mem>>) src(%arg10 : memref<128x16xf32, #tpu.memory_space<vmem>>) dst(%dma_wait3A_785 : memref<10112x16xf32, #tpu.memory_space<vmem_shared>>)
        %dma_start3A_788 = arith.constant 5 : i32
        %dma_start3A_789 = arith.constant 5 : i32
        %dma_start3A_790 = arith.constant 0 : i32
        %dma_start3A_791 = arith.constant 0 : i32
        %dma_start3A_792 = tpu.memref_slice %arg9[%dma_start3A_788, %dma_start3A_790, %dma_start3A_791] : memref<8x128x16xf32, #tpu.memory_space<vmem>> -> memref<1x128x16xf32, #tpu.memory_space<vmem>>
        %dma_start3A_793 = tpu.memref_squeeze %dma_start3A_792 : memref<1x128x16xf32, #tpu.memory_space<vmem>> -> memref<128x16xf32, #tpu.memory_space<vmem>>
        %dma_start3A_794 = arith.constant 0 : i32
        %dma_start3A_795 = tpu.memref_slice %arg7[%add3A_448, %dma_start3A_794] : memref<80x128xi32, #tpu.memory_space<vmem>> -> memref<1x128xi32, #tpu.memory_space<vmem>>
        %dma_start3A_796 = tpu.memref_squeeze %dma_start3A_795 : memref<1x128xi32, #tpu.memory_space<vmem>> -> memref<128xi32, #tpu.memory_space<vmem>>
        %dma_start3A_797 = arith.constant 0 : i32
        %dma_start3A_798 = arith.constant 0 : i32
        %dma_start3A_799 = tpu.memref_slice %arg12[%dma_start3A_797, %dma_start3A_798] : memref<10112x16xf32, #tpu.memory_space<vmem_shared>> -> memref<10112x16xf32, #tpu.memory_space<vmem_shared>>
        %dma_start3A_800 = tpu.memref_slice %arg15[%dma_start3A_789] : memref<8x!tpu.dma_semaphore, #tpu.memory_space<semaphore_mem>> -> memref<1x!tpu.dma_semaphore, #tpu.memory_space<semaphore_mem>>
        %dma_start3A_801 = tpu.memref_squeeze %dma_start3A_800 : memref<1x!tpu.dma_semaphore, #tpu.memory_space<semaphore_mem>> -> memref<!tpu.dma_semaphore, #tpu.memory_space<semaphore_mem>>
        tpu.enqueue_indirect_dma source(%dma_start3A_799 : memref<10112x16xf32, #tpu.memory_space<vmem_shared>>) target(%dma_start3A_793 : memref<128x16xf32, #tpu.memory_space<vmem>>) offsets(%dma_start3A_796 : memref<128xi32, #tpu.memory_space<vmem>>) semaphore(%dma_start3A_801 : memref<!tpu.dma_semaphore, #tpu.memory_space<semaphore_mem>>)
      } else {
      }
      %add3A_457 = arith.constant 2 : i32
      %add3A_458 = arith.addi %mul3A_359, %add3A_457 : i32
      %dma_wait3A_459 = arith.constant 2 : i32
      %dma_wait3A_460 = arith.constant 2 : i32
      %dma_wait3A_461 = arith.constant 0 : i32
      %dma_wait3A_462 = arith.constant 0 : i32
      %dma_wait3A_463 = tpu.memref_slice %arg9[%dma_wait3A_459, %dma_wait3A_461, %dma_wait3A_462] : memref<8x128x16xf32, #tpu.memory_space<vmem>> -> memref<1x128x16xf32, #tpu.memory_space<vmem>>
      %dma_wait3A_464 = tpu.memref_squeeze %dma_wait3A_463 : memref<1x128x16xf32, #tpu.memory_space<vmem>> -> memref<128x16xf32, #tpu.memory_space<vmem>>
      %dma_wait3A_465 = arith.constant 0 : i32
      %dma_wait3A_466 = tpu.memref_slice %arg7[%add3A_458, %dma_wait3A_465] : memref<80x128xi32, #tpu.memory_space<vmem>> -> memref<1x128xi32, #tpu.memory_space<vmem>>
      %dma_wait3A_467 = tpu.memref_squeeze %dma_wait3A_466 : memref<1x128xi32, #tpu.memory_space<vmem>> -> memref<128xi32, #tpu.memory_space<vmem>>
      %dma_wait3A_468 = arith.constant 0 : i32
      %dma_wait3A_469 = arith.constant 0 : i32
      %dma_wait3A_470 = tpu.memref_slice %arg12[%dma_wait3A_468, %dma_wait3A_469] : memref<10112x16xf32, #tpu.memory_space<vmem_shared>> -> memref<10112x16xf32, #tpu.memory_space<vmem_shared>>
      %dma_wait3A_471 = tpu.memref_slice %arg15[%dma_wait3A_460] : memref<8x!tpu.dma_semaphore, #tpu.memory_space<semaphore_mem>> -> memref<1x!tpu.dma_semaphore, #tpu.memory_space<semaphore_mem>>
      %dma_wait3A_472 = tpu.memref_squeeze %dma_wait3A_471 : memref<1x!tpu.dma_semaphore, #tpu.memory_space<semaphore_mem>> -> memref<!tpu.dma_semaphore, #tpu.memory_space<semaphore_mem>>
      tpu.wait_indirect_dma semaphore(%dma_wait3A_472 : memref<!tpu.dma_semaphore, #tpu.memory_space<semaphore_mem>>) src(%dma_wait3A_470 : memref<10112x16xf32, #tpu.memory_space<vmem_shared>>) dst(%dma_wait3A_464 : memref<128x16xf32, #tpu.memory_space<vmem>>)
      %dma_start3A_473 = arith.constant 2 : i32
      %dma_start3A_474 = arith.constant 2 : i32
      %dma_start3A_475 = arith.constant 0 : i32
      %dma_start3A_476 = arith.constant 0 : i32
      %dma_start3A_477 = tpu.memref_slice %arg9[%dma_start3A_473, %dma_start3A_475, %dma_start3A_476] : memref<8x128x16xf32, #tpu.memory_space<vmem>> -> memref<1x128x16xf32, #tpu.memory_space<vmem>>
      %dma_start3A_478 = tpu.memref_squeeze %dma_start3A_477 : memref<1x128x16xf32, #tpu.memory_space<vmem>> -> memref<128x16xf32, #tpu.memory_space<vmem>>
      %dma_start3A_479 = arith.constant 0 : i32
      %dma_start3A_480 = tpu.memref_slice %arg8[%add3A_458, %dma_start3A_479] : memref<80x128xi32, #tpu.memory_space<vmem>> -> memref<1x128xi32, #tpu.memory_space<vmem>>
      %dma_start3A_481 = tpu.memref_squeeze %dma_start3A_480 : memref<1x128xi32, #tpu.memory_space<vmem>> -> memref<128xi32, #tpu.memory_space<vmem>>
      %dma_start3A_482 = arith.constant 0 : i32
      %dma_start3A_483 = arith.constant 0 : i32
      %dma_start3A_484 = tpu.memref_slice %arg13[%dma_start3A_482, %dma_start3A_483] : memref<10112x16xf32, #tpu.memory_space<vmem_shared>> -> memref<10112x16xf32, #tpu.memory_space<vmem_shared>>
      %dma_start3A_485 = tpu.memref_slice %arg16[%dma_start3A_474] : memref<8x!tpu.dma_semaphore, #tpu.memory_space<semaphore_mem>> -> memref<1x!tpu.dma_semaphore, #tpu.memory_space<semaphore_mem>>
      %dma_start3A_486 = tpu.memref_squeeze %dma_start3A_485 : memref<1x!tpu.dma_semaphore, #tpu.memory_space<semaphore_mem>> -> memref<!tpu.dma_semaphore, #tpu.memory_space<semaphore_mem>>
      tpu.enqueue_indirect_dma source(%dma_start3A_478 : memref<128x16xf32, #tpu.memory_space<vmem>>) target(%dma_start3A_484 : memref<10112x16xf32, #tpu.memory_space<vmem_shared>>) offsets(%dma_start3A_481 : memref<128xi32, #tpu.memory_space<vmem>>) semaphore(%dma_start3A_486 : memref<!tpu.dma_semaphore, #tpu.memory_space<semaphore_mem>>) {add = true}
      %dma_start3A_487 = arith.constant 2 : i32
      %dma_start3A_488 = arith.constant 0 : i32
      %dma_start3A_489 = tpu.memref_slice %arg8[%add3A_458, %dma_start3A_488] : memref<80x128xi32, #tpu.memory_space<vmem>> -> memref<1x128xi32, #tpu.memory_space<vmem>>
      %dma_start3A_490 = tpu.memref_squeeze %dma_start3A_489 : memref<1x128xi32, #tpu.memory_space<vmem>> -> memref<128xi32, #tpu.memory_space<vmem>>
      %dma_start3A_491 = arith.constant 0 : i32
      %dma_start3A_492 = arith.constant 0 : i32
      %dma_start3A_493 = tpu.memref_slice %arg14[%dma_start3A_491, %dma_start3A_492] : memref<10112x16xf32, #tpu.memory_space<vmem_shared>> -> memref<10112x16xf32, #tpu.memory_space<vmem_shared>>
      %dma_start3A_494 = tpu.memref_slice %arg17[%dma_start3A_487] : memref<8x!tpu.dma_semaphore, #tpu.memory_space<semaphore_mem>> -> memref<1x!tpu.dma_semaphore, #tpu.memory_space<semaphore_mem>>
      %dma_start3A_495 = tpu.memref_squeeze %dma_start3A_494 : memref<1x!tpu.dma_semaphore, #tpu.memory_space<semaphore_mem>> -> memref<!tpu.dma_semaphore, #tpu.memory_space<semaphore_mem>>
      tpu.enqueue_indirect_dma source(%arg10 : memref<128x16xf32, #tpu.memory_space<vmem>>) target(%dma_start3A_493 : memref<10112x16xf32, #tpu.memory_space<vmem_shared>>) offsets(%dma_start3A_490 : memref<128xi32, #tpu.memory_space<vmem>>) semaphore(%dma_start3A_495 : memref<!tpu.dma_semaphore, #tpu.memory_space<semaphore_mem>>) {add = true}
      %add3A_496 = arith.constant 6 : i32
      %add3A_497 = arith.addi %mul3A_359, %add3A_496 : i32
      %add3A_498 = arith.constant 0 : i32
      %add3A_499 = arith.addi %add3A_497, %add3A_498 : i32
      %ge3A_500 = arith.constant 8 : i32
      %ge3A_501 = arith.cmpi sge, %add3A_499, %ge3A_500 : i32
      %lt3A_502 = arith.constant 80 : i32
      %lt3A_503 = arith.cmpi slt, %add3A_499, %lt3A_502 : i32
      %and3A_504 = arith.andi %ge3A_501, %lt3A_503 : i1
      %convert_element_type3A_505 = arith.extui %and3A_504 : i1 to i32
      %cond3A_506 = arith.constant 0 : i32
      %cond3A_507 = arith.cmpi ne, %convert_element_type3A_505, %cond3A_506 : i32
      scf.if %cond3A_507 {
        %sub3A = arith.constant 8 : i32
        %sub3A_764 = arith.subi %add3A_499, %sub3A : i32
        %dma_wait3A_765 = arith.constant 6 : i32
        %dma_wait3A_766 = arith.constant 6 : i32
        %dma_wait3A_767 = arith.constant 0 : i32
        %dma_wait3A_768 = arith.constant 0 : i32
        %dma_wait3A_769 = tpu.memref_slice %arg9[%dma_wait3A_765, %dma_wait3A_767, %dma_wait3A_768] : memref<8x128x16xf32, #tpu.memory_space<vmem>> -> memref<1x128x16xf32, #tpu.memory_space<vmem>>
        %dma_wait3A_770 = tpu.memref_squeeze %dma_wait3A_769 : memref<1x128x16xf32, #tpu.memory_space<vmem>> -> memref<128x16xf32, #tpu.memory_space<vmem>>
        %dma_wait3A_771 = arith.constant 0 : i32
        %dma_wait3A_772 = tpu.memref_slice %arg8[%sub3A_764, %dma_wait3A_771] : memref<80x128xi32, #tpu.memory_space<vmem>> -> memref<1x128xi32, #tpu.memory_space<vmem>>
        %dma_wait3A_773 = tpu.memref_squeeze %dma_wait3A_772 : memref<1x128xi32, #tpu.memory_space<vmem>> -> memref<128xi32, #tpu.memory_space<vmem>>
        %dma_wait3A_774 = arith.constant 0 : i32
        %dma_wait3A_775 = arith.constant 0 : i32
        %dma_wait3A_776 = tpu.memref_slice %arg13[%dma_wait3A_774, %dma_wait3A_775] : memref<10112x16xf32, #tpu.memory_space<vmem_shared>> -> memref<10112x16xf32, #tpu.memory_space<vmem_shared>>
        %dma_wait3A_777 = tpu.memref_slice %arg16[%dma_wait3A_766] : memref<8x!tpu.dma_semaphore, #tpu.memory_space<semaphore_mem>> -> memref<1x!tpu.dma_semaphore, #tpu.memory_space<semaphore_mem>>
        %dma_wait3A_778 = tpu.memref_squeeze %dma_wait3A_777 : memref<1x!tpu.dma_semaphore, #tpu.memory_space<semaphore_mem>> -> memref<!tpu.dma_semaphore, #tpu.memory_space<semaphore_mem>>
        tpu.wait_indirect_dma semaphore(%dma_wait3A_778 : memref<!tpu.dma_semaphore, #tpu.memory_space<semaphore_mem>>) src(%dma_wait3A_770 : memref<128x16xf32, #tpu.memory_space<vmem>>) dst(%dma_wait3A_776 : memref<10112x16xf32, #tpu.memory_space<vmem_shared>>)
        %dma_wait3A_779 = arith.constant 6 : i32
        %dma_wait3A_780 = arith.constant 0 : i32
        %dma_wait3A_781 = tpu.memref_slice %arg8[%sub3A_764, %dma_wait3A_780] : memref<80x128xi32, #tpu.memory_space<vmem>> -> memref<1x128xi32, #tpu.memory_space<vmem>>
        %dma_wait3A_782 = tpu.memref_squeeze %dma_wait3A_781 : memref<1x128xi32, #tpu.memory_space<vmem>> -> memref<128xi32, #tpu.memory_space<vmem>>
        %dma_wait3A_783 = arith.constant 0 : i32
        %dma_wait3A_784 = arith.constant 0 : i32
        %dma_wait3A_785 = tpu.memref_slice %arg14[%dma_wait3A_783, %dma_wait3A_784] : memref<10112x16xf32, #tpu.memory_space<vmem_shared>> -> memref<10112x16xf32, #tpu.memory_space<vmem_shared>>
        %dma_wait3A_786 = tpu.memref_slice %arg17[%dma_wait3A_779] : memref<8x!tpu.dma_semaphore, #tpu.memory_space<semaphore_mem>> -> memref<1x!tpu.dma_semaphore, #tpu.memory_space<semaphore_mem>>
        %dma_wait3A_787 = tpu.memref_squeeze %dma_wait3A_786 : memref<1x!tpu.dma_semaphore, #tpu.memory_space<semaphore_mem>> -> memref<!tpu.dma_semaphore, #tpu.memory_space<semaphore_mem>>
        tpu.wait_indirect_dma semaphore(%dma_wait3A_787 : memref<!tpu.dma_semaphore, #tpu.memory_space<semaphore_mem>>) src(%arg10 : memref<128x16xf32, #tpu.memory_space<vmem>>) dst(%dma_wait3A_785 : memref<10112x16xf32, #tpu.memory_space<vmem_shared>>)
        %dma_start3A_788 = arith.constant 6 : i32
        %dma_start3A_789 = arith.constant 6 : i32
        %dma_start3A_790 = arith.constant 0 : i32
        %dma_start3A_791 = arith.constant 0 : i32
        %dma_start3A_792 = tpu.memref_slice %arg9[%dma_start3A_788, %dma_start3A_790, %dma_start3A_791] : memref<8x128x16xf32, #tpu.memory_space<vmem>> -> memref<1x128x16xf32, #tpu.memory_space<vmem>>
        %dma_start3A_793 = tpu.memref_squeeze %dma_start3A_792 : memref<1x128x16xf32, #tpu.memory_space<vmem>> -> memref<128x16xf32, #tpu.memory_space<vmem>>
        %dma_start3A_794 = arith.constant 0 : i32
        %dma_start3A_795 = tpu.memref_slice %arg7[%add3A_499, %dma_start3A_794] : memref<80x128xi32, #tpu.memory_space<vmem>> -> memref<1x128xi32, #tpu.memory_space<vmem>>
        %dma_start3A_796 = tpu.memref_squeeze %dma_start3A_795 : memref<1x128xi32, #tpu.memory_space<vmem>> -> memref<128xi32, #tpu.memory_space<vmem>>
        %dma_start3A_797 = arith.constant 0 : i32
        %dma_start3A_798 = arith.constant 0 : i32
        %dma_start3A_799 = tpu.memref_slice %arg12[%dma_start3A_797, %dma_start3A_798] : memref<10112x16xf32, #tpu.memory_space<vmem_shared>> -> memref<10112x16xf32, #tpu.memory_space<vmem_shared>>
        %dma_start3A_800 = tpu.memref_slice %arg15[%dma_start3A_789] : memref<8x!tpu.dma_semaphore, #tpu.memory_space<semaphore_mem>> -> memref<1x!tpu.dma_semaphore, #tpu.memory_space<semaphore_mem>>
        %dma_start3A_801 = tpu.memref_squeeze %dma_start3A_800 : memref<1x!tpu.dma_semaphore, #tpu.memory_space<semaphore_mem>> -> memref<!tpu.dma_semaphore, #tpu.memory_space<semaphore_mem>>
        tpu.enqueue_indirect_dma source(%dma_start3A_799 : memref<10112x16xf32, #tpu.memory_space<vmem_shared>>) target(%dma_start3A_793 : memref<128x16xf32, #tpu.memory_space<vmem>>) offsets(%dma_start3A_796 : memref<128xi32, #tpu.memory_space<vmem>>) semaphore(%dma_start3A_801 : memref<!tpu.dma_semaphore, #tpu.memory_space<semaphore_mem>>)
      } else {
      }
      %add3A_508 = arith.constant 3 : i32
      %add3A_509 = arith.addi %mul3A_359, %add3A_508 : i32
      %dma_wait3A_510 = arith.constant 3 : i32
      %dma_wait3A_511 = arith.constant 3 : i32
      %dma_wait3A_512 = arith.constant 0 : i32
      %dma_wait3A_513 = arith.constant 0 : i32
      %dma_wait3A_514 = tpu.memref_slice %arg9[%dma_wait3A_510, %dma_wait3A_512, %dma_wait3A_513] : memref<8x128x16xf32, #tpu.memory_space<vmem>> -> memref<1x128x16xf32, #tpu.memory_space<vmem>>
      %dma_wait3A_515 = tpu.memref_squeeze %dma_wait3A_514 : memref<1x128x16xf32, #tpu.memory_space<vmem>> -> memref<128x16xf32, #tpu.memory_space<vmem>>
      %dma_wait3A_516 = arith.constant 0 : i32
      %dma_wait3A_517 = tpu.memref_slice %arg7[%add3A_509, %dma_wait3A_516] : memref<80x128xi32, #tpu.memory_space<vmem>> -> memref<1x128xi32, #tpu.memory_space<vmem>>
      %dma_wait3A_518 = tpu.memref_squeeze %dma_wait3A_517 : memref<1x128xi32, #tpu.memory_space<vmem>> -> memref<128xi32, #tpu.memory_space<vmem>>
      %dma_wait3A_519 = arith.constant 0 : i32
      %dma_wait3A_520 = arith.constant 0 : i32
      %dma_wait3A_521 = tpu.memref_slice %arg12[%dma_wait3A_519, %dma_wait3A_520] : memref<10112x16xf32, #tpu.memory_space<vmem_shared>> -> memref<10112x16xf32, #tpu.memory_space<vmem_shared>>
      %dma_wait3A_522 = tpu.memref_slice %arg15[%dma_wait3A_511] : memref<8x!tpu.dma_semaphore, #tpu.memory_space<semaphore_mem>> -> memref<1x!tpu.dma_semaphore, #tpu.memory_space<semaphore_mem>>
      %dma_wait3A_523 = tpu.memref_squeeze %dma_wait3A_522 : memref<1x!tpu.dma_semaphore, #tpu.memory_space<semaphore_mem>> -> memref<!tpu.dma_semaphore, #tpu.memory_space<semaphore_mem>>
      tpu.wait_indirect_dma semaphore(%dma_wait3A_523 : memref<!tpu.dma_semaphore, #tpu.memory_space<semaphore_mem>>) src(%dma_wait3A_521 : memref<10112x16xf32, #tpu.memory_space<vmem_shared>>) dst(%dma_wait3A_515 : memref<128x16xf32, #tpu.memory_space<vmem>>)
      %dma_start3A_524 = arith.constant 3 : i32
      %dma_start3A_525 = arith.constant 3 : i32
      %dma_start3A_526 = arith.constant 0 : i32
      %dma_start3A_527 = arith.constant 0 : i32
      %dma_start3A_528 = tpu.memref_slice %arg9[%dma_start3A_524, %dma_start3A_526, %dma_start3A_527] : memref<8x128x16xf32, #tpu.memory_space<vmem>> -> memref<1x128x16xf32, #tpu.memory_space<vmem>>
      %dma_start3A_529 = tpu.memref_squeeze %dma_start3A_528 : memref<1x128x16xf32, #tpu.memory_space<vmem>> -> memref<128x16xf32, #tpu.memory_space<vmem>>
      %dma_start3A_530 = arith.constant 0 : i32
      %dma_start3A_531 = tpu.memref_slice %arg8[%add3A_509, %dma_start3A_530] : memref<80x128xi32, #tpu.memory_space<vmem>> -> memref<1x128xi32, #tpu.memory_space<vmem>>
      %dma_start3A_532 = tpu.memref_squeeze %dma_start3A_531 : memref<1x128xi32, #tpu.memory_space<vmem>> -> memref<128xi32, #tpu.memory_space<vmem>>
      %dma_start3A_533 = arith.constant 0 : i32
      %dma_start3A_534 = arith.constant 0 : i32
      %dma_start3A_535 = tpu.memref_slice %arg13[%dma_start3A_533, %dma_start3A_534] : memref<10112x16xf32, #tpu.memory_space<vmem_shared>> -> memref<10112x16xf32, #tpu.memory_space<vmem_shared>>
      %dma_start3A_536 = tpu.memref_slice %arg16[%dma_start3A_525] : memref<8x!tpu.dma_semaphore, #tpu.memory_space<semaphore_mem>> -> memref<1x!tpu.dma_semaphore, #tpu.memory_space<semaphore_mem>>
      %dma_start3A_537 = tpu.memref_squeeze %dma_start3A_536 : memref<1x!tpu.dma_semaphore, #tpu.memory_space<semaphore_mem>> -> memref<!tpu.dma_semaphore, #tpu.memory_space<semaphore_mem>>
      tpu.enqueue_indirect_dma source(%dma_start3A_529 : memref<128x16xf32, #tpu.memory_space<vmem>>) target(%dma_start3A_535 : memref<10112x16xf32, #tpu.memory_space<vmem_shared>>) offsets(%dma_start3A_532 : memref<128xi32, #tpu.memory_space<vmem>>) semaphore(%dma_start3A_537 : memref<!tpu.dma_semaphore, #tpu.memory_space<semaphore_mem>>) {add = true}
      %dma_start3A_538 = arith.constant 3 : i32
      %dma_start3A_539 = arith.constant 0 : i32
      %dma_start3A_540 = tpu.memref_slice %arg8[%add3A_509, %dma_start3A_539] : memref<80x128xi32, #tpu.memory_space<vmem>> -> memref<1x128xi32, #tpu.memory_space<vmem>>
      %dma_start3A_541 = tpu.memref_squeeze %dma_start3A_540 : memref<1x128xi32, #tpu.memory_space<vmem>> -> memref<128xi32, #tpu.memory_space<vmem>>
      %dma_start3A_542 = arith.constant 0 : i32
      %dma_start3A_543 = arith.constant 0 : i32
      %dma_start3A_544 = tpu.memref_slice %arg14[%dma_start3A_542, %dma_start3A_543] : memref<10112x16xf32, #tpu.memory_space<vmem_shared>> -> memref<10112x16xf32, #tpu.memory_space<vmem_shared>>
      %dma_start3A_545 = tpu.memref_slice %arg17[%dma_start3A_538] : memref<8x!tpu.dma_semaphore, #tpu.memory_space<semaphore_mem>> -> memref<1x!tpu.dma_semaphore, #tpu.memory_space<semaphore_mem>>
      %dma_start3A_546 = tpu.memref_squeeze %dma_start3A_545 : memref<1x!tpu.dma_semaphore, #tpu.memory_space<semaphore_mem>> -> memref<!tpu.dma_semaphore, #tpu.memory_space<semaphore_mem>>
      tpu.enqueue_indirect_dma source(%arg10 : memref<128x16xf32, #tpu.memory_space<vmem>>) target(%dma_start3A_544 : memref<10112x16xf32, #tpu.memory_space<vmem_shared>>) offsets(%dma_start3A_541 : memref<128xi32, #tpu.memory_space<vmem>>) semaphore(%dma_start3A_546 : memref<!tpu.dma_semaphore, #tpu.memory_space<semaphore_mem>>) {add = true}
      %add3A_547 = arith.constant 7 : i32
      %add3A_548 = arith.addi %mul3A_359, %add3A_547 : i32
      %add3A_549 = arith.constant 0 : i32
      %add3A_550 = arith.addi %add3A_548, %add3A_549 : i32
      %ge3A_551 = arith.constant 8 : i32
      %ge3A_552 = arith.cmpi sge, %add3A_550, %ge3A_551 : i32
      %lt3A_553 = arith.constant 80 : i32
      %lt3A_554 = arith.cmpi slt, %add3A_550, %lt3A_553 : i32
      %and3A_555 = arith.andi %ge3A_552, %lt3A_554 : i1
      %convert_element_type3A_556 = arith.extui %and3A_555 : i1 to i32
      %cond3A_557 = arith.constant 0 : i32
      %cond3A_558 = arith.cmpi ne, %convert_element_type3A_556, %cond3A_557 : i32
      scf.if %cond3A_558 {
        %sub3A = arith.constant 8 : i32
        %sub3A_764 = arith.subi %add3A_550, %sub3A : i32
        %dma_wait3A_765 = arith.constant 7 : i32
        %dma_wait3A_766 = arith.constant 7 : i32
        %dma_wait3A_767 = arith.constant 0 : i32
        %dma_wait3A_768 = arith.constant 0 : i32
        %dma_wait3A_769 = tpu.memref_slice %arg9[%dma_wait3A_765, %dma_wait3A_767, %dma_wait3A_768] : memref<8x128x16xf32, #tpu.memory_space<vmem>> -> memref<1x128x16xf32, #tpu.memory_space<vmem>>
        %dma_wait3A_770 = tpu.memref_squeeze %dma_wait3A_769 : memref<1x128x16xf32, #tpu.memory_space<vmem>> -> memref<128x16xf32, #tpu.memory_space<vmem>>
        %dma_wait3A_771 = arith.constant 0 : i32
        %dma_wait3A_772 = tpu.memref_slice %arg8[%sub3A_764, %dma_wait3A_771] : memref<80x128xi32, #tpu.memory_space<vmem>> -> memref<1x128xi32, #tpu.memory_space<vmem>>
        %dma_wait3A_773 = tpu.memref_squeeze %dma_wait3A_772 : memref<1x128xi32, #tpu.memory_space<vmem>> -> memref<128xi32, #tpu.memory_space<vmem>>
        %dma_wait3A_774 = arith.constant 0 : i32
        %dma_wait3A_775 = arith.constant 0 : i32
        %dma_wait3A_776 = tpu.memref_slice %arg13[%dma_wait3A_774, %dma_wait3A_775] : memref<10112x16xf32, #tpu.memory_space<vmem_shared>> -> memref<10112x16xf32, #tpu.memory_space<vmem_shared>>
        %dma_wait3A_777 = tpu.memref_slice %arg16[%dma_wait3A_766] : memref<8x!tpu.dma_semaphore, #tpu.memory_space<semaphore_mem>> -> memref<1x!tpu.dma_semaphore, #tpu.memory_space<semaphore_mem>>
        %dma_wait3A_778 = tpu.memref_squeeze %dma_wait3A_777 : memref<1x!tpu.dma_semaphore, #tpu.memory_space<semaphore_mem>> -> memref<!tpu.dma_semaphore, #tpu.memory_space<semaphore_mem>>
        tpu.wait_indirect_dma semaphore(%dma_wait3A_778 : memref<!tpu.dma_semaphore, #tpu.memory_space<semaphore_mem>>) src(%dma_wait3A_770 : memref<128x16xf32, #tpu.memory_space<vmem>>) dst(%dma_wait3A_776 : memref<10112x16xf32, #tpu.memory_space<vmem_shared>>)
        %dma_wait3A_779 = arith.constant 7 : i32
        %dma_wait3A_780 = arith.constant 0 : i32
        %dma_wait3A_781 = tpu.memref_slice %arg8[%sub3A_764, %dma_wait3A_780] : memref<80x128xi32, #tpu.memory_space<vmem>> -> memref<1x128xi32, #tpu.memory_space<vmem>>
        %dma_wait3A_782 = tpu.memref_squeeze %dma_wait3A_781 : memref<1x128xi32, #tpu.memory_space<vmem>> -> memref<128xi32, #tpu.memory_space<vmem>>
        %dma_wait3A_783 = arith.constant 0 : i32
        %dma_wait3A_784 = arith.constant 0 : i32
        %dma_wait3A_785 = tpu.memref_slice %arg14[%dma_wait3A_783, %dma_wait3A_784] : memref<10112x16xf32, #tpu.memory_space<vmem_shared>> -> memref<10112x16xf32, #tpu.memory_space<vmem_shared>>
        %dma_wait3A_786 = tpu.memref_slice %arg17[%dma_wait3A_779] : memref<8x!tpu.dma_semaphore, #tpu.memory_space<semaphore_mem>> -> memref<1x!tpu.dma_semaphore, #tpu.memory_space<semaphore_mem>>
        %dma_wait3A_787 = tpu.memref_squeeze %dma_wait3A_786 : memref<1x!tpu.dma_semaphore, #tpu.memory_space<semaphore_mem>> -> memref<!tpu.dma_semaphore, #tpu.memory_space<semaphore_mem>>
        tpu.wait_indirect_dma semaphore(%dma_wait3A_787 : memref<!tpu.dma_semaphore, #tpu.memory_space<semaphore_mem>>) src(%arg10 : memref<128x16xf32, #tpu.memory_space<vmem>>) dst(%dma_wait3A_785 : memref<10112x16xf32, #tpu.memory_space<vmem_shared>>)
        %dma_start3A_788 = arith.constant 7 : i32
        %dma_start3A_789 = arith.constant 7 : i32
        %dma_start3A_790 = arith.constant 0 : i32
        %dma_start3A_791 = arith.constant 0 : i32
        %dma_start3A_792 = tpu.memref_slice %arg9[%dma_start3A_788, %dma_start3A_790, %dma_start3A_791] : memref<8x128x16xf32, #tpu.memory_space<vmem>> -> memref<1x128x16xf32, #tpu.memory_space<vmem>>
        %dma_start3A_793 = tpu.memref_squeeze %dma_start3A_792 : memref<1x128x16xf32, #tpu.memory_space<vmem>> -> memref<128x16xf32, #tpu.memory_space<vmem>>
        %dma_start3A_794 = arith.constant 0 : i32
        %dma_start3A_795 = tpu.memref_slice %arg7[%add3A_550, %dma_start3A_794] : memref<80x128xi32, #tpu.memory_space<vmem>> -> memref<1x128xi32, #tpu.memory_space<vmem>>
        %dma_start3A_796 = tpu.memref_squeeze %dma_start3A_795 : memref<1x128xi32, #tpu.memory_space<vmem>> -> memref<128xi32, #tpu.memory_space<vmem>>
        %dma_start3A_797 = arith.constant 0 : i32
        %dma_start3A_798 = arith.constant 0 : i32
        %dma_start3A_799 = tpu.memref_slice %arg12[%dma_start3A_797, %dma_start3A_798] : memref<10112x16xf32, #tpu.memory_space<vmem_shared>> -> memref<10112x16xf32, #tpu.memory_space<vmem_shared>>
        %dma_start3A_800 = tpu.memref_slice %arg15[%dma_start3A_789] : memref<8x!tpu.dma_semaphore, #tpu.memory_space<semaphore_mem>> -> memref<1x!tpu.dma_semaphore, #tpu.memory_space<semaphore_mem>>
        %dma_start3A_801 = tpu.memref_squeeze %dma_start3A_800 : memref<1x!tpu.dma_semaphore, #tpu.memory_space<semaphore_mem>> -> memref<!tpu.dma_semaphore, #tpu.memory_space<semaphore_mem>>
        tpu.enqueue_indirect_dma source(%dma_start3A_799 : memref<10112x16xf32, #tpu.memory_space<vmem_shared>>) target(%dma_start3A_793 : memref<128x16xf32, #tpu.memory_space<vmem>>) offsets(%dma_start3A_796 : memref<128xi32, #tpu.memory_space<vmem>>) semaphore(%dma_start3A_801 : memref<!tpu.dma_semaphore, #tpu.memory_space<semaphore_mem>>)
      } else {
      }
      %add3A_559 = arith.constant 4 : i32
      %add3A_560 = arith.addi %mul3A_359, %add3A_559 : i32
      %dma_wait3A_561 = arith.constant 4 : i32
      %dma_wait3A_562 = arith.constant 4 : i32
      %dma_wait3A_563 = arith.constant 0 : i32
      %dma_wait3A_564 = arith.constant 0 : i32
      %dma_wait3A_565 = tpu.memref_slice %arg9[%dma_wait3A_561, %dma_wait3A_563, %dma_wait3A_564] : memref<8x128x16xf32, #tpu.memory_space<vmem>> -> memref<1x128x16xf32, #tpu.memory_space<vmem>>
      %dma_wait3A_566 = tpu.memref_squeeze %dma_wait3A_565 : memref<1x128x16xf32, #tpu.memory_space<vmem>> -> memref<128x16xf32, #tpu.memory_space<vmem>>
      %dma_wait3A_567 = arith.constant 0 : i32
      %dma_wait3A_568 = tpu.memref_slice %arg7[%add3A_560, %dma_wait3A_567] : memref<80x128xi32, #tpu.memory_space<vmem>> -> memref<1x128xi32, #tpu.memory_space<vmem>>
      %dma_wait3A_569 = tpu.memref_squeeze %dma_wait3A_568 : memref<1x128xi32, #tpu.memory_space<vmem>> -> memref<128xi32, #tpu.memory_space<vmem>>
      %dma_wait3A_570 = arith.constant 0 : i32
      %dma_wait3A_571 = arith.constant 0 : i32
      %dma_wait3A_572 = tpu.memref_slice %arg12[%dma_wait3A_570, %dma_wait3A_571] : memref<10112x16xf32, #tpu.memory_space<vmem_shared>> -> memref<10112x16xf32, #tpu.memory_space<vmem_shared>>
      %dma_wait3A_573 = tpu.memref_slice %arg15[%dma_wait3A_562] : memref<8x!tpu.dma_semaphore, #tpu.memory_space<semaphore_mem>> -> memref<1x!tpu.dma_semaphore, #tpu.memory_space<semaphore_mem>>
      %dma_wait3A_574 = tpu.memref_squeeze %dma_wait3A_573 : memref<1x!tpu.dma_semaphore, #tpu.memory_space<semaphore_mem>> -> memref<!tpu.dma_semaphore, #tpu.memory_space<semaphore_mem>>
      tpu.wait_indirect_dma semaphore(%dma_wait3A_574 : memref<!tpu.dma_semaphore, #tpu.memory_space<semaphore_mem>>) src(%dma_wait3A_572 : memref<10112x16xf32, #tpu.memory_space<vmem_shared>>) dst(%dma_wait3A_566 : memref<128x16xf32, #tpu.memory_space<vmem>>)
      %dma_start3A_575 = arith.constant 4 : i32
      %dma_start3A_576 = arith.constant 4 : i32
      %dma_start3A_577 = arith.constant 0 : i32
      %dma_start3A_578 = arith.constant 0 : i32
      %dma_start3A_579 = tpu.memref_slice %arg9[%dma_start3A_575, %dma_start3A_577, %dma_start3A_578] : memref<8x128x16xf32, #tpu.memory_space<vmem>> -> memref<1x128x16xf32, #tpu.memory_space<vmem>>
      %dma_start3A_580 = tpu.memref_squeeze %dma_start3A_579 : memref<1x128x16xf32, #tpu.memory_space<vmem>> -> memref<128x16xf32, #tpu.memory_space<vmem>>
      %dma_start3A_581 = arith.constant 0 : i32
      %dma_start3A_582 = tpu.memref_slice %arg8[%add3A_560, %dma_start3A_581] : memref<80x128xi32, #tpu.memory_space<vmem>> -> memref<1x128xi32, #tpu.memory_space<vmem>>
      %dma_start3A_583 = tpu.memref_squeeze %dma_start3A_582 : memref<1x128xi32, #tpu.memory_space<vmem>> -> memref<128xi32, #tpu.memory_space<vmem>>
      %dma_start3A_584 = arith.constant 0 : i32
      %dma_start3A_585 = arith.constant 0 : i32
      %dma_start3A_586 = tpu.memref_slice %arg13[%dma_start3A_584, %dma_start3A_585] : memref<10112x16xf32, #tpu.memory_space<vmem_shared>> -> memref<10112x16xf32, #tpu.memory_space<vmem_shared>>
      %dma_start3A_587 = tpu.memref_slice %arg16[%dma_start3A_576] : memref<8x!tpu.dma_semaphore, #tpu.memory_space<semaphore_mem>> -> memref<1x!tpu.dma_semaphore, #tpu.memory_space<semaphore_mem>>
      %dma_start3A_588 = tpu.memref_squeeze %dma_start3A_587 : memref<1x!tpu.dma_semaphore, #tpu.memory_space<semaphore_mem>> -> memref<!tpu.dma_semaphore, #tpu.memory_space<semaphore_mem>>
      tpu.enqueue_indirect_dma source(%dma_start3A_580 : memref<128x16xf32, #tpu.memory_space<vmem>>) target(%dma_start3A_586 : memref<10112x16xf32, #tpu.memory_space<vmem_shared>>) offsets(%dma_start3A_583 : memref<128xi32, #tpu.memory_space<vmem>>) semaphore(%dma_start3A_588 : memref<!tpu.dma_semaphore, #tpu.memory_space<semaphore_mem>>) {add = true}
      %dma_start3A_589 = arith.constant 4 : i32
      %dma_start3A_590 = arith.constant 0 : i32
      %dma_start3A_591 = tpu.memref_slice %arg8[%add3A_560, %dma_start3A_590] : memref<80x128xi32, #tpu.memory_space<vmem>> -> memref<1x128xi32, #tpu.memory_space<vmem>>
      %dma_start3A_592 = tpu.memref_squeeze %dma_start3A_591 : memref<1x128xi32, #tpu.memory_space<vmem>> -> memref<128xi32, #tpu.memory_space<vmem>>
      %dma_start3A_593 = arith.constant 0 : i32
      %dma_start3A_594 = arith.constant 0 : i32
      %dma_start3A_595 = tpu.memref_slice %arg14[%dma_start3A_593, %dma_start3A_594] : memref<10112x16xf32, #tpu.memory_space<vmem_shared>> -> memref<10112x16xf32, #tpu.memory_space<vmem_shared>>
      %dma_start3A_596 = tpu.memref_slice %arg17[%dma_start3A_589] : memref<8x!tpu.dma_semaphore, #tpu.memory_space<semaphore_mem>> -> memref<1x!tpu.dma_semaphore, #tpu.memory_space<semaphore_mem>>
      %dma_start3A_597 = tpu.memref_squeeze %dma_start3A_596 : memref<1x!tpu.dma_semaphore, #tpu.memory_space<semaphore_mem>> -> memref<!tpu.dma_semaphore, #tpu.memory_space<semaphore_mem>>
      tpu.enqueue_indirect_dma source(%arg10 : memref<128x16xf32, #tpu.memory_space<vmem>>) target(%dma_start3A_595 : memref<10112x16xf32, #tpu.memory_space<vmem_shared>>) offsets(%dma_start3A_592 : memref<128xi32, #tpu.memory_space<vmem>>) semaphore(%dma_start3A_597 : memref<!tpu.dma_semaphore, #tpu.memory_space<semaphore_mem>>) {add = true}
      %add3A_598 = arith.constant 0 : i32
      %add3A_599 = arith.addi %mul3A_359, %add3A_598 : i32
      %add3A_600 = arith.constant 8 : i32
      %add3A_601 = arith.addi %add3A_599, %add3A_600 : i32
      %ge3A_602 = arith.constant 8 : i32
      %ge3A_603 = arith.cmpi sge, %add3A_601, %ge3A_602 : i32
      %lt3A_604 = arith.constant 80 : i32
      %lt3A_605 = arith.cmpi slt, %add3A_601, %lt3A_604 : i32
      %and3A_606 = arith.andi %ge3A_603, %lt3A_605 : i1
      %convert_element_type3A_607 = arith.extui %and3A_606 : i1 to i32
      %cond3A_608 = arith.constant 0 : i32
      %cond3A_609 = arith.cmpi ne, %convert_element_type3A_607, %cond3A_608 : i32
      scf.if %cond3A_609 {
        %sub3A = arith.constant 8 : i32
        %sub3A_764 = arith.subi %add3A_601, %sub3A : i32
        %dma_wait3A_765 = arith.constant 0 : i32
        %dma_wait3A_766 = arith.constant 0 : i32
        %dma_wait3A_767 = arith.constant 0 : i32
        %dma_wait3A_768 = arith.constant 0 : i32
        %dma_wait3A_769 = tpu.memref_slice %arg9[%dma_wait3A_765, %dma_wait3A_767, %dma_wait3A_768] : memref<8x128x16xf32, #tpu.memory_space<vmem>> -> memref<1x128x16xf32, #tpu.memory_space<vmem>>
        %dma_wait3A_770 = tpu.memref_squeeze %dma_wait3A_769 : memref<1x128x16xf32, #tpu.memory_space<vmem>> -> memref<128x16xf32, #tpu.memory_space<vmem>>
        %dma_wait3A_771 = arith.constant 0 : i32
        %dma_wait3A_772 = tpu.memref_slice %arg8[%sub3A_764, %dma_wait3A_771] : memref<80x128xi32, #tpu.memory_space<vmem>> -> memref<1x128xi32, #tpu.memory_space<vmem>>
        %dma_wait3A_773 = tpu.memref_squeeze %dma_wait3A_772 : memref<1x128xi32, #tpu.memory_space<vmem>> -> memref<128xi32, #tpu.memory_space<vmem>>
        %dma_wait3A_774 = arith.constant 0 : i32
        %dma_wait3A_775 = arith.constant 0 : i32
        %dma_wait3A_776 = tpu.memref_slice %arg13[%dma_wait3A_774, %dma_wait3A_775] : memref<10112x16xf32, #tpu.memory_space<vmem_shared>> -> memref<10112x16xf32, #tpu.memory_space<vmem_shared>>
        %dma_wait3A_777 = tpu.memref_slice %arg16[%dma_wait3A_766] : memref<8x!tpu.dma_semaphore, #tpu.memory_space<semaphore_mem>> -> memref<1x!tpu.dma_semaphore, #tpu.memory_space<semaphore_mem>>
        %dma_wait3A_778 = tpu.memref_squeeze %dma_wait3A_777 : memref<1x!tpu.dma_semaphore, #tpu.memory_space<semaphore_mem>> -> memref<!tpu.dma_semaphore, #tpu.memory_space<semaphore_mem>>
        tpu.wait_indirect_dma semaphore(%dma_wait3A_778 : memref<!tpu.dma_semaphore, #tpu.memory_space<semaphore_mem>>) src(%dma_wait3A_770 : memref<128x16xf32, #tpu.memory_space<vmem>>) dst(%dma_wait3A_776 : memref<10112x16xf32, #tpu.memory_space<vmem_shared>>)
        %dma_wait3A_779 = arith.constant 0 : i32
        %dma_wait3A_780 = arith.constant 0 : i32
        %dma_wait3A_781 = tpu.memref_slice %arg8[%sub3A_764, %dma_wait3A_780] : memref<80x128xi32, #tpu.memory_space<vmem>> -> memref<1x128xi32, #tpu.memory_space<vmem>>
        %dma_wait3A_782 = tpu.memref_squeeze %dma_wait3A_781 : memref<1x128xi32, #tpu.memory_space<vmem>> -> memref<128xi32, #tpu.memory_space<vmem>>
        %dma_wait3A_783 = arith.constant 0 : i32
        %dma_wait3A_784 = arith.constant 0 : i32
        %dma_wait3A_785 = tpu.memref_slice %arg14[%dma_wait3A_783, %dma_wait3A_784] : memref<10112x16xf32, #tpu.memory_space<vmem_shared>> -> memref<10112x16xf32, #tpu.memory_space<vmem_shared>>
        %dma_wait3A_786 = tpu.memref_slice %arg17[%dma_wait3A_779] : memref<8x!tpu.dma_semaphore, #tpu.memory_space<semaphore_mem>> -> memref<1x!tpu.dma_semaphore, #tpu.memory_space<semaphore_mem>>
        %dma_wait3A_787 = tpu.memref_squeeze %dma_wait3A_786 : memref<1x!tpu.dma_semaphore, #tpu.memory_space<semaphore_mem>> -> memref<!tpu.dma_semaphore, #tpu.memory_space<semaphore_mem>>
        tpu.wait_indirect_dma semaphore(%dma_wait3A_787 : memref<!tpu.dma_semaphore, #tpu.memory_space<semaphore_mem>>) src(%arg10 : memref<128x16xf32, #tpu.memory_space<vmem>>) dst(%dma_wait3A_785 : memref<10112x16xf32, #tpu.memory_space<vmem_shared>>)
        %dma_start3A_788 = arith.constant 0 : i32
        %dma_start3A_789 = arith.constant 0 : i32
        %dma_start3A_790 = arith.constant 0 : i32
        %dma_start3A_791 = arith.constant 0 : i32
        %dma_start3A_792 = tpu.memref_slice %arg9[%dma_start3A_788, %dma_start3A_790, %dma_start3A_791] : memref<8x128x16xf32, #tpu.memory_space<vmem>> -> memref<1x128x16xf32, #tpu.memory_space<vmem>>
        %dma_start3A_793 = tpu.memref_squeeze %dma_start3A_792 : memref<1x128x16xf32, #tpu.memory_space<vmem>> -> memref<128x16xf32, #tpu.memory_space<vmem>>
        %dma_start3A_794 = arith.constant 0 : i32
        %dma_start3A_795 = tpu.memref_slice %arg7[%add3A_601, %dma_start3A_794] : memref<80x128xi32, #tpu.memory_space<vmem>> -> memref<1x128xi32, #tpu.memory_space<vmem>>
        %dma_start3A_796 = tpu.memref_squeeze %dma_start3A_795 : memref<1x128xi32, #tpu.memory_space<vmem>> -> memref<128xi32, #tpu.memory_space<vmem>>
        %dma_start3A_797 = arith.constant 0 : i32
        %dma_start3A_798 = arith.constant 0 : i32
        %dma_start3A_799 = tpu.memref_slice %arg12[%dma_start3A_797, %dma_start3A_798] : memref<10112x16xf32, #tpu.memory_space<vmem_shared>> -> memref<10112x16xf32, #tpu.memory_space<vmem_shared>>
        %dma_start3A_800 = tpu.memref_slice %arg15[%dma_start3A_789] : memref<8x!tpu.dma_semaphore, #tpu.memory_space<semaphore_mem>> -> memref<1x!tpu.dma_semaphore, #tpu.memory_space<semaphore_mem>>
        %dma_start3A_801 = tpu.memref_squeeze %dma_start3A_800 : memref<1x!tpu.dma_semaphore, #tpu.memory_space<semaphore_mem>> -> memref<!tpu.dma_semaphore, #tpu.memory_space<semaphore_mem>>
        tpu.enqueue_indirect_dma source(%dma_start3A_799 : memref<10112x16xf32, #tpu.memory_space<vmem_shared>>) target(%dma_start3A_793 : memref<128x16xf32, #tpu.memory_space<vmem>>) offsets(%dma_start3A_796 : memref<128xi32, #tpu.memory_space<vmem>>) semaphore(%dma_start3A_801 : memref<!tpu.dma_semaphore, #tpu.memory_space<semaphore_mem>>)
      } else {
      }
      %add3A_610 = arith.constant 5 : i32
      %add3A_611 = arith.addi %mul3A_359, %add3A_610 : i32
      %dma_wait3A_612 = arith.constant 5 : i32
      %dma_wait3A_613 = arith.constant 5 : i32
      %dma_wait3A_614 = arith.constant 0 : i32
      %dma_wait3A_615 = arith.constant 0 : i32
      %dma_wait3A_616 = tpu.memref_slice %arg9[%dma_wait3A_612, %dma_wait3A_614, %dma_wait3A_615] : memref<8x128x16xf32, #tpu.memory_space<vmem>> -> memref<1x128x16xf32, #tpu.memory_space<vmem>>
      %dma_wait3A_617 = tpu.memref_squeeze %dma_wait3A_616 : memref<1x128x16xf32, #tpu.memory_space<vmem>> -> memref<128x16xf32, #tpu.memory_space<vmem>>
      %dma_wait3A_618 = arith.constant 0 : i32
      %dma_wait3A_619 = tpu.memref_slice %arg7[%add3A_611, %dma_wait3A_618] : memref<80x128xi32, #tpu.memory_space<vmem>> -> memref<1x128xi32, #tpu.memory_space<vmem>>
      %dma_wait3A_620 = tpu.memref_squeeze %dma_wait3A_619 : memref<1x128xi32, #tpu.memory_space<vmem>> -> memref<128xi32, #tpu.memory_space<vmem>>
      %dma_wait3A_621 = arith.constant 0 : i32
      %dma_wait3A_622 = arith.constant 0 : i32
      %dma_wait3A_623 = tpu.memref_slice %arg12[%dma_wait3A_621, %dma_wait3A_622] : memref<10112x16xf32, #tpu.memory_space<vmem_shared>> -> memref<10112x16xf32, #tpu.memory_space<vmem_shared>>
      %dma_wait3A_624 = tpu.memref_slice %arg15[%dma_wait3A_613] : memref<8x!tpu.dma_semaphore, #tpu.memory_space<semaphore_mem>> -> memref<1x!tpu.dma_semaphore, #tpu.memory_space<semaphore_mem>>
      %dma_wait3A_625 = tpu.memref_squeeze %dma_wait3A_624 : memref<1x!tpu.dma_semaphore, #tpu.memory_space<semaphore_mem>> -> memref<!tpu.dma_semaphore, #tpu.memory_space<semaphore_mem>>
      tpu.wait_indirect_dma semaphore(%dma_wait3A_625 : memref<!tpu.dma_semaphore, #tpu.memory_space<semaphore_mem>>) src(%dma_wait3A_623 : memref<10112x16xf32, #tpu.memory_space<vmem_shared>>) dst(%dma_wait3A_617 : memref<128x16xf32, #tpu.memory_space<vmem>>)
      %dma_start3A_626 = arith.constant 5 : i32
      %dma_start3A_627 = arith.constant 5 : i32
      %dma_start3A_628 = arith.constant 0 : i32
      %dma_start3A_629 = arith.constant 0 : i32
      %dma_start3A_630 = tpu.memref_slice %arg9[%dma_start3A_626, %dma_start3A_628, %dma_start3A_629] : memref<8x128x16xf32, #tpu.memory_space<vmem>> -> memref<1x128x16xf32, #tpu.memory_space<vmem>>
      %dma_start3A_631 = tpu.memref_squeeze %dma_start3A_630 : memref<1x128x16xf32, #tpu.memory_space<vmem>> -> memref<128x16xf32, #tpu.memory_space<vmem>>
      %dma_start3A_632 = arith.constant 0 : i32
      %dma_start3A_633 = tpu.memref_slice %arg8[%add3A_611, %dma_start3A_632] : memref<80x128xi32, #tpu.memory_space<vmem>> -> memref<1x128xi32, #tpu.memory_space<vmem>>
      %dma_start3A_634 = tpu.memref_squeeze %dma_start3A_633 : memref<1x128xi32, #tpu.memory_space<vmem>> -> memref<128xi32, #tpu.memory_space<vmem>>
      %dma_start3A_635 = arith.constant 0 : i32
      %dma_start3A_636 = arith.constant 0 : i32
      %dma_start3A_637 = tpu.memref_slice %arg13[%dma_start3A_635, %dma_start3A_636] : memref<10112x16xf32, #tpu.memory_space<vmem_shared>> -> memref<10112x16xf32, #tpu.memory_space<vmem_shared>>
      %dma_start3A_638 = tpu.memref_slice %arg16[%dma_start3A_627] : memref<8x!tpu.dma_semaphore, #tpu.memory_space<semaphore_mem>> -> memref<1x!tpu.dma_semaphore, #tpu.memory_space<semaphore_mem>>
      %dma_start3A_639 = tpu.memref_squeeze %dma_start3A_638 : memref<1x!tpu.dma_semaphore, #tpu.memory_space<semaphore_mem>> -> memref<!tpu.dma_semaphore, #tpu.memory_space<semaphore_mem>>
      tpu.enqueue_indirect_dma source(%dma_start3A_631 : memref<128x16xf32, #tpu.memory_space<vmem>>) target(%dma_start3A_637 : memref<10112x16xf32, #tpu.memory_space<vmem_shared>>) offsets(%dma_start3A_634 : memref<128xi32, #tpu.memory_space<vmem>>) semaphore(%dma_start3A_639 : memref<!tpu.dma_semaphore, #tpu.memory_space<semaphore_mem>>) {add = true}
      %dma_start3A_640 = arith.constant 5 : i32
      %dma_start3A_641 = arith.constant 0 : i32
      %dma_start3A_642 = tpu.memref_slice %arg8[%add3A_611, %dma_start3A_641] : memref<80x128xi32, #tpu.memory_space<vmem>> -> memref<1x128xi32, #tpu.memory_space<vmem>>
      %dma_start3A_643 = tpu.memref_squeeze %dma_start3A_642 : memref<1x128xi32, #tpu.memory_space<vmem>> -> memref<128xi32, #tpu.memory_space<vmem>>
      %dma_start3A_644 = arith.constant 0 : i32
      %dma_start3A_645 = arith.constant 0 : i32
      %dma_start3A_646 = tpu.memref_slice %arg14[%dma_start3A_644, %dma_start3A_645] : memref<10112x16xf32, #tpu.memory_space<vmem_shared>> -> memref<10112x16xf32, #tpu.memory_space<vmem_shared>>
      %dma_start3A_647 = tpu.memref_slice %arg17[%dma_start3A_640] : memref<8x!tpu.dma_semaphore, #tpu.memory_space<semaphore_mem>> -> memref<1x!tpu.dma_semaphore, #tpu.memory_space<semaphore_mem>>
      %dma_start3A_648 = tpu.memref_squeeze %dma_start3A_647 : memref<1x!tpu.dma_semaphore, #tpu.memory_space<semaphore_mem>> -> memref<!tpu.dma_semaphore, #tpu.memory_space<semaphore_mem>>
      tpu.enqueue_indirect_dma source(%arg10 : memref<128x16xf32, #tpu.memory_space<vmem>>) target(%dma_start3A_646 : memref<10112x16xf32, #tpu.memory_space<vmem_shared>>) offsets(%dma_start3A_643 : memref<128xi32, #tpu.memory_space<vmem>>) semaphore(%dma_start3A_648 : memref<!tpu.dma_semaphore, #tpu.memory_space<semaphore_mem>>) {add = true}
      %add3A_649 = arith.constant 1 : i32
      %add3A_650 = arith.addi %mul3A_359, %add3A_649 : i32
      %add3A_651 = arith.constant 8 : i32
      %add3A_652 = arith.addi %add3A_650, %add3A_651 : i32
      %ge3A_653 = arith.constant 8 : i32
      %ge3A_654 = arith.cmpi sge, %add3A_652, %ge3A_653 : i32
      %lt3A_655 = arith.constant 80 : i32
      %lt3A_656 = arith.cmpi slt, %add3A_652, %lt3A_655 : i32
      %and3A_657 = arith.andi %ge3A_654, %lt3A_656 : i1
      %convert_element_type3A_658 = arith.extui %and3A_657 : i1 to i32
      %cond3A_659 = arith.constant 0 : i32
      %cond3A_660 = arith.cmpi ne, %convert_element_type3A_658, %cond3A_659 : i32
      scf.if %cond3A_660 {
        %sub3A = arith.constant 8 : i32
        %sub3A_764 = arith.subi %add3A_652, %sub3A : i32
        %dma_wait3A_765 = arith.constant 1 : i32
        %dma_wait3A_766 = arith.constant 1 : i32
        %dma_wait3A_767 = arith.constant 0 : i32
        %dma_wait3A_768 = arith.constant 0 : i32
        %dma_wait3A_769 = tpu.memref_slice %arg9[%dma_wait3A_765, %dma_wait3A_767, %dma_wait3A_768] : memref<8x128x16xf32, #tpu.memory_space<vmem>> -> memref<1x128x16xf32, #tpu.memory_space<vmem>>
        %dma_wait3A_770 = tpu.memref_squeeze %dma_wait3A_769 : memref<1x128x16xf32, #tpu.memory_space<vmem>> -> memref<128x16xf32, #tpu.memory_space<vmem>>
        %dma_wait3A_771 = arith.constant 0 : i32
        %dma_wait3A_772 = tpu.memref_slice %arg8[%sub3A_764, %dma_wait3A_771] : memref<80x128xi32, #tpu.memory_space<vmem>> -> memref<1x128xi32, #tpu.memory_space<vmem>>
        %dma_wait3A_773 = tpu.memref_squeeze %dma_wait3A_772 : memref<1x128xi32, #tpu.memory_space<vmem>> -> memref<128xi32, #tpu.memory_space<vmem>>
        %dma_wait3A_774 = arith.constant 0 : i32
        %dma_wait3A_775 = arith.constant 0 : i32
        %dma_wait3A_776 = tpu.memref_slice %arg13[%dma_wait3A_774, %dma_wait3A_775] : memref<10112x16xf32, #tpu.memory_space<vmem_shared>> -> memref<10112x16xf32, #tpu.memory_space<vmem_shared>>
        %dma_wait3A_777 = tpu.memref_slice %arg16[%dma_wait3A_766] : memref<8x!tpu.dma_semaphore, #tpu.memory_space<semaphore_mem>> -> memref<1x!tpu.dma_semaphore, #tpu.memory_space<semaphore_mem>>
        %dma_wait3A_778 = tpu.memref_squeeze %dma_wait3A_777 : memref<1x!tpu.dma_semaphore, #tpu.memory_space<semaphore_mem>> -> memref<!tpu.dma_semaphore, #tpu.memory_space<semaphore_mem>>
        tpu.wait_indirect_dma semaphore(%dma_wait3A_778 : memref<!tpu.dma_semaphore, #tpu.memory_space<semaphore_mem>>) src(%dma_wait3A_770 : memref<128x16xf32, #tpu.memory_space<vmem>>) dst(%dma_wait3A_776 : memref<10112x16xf32, #tpu.memory_space<vmem_shared>>)
        %dma_wait3A_779 = arith.constant 1 : i32
        %dma_wait3A_780 = arith.constant 0 : i32
        %dma_wait3A_781 = tpu.memref_slice %arg8[%sub3A_764, %dma_wait3A_780] : memref<80x128xi32, #tpu.memory_space<vmem>> -> memref<1x128xi32, #tpu.memory_space<vmem>>
        %dma_wait3A_782 = tpu.memref_squeeze %dma_wait3A_781 : memref<1x128xi32, #tpu.memory_space<vmem>> -> memref<128xi32, #tpu.memory_space<vmem>>
        %dma_wait3A_783 = arith.constant 0 : i32
        %dma_wait3A_784 = arith.constant 0 : i32
        %dma_wait3A_785 = tpu.memref_slice %arg14[%dma_wait3A_783, %dma_wait3A_784] : memref<10112x16xf32, #tpu.memory_space<vmem_shared>> -> memref<10112x16xf32, #tpu.memory_space<vmem_shared>>
        %dma_wait3A_786 = tpu.memref_slice %arg17[%dma_wait3A_779] : memref<8x!tpu.dma_semaphore, #tpu.memory_space<semaphore_mem>> -> memref<1x!tpu.dma_semaphore, #tpu.memory_space<semaphore_mem>>
        %dma_wait3A_787 = tpu.memref_squeeze %dma_wait3A_786 : memref<1x!tpu.dma_semaphore, #tpu.memory_space<semaphore_mem>> -> memref<!tpu.dma_semaphore, #tpu.memory_space<semaphore_mem>>
        tpu.wait_indirect_dma semaphore(%dma_wait3A_787 : memref<!tpu.dma_semaphore, #tpu.memory_space<semaphore_mem>>) src(%arg10 : memref<128x16xf32, #tpu.memory_space<vmem>>) dst(%dma_wait3A_785 : memref<10112x16xf32, #tpu.memory_space<vmem_shared>>)
        %dma_start3A_788 = arith.constant 1 : i32
        %dma_start3A_789 = arith.constant 1 : i32
        %dma_start3A_790 = arith.constant 0 : i32
        %dma_start3A_791 = arith.constant 0 : i32
        %dma_start3A_792 = tpu.memref_slice %arg9[%dma_start3A_788, %dma_start3A_790, %dma_start3A_791] : memref<8x128x16xf32, #tpu.memory_space<vmem>> -> memref<1x128x16xf32, #tpu.memory_space<vmem>>
        %dma_start3A_793 = tpu.memref_squeeze %dma_start3A_792 : memref<1x128x16xf32, #tpu.memory_space<vmem>> -> memref<128x16xf32, #tpu.memory_space<vmem>>
        %dma_start3A_794 = arith.constant 0 : i32
        %dma_start3A_795 = tpu.memref_slice %arg7[%add3A_652, %dma_start3A_794] : memref<80x128xi32, #tpu.memory_space<vmem>> -> memref<1x128xi32, #tpu.memory_space<vmem>>
        %dma_start3A_796 = tpu.memref_squeeze %dma_start3A_795 : memref<1x128xi32, #tpu.memory_space<vmem>> -> memref<128xi32, #tpu.memory_space<vmem>>
        %dma_start3A_797 = arith.constant 0 : i32
        %dma_start3A_798 = arith.constant 0 : i32
        %dma_start3A_799 = tpu.memref_slice %arg12[%dma_start3A_797, %dma_start3A_798] : memref<10112x16xf32, #tpu.memory_space<vmem_shared>> -> memref<10112x16xf32, #tpu.memory_space<vmem_shared>>
        %dma_start3A_800 = tpu.memref_slice %arg15[%dma_start3A_789] : memref<8x!tpu.dma_semaphore, #tpu.memory_space<semaphore_mem>> -> memref<1x!tpu.dma_semaphore, #tpu.memory_space<semaphore_mem>>
        %dma_start3A_801 = tpu.memref_squeeze %dma_start3A_800 : memref<1x!tpu.dma_semaphore, #tpu.memory_space<semaphore_mem>> -> memref<!tpu.dma_semaphore, #tpu.memory_space<semaphore_mem>>
        tpu.enqueue_indirect_dma source(%dma_start3A_799 : memref<10112x16xf32, #tpu.memory_space<vmem_shared>>) target(%dma_start3A_793 : memref<128x16xf32, #tpu.memory_space<vmem>>) offsets(%dma_start3A_796 : memref<128xi32, #tpu.memory_space<vmem>>) semaphore(%dma_start3A_801 : memref<!tpu.dma_semaphore, #tpu.memory_space<semaphore_mem>>)
      } else {
      }
      %add3A_661 = arith.constant 6 : i32
      %add3A_662 = arith.addi %mul3A_359, %add3A_661 : i32
      %dma_wait3A_663 = arith.constant 6 : i32
      %dma_wait3A_664 = arith.constant 6 : i32
      %dma_wait3A_665 = arith.constant 0 : i32
      %dma_wait3A_666 = arith.constant 0 : i32
      %dma_wait3A_667 = tpu.memref_slice %arg9[%dma_wait3A_663, %dma_wait3A_665, %dma_wait3A_666] : memref<8x128x16xf32, #tpu.memory_space<vmem>> -> memref<1x128x16xf32, #tpu.memory_space<vmem>>
      %dma_wait3A_668 = tpu.memref_squeeze %dma_wait3A_667 : memref<1x128x16xf32, #tpu.memory_space<vmem>> -> memref<128x16xf32, #tpu.memory_space<vmem>>
      %dma_wait3A_669 = arith.constant 0 : i32
      %dma_wait3A_670 = tpu.memref_slice %arg7[%add3A_662, %dma_wait3A_669] : memref<80x128xi32, #tpu.memory_space<vmem>> -> memref<1x128xi32, #tpu.memory_space<vmem>>
      %dma_wait3A_671 = tpu.memref_squeeze %dma_wait3A_670 : memref<1x128xi32, #tpu.memory_space<vmem>> -> memref<128xi32, #tpu.memory_space<vmem>>
      %dma_wait3A_672 = arith.constant 0 : i32
      %dma_wait3A_673 = arith.constant 0 : i32
      %dma_wait3A_674 = tpu.memref_slice %arg12[%dma_wait3A_672, %dma_wait3A_673] : memref<10112x16xf32, #tpu.memory_space<vmem_shared>> -> memref<10112x16xf32, #tpu.memory_space<vmem_shared>>
      %dma_wait3A_675 = tpu.memref_slice %arg15[%dma_wait3A_664] : memref<8x!tpu.dma_semaphore, #tpu.memory_space<semaphore_mem>> -> memref<1x!tpu.dma_semaphore, #tpu.memory_space<semaphore_mem>>
      %dma_wait3A_676 = tpu.memref_squeeze %dma_wait3A_675 : memref<1x!tpu.dma_semaphore, #tpu.memory_space<semaphore_mem>> -> memref<!tpu.dma_semaphore, #tpu.memory_space<semaphore_mem>>
      tpu.wait_indirect_dma semaphore(%dma_wait3A_676 : memref<!tpu.dma_semaphore, #tpu.memory_space<semaphore_mem>>) src(%dma_wait3A_674 : memref<10112x16xf32, #tpu.memory_space<vmem_shared>>) dst(%dma_wait3A_668 : memref<128x16xf32, #tpu.memory_space<vmem>>)
      %dma_start3A_677 = arith.constant 6 : i32
      %dma_start3A_678 = arith.constant 6 : i32
      %dma_start3A_679 = arith.constant 0 : i32
      %dma_start3A_680 = arith.constant 0 : i32
      %dma_start3A_681 = tpu.memref_slice %arg9[%dma_start3A_677, %dma_start3A_679, %dma_start3A_680] : memref<8x128x16xf32, #tpu.memory_space<vmem>> -> memref<1x128x16xf32, #tpu.memory_space<vmem>>
      %dma_start3A_682 = tpu.memref_squeeze %dma_start3A_681 : memref<1x128x16xf32, #tpu.memory_space<vmem>> -> memref<128x16xf32, #tpu.memory_space<vmem>>
      %dma_start3A_683 = arith.constant 0 : i32
      %dma_start3A_684 = tpu.memref_slice %arg8[%add3A_662, %dma_start3A_683] : memref<80x128xi32, #tpu.memory_space<vmem>> -> memref<1x128xi32, #tpu.memory_space<vmem>>
      %dma_start3A_685 = tpu.memref_squeeze %dma_start3A_684 : memref<1x128xi32, #tpu.memory_space<vmem>> -> memref<128xi32, #tpu.memory_space<vmem>>
      %dma_start3A_686 = arith.constant 0 : i32
      %dma_start3A_687 = arith.constant 0 : i32
      %dma_start3A_688 = tpu.memref_slice %arg13[%dma_start3A_686, %dma_start3A_687] : memref<10112x16xf32, #tpu.memory_space<vmem_shared>> -> memref<10112x16xf32, #tpu.memory_space<vmem_shared>>
      %dma_start3A_689 = tpu.memref_slice %arg16[%dma_start3A_678] : memref<8x!tpu.dma_semaphore, #tpu.memory_space<semaphore_mem>> -> memref<1x!tpu.dma_semaphore, #tpu.memory_space<semaphore_mem>>
      %dma_start3A_690 = tpu.memref_squeeze %dma_start3A_689 : memref<1x!tpu.dma_semaphore, #tpu.memory_space<semaphore_mem>> -> memref<!tpu.dma_semaphore, #tpu.memory_space<semaphore_mem>>
      tpu.enqueue_indirect_dma source(%dma_start3A_682 : memref<128x16xf32, #tpu.memory_space<vmem>>) target(%dma_start3A_688 : memref<10112x16xf32, #tpu.memory_space<vmem_shared>>) offsets(%dma_start3A_685 : memref<128xi32, #tpu.memory_space<vmem>>) semaphore(%dma_start3A_690 : memref<!tpu.dma_semaphore, #tpu.memory_space<semaphore_mem>>) {add = true}
      %dma_start3A_691 = arith.constant 6 : i32
      %dma_start3A_692 = arith.constant 0 : i32
      %dma_start3A_693 = tpu.memref_slice %arg8[%add3A_662, %dma_start3A_692] : memref<80x128xi32, #tpu.memory_space<vmem>> -> memref<1x128xi32, #tpu.memory_space<vmem>>
      %dma_start3A_694 = tpu.memref_squeeze %dma_start3A_693 : memref<1x128xi32, #tpu.memory_space<vmem>> -> memref<128xi32, #tpu.memory_space<vmem>>
      %dma_start3A_695 = arith.constant 0 : i32
      %dma_start3A_696 = arith.constant 0 : i32
      %dma_start3A_697 = tpu.memref_slice %arg14[%dma_start3A_695, %dma_start3A_696] : memref<10112x16xf32, #tpu.memory_space<vmem_shared>> -> memref<10112x16xf32, #tpu.memory_space<vmem_shared>>
      %dma_start3A_698 = tpu.memref_slice %arg17[%dma_start3A_691] : memref<8x!tpu.dma_semaphore, #tpu.memory_space<semaphore_mem>> -> memref<1x!tpu.dma_semaphore, #tpu.memory_space<semaphore_mem>>
      %dma_start3A_699 = tpu.memref_squeeze %dma_start3A_698 : memref<1x!tpu.dma_semaphore, #tpu.memory_space<semaphore_mem>> -> memref<!tpu.dma_semaphore, #tpu.memory_space<semaphore_mem>>
      tpu.enqueue_indirect_dma source(%arg10 : memref<128x16xf32, #tpu.memory_space<vmem>>) target(%dma_start3A_697 : memref<10112x16xf32, #tpu.memory_space<vmem_shared>>) offsets(%dma_start3A_694 : memref<128xi32, #tpu.memory_space<vmem>>) semaphore(%dma_start3A_699 : memref<!tpu.dma_semaphore, #tpu.memory_space<semaphore_mem>>) {add = true}
      %add3A_700 = arith.constant 2 : i32
      %add3A_701 = arith.addi %mul3A_359, %add3A_700 : i32
      %add3A_702 = arith.constant 8 : i32
      %add3A_703 = arith.addi %add3A_701, %add3A_702 : i32
      %ge3A_704 = arith.constant 8 : i32
      %ge3A_705 = arith.cmpi sge, %add3A_703, %ge3A_704 : i32
      %lt3A_706 = arith.constant 80 : i32
      %lt3A_707 = arith.cmpi slt, %add3A_703, %lt3A_706 : i32
      %and3A_708 = arith.andi %ge3A_705, %lt3A_707 : i1
      %convert_element_type3A_709 = arith.extui %and3A_708 : i1 to i32
      %cond3A_710 = arith.constant 0 : i32
      %cond3A_711 = arith.cmpi ne, %convert_element_type3A_709, %cond3A_710 : i32
      scf.if %cond3A_711 {
        %sub3A = arith.constant 8 : i32
        %sub3A_764 = arith.subi %add3A_703, %sub3A : i32
        %dma_wait3A_765 = arith.constant 2 : i32
        %dma_wait3A_766 = arith.constant 2 : i32
        %dma_wait3A_767 = arith.constant 0 : i32
        %dma_wait3A_768 = arith.constant 0 : i32
        %dma_wait3A_769 = tpu.memref_slice %arg9[%dma_wait3A_765, %dma_wait3A_767, %dma_wait3A_768] : memref<8x128x16xf32, #tpu.memory_space<vmem>> -> memref<1x128x16xf32, #tpu.memory_space<vmem>>
        %dma_wait3A_770 = tpu.memref_squeeze %dma_wait3A_769 : memref<1x128x16xf32, #tpu.memory_space<vmem>> -> memref<128x16xf32, #tpu.memory_space<vmem>>
        %dma_wait3A_771 = arith.constant 0 : i32
        %dma_wait3A_772 = tpu.memref_slice %arg8[%sub3A_764, %dma_wait3A_771] : memref<80x128xi32, #tpu.memory_space<vmem>> -> memref<1x128xi32, #tpu.memory_space<vmem>>
        %dma_wait3A_773 = tpu.memref_squeeze %dma_wait3A_772 : memref<1x128xi32, #tpu.memory_space<vmem>> -> memref<128xi32, #tpu.memory_space<vmem>>
        %dma_wait3A_774 = arith.constant 0 : i32
        %dma_wait3A_775 = arith.constant 0 : i32
        %dma_wait3A_776 = tpu.memref_slice %arg13[%dma_wait3A_774, %dma_wait3A_775] : memref<10112x16xf32, #tpu.memory_space<vmem_shared>> -> memref<10112x16xf32, #tpu.memory_space<vmem_shared>>
        %dma_wait3A_777 = tpu.memref_slice %arg16[%dma_wait3A_766] : memref<8x!tpu.dma_semaphore, #tpu.memory_space<semaphore_mem>> -> memref<1x!tpu.dma_semaphore, #tpu.memory_space<semaphore_mem>>
        %dma_wait3A_778 = tpu.memref_squeeze %dma_wait3A_777 : memref<1x!tpu.dma_semaphore, #tpu.memory_space<semaphore_mem>> -> memref<!tpu.dma_semaphore, #tpu.memory_space<semaphore_mem>>
        tpu.wait_indirect_dma semaphore(%dma_wait3A_778 : memref<!tpu.dma_semaphore, #tpu.memory_space<semaphore_mem>>) src(%dma_wait3A_770 : memref<128x16xf32, #tpu.memory_space<vmem>>) dst(%dma_wait3A_776 : memref<10112x16xf32, #tpu.memory_space<vmem_shared>>)
        %dma_wait3A_779 = arith.constant 2 : i32
        %dma_wait3A_780 = arith.constant 0 : i32
        %dma_wait3A_781 = tpu.memref_slice %arg8[%sub3A_764, %dma_wait3A_780] : memref<80x128xi32, #tpu.memory_space<vmem>> -> memref<1x128xi32, #tpu.memory_space<vmem>>
        %dma_wait3A_782 = tpu.memref_squeeze %dma_wait3A_781 : memref<1x128xi32, #tpu.memory_space<vmem>> -> memref<128xi32, #tpu.memory_space<vmem>>
        %dma_wait3A_783 = arith.constant 0 : i32
        %dma_wait3A_784 = arith.constant 0 : i32
        %dma_wait3A_785 = tpu.memref_slice %arg14[%dma_wait3A_783, %dma_wait3A_784] : memref<10112x16xf32, #tpu.memory_space<vmem_shared>> -> memref<10112x16xf32, #tpu.memory_space<vmem_shared>>
        %dma_wait3A_786 = tpu.memref_slice %arg17[%dma_wait3A_779] : memref<8x!tpu.dma_semaphore, #tpu.memory_space<semaphore_mem>> -> memref<1x!tpu.dma_semaphore, #tpu.memory_space<semaphore_mem>>
        %dma_wait3A_787 = tpu.memref_squeeze %dma_wait3A_786 : memref<1x!tpu.dma_semaphore, #tpu.memory_space<semaphore_mem>> -> memref<!tpu.dma_semaphore, #tpu.memory_space<semaphore_mem>>
        tpu.wait_indirect_dma semaphore(%dma_wait3A_787 : memref<!tpu.dma_semaphore, #tpu.memory_space<semaphore_mem>>) src(%arg10 : memref<128x16xf32, #tpu.memory_space<vmem>>) dst(%dma_wait3A_785 : memref<10112x16xf32, #tpu.memory_space<vmem_shared>>)
        %dma_start3A_788 = arith.constant 2 : i32
        %dma_start3A_789 = arith.constant 2 : i32
        %dma_start3A_790 = arith.constant 0 : i32
        %dma_start3A_791 = arith.constant 0 : i32
        %dma_start3A_792 = tpu.memref_slice %arg9[%dma_start3A_788, %dma_start3A_790, %dma_start3A_791] : memref<8x128x16xf32, #tpu.memory_space<vmem>> -> memref<1x128x16xf32, #tpu.memory_space<vmem>>
        %dma_start3A_793 = tpu.memref_squeeze %dma_start3A_792 : memref<1x128x16xf32, #tpu.memory_space<vmem>> -> memref<128x16xf32, #tpu.memory_space<vmem>>
        %dma_start3A_794 = arith.constant 0 : i32
        %dma_start3A_795 = tpu.memref_slice %arg7[%add3A_703, %dma_start3A_794] : memref<80x128xi32, #tpu.memory_space<vmem>> -> memref<1x128xi32, #tpu.memory_space<vmem>>
        %dma_start3A_796 = tpu.memref_squeeze %dma_start3A_795 : memref<1x128xi32, #tpu.memory_space<vmem>> -> memref<128xi32, #tpu.memory_space<vmem>>
        %dma_start3A_797 = arith.constant 0 : i32
        %dma_start3A_798 = arith.constant 0 : i32
        %dma_start3A_799 = tpu.memref_slice %arg12[%dma_start3A_797, %dma_start3A_798] : memref<10112x16xf32, #tpu.memory_space<vmem_shared>> -> memref<10112x16xf32, #tpu.memory_space<vmem_shared>>
        %dma_start3A_800 = tpu.memref_slice %arg15[%dma_start3A_789] : memref<8x!tpu.dma_semaphore, #tpu.memory_space<semaphore_mem>> -> memref<1x!tpu.dma_semaphore, #tpu.memory_space<semaphore_mem>>
        %dma_start3A_801 = tpu.memref_squeeze %dma_start3A_800 : memref<1x!tpu.dma_semaphore, #tpu.memory_space<semaphore_mem>> -> memref<!tpu.dma_semaphore, #tpu.memory_space<semaphore_mem>>
        tpu.enqueue_indirect_dma source(%dma_start3A_799 : memref<10112x16xf32, #tpu.memory_space<vmem_shared>>) target(%dma_start3A_793 : memref<128x16xf32, #tpu.memory_space<vmem>>) offsets(%dma_start3A_796 : memref<128xi32, #tpu.memory_space<vmem>>) semaphore(%dma_start3A_801 : memref<!tpu.dma_semaphore, #tpu.memory_space<semaphore_mem>>)
      } else {
      }
      %add3A_712 = arith.constant 7 : i32
      %add3A_713 = arith.addi %mul3A_359, %add3A_712 : i32
      %dma_wait3A_714 = arith.constant 7 : i32
      %dma_wait3A_715 = arith.constant 7 : i32
      %dma_wait3A_716 = arith.constant 0 : i32
      %dma_wait3A_717 = arith.constant 0 : i32
      %dma_wait3A_718 = tpu.memref_slice %arg9[%dma_wait3A_714, %dma_wait3A_716, %dma_wait3A_717] : memref<8x128x16xf32, #tpu.memory_space<vmem>> -> memref<1x128x16xf32, #tpu.memory_space<vmem>>
      %dma_wait3A_719 = tpu.memref_squeeze %dma_wait3A_718 : memref<1x128x16xf32, #tpu.memory_space<vmem>> -> memref<128x16xf32, #tpu.memory_space<vmem>>
      %dma_wait3A_720 = arith.constant 0 : i32
      %dma_wait3A_721 = tpu.memref_slice %arg7[%add3A_713, %dma_wait3A_720] : memref<80x128xi32, #tpu.memory_space<vmem>> -> memref<1x128xi32, #tpu.memory_space<vmem>>
      %dma_wait3A_722 = tpu.memref_squeeze %dma_wait3A_721 : memref<1x128xi32, #tpu.memory_space<vmem>> -> memref<128xi32, #tpu.memory_space<vmem>>
      %dma_wait3A_723 = arith.constant 0 : i32
      %dma_wait3A_724 = arith.constant 0 : i32
      %dma_wait3A_725 = tpu.memref_slice %arg12[%dma_wait3A_723, %dma_wait3A_724] : memref<10112x16xf32, #tpu.memory_space<vmem_shared>> -> memref<10112x16xf32, #tpu.memory_space<vmem_shared>>
      %dma_wait3A_726 = tpu.memref_slice %arg15[%dma_wait3A_715] : memref<8x!tpu.dma_semaphore, #tpu.memory_space<semaphore_mem>> -> memref<1x!tpu.dma_semaphore, #tpu.memory_space<semaphore_mem>>
      %dma_wait3A_727 = tpu.memref_squeeze %dma_wait3A_726 : memref<1x!tpu.dma_semaphore, #tpu.memory_space<semaphore_mem>> -> memref<!tpu.dma_semaphore, #tpu.memory_space<semaphore_mem>>
      tpu.wait_indirect_dma semaphore(%dma_wait3A_727 : memref<!tpu.dma_semaphore, #tpu.memory_space<semaphore_mem>>) src(%dma_wait3A_725 : memref<10112x16xf32, #tpu.memory_space<vmem_shared>>) dst(%dma_wait3A_719 : memref<128x16xf32, #tpu.memory_space<vmem>>)
      %dma_start3A_728 = arith.constant 7 : i32
      %dma_start3A_729 = arith.constant 7 : i32
      %dma_start3A_730 = arith.constant 0 : i32
      %dma_start3A_731 = arith.constant 0 : i32
      %dma_start3A_732 = tpu.memref_slice %arg9[%dma_start3A_728, %dma_start3A_730, %dma_start3A_731] : memref<8x128x16xf32, #tpu.memory_space<vmem>> -> memref<1x128x16xf32, #tpu.memory_space<vmem>>
      %dma_start3A_733 = tpu.memref_squeeze %dma_start3A_732 : memref<1x128x16xf32, #tpu.memory_space<vmem>> -> memref<128x16xf32, #tpu.memory_space<vmem>>
      %dma_start3A_734 = arith.constant 0 : i32
      %dma_start3A_735 = tpu.memref_slice %arg8[%add3A_713, %dma_start3A_734] : memref<80x128xi32, #tpu.memory_space<vmem>> -> memref<1x128xi32, #tpu.memory_space<vmem>>
      %dma_start3A_736 = tpu.memref_squeeze %dma_start3A_735 : memref<1x128xi32, #tpu.memory_space<vmem>> -> memref<128xi32, #tpu.memory_space<vmem>>
      %dma_start3A_737 = arith.constant 0 : i32
      %dma_start3A_738 = arith.constant 0 : i32
      %dma_start3A_739 = tpu.memref_slice %arg13[%dma_start3A_737, %dma_start3A_738] : memref<10112x16xf32, #tpu.memory_space<vmem_shared>> -> memref<10112x16xf32, #tpu.memory_space<vmem_shared>>
      %dma_start3A_740 = tpu.memref_slice %arg16[%dma_start3A_729] : memref<8x!tpu.dma_semaphore, #tpu.memory_space<semaphore_mem>> -> memref<1x!tpu.dma_semaphore, #tpu.memory_space<semaphore_mem>>
      %dma_start3A_741 = tpu.memref_squeeze %dma_start3A_740 : memref<1x!tpu.dma_semaphore, #tpu.memory_space<semaphore_mem>> -> memref<!tpu.dma_semaphore, #tpu.memory_space<semaphore_mem>>
      tpu.enqueue_indirect_dma source(%dma_start3A_733 : memref<128x16xf32, #tpu.memory_space<vmem>>) target(%dma_start3A_739 : memref<10112x16xf32, #tpu.memory_space<vmem_shared>>) offsets(%dma_start3A_736 : memref<128xi32, #tpu.memory_space<vmem>>) semaphore(%dma_start3A_741 : memref<!tpu.dma_semaphore, #tpu.memory_space<semaphore_mem>>) {add = true}
      %dma_start3A_742 = arith.constant 7 : i32
      %dma_start3A_743 = arith.constant 0 : i32
      %dma_start3A_744 = tpu.memref_slice %arg8[%add3A_713, %dma_start3A_743] : memref<80x128xi32, #tpu.memory_space<vmem>> -> memref<1x128xi32, #tpu.memory_space<vmem>>
      %dma_start3A_745 = tpu.memref_squeeze %dma_start3A_744 : memref<1x128xi32, #tpu.memory_space<vmem>> -> memref<128xi32, #tpu.memory_space<vmem>>
      %dma_start3A_746 = arith.constant 0 : i32
      %dma_start3A_747 = arith.constant 0 : i32
      %dma_start3A_748 = tpu.memref_slice %arg14[%dma_start3A_746, %dma_start3A_747] : memref<10112x16xf32, #tpu.memory_space<vmem_shared>> -> memref<10112x16xf32, #tpu.memory_space<vmem_shared>>
      %dma_start3A_749 = tpu.memref_slice %arg17[%dma_start3A_742] : memref<8x!tpu.dma_semaphore, #tpu.memory_space<semaphore_mem>> -> memref<1x!tpu.dma_semaphore, #tpu.memory_space<semaphore_mem>>
      %dma_start3A_750 = tpu.memref_squeeze %dma_start3A_749 : memref<1x!tpu.dma_semaphore, #tpu.memory_space<semaphore_mem>> -> memref<!tpu.dma_semaphore, #tpu.memory_space<semaphore_mem>>
      tpu.enqueue_indirect_dma source(%arg10 : memref<128x16xf32, #tpu.memory_space<vmem>>) target(%dma_start3A_748 : memref<10112x16xf32, #tpu.memory_space<vmem_shared>>) offsets(%dma_start3A_745 : memref<128xi32, #tpu.memory_space<vmem>>) semaphore(%dma_start3A_750 : memref<!tpu.dma_semaphore, #tpu.memory_space<semaphore_mem>>) {add = true}
      %add3A_751 = arith.constant 3 : i32
      %add3A_752 = arith.addi %mul3A_359, %add3A_751 : i32
      %add3A_753 = arith.constant 8 : i32
      %add3A_754 = arith.addi %add3A_752, %add3A_753 : i32
      %ge3A_755 = arith.constant 8 : i32
      %ge3A_756 = arith.cmpi sge, %add3A_754, %ge3A_755 : i32
      %lt3A_757 = arith.constant 80 : i32
      %lt3A_758 = arith.cmpi slt, %add3A_754, %lt3A_757 : i32
      %and3A_759 = arith.andi %ge3A_756, %lt3A_758 : i1
      %convert_element_type3A_760 = arith.extui %and3A_759 : i1 to i32
      %cond3A_761 = arith.constant 0 : i32
      %cond3A_762 = arith.cmpi ne, %convert_element_type3A_760, %cond3A_761 : i32
      scf.if %cond3A_762 {
        %sub3A = arith.constant 8 : i32
        %sub3A_764 = arith.subi %add3A_754, %sub3A : i32
        %dma_wait3A_765 = arith.constant 3 : i32
        %dma_wait3A_766 = arith.constant 3 : i32
        %dma_wait3A_767 = arith.constant 0 : i32
        %dma_wait3A_768 = arith.constant 0 : i32
        %dma_wait3A_769 = tpu.memref_slice %arg9[%dma_wait3A_765, %dma_wait3A_767, %dma_wait3A_768] : memref<8x128x16xf32, #tpu.memory_space<vmem>> -> memref<1x128x16xf32, #tpu.memory_space<vmem>>
        %dma_wait3A_770 = tpu.memref_squeeze %dma_wait3A_769 : memref<1x128x16xf32, #tpu.memory_space<vmem>> -> memref<128x16xf32, #tpu.memory_space<vmem>>
        %dma_wait3A_771 = arith.constant 0 : i32
        %dma_wait3A_772 = tpu.memref_slice %arg8[%sub3A_764, %dma_wait3A_771] : memref<80x128xi32, #tpu.memory_space<vmem>> -> memref<1x128xi32, #tpu.memory_space<vmem>>
        %dma_wait3A_773 = tpu.memref_squeeze %dma_wait3A_772 : memref<1x128xi32, #tpu.memory_space<vmem>> -> memref<128xi32, #tpu.memory_space<vmem>>
        %dma_wait3A_774 = arith.constant 0 : i32
        %dma_wait3A_775 = arith.constant 0 : i32
        %dma_wait3A_776 = tpu.memref_slice %arg13[%dma_wait3A_774, %dma_wait3A_775] : memref<10112x16xf32, #tpu.memory_space<vmem_shared>> -> memref<10112x16xf32, #tpu.memory_space<vmem_shared>>
        %dma_wait3A_777 = tpu.memref_slice %arg16[%dma_wait3A_766] : memref<8x!tpu.dma_semaphore, #tpu.memory_space<semaphore_mem>> -> memref<1x!tpu.dma_semaphore, #tpu.memory_space<semaphore_mem>>
        %dma_wait3A_778 = tpu.memref_squeeze %dma_wait3A_777 : memref<1x!tpu.dma_semaphore, #tpu.memory_space<semaphore_mem>> -> memref<!tpu.dma_semaphore, #tpu.memory_space<semaphore_mem>>
        tpu.wait_indirect_dma semaphore(%dma_wait3A_778 : memref<!tpu.dma_semaphore, #tpu.memory_space<semaphore_mem>>) src(%dma_wait3A_770 : memref<128x16xf32, #tpu.memory_space<vmem>>) dst(%dma_wait3A_776 : memref<10112x16xf32, #tpu.memory_space<vmem_shared>>)
        %dma_wait3A_779 = arith.constant 3 : i32
        %dma_wait3A_780 = arith.constant 0 : i32
        %dma_wait3A_781 = tpu.memref_slice %arg8[%sub3A_764, %dma_wait3A_780] : memref<80x128xi32, #tpu.memory_space<vmem>> -> memref<1x128xi32, #tpu.memory_space<vmem>>
        %dma_wait3A_782 = tpu.memref_squeeze %dma_wait3A_781 : memref<1x128xi32, #tpu.memory_space<vmem>> -> memref<128xi32, #tpu.memory_space<vmem>>
        %dma_wait3A_783 = arith.constant 0 : i32
        %dma_wait3A_784 = arith.constant 0 : i32
        %dma_wait3A_785 = tpu.memref_slice %arg14[%dma_wait3A_783, %dma_wait3A_784] : memref<10112x16xf32, #tpu.memory_space<vmem_shared>> -> memref<10112x16xf32, #tpu.memory_space<vmem_shared>>
        %dma_wait3A_786 = tpu.memref_slice %arg17[%dma_wait3A_779] : memref<8x!tpu.dma_semaphore, #tpu.memory_space<semaphore_mem>> -> memref<1x!tpu.dma_semaphore, #tpu.memory_space<semaphore_mem>>
        %dma_wait3A_787 = tpu.memref_squeeze %dma_wait3A_786 : memref<1x!tpu.dma_semaphore, #tpu.memory_space<semaphore_mem>> -> memref<!tpu.dma_semaphore, #tpu.memory_space<semaphore_mem>>
        tpu.wait_indirect_dma semaphore(%dma_wait3A_787 : memref<!tpu.dma_semaphore, #tpu.memory_space<semaphore_mem>>) src(%arg10 : memref<128x16xf32, #tpu.memory_space<vmem>>) dst(%dma_wait3A_785 : memref<10112x16xf32, #tpu.memory_space<vmem_shared>>)
        %dma_start3A_788 = arith.constant 3 : i32
        %dma_start3A_789 = arith.constant 3 : i32
        %dma_start3A_790 = arith.constant 0 : i32
        %dma_start3A_791 = arith.constant 0 : i32
        %dma_start3A_792 = tpu.memref_slice %arg9[%dma_start3A_788, %dma_start3A_790, %dma_start3A_791] : memref<8x128x16xf32, #tpu.memory_space<vmem>> -> memref<1x128x16xf32, #tpu.memory_space<vmem>>
        %dma_start3A_793 = tpu.memref_squeeze %dma_start3A_792 : memref<1x128x16xf32, #tpu.memory_space<vmem>> -> memref<128x16xf32, #tpu.memory_space<vmem>>
        %dma_start3A_794 = arith.constant 0 : i32
        %dma_start3A_795 = tpu.memref_slice %arg7[%add3A_754, %dma_start3A_794] : memref<80x128xi32, #tpu.memory_space<vmem>> -> memref<1x128xi32, #tpu.memory_space<vmem>>
        %dma_start3A_796 = tpu.memref_squeeze %dma_start3A_795 : memref<1x128xi32, #tpu.memory_space<vmem>> -> memref<128xi32, #tpu.memory_space<vmem>>
        %dma_start3A_797 = arith.constant 0 : i32
        %dma_start3A_798 = arith.constant 0 : i32
        %dma_start3A_799 = tpu.memref_slice %arg12[%dma_start3A_797, %dma_start3A_798] : memref<10112x16xf32, #tpu.memory_space<vmem_shared>> -> memref<10112x16xf32, #tpu.memory_space<vmem_shared>>
        %dma_start3A_800 = tpu.memref_slice %arg15[%dma_start3A_789] : memref<8x!tpu.dma_semaphore, #tpu.memory_space<semaphore_mem>> -> memref<1x!tpu.dma_semaphore, #tpu.memory_space<semaphore_mem>>
        %dma_start3A_801 = tpu.memref_squeeze %dma_start3A_800 : memref<1x!tpu.dma_semaphore, #tpu.memory_space<semaphore_mem>> -> memref<!tpu.dma_semaphore, #tpu.memory_space<semaphore_mem>>
        tpu.enqueue_indirect_dma source(%dma_start3A_799 : memref<10112x16xf32, #tpu.memory_space<vmem_shared>>) target(%dma_start3A_793 : memref<128x16xf32, #tpu.memory_space<vmem>>) offsets(%dma_start3A_796 : memref<128xi32, #tpu.memory_space<vmem>>) semaphore(%dma_start3A_801 : memref<!tpu.dma_semaphore, #tpu.memory_space<semaphore_mem>>)
      } else {
      }
      %scan3A_763 = arith.constant 0 : i32
      scf.yield %scan3A_763 : i32
    }
    %scan3A_147 = arith.constant 10 : i32
    %dma_wait3A = arith.constant 0 : i32
    %dma_wait3A_148 = arith.constant 72 : i32
    %dma_wait3A_149 = arith.constant 0 : i32
    %dma_wait3A_150 = arith.constant 0 : i32
    %dma_wait3A_151 = arith.constant 0 : i32
    %dma_wait3A_152 = tpu.memref_slice %arg9[%dma_wait3A, %dma_wait3A_150, %dma_wait3A_151] : memref<8x128x16xf32, #tpu.memory_space<vmem>> -> memref<1x128x16xf32, #tpu.memory_space<vmem>>
    %dma_wait3A_153 = tpu.memref_squeeze %dma_wait3A_152 : memref<1x128x16xf32, #tpu.memory_space<vmem>> -> memref<128x16xf32, #tpu.memory_space<vmem>>
    %dma_wait3A_154 = arith.constant 0 : i32
    %dma_wait3A_155 = tpu.memref_slice %arg8[%dma_wait3A_148, %dma_wait3A_154] : memref<80x128xi32, #tpu.memory_space<vmem>> -> memref<1x128xi32, #tpu.memory_space<vmem>>
    %dma_wait3A_156 = tpu.memref_squeeze %dma_wait3A_155 : memref<1x128xi32, #tpu.memory_space<vmem>> -> memref<128xi32, #tpu.memory_space<vmem>>
    %dma_wait3A_157 = arith.constant 0 : i32
    %dma_wait3A_158 = arith.constant 0 : i32
    %dma_wait3A_159 = tpu.memref_slice %arg13[%dma_wait3A_157, %dma_wait3A_158] : memref<10112x16xf32, #tpu.memory_space<vmem_shared>> -> memref<10112x16xf32, #tpu.memory_space<vmem_shared>>
    %dma_wait3A_160 = tpu.memref_slice %arg16[%dma_wait3A_149] : memref<8x!tpu.dma_semaphore, #tpu.memory_space<semaphore_mem>> -> memref<1x!tpu.dma_semaphore, #tpu.memory_space<semaphore_mem>>
    %dma_wait3A_161 = tpu.memref_squeeze %dma_wait3A_160 : memref<1x!tpu.dma_semaphore, #tpu.memory_space<semaphore_mem>> -> memref<!tpu.dma_semaphore, #tpu.memory_space<semaphore_mem>>
    tpu.wait_indirect_dma semaphore(%dma_wait3A_161 : memref<!tpu.dma_semaphore, #tpu.memory_space<semaphore_mem>>) src(%dma_wait3A_153 : memref<128x16xf32, #tpu.memory_space<vmem>>) dst(%dma_wait3A_159 : memref<10112x16xf32, #tpu.memory_space<vmem_shared>>)
    %dma_wait3A_162 = arith.constant 72 : i32
    %dma_wait3A_163 = arith.constant 0 : i32
    %dma_wait3A_164 = arith.constant 0 : i32
    %dma_wait3A_165 = tpu.memref_slice %arg8[%dma_wait3A_162, %dma_wait3A_164] : memref<80x128xi32, #tpu.memory_space<vmem>> -> memref<1x128xi32, #tpu.memory_space<vmem>>
    %dma_wait3A_166 = tpu.memref_squeeze %dma_wait3A_165 : memref<1x128xi32, #tpu.memory_space<vmem>> -> memref<128xi32, #tpu.memory_space<vmem>>
    %dma_wait3A_167 = arith.constant 0 : i32
    %dma_wait3A_168 = arith.constant 0 : i32
    %dma_wait3A_169 = tpu.memref_slice %arg14[%dma_wait3A_167, %dma_wait3A_168] : memref<10112x16xf32, #tpu.memory_space<vmem_shared>> -> memref<10112x16xf32, #tpu.memory_space<vmem_shared>>
    %dma_wait3A_170 = tpu.memref_slice %arg17[%dma_wait3A_163] : memref<8x!tpu.dma_semaphore, #tpu.memory_space<semaphore_mem>> -> memref<1x!tpu.dma_semaphore, #tpu.memory_space<semaphore_mem>>
    %dma_wait3A_171 = tpu.memref_squeeze %dma_wait3A_170 : memref<1x!tpu.dma_semaphore, #tpu.memory_space<semaphore_mem>> -> memref<!tpu.dma_semaphore, #tpu.memory_space<semaphore_mem>>
    tpu.wait_indirect_dma semaphore(%dma_wait3A_171 : memref<!tpu.dma_semaphore, #tpu.memory_space<semaphore_mem>>) src(%arg10 : memref<128x16xf32, #tpu.memory_space<vmem>>) dst(%dma_wait3A_169 : memref<10112x16xf32, #tpu.memory_space<vmem_shared>>)
    %dma_wait3A_172 = arith.constant 1 : i32
    %dma_wait3A_173 = arith.constant 73 : i32
    %dma_wait3A_174 = arith.constant 1 : i32
    %dma_wait3A_175 = arith.constant 0 : i32
    %dma_wait3A_176 = arith.constant 0 : i32
    %dma_wait3A_177 = tpu.memref_slice %arg9[%dma_wait3A_172, %dma_wait3A_175, %dma_wait3A_176] : memref<8x128x16xf32, #tpu.memory_space<vmem>> -> memref<1x128x16xf32, #tpu.memory_space<vmem>>
    %dma_wait3A_178 = tpu.memref_squeeze %dma_wait3A_177 : memref<1x128x16xf32, #tpu.memory_space<vmem>> -> memref<128x16xf32, #tpu.memory_space<vmem>>
    %dma_wait3A_179 = arith.constant 0 : i32
    %dma_wait3A_180 = tpu.memref_slice %arg8[%dma_wait3A_173, %dma_wait3A_179] : memref<80x128xi32, #tpu.memory_space<vmem>> -> memref<1x128xi32, #tpu.memory_space<vmem>>
    %dma_wait3A_181 = tpu.memref_squeeze %dma_wait3A_180 : memref<1x128xi32, #tpu.memory_space<vmem>> -> memref<128xi32, #tpu.memory_space<vmem>>
    %dma_wait3A_182 = arith.constant 0 : i32
    %dma_wait3A_183 = arith.constant 0 : i32
    %dma_wait3A_184 = tpu.memref_slice %arg13[%dma_wait3A_182, %dma_wait3A_183] : memref<10112x16xf32, #tpu.memory_space<vmem_shared>> -> memref<10112x16xf32, #tpu.memory_space<vmem_shared>>
    %dma_wait3A_185 = tpu.memref_slice %arg16[%dma_wait3A_174] : memref<8x!tpu.dma_semaphore, #tpu.memory_space<semaphore_mem>> -> memref<1x!tpu.dma_semaphore, #tpu.memory_space<semaphore_mem>>
    %dma_wait3A_186 = tpu.memref_squeeze %dma_wait3A_185 : memref<1x!tpu.dma_semaphore, #tpu.memory_space<semaphore_mem>> -> memref<!tpu.dma_semaphore, #tpu.memory_space<semaphore_mem>>
    tpu.wait_indirect_dma semaphore(%dma_wait3A_186 : memref<!tpu.dma_semaphore, #tpu.memory_space<semaphore_mem>>) src(%dma_wait3A_178 : memref<128x16xf32, #tpu.memory_space<vmem>>) dst(%dma_wait3A_184 : memref<10112x16xf32, #tpu.memory_space<vmem_shared>>)
    %dma_wait3A_187 = arith.constant 73 : i32
    %dma_wait3A_188 = arith.constant 1 : i32
    %dma_wait3A_189 = arith.constant 0 : i32
    %dma_wait3A_190 = tpu.memref_slice %arg8[%dma_wait3A_187, %dma_wait3A_189] : memref<80x128xi32, #tpu.memory_space<vmem>> -> memref<1x128xi32, #tpu.memory_space<vmem>>
    %dma_wait3A_191 = tpu.memref_squeeze %dma_wait3A_190 : memref<1x128xi32, #tpu.memory_space<vmem>> -> memref<128xi32, #tpu.memory_space<vmem>>
    %dma_wait3A_192 = arith.constant 0 : i32
    %dma_wait3A_193 = arith.constant 0 : i32
    %dma_wait3A_194 = tpu.memref_slice %arg14[%dma_wait3A_192, %dma_wait3A_193] : memref<10112x16xf32, #tpu.memory_space<vmem_shared>> -> memref<10112x16xf32, #tpu.memory_space<vmem_shared>>
    %dma_wait3A_195 = tpu.memref_slice %arg17[%dma_wait3A_188] : memref<8x!tpu.dma_semaphore, #tpu.memory_space<semaphore_mem>> -> memref<1x!tpu.dma_semaphore, #tpu.memory_space<semaphore_mem>>
    %dma_wait3A_196 = tpu.memref_squeeze %dma_wait3A_195 : memref<1x!tpu.dma_semaphore, #tpu.memory_space<semaphore_mem>> -> memref<!tpu.dma_semaphore, #tpu.memory_space<semaphore_mem>>
    tpu.wait_indirect_dma semaphore(%dma_wait3A_196 : memref<!tpu.dma_semaphore, #tpu.memory_space<semaphore_mem>>) src(%arg10 : memref<128x16xf32, #tpu.memory_space<vmem>>) dst(%dma_wait3A_194 : memref<10112x16xf32, #tpu.memory_space<vmem_shared>>)
    %dma_wait3A_197 = arith.constant 2 : i32
    %dma_wait3A_198 = arith.constant 74 : i32
    %dma_wait3A_199 = arith.constant 2 : i32
    %dma_wait3A_200 = arith.constant 0 : i32
    %dma_wait3A_201 = arith.constant 0 : i32
    %dma_wait3A_202 = tpu.memref_slice %arg9[%dma_wait3A_197, %dma_wait3A_200, %dma_wait3A_201] : memref<8x128x16xf32, #tpu.memory_space<vmem>> -> memref<1x128x16xf32, #tpu.memory_space<vmem>>
    %dma_wait3A_203 = tpu.memref_squeeze %dma_wait3A_202 : memref<1x128x16xf32, #tpu.memory_space<vmem>> -> memref<128x16xf32, #tpu.memory_space<vmem>>
    %dma_wait3A_204 = arith.constant 0 : i32
    %dma_wait3A_205 = tpu.memref_slice %arg8[%dma_wait3A_198, %dma_wait3A_204] : memref<80x128xi32, #tpu.memory_space<vmem>> -> memref<1x128xi32, #tpu.memory_space<vmem>>
    %dma_wait3A_206 = tpu.memref_squeeze %dma_wait3A_205 : memref<1x128xi32, #tpu.memory_space<vmem>> -> memref<128xi32, #tpu.memory_space<vmem>>
    %dma_wait3A_207 = arith.constant 0 : i32
    %dma_wait3A_208 = arith.constant 0 : i32
    %dma_wait3A_209 = tpu.memref_slice %arg13[%dma_wait3A_207, %dma_wait3A_208] : memref<10112x16xf32, #tpu.memory_space<vmem_shared>> -> memref<10112x16xf32, #tpu.memory_space<vmem_shared>>
    %dma_wait3A_210 = tpu.memref_slice %arg16[%dma_wait3A_199] : memref<8x!tpu.dma_semaphore, #tpu.memory_space<semaphore_mem>> -> memref<1x!tpu.dma_semaphore, #tpu.memory_space<semaphore_mem>>
    %dma_wait3A_211 = tpu.memref_squeeze %dma_wait3A_210 : memref<1x!tpu.dma_semaphore, #tpu.memory_space<semaphore_mem>> -> memref<!tpu.dma_semaphore, #tpu.memory_space<semaphore_mem>>
    tpu.wait_indirect_dma semaphore(%dma_wait3A_211 : memref<!tpu.dma_semaphore, #tpu.memory_space<semaphore_mem>>) src(%dma_wait3A_203 : memref<128x16xf32, #tpu.memory_space<vmem>>) dst(%dma_wait3A_209 : memref<10112x16xf32, #tpu.memory_space<vmem_shared>>)
    %dma_wait3A_212 = arith.constant 74 : i32
    %dma_wait3A_213 = arith.constant 2 : i32
    %dma_wait3A_214 = arith.constant 0 : i32
    %dma_wait3A_215 = tpu.memref_slice %arg8[%dma_wait3A_212, %dma_wait3A_214] : memref<80x128xi32, #tpu.memory_space<vmem>> -> memref<1x128xi32, #tpu.memory_space<vmem>>
    %dma_wait3A_216 = tpu.memref_squeeze %dma_wait3A_215 : memref<1x128xi32, #tpu.memory_space<vmem>> -> memref<128xi32, #tpu.memory_space<vmem>>
    %dma_wait3A_217 = arith.constant 0 : i32
    %dma_wait3A_218 = arith.constant 0 : i32
    %dma_wait3A_219 = tpu.memref_slice %arg14[%dma_wait3A_217, %dma_wait3A_218] : memref<10112x16xf32, #tpu.memory_space<vmem_shared>> -> memref<10112x16xf32, #tpu.memory_space<vmem_shared>>
    %dma_wait3A_220 = tpu.memref_slice %arg17[%dma_wait3A_213] : memref<8x!tpu.dma_semaphore, #tpu.memory_space<semaphore_mem>> -> memref<1x!tpu.dma_semaphore, #tpu.memory_space<semaphore_mem>>
    %dma_wait3A_221 = tpu.memref_squeeze %dma_wait3A_220 : memref<1x!tpu.dma_semaphore, #tpu.memory_space<semaphore_mem>> -> memref<!tpu.dma_semaphore, #tpu.memory_space<semaphore_mem>>
    tpu.wait_indirect_dma semaphore(%dma_wait3A_221 : memref<!tpu.dma_semaphore, #tpu.memory_space<semaphore_mem>>) src(%arg10 : memref<128x16xf32, #tpu.memory_space<vmem>>) dst(%dma_wait3A_219 : memref<10112x16xf32, #tpu.memory_space<vmem_shared>>)
    %dma_wait3A_222 = arith.constant 3 : i32
    %dma_wait3A_223 = arith.constant 75 : i32
    %dma_wait3A_224 = arith.constant 3 : i32
    %dma_wait3A_225 = arith.constant 0 : i32
    %dma_wait3A_226 = arith.constant 0 : i32
    %dma_wait3A_227 = tpu.memref_slice %arg9[%dma_wait3A_222, %dma_wait3A_225, %dma_wait3A_226] : memref<8x128x16xf32, #tpu.memory_space<vmem>> -> memref<1x128x16xf32, #tpu.memory_space<vmem>>
    %dma_wait3A_228 = tpu.memref_squeeze %dma_wait3A_227 : memref<1x128x16xf32, #tpu.memory_space<vmem>> -> memref<128x16xf32, #tpu.memory_space<vmem>>
    %dma_wait3A_229 = arith.constant 0 : i32
    %dma_wait3A_230 = tpu.memref_slice %arg8[%dma_wait3A_223, %dma_wait3A_229] : memref<80x128xi32, #tpu.memory_space<vmem>> -> memref<1x128xi32, #tpu.memory_space<vmem>>
    %dma_wait3A_231 = tpu.memref_squeeze %dma_wait3A_230 : memref<1x128xi32, #tpu.memory_space<vmem>> -> memref<128xi32, #tpu.memory_space<vmem>>
    %dma_wait3A_232 = arith.constant 0 : i32
    %dma_wait3A_233 = arith.constant 0 : i32
    %dma_wait3A_234 = tpu.memref_slice %arg13[%dma_wait3A_232, %dma_wait3A_233] : memref<10112x16xf32, #tpu.memory_space<vmem_shared>> -> memref<10112x16xf32, #tpu.memory_space<vmem_shared>>
    %dma_wait3A_235 = tpu.memref_slice %arg16[%dma_wait3A_224] : memref<8x!tpu.dma_semaphore, #tpu.memory_space<semaphore_mem>> -> memref<1x!tpu.dma_semaphore, #tpu.memory_space<semaphore_mem>>
    %dma_wait3A_236 = tpu.memref_squeeze %dma_wait3A_235 : memref<1x!tpu.dma_semaphore, #tpu.memory_space<semaphore_mem>> -> memref<!tpu.dma_semaphore, #tpu.memory_space<semaphore_mem>>
    tpu.wait_indirect_dma semaphore(%dma_wait3A_236 : memref<!tpu.dma_semaphore, #tpu.memory_space<semaphore_mem>>) src(%dma_wait3A_228 : memref<128x16xf32, #tpu.memory_space<vmem>>) dst(%dma_wait3A_234 : memref<10112x16xf32, #tpu.memory_space<vmem_shared>>)
    %dma_wait3A_237 = arith.constant 75 : i32
    %dma_wait3A_238 = arith.constant 3 : i32
    %dma_wait3A_239 = arith.constant 0 : i32
    %dma_wait3A_240 = tpu.memref_slice %arg8[%dma_wait3A_237, %dma_wait3A_239] : memref<80x128xi32, #tpu.memory_space<vmem>> -> memref<1x128xi32, #tpu.memory_space<vmem>>
    %dma_wait3A_241 = tpu.memref_squeeze %dma_wait3A_240 : memref<1x128xi32, #tpu.memory_space<vmem>> -> memref<128xi32, #tpu.memory_space<vmem>>
    %dma_wait3A_242 = arith.constant 0 : i32
    %dma_wait3A_243 = arith.constant 0 : i32
    %dma_wait3A_244 = tpu.memref_slice %arg14[%dma_wait3A_242, %dma_wait3A_243] : memref<10112x16xf32, #tpu.memory_space<vmem_shared>> -> memref<10112x16xf32, #tpu.memory_space<vmem_shared>>
    %dma_wait3A_245 = tpu.memref_slice %arg17[%dma_wait3A_238] : memref<8x!tpu.dma_semaphore, #tpu.memory_space<semaphore_mem>> -> memref<1x!tpu.dma_semaphore, #tpu.memory_space<semaphore_mem>>
    %dma_wait3A_246 = tpu.memref_squeeze %dma_wait3A_245 : memref<1x!tpu.dma_semaphore, #tpu.memory_space<semaphore_mem>> -> memref<!tpu.dma_semaphore, #tpu.memory_space<semaphore_mem>>
    tpu.wait_indirect_dma semaphore(%dma_wait3A_246 : memref<!tpu.dma_semaphore, #tpu.memory_space<semaphore_mem>>) src(%arg10 : memref<128x16xf32, #tpu.memory_space<vmem>>) dst(%dma_wait3A_244 : memref<10112x16xf32, #tpu.memory_space<vmem_shared>>)
    %dma_wait3A_247 = arith.constant 4 : i32
    %dma_wait3A_248 = arith.constant 76 : i32
    %dma_wait3A_249 = arith.constant 4 : i32
    %dma_wait3A_250 = arith.constant 0 : i32
    %dma_wait3A_251 = arith.constant 0 : i32
    %dma_wait3A_252 = tpu.memref_slice %arg9[%dma_wait3A_247, %dma_wait3A_250, %dma_wait3A_251] : memref<8x128x16xf32, #tpu.memory_space<vmem>> -> memref<1x128x16xf32, #tpu.memory_space<vmem>>
    %dma_wait3A_253 = tpu.memref_squeeze %dma_wait3A_252 : memref<1x128x16xf32, #tpu.memory_space<vmem>> -> memref<128x16xf32, #tpu.memory_space<vmem>>
    %dma_wait3A_254 = arith.constant 0 : i32
    %dma_wait3A_255 = tpu.memref_slice %arg8[%dma_wait3A_248, %dma_wait3A_254] : memref<80x128xi32, #tpu.memory_space<vmem>> -> memref<1x128xi32, #tpu.memory_space<vmem>>
    %dma_wait3A_256 = tpu.memref_squeeze %dma_wait3A_255 : memref<1x128xi32, #tpu.memory_space<vmem>> -> memref<128xi32, #tpu.memory_space<vmem>>
    %dma_wait3A_257 = arith.constant 0 : i32
    %dma_wait3A_258 = arith.constant 0 : i32
    %dma_wait3A_259 = tpu.memref_slice %arg13[%dma_wait3A_257, %dma_wait3A_258] : memref<10112x16xf32, #tpu.memory_space<vmem_shared>> -> memref<10112x16xf32, #tpu.memory_space<vmem_shared>>
    %dma_wait3A_260 = tpu.memref_slice %arg16[%dma_wait3A_249] : memref<8x!tpu.dma_semaphore, #tpu.memory_space<semaphore_mem>> -> memref<1x!tpu.dma_semaphore, #tpu.memory_space<semaphore_mem>>
    %dma_wait3A_261 = tpu.memref_squeeze %dma_wait3A_260 : memref<1x!tpu.dma_semaphore, #tpu.memory_space<semaphore_mem>> -> memref<!tpu.dma_semaphore, #tpu.memory_space<semaphore_mem>>
    tpu.wait_indirect_dma semaphore(%dma_wait3A_261 : memref<!tpu.dma_semaphore, #tpu.memory_space<semaphore_mem>>) src(%dma_wait3A_253 : memref<128x16xf32, #tpu.memory_space<vmem>>) dst(%dma_wait3A_259 : memref<10112x16xf32, #tpu.memory_space<vmem_shared>>)
    %dma_wait3A_262 = arith.constant 76 : i32
    %dma_wait3A_263 = arith.constant 4 : i32
    %dma_wait3A_264 = arith.constant 0 : i32
    %dma_wait3A_265 = tpu.memref_slice %arg8[%dma_wait3A_262, %dma_wait3A_264] : memref<80x128xi32, #tpu.memory_space<vmem>> -> memref<1x128xi32, #tpu.memory_space<vmem>>
    %dma_wait3A_266 = tpu.memref_squeeze %dma_wait3A_265 : memref<1x128xi32, #tpu.memory_space<vmem>> -> memref<128xi32, #tpu.memory_space<vmem>>
    %dma_wait3A_267 = arith.constant 0 : i32
    %dma_wait3A_268 = arith.constant 0 : i32
    %dma_wait3A_269 = tpu.memref_slice %arg14[%dma_wait3A_267, %dma_wait3A_268] : memref<10112x16xf32, #tpu.memory_space<vmem_shared>> -> memref<10112x16xf32, #tpu.memory_space<vmem_shared>>
    %dma_wait3A_270 = tpu.memref_slice %arg17[%dma_wait3A_263] : memref<8x!tpu.dma_semaphore, #tpu.memory_space<semaphore_mem>> -> memref<1x!tpu.dma_semaphore, #tpu.memory_space<semaphore_mem>>
    %dma_wait3A_271 = tpu.memref_squeeze %dma_wait3A_270 : memref<1x!tpu.dma_semaphore, #tpu.memory_space<semaphore_mem>> -> memref<!tpu.dma_semaphore, #tpu.memory_space<semaphore_mem>>
    tpu.wait_indirect_dma semaphore(%dma_wait3A_271 : memref<!tpu.dma_semaphore, #tpu.memory_space<semaphore_mem>>) src(%arg10 : memref<128x16xf32, #tpu.memory_space<vmem>>) dst(%dma_wait3A_269 : memref<10112x16xf32, #tpu.memory_space<vmem_shared>>)
    %dma_wait3A_272 = arith.constant 5 : i32
    %dma_wait3A_273 = arith.constant 77 : i32
    %dma_wait3A_274 = arith.constant 5 : i32
    %dma_wait3A_275 = arith.constant 0 : i32
    %dma_wait3A_276 = arith.constant 0 : i32
    %dma_wait3A_277 = tpu.memref_slice %arg9[%dma_wait3A_272, %dma_wait3A_275, %dma_wait3A_276] : memref<8x128x16xf32, #tpu.memory_space<vmem>> -> memref<1x128x16xf32, #tpu.memory_space<vmem>>
    %dma_wait3A_278 = tpu.memref_squeeze %dma_wait3A_277 : memref<1x128x16xf32, #tpu.memory_space<vmem>> -> memref<128x16xf32, #tpu.memory_space<vmem>>
    %dma_wait3A_279 = arith.constant 0 : i32
    %dma_wait3A_280 = tpu.memref_slice %arg8[%dma_wait3A_273, %dma_wait3A_279] : memref<80x128xi32, #tpu.memory_space<vmem>> -> memref<1x128xi32, #tpu.memory_space<vmem>>
    %dma_wait3A_281 = tpu.memref_squeeze %dma_wait3A_280 : memref<1x128xi32, #tpu.memory_space<vmem>> -> memref<128xi32, #tpu.memory_space<vmem>>
    %dma_wait3A_282 = arith.constant 0 : i32
    %dma_wait3A_283 = arith.constant 0 : i32
    %dma_wait3A_284 = tpu.memref_slice %arg13[%dma_wait3A_282, %dma_wait3A_283] : memref<10112x16xf32, #tpu.memory_space<vmem_shared>> -> memref<10112x16xf32, #tpu.memory_space<vmem_shared>>
    %dma_wait3A_285 = tpu.memref_slice %arg16[%dma_wait3A_274] : memref<8x!tpu.dma_semaphore, #tpu.memory_space<semaphore_mem>> -> memref<1x!tpu.dma_semaphore, #tpu.memory_space<semaphore_mem>>
    %dma_wait3A_286 = tpu.memref_squeeze %dma_wait3A_285 : memref<1x!tpu.dma_semaphore, #tpu.memory_space<semaphore_mem>> -> memref<!tpu.dma_semaphore, #tpu.memory_space<semaphore_mem>>
    tpu.wait_indirect_dma semaphore(%dma_wait3A_286 : memref<!tpu.dma_semaphore, #tpu.memory_space<semaphore_mem>>) src(%dma_wait3A_278 : memref<128x16xf32, #tpu.memory_space<vmem>>) dst(%dma_wait3A_284 : memref<10112x16xf32, #tpu.memory_space<vmem_shared>>)
    %dma_wait3A_287 = arith.constant 77 : i32
    %dma_wait3A_288 = arith.constant 5 : i32
    %dma_wait3A_289 = arith.constant 0 : i32
    %dma_wait3A_290 = tpu.memref_slice %arg8[%dma_wait3A_287, %dma_wait3A_289] : memref<80x128xi32, #tpu.memory_space<vmem>> -> memref<1x128xi32, #tpu.memory_space<vmem>>
    %dma_wait3A_291 = tpu.memref_squeeze %dma_wait3A_290 : memref<1x128xi32, #tpu.memory_space<vmem>> -> memref<128xi32, #tpu.memory_space<vmem>>
    %dma_wait3A_292 = arith.constant 0 : i32
    %dma_wait3A_293 = arith.constant 0 : i32
    %dma_wait3A_294 = tpu.memref_slice %arg14[%dma_wait3A_292, %dma_wait3A_293] : memref<10112x16xf32, #tpu.memory_space<vmem_shared>> -> memref<10112x16xf32, #tpu.memory_space<vmem_shared>>
    %dma_wait3A_295 = tpu.memref_slice %arg17[%dma_wait3A_288] : memref<8x!tpu.dma_semaphore, #tpu.memory_space<semaphore_mem>> -> memref<1x!tpu.dma_semaphore, #tpu.memory_space<semaphore_mem>>
    %dma_wait3A_296 = tpu.memref_squeeze %dma_wait3A_295 : memref<1x!tpu.dma_semaphore, #tpu.memory_space<semaphore_mem>> -> memref<!tpu.dma_semaphore, #tpu.memory_space<semaphore_mem>>
    tpu.wait_indirect_dma semaphore(%dma_wait3A_296 : memref<!tpu.dma_semaphore, #tpu.memory_space<semaphore_mem>>) src(%arg10 : memref<128x16xf32, #tpu.memory_space<vmem>>) dst(%dma_wait3A_294 : memref<10112x16xf32, #tpu.memory_space<vmem_shared>>)
    %dma_wait3A_297 = arith.constant 6 : i32
    %dma_wait3A_298 = arith.constant 78 : i32
    %dma_wait3A_299 = arith.constant 6 : i32
    %dma_wait3A_300 = arith.constant 0 : i32
    %dma_wait3A_301 = arith.constant 0 : i32
    %dma_wait3A_302 = tpu.memref_slice %arg9[%dma_wait3A_297, %dma_wait3A_300, %dma_wait3A_301] : memref<8x128x16xf32, #tpu.memory_space<vmem>> -> memref<1x128x16xf32, #tpu.memory_space<vmem>>
    %dma_wait3A_303 = tpu.memref_squeeze %dma_wait3A_302 : memref<1x128x16xf32, #tpu.memory_space<vmem>> -> memref<128x16xf32, #tpu.memory_space<vmem>>
    %dma_wait3A_304 = arith.constant 0 : i32
    %dma_wait3A_305 = tpu.memref_slice %arg8[%dma_wait3A_298, %dma_wait3A_304] : memref<80x128xi32, #tpu.memory_space<vmem>> -> memref<1x128xi32, #tpu.memory_space<vmem>>
    %dma_wait3A_306 = tpu.memref_squeeze %dma_wait3A_305 : memref<1x128xi32, #tpu.memory_space<vmem>> -> memref<128xi32, #tpu.memory_space<vmem>>
    %dma_wait3A_307 = arith.constant 0 : i32
    %dma_wait3A_308 = arith.constant 0 : i32
    %dma_wait3A_309 = tpu.memref_slice %arg13[%dma_wait3A_307, %dma_wait3A_308] : memref<10112x16xf32, #tpu.memory_space<vmem_shared>> -> memref<10112x16xf32, #tpu.memory_space<vmem_shared>>
    %dma_wait3A_310 = tpu.memref_slice %arg16[%dma_wait3A_299] : memref<8x!tpu.dma_semaphore, #tpu.memory_space<semaphore_mem>> -> memref<1x!tpu.dma_semaphore, #tpu.memory_space<semaphore_mem>>
    %dma_wait3A_311 = tpu.memref_squeeze %dma_wait3A_310 : memref<1x!tpu.dma_semaphore, #tpu.memory_space<semaphore_mem>> -> memref<!tpu.dma_semaphore, #tpu.memory_space<semaphore_mem>>
    tpu.wait_indirect_dma semaphore(%dma_wait3A_311 : memref<!tpu.dma_semaphore, #tpu.memory_space<semaphore_mem>>) src(%dma_wait3A_303 : memref<128x16xf32, #tpu.memory_space<vmem>>) dst(%dma_wait3A_309 : memref<10112x16xf32, #tpu.memory_space<vmem_shared>>)
    %dma_wait3A_312 = arith.constant 78 : i32
    %dma_wait3A_313 = arith.constant 6 : i32
    %dma_wait3A_314 = arith.constant 0 : i32
    %dma_wait3A_315 = tpu.memref_slice %arg8[%dma_wait3A_312, %dma_wait3A_314] : memref<80x128xi32, #tpu.memory_space<vmem>> -> memref<1x128xi32, #tpu.memory_space<vmem>>
    %dma_wait3A_316 = tpu.memref_squeeze %dma_wait3A_315 : memref<1x128xi32, #tpu.memory_space<vmem>> -> memref<128xi32, #tpu.memory_space<vmem>>
    %dma_wait3A_317 = arith.constant 0 : i32
    %dma_wait3A_318 = arith.constant 0 : i32
    %dma_wait3A_319 = tpu.memref_slice %arg14[%dma_wait3A_317, %dma_wait3A_318] : memref<10112x16xf32, #tpu.memory_space<vmem_shared>> -> memref<10112x16xf32, #tpu.memory_space<vmem_shared>>
    %dma_wait3A_320 = tpu.memref_slice %arg17[%dma_wait3A_313] : memref<8x!tpu.dma_semaphore, #tpu.memory_space<semaphore_mem>> -> memref<1x!tpu.dma_semaphore, #tpu.memory_space<semaphore_mem>>
    %dma_wait3A_321 = tpu.memref_squeeze %dma_wait3A_320 : memref<1x!tpu.dma_semaphore, #tpu.memory_space<semaphore_mem>> -> memref<!tpu.dma_semaphore, #tpu.memory_space<semaphore_mem>>
    tpu.wait_indirect_dma semaphore(%dma_wait3A_321 : memref<!tpu.dma_semaphore, #tpu.memory_space<semaphore_mem>>) src(%arg10 : memref<128x16xf32, #tpu.memory_space<vmem>>) dst(%dma_wait3A_319 : memref<10112x16xf32, #tpu.memory_space<vmem_shared>>)
    %dma_wait3A_322 = arith.constant 7 : i32
    %dma_wait3A_323 = arith.constant 79 : i32
    %dma_wait3A_324 = arith.constant 7 : i32
    %dma_wait3A_325 = arith.constant 0 : i32
    %dma_wait3A_326 = arith.constant 0 : i32
    %dma_wait3A_327 = tpu.memref_slice %arg9[%dma_wait3A_322, %dma_wait3A_325, %dma_wait3A_326] : memref<8x128x16xf32, #tpu.memory_space<vmem>> -> memref<1x128x16xf32, #tpu.memory_space<vmem>>
    %dma_wait3A_328 = tpu.memref_squeeze %dma_wait3A_327 : memref<1x128x16xf32, #tpu.memory_space<vmem>> -> memref<128x16xf32, #tpu.memory_space<vmem>>
    %dma_wait3A_329 = arith.constant 0 : i32
    %dma_wait3A_330 = tpu.memref_slice %arg8[%dma_wait3A_323, %dma_wait3A_329] : memref<80x128xi32, #tpu.memory_space<vmem>> -> memref<1x128xi32, #tpu.memory_space<vmem>>
    %dma_wait3A_331 = tpu.memref_squeeze %dma_wait3A_330 : memref<1x128xi32, #tpu.memory_space<vmem>> -> memref<128xi32, #tpu.memory_space<vmem>>
    %dma_wait3A_332 = arith.constant 0 : i32
    %dma_wait3A_333 = arith.constant 0 : i32
    %dma_wait3A_334 = tpu.memref_slice %arg13[%dma_wait3A_332, %dma_wait3A_333] : memref<10112x16xf32, #tpu.memory_space<vmem_shared>> -> memref<10112x16xf32, #tpu.memory_space<vmem_shared>>
    %dma_wait3A_335 = tpu.memref_slice %arg16[%dma_wait3A_324] : memref<8x!tpu.dma_semaphore, #tpu.memory_space<semaphore_mem>> -> memref<1x!tpu.dma_semaphore, #tpu.memory_space<semaphore_mem>>
    %dma_wait3A_336 = tpu.memref_squeeze %dma_wait3A_335 : memref<1x!tpu.dma_semaphore, #tpu.memory_space<semaphore_mem>> -> memref<!tpu.dma_semaphore, #tpu.memory_space<semaphore_mem>>
    tpu.wait_indirect_dma semaphore(%dma_wait3A_336 : memref<!tpu.dma_semaphore, #tpu.memory_space<semaphore_mem>>) src(%dma_wait3A_328 : memref<128x16xf32, #tpu.memory_space<vmem>>) dst(%dma_wait3A_334 : memref<10112x16xf32, #tpu.memory_space<vmem_shared>>)
    %dma_wait3A_337 = arith.constant 79 : i32
    %dma_wait3A_338 = arith.constant 7 : i32
    %dma_wait3A_339 = arith.constant 0 : i32
    %dma_wait3A_340 = tpu.memref_slice %arg8[%dma_wait3A_337, %dma_wait3A_339] : memref<80x128xi32, #tpu.memory_space<vmem>> -> memref<1x128xi32, #tpu.memory_space<vmem>>
    %dma_wait3A_341 = tpu.memref_squeeze %dma_wait3A_340 : memref<1x128xi32, #tpu.memory_space<vmem>> -> memref<128xi32, #tpu.memory_space<vmem>>
    %dma_wait3A_342 = arith.constant 0 : i32
    %dma_wait3A_343 = arith.constant 0 : i32
    %dma_wait3A_344 = tpu.memref_slice %arg14[%dma_wait3A_342, %dma_wait3A_343] : memref<10112x16xf32, #tpu.memory_space<vmem_shared>> -> memref<10112x16xf32, #tpu.memory_space<vmem_shared>>
    %dma_wait3A_345 = tpu.memref_slice %arg17[%dma_wait3A_338] : memref<8x!tpu.dma_semaphore, #tpu.memory_space<semaphore_mem>> -> memref<1x!tpu.dma_semaphore, #tpu.memory_space<semaphore_mem>>
    %dma_wait3A_346 = tpu.memref_squeeze %dma_wait3A_345 : memref<1x!tpu.dma_semaphore, #tpu.memory_space<semaphore_mem>> -> memref<!tpu.dma_semaphore, #tpu.memory_space<semaphore_mem>>
    tpu.wait_indirect_dma semaphore(%dma_wait3A_346 : memref<!tpu.dma_semaphore, #tpu.memory_space<semaphore_mem>>) src(%arg10 : memref<128x16xf32, #tpu.memory_space<vmem>>) dst(%dma_wait3A_344 : memref<10112x16xf32, #tpu.memory_space<vmem_shared>>)
    %barrier3A_347 = arith.constant 0 : index
    tpu.barrier barrier_id(%barrier3A_347)
    %mul3A_348 = arith.constant 632 : i32
    %mul3A_349 = arith.muli %arg1, %mul3A_348 : i32
    %mul3A_350 = arith.constant 632 : i32
    %mul3A_351 = arith.muli %arg1, %mul3A_350 : i32
    "tpu.region"() ({
      %run_scoped3A = tpu.sem_alloc : memref<!tpu.dma_semaphore, #tpu.memory_space<semaphore_mem>>
      %dma_start3A_356 = arith.constant 0 : i32
      %dma_start3A_357 = tpu.memref_slice %arg5[%arg0, %mul3A_351, %dma_start3A_356] : memref<2x10112x16xf32, #tpu.memory_space<hbm>> -> memref<1x632x16xf32, #tpu.memory_space<hbm>>
      %dma_start3A_358 = tpu.memref_squeeze %dma_start3A_357 : memref<1x632x16xf32, #tpu.memory_space<hbm>> -> memref<632x16xf32, #tpu.memory_space<hbm>>
      %dma_start3A_359 = arith.constant 0 : i32
      %dma_start3A_360 = tpu.memref_slice %arg13[%mul3A_349, %dma_start3A_359] : memref<10112x16xf32, #tpu.memory_space<vmem_shared>> -> memref<632x16xf32, #tpu.memory_space<vmem_shared>>
      tpu.enqueue_dma source(%dma_start3A_360 : memref<632x16xf32, #tpu.memory_space<vmem_shared>>) target(%dma_start3A_358 : memref<632x16xf32, #tpu.memory_space<hbm>>) target_semaphore(%run_scoped3A : memref<!tpu.dma_semaphore, #tpu.memory_space<semaphore_mem>>)
      %dma_wait3A_361 = arith.constant 0 : i32
      %dma_wait3A_362 = tpu.memref_slice %arg5[%arg0, %mul3A_351, %dma_wait3A_361] : memref<2x10112x16xf32, #tpu.memory_space<hbm>> -> memref<1x632x16xf32, #tpu.memory_space<hbm>>
      %dma_wait3A_363 = tpu.memref_squeeze %dma_wait3A_362 : memref<1x632x16xf32, #tpu.memory_space<hbm>> -> memref<632x16xf32, #tpu.memory_space<hbm>>
      %dma_wait3A_364 = arith.constant 0 : i32
      %dma_wait3A_365 = tpu.memref_slice %arg13[%mul3A_349, %dma_wait3A_364] : memref<10112x16xf32, #tpu.memory_space<vmem_shared>> -> memref<632x16xf32, #tpu.memory_space<vmem_shared>>
      tpu.wait_dma2 semaphore(%run_scoped3A : memref<!tpu.dma_semaphore, #tpu.memory_space<semaphore_mem>>) src(%dma_wait3A_365 : memref<632x16xf32, #tpu.memory_space<vmem_shared>>) dst(%dma_wait3A_363 : memref<632x16xf32, #tpu.memory_space<hbm>>)
      tpu.yield
    }) : () -> ()
    %mul3A_352 = arith.constant 632 : i32
    %mul3A_353 = arith.muli %arg1, %mul3A_352 : i32
    %mul3A_354 = arith.constant 632 : i32
    %mul3A_355 = arith.muli %arg1, %mul3A_354 : i32
    "tpu.region"() ({
      %run_scoped3A = tpu.sem_alloc : memref<!tpu.dma_semaphore, #tpu.memory_space<semaphore_mem>>
      %dma_start3A_356 = arith.constant 0 : i32
      %dma_start3A_357 = tpu.memref_slice %arg6[%arg0, %mul3A_355, %dma_start3A_356] : memref<2x10112x16xf32, #tpu.memory_space<hbm>> -> memref<1x632x16xf32, #tpu.memory_space<hbm>>
      %dma_start3A_358 = tpu.memref_squeeze %dma_start3A_357 : memref<1x632x16xf32, #tpu.memory_space<hbm>> -> memref<632x16xf32, #tpu.memory_space<hbm>>
      %dma_start3A_359 = arith.constant 0 : i32
      %dma_start3A_360 = tpu.memref_slice %arg14[%mul3A_353, %dma_start3A_359] : memref<10112x16xf32, #tpu.memory_space<vmem_shared>> -> memref<632x16xf32, #tpu.memory_space<vmem_shared>>
      tpu.enqueue_dma source(%dma_start3A_360 : memref<632x16xf32, #tpu.memory_space<vmem_shared>>) target(%dma_start3A_358 : memref<632x16xf32, #tpu.memory_space<hbm>>) target_semaphore(%run_scoped3A : memref<!tpu.dma_semaphore, #tpu.memory_space<semaphore_mem>>)
      %dma_wait3A_361 = arith.constant 0 : i32
      %dma_wait3A_362 = tpu.memref_slice %arg6[%arg0, %mul3A_355, %dma_wait3A_361] : memref<2x10112x16xf32, #tpu.memory_space<hbm>> -> memref<1x632x16xf32, #tpu.memory_space<hbm>>
      %dma_wait3A_363 = tpu.memref_squeeze %dma_wait3A_362 : memref<1x632x16xf32, #tpu.memory_space<hbm>> -> memref<632x16xf32, #tpu.memory_space<hbm>>
      %dma_wait3A_364 = arith.constant 0 : i32
      %dma_wait3A_365 = tpu.memref_slice %arg14[%mul3A_353, %dma_wait3A_364] : memref<10112x16xf32, #tpu.memory_space<vmem_shared>> -> memref<632x16xf32, #tpu.memory_space<vmem_shared>>
      tpu.wait_dma2 semaphore(%run_scoped3A : memref<!tpu.dma_semaphore, #tpu.memory_space<semaphore_mem>>) src(%dma_wait3A_365 : memref<632x16xf32, #tpu.memory_space<vmem_shared>>) dst(%dma_wait3A_363 : memref<632x16xf32, #tpu.memory_space<hbm>>)
      tpu.yield
    }) : () -> ()
    return
  }
}

module attributes {stable_mosaic.version = 14 : i64} {
  func.func @_t0_body(%arg0: memref<10000x128xf32, #tpu.memory_space<vmem>>, %arg1: memref<128x16xf32, #tpu.memory_space<vmem>>, %arg2: memref<1x16xf32, #tpu.memory_space<vmem>>, %arg3: memref<1x16xf32, #tpu.memory_space<vmem>>, %arg4: memref<1x16xf32, #tpu.memory_space<vmem>>, %arg5: memref<16x256xf32, #tpu.memory_space<vmem>>, %arg6: memref<1x256xf32, #tpu.memory_space<vmem>>, %arg7: memref<10112x16xf32, #tpu.memory_space<vmem>>, %arg8: memref<1x256xf32, #tpu.memory_space<vmem>>) attributes {dimension_semantics = [], scalar_prefetch = 0 : i64, scratch_operands = 0 : i64, tpu.core_type = #tpu.core_type<tc>} {
    %get3A = arith.constant 0 : index
    %get3A_0 = arith.constant 0 : index
    %get3A_1 = vector.load %arg0[%get3A, %get3A_0] : memref<10000x128xf32, #tpu.memory_space<vmem>>, vector<10000x128xf32>
    %get3A_2 = arith.constant 0 : index
    %get3A_3 = arith.constant 0 : index
    %get3A_4 = vector.load %arg1[%get3A_2, %get3A_3] : memref<128x16xf32, #tpu.memory_space<vmem>>, vector<128x16xf32>
    %dot_general3A = arith.constant dense<0.000000e+00> : vector<10000x16xf32>
    %dot_general3A_5 = tpu.matmul %get3A_1, %get3A_4, %dot_general3A {dimension_numbers = #tpu.dot_dimension_numbers<[1], [0], [0], [1], [0, 0, 1, 1], [], []>, transpose_lhs_hint = false} : vector<10000x128xf32>, vector<128x16xf32>, vector<10000x16xf32> -> vector<10000x16xf32>
    %get3A_6 = arith.constant 0 : index
    %get3A_7 = arith.constant 0 : index
    %get3A_8 = vector.load %arg2[%get3A_6, %get3A_7] : memref<1x16xf32, #tpu.memory_space<vmem>>, vector<1x16xf32>
    %add3A = vector.broadcast %get3A_8 : vector<1x16xf32> to vector<10000x16xf32>
    %add3A_9 = arith.addf %dot_general3A_5, %add3A : vector<10000x16xf32>
    %max3A = arith.constant 0.000000e+00 : f32
    %max3A_10 = vector.broadcast %max3A : f32 to vector<10000x16xf32>
    %max3A_11 = arith.maximumf %add3A_9, %max3A_10 : vector<10000x16xf32>
    %swap3A = arith.constant 0 : index
    %swap3A_12 = arith.constant 0 : index
    %swap3A_13 = vector.load %arg7[%swap3A, %swap3A_12] : memref<10112x16xf32, #tpu.memory_space<vmem>>, vector<10000x16xf32>
    tpu.vector_store %arg7[%swap3A, %swap3A_12], %max3A_11 {strides = array<i32>} : memref<10112x16xf32, #tpu.memory_space<vmem>>, vector<10000x16xf32>,
    %broadcast_in_dim3A = arith.constant 0.000000e+00 : f32
    %broadcast_in_dim3A_14 = vector.broadcast %broadcast_in_dim3A : f32 to vector<112x16xf32>
    %swap3A_15 = arith.constant 10000 : index
    %swap3A_16 = arith.constant 0 : index
    %swap3A_17 = vector.load %arg7[%swap3A_15, %swap3A_16] : memref<10112x16xf32, #tpu.memory_space<vmem>>, vector<112x16xf32>
    tpu.vector_store %arg7[%swap3A_15, %swap3A_16], %broadcast_in_dim3A_14 {strides = array<i32>} : memref<10112x16xf32, #tpu.memory_space<vmem>>, vector<112x16xf32>,
    %get3A_18 = arith.constant 0 : index
    %get3A_19 = arith.constant 0 : index
    %get3A_20 = vector.load %arg3[%get3A_18, %get3A_19] : memref<1x16xf32, #tpu.memory_space<vmem>>, vector<1x16xf32>
    %get3A_21 = arith.constant 0 : index
    %get3A_22 = arith.constant 0 : index
    %get3A_23 = vector.load %arg4[%get3A_21, %get3A_22] : memref<1x16xf32, #tpu.memory_space<vmem>>, vector<1x16xf32>
    %add3A_24 = arith.addf %get3A_20, %get3A_23 : vector<1x16xf32>
    %max3A_25 = arith.constant 0.000000e+00 : f32
    %max3A_26 = vector.broadcast %max3A_25 : f32 to vector<1x16xf32>
    %max3A_27 = arith.maximumf %add3A_24, %max3A_26 : vector<1x16xf32>
    %get3A_28 = arith.constant 0 : index
    %get3A_29 = arith.constant 0 : index
    %get3A_30 = vector.load %arg5[%get3A_28, %get3A_29] : memref<16x256xf32, #tpu.memory_space<vmem>>, vector<16x256xf32>
    %dot_general3A_31 = arith.constant dense<0.000000e+00> : vector<1x256xf32>
    %dot_general3A_32 = tpu.matmul %max3A_27, %get3A_30, %dot_general3A_31 {dimension_numbers = #tpu.dot_dimension_numbers<[1], [0], [0], [1], [0, 0, 1, 1], [], []>, transpose_lhs_hint = false} : vector<1x16xf32>, vector<16x256xf32>, vector<1x256xf32> -> vector<1x256xf32>
    %get3A_33 = arith.constant 0 : index
    %get3A_34 = arith.constant 0 : index
    %get3A_35 = vector.load %arg6[%get3A_33, %get3A_34] : memref<1x256xf32, #tpu.memory_space<vmem>>, vector<1x256xf32>
    %add3A_36 = arith.addf %dot_general3A_32, %get3A_35 : vector<1x256xf32>
    %swap3A_37 = arith.constant 0 : index
    %swap3A_38 = arith.constant 0 : index
    %swap3A_39 = vector.load %arg8[%swap3A_37, %swap3A_38] : memref<1x256xf32, #tpu.memory_space<vmem>>, vector<1x256xf32>
    tpu.vector_store %arg8[%swap3A_37, %swap3A_38], %add3A_36 {strides = array<i32>} : memref<1x256xf32, #tpu.memory_space<vmem>>, vector<1x256xf32>,
    return
  }
}

module attributes {stable_mosaic.version = 14 : i64} {
  func.func @_t1_body(%arg0: memref<2x10112x16xf32, #tpu.memory_space<vmem>>, %arg1: memref<2x10112x16xf32, #tpu.memory_space<vmem>>, %arg2: memref<10112x16xf32, #tpu.memory_space<vmem>>, %arg3: memref<16x16xf32, #tpu.memory_space<vmem>>, %arg4: memref<1x16xf32, #tpu.memory_space<vmem>>, %arg5: memref<16x48xf32, #tpu.memory_space<vmem>>, %arg6: memref<16x48xf32, #tpu.memory_space<vmem>>, %arg7: memref<1x48xf32, #tpu.memory_space<vmem>>, %arg8: memref<1x48xf32, #tpu.memory_space<vmem>>, %arg9: memref<10112x16xf32, #tpu.memory_space<vmem>>) attributes {dimension_semantics = [], scalar_prefetch = 0 : i64, scratch_operands = 0 : i64, tpu.core_type = #tpu.core_type<tc>} {
    %get3A = arith.constant 0 : index
    %get3A_0 = arith.constant 0 : index
    %get3A_1 = arith.constant 0 : index
    %get3A_2 = vector.load %arg0[%get3A, %get3A_0, %get3A_1] : memref<2x10112x16xf32, #tpu.memory_space<vmem>>, vector<1x10000x16xf32>
    %get3A_3 = vector.shape_cast %get3A_2 : vector<1x10000x16xf32> to vector<10000x16xf32>
    %get3A_4 = arith.constant 1 : index
    %get3A_5 = arith.constant 0 : index
    %get3A_6 = arith.constant 0 : index
    %get3A_7 = vector.load %arg0[%get3A_4, %get3A_5, %get3A_6] : memref<2x10112x16xf32, #tpu.memory_space<vmem>>, vector<1x10000x16xf32>
    %get3A_8 = vector.shape_cast %get3A_7 : vector<1x10000x16xf32> to vector<10000x16xf32>
    %add3A = arith.addf %get3A_3, %get3A_8 : vector<10000x16xf32>
    %get3A_9 = arith.constant 0 : index
    %get3A_10 = arith.constant 0 : index
    %get3A_11 = arith.constant 0 : index
    %get3A_12 = vector.load %arg1[%get3A_9, %get3A_10, %get3A_11] : memref<2x10112x16xf32, #tpu.memory_space<vmem>>, vector<1x10000x16xf32>
    %get3A_13 = vector.shape_cast %get3A_12 : vector<1x10000x16xf32> to vector<10000x16xf32>
    %get3A_14 = arith.constant 1 : index
    %get3A_15 = arith.constant 0 : index
    %get3A_16 = arith.constant 0 : index
    %get3A_17 = vector.load %arg1[%get3A_14, %get3A_15, %get3A_16] : memref<2x10112x16xf32, #tpu.memory_space<vmem>>, vector<1x10000x16xf32>
    %get3A_18 = vector.shape_cast %get3A_17 : vector<1x10000x16xf32> to vector<10000x16xf32>
    %add3A_19 = arith.addf %get3A_13, %get3A_18 : vector<10000x16xf32>
    %max3A = arith.constant 1.000000e+00 : f32
    %max3A_20 = vector.broadcast %max3A : f32 to vector<10000x16xf32>
    %max3A_21 = arith.maximumf %add3A_19, %max3A_20 : vector<10000x16xf32>
    %div3A = arith.divf %add3A, %max3A_21 : vector<10000x16xf32>
    %get3A_22 = arith.constant 0 : index
    %get3A_23 = arith.constant 0 : index
    %get3A_24 = vector.load %arg3[%get3A_22, %get3A_23] : memref<16x16xf32, #tpu.memory_space<vmem>>, vector<16x16xf32>
    %dot_general3A = arith.constant dense<0.000000e+00> : vector<10000x16xf32>
    %dot_general3A_25 = tpu.matmul %div3A, %get3A_24, %dot_general3A {dimension_numbers = #tpu.dot_dimension_numbers<[1], [0], [0], [1], [0, 0, 1, 1], [], []>, transpose_lhs_hint = false} : vector<10000x16xf32>, vector<16x16xf32>, vector<10000x16xf32> -> vector<10000x16xf32>
    %get3A_26 = arith.constant 0 : index
    %get3A_27 = arith.constant 0 : index
    %get3A_28 = vector.load %arg4[%get3A_26, %get3A_27] : memref<1x16xf32, #tpu.memory_space<vmem>>, vector<1x16xf32>
    %add3A_29 = vector.broadcast %get3A_28 : vector<1x16xf32> to vector<10000x16xf32>
    %add3A_30 = arith.addf %dot_general3A_25, %add3A_29 : vector<10000x16xf32>
    %max3A_31 = arith.constant 0.000000e+00 : f32
    %max3A_32 = vector.broadcast %max3A_31 : f32 to vector<10000x16xf32>
    %max3A_33 = arith.maximumf %add3A_30, %max3A_32 : vector<10000x16xf32>
    %get3A_34 = arith.constant 0 : index
    %get3A_35 = arith.constant 0 : index
    %get3A_36 = vector.load %arg2[%get3A_34, %get3A_35] : memref<10112x16xf32, #tpu.memory_space<vmem>>, vector<10000x16xf32>
    %get3A_37 = arith.constant 0 : index
    %get3A_38 = arith.constant 0 : index
    %get3A_39 = vector.load %arg5[%get3A_37, %get3A_38] : memref<16x48xf32, #tpu.memory_space<vmem>>, vector<16x48xf32>
    %dot_general3A_40 = arith.constant dense<0.000000e+00> : vector<10000x48xf32>
    %dot_general3A_41 = tpu.matmul %max3A_33, %get3A_39, %dot_general3A_40 {dimension_numbers = #tpu.dot_dimension_numbers<[1], [0], [0], [1], [0, 0, 1, 1], [], []>, transpose_lhs_hint = false} : vector<10000x16xf32>, vector<16x48xf32>, vector<10000x48xf32> -> vector<10000x48xf32>
    %get3A_42 = arith.constant 0 : index
    %get3A_43 = arith.constant 0 : index
    %get3A_44 = vector.load %arg7[%get3A_42, %get3A_43] : memref<1x48xf32, #tpu.memory_space<vmem>>, vector<1x48xf32>
    %add3A_45 = vector.broadcast %get3A_44 : vector<1x48xf32> to vector<10000x48xf32>
    %add3A_46 = arith.addf %dot_general3A_41, %add3A_45 : vector<10000x48xf32>
    %get3A_47 = arith.constant 0 : index
    %get3A_48 = arith.constant 0 : index
    %get3A_49 = vector.load %arg6[%get3A_47, %get3A_48] : memref<16x48xf32, #tpu.memory_space<vmem>>, vector<16x48xf32>
    %dot_general3A_50 = arith.constant dense<0.000000e+00> : vector<10000x48xf32>
    %dot_general3A_51 = tpu.matmul %get3A_36, %get3A_49, %dot_general3A_50 {dimension_numbers = #tpu.dot_dimension_numbers<[1], [0], [0], [1], [0, 0, 1, 1], [], []>, transpose_lhs_hint = false} : vector<10000x16xf32>, vector<16x48xf32>, vector<10000x48xf32> -> vector<10000x48xf32>
    %get3A_52 = arith.constant 0 : index
    %get3A_53 = arith.constant 0 : index
    %get3A_54 = vector.load %arg8[%get3A_52, %get3A_53] : memref<1x48xf32, #tpu.memory_space<vmem>>, vector<1x48xf32>
    %add3A_55 = vector.broadcast %get3A_54 : vector<1x48xf32> to vector<10000x48xf32>
    %add3A_56 = arith.addf %dot_general3A_51, %add3A_55 : vector<10000x48xf32>
    %slice3A = vector.extract_strided_slice %add3A_46 {offsets = [0, 0], sizes = [10000, 16], strides = [1, 1]} : vector<10000x48xf32> to vector<10000x16xf32>
    %slice3A_57 = vector.extract_strided_slice %add3A_56 {offsets = [0, 0], sizes = [10000, 16], strides = [1, 1]} : vector<10000x48xf32> to vector<10000x16xf32>
    %add3A_58 = arith.addf %slice3A, %slice3A_57 : vector<10000x16xf32>
    %logistic3A = arith.negf %add3A_58 : vector<10000x16xf32>
    %logistic3A_59 = math.exp %logistic3A : vector<10000x16xf32>
    %logistic3A_60 = arith.constant 1.000000e+00 : f32
    %logistic3A_61 = vector.broadcast %logistic3A_60 : f32 to vector<10000x16xf32>
    %logistic3A_62 = arith.addf %logistic3A_61, %logistic3A_59 : vector<10000x16xf32>
    %logistic3A_63 = arith.divf %logistic3A_61, %logistic3A_62 : vector<10000x16xf32>
    %slice3A_64 = vector.extract_strided_slice %add3A_46 {offsets = [0, 16], sizes = [10000, 16], strides = [1, 1]} : vector<10000x48xf32> to vector<10000x16xf32>
    %slice3A_65 = vector.extract_strided_slice %add3A_56 {offsets = [0, 16], sizes = [10000, 16], strides = [1, 1]} : vector<10000x48xf32> to vector<10000x16xf32>
    %add3A_66 = arith.addf %slice3A_64, %slice3A_65 : vector<10000x16xf32>
    %logistic3A_67 = arith.negf %add3A_66 : vector<10000x16xf32>
    %logistic3A_68 = math.exp %logistic3A_67 : vector<10000x16xf32>
    %logistic3A_69 = arith.constant 1.000000e+00 : f32
    %logistic3A_70 = vector.broadcast %logistic3A_69 : f32 to vector<10000x16xf32>
    %logistic3A_71 = arith.addf %logistic3A_70, %logistic3A_68 : vector<10000x16xf32>
    %logistic3A_72 = arith.divf %logistic3A_70, %logistic3A_71 : vector<10000x16xf32>
    %slice3A_73 = vector.extract_strided_slice %add3A_46 {offsets = [0, 32], sizes = [10000, 16], strides = [1, 1]} : vector<10000x48xf32> to vector<10000x16xf32>
    %slice3A_74 = vector.extract_strided_slice %add3A_56 {offsets = [0, 32], sizes = [10000, 16], strides = [1, 1]} : vector<10000x48xf32> to vector<10000x16xf32>
    %mul3A = arith.mulf %logistic3A_63, %slice3A_74 : vector<10000x16xf32>
    %add3A_75 = arith.addf %slice3A_73, %mul3A : vector<10000x16xf32>
    %tanh3A = math.tanh %add3A_75 : vector<10000x16xf32>
    %sub3A = arith.constant 1.000000e+00 : f32
    %sub3A_76 = vector.broadcast %sub3A : f32 to vector<10000x16xf32>
    %sub3A_77 = arith.subf %sub3A_76, %logistic3A_72 : vector<10000x16xf32>
    %mul3A_78 = arith.mulf %sub3A_77, %tanh3A : vector<10000x16xf32>
    %mul3A_79 = arith.mulf %logistic3A_72, %get3A_36 : vector<10000x16xf32>
    %add3A_80 = arith.addf %mul3A_78, %mul3A_79 : vector<10000x16xf32>
    %swap3A = arith.constant 0 : index
    %swap3A_81 = arith.constant 0 : index
    %swap3A_82 = vector.load %arg9[%swap3A, %swap3A_81] : memref<10112x16xf32, #tpu.memory_space<vmem>>, vector<10000x16xf32>
    tpu.vector_store %arg9[%swap3A, %swap3A_81], %add3A_80 {strides = array<i32>} : memref<10112x16xf32, #tpu.memory_space<vmem>>, vector<10000x16xf32>,
    %broadcast_in_dim3A = arith.constant 0.000000e+00 : f32
    %broadcast_in_dim3A_83 = vector.broadcast %broadcast_in_dim3A : f32 to vector<112x16xf32>
    %swap3A_84 = arith.constant 10000 : index
    %swap3A_85 = arith.constant 0 : index
    %swap3A_86 = vector.load %arg9[%swap3A_84, %swap3A_85] : memref<10112x16xf32, #tpu.memory_space<vmem>>, vector<112x16xf32>
    tpu.vector_store %arg9[%swap3A_84, %swap3A_85], %broadcast_in_dim3A_83 {strides = array<i32>} : memref<10112x16xf32, #tpu.memory_space<vmem>>, vector<112x16xf32>,
    return
  }
}

module attributes {stable_mosaic.version = 14 : i64} {
  func.func @_t2_body(%arg0: memref<10112x16xf32, #tpu.memory_space<vmem>>, %arg1: memref<10000x1xi32, #tpu.memory_space<vmem>>, %arg2: memref<32x64xf32, #tpu.memory_space<vmem>>, %arg3: memref<16x64xf32, #tpu.memory_space<vmem>>, %arg4: memref<1x64xf32, #tpu.memory_space<vmem>>, %arg5: memref<1x64xf32, #tpu.memory_space<vmem>>, %arg6: memref<64x32xf32, #tpu.memory_space<vmem>>) attributes {dimension_semantics = [], scalar_prefetch = 0 : i64, scratch_operands = 0 : i64, tpu.core_type = #tpu.core_type<tc>} {
    %get3A = arith.constant 0 : index
    %get3A_0 = arith.constant 0 : index
    %get3A_1 = vector.load %arg0[%get3A, %get3A_0] : memref<10112x16xf32, #tpu.memory_space<vmem>>, vector<10000x16xf32>
    %get3A_2 = arith.constant 0 : index
    %get3A_3 = arith.constant 0 : index
    %get3A_4 = vector.load %arg1[%get3A_2, %get3A_3] : memref<10000x1xi32, #tpu.memory_space<vmem>>, vector<10000x1xi32>
    %iota3A = tpu.iota {dimensions = array<i32: 1>} : vector<10000x64xi32>
    %eq3A = vector.broadcast %get3A_4 : vector<10000x1xi32> to vector<10000x64xi32>
    %eq3A_5 = arith.cmpi eq, %eq3A, %iota3A : vector<10000x64xi32>
    %convert_element_type3A = arith.extui %eq3A_5 : vector<10000x64xi1> to vector<10000x64xi32>
    %convert_element_type3A_6 = arith.sitofp %convert_element_type3A : vector<10000x64xi32> to vector<10000x64xf32>
    %broadcast_in_dim3A = arith.constant 0.000000e+00 : f32
    %broadcast_in_dim3A_7 = vector.broadcast %broadcast_in_dim3A : f32 to vector<64x32xf32>
    %broadcast_in_dim3A_8 = arith.constant 0.000000e+00 : f32
    %broadcast_in_dim3A_9 = vector.broadcast %broadcast_in_dim3A_8 : f32 to vector<64x16xf32>
    %broadcast_in_dim3A_10 = arith.constant 0.000000e+00 : f32
    %broadcast_in_dim3A_11 = vector.broadcast %broadcast_in_dim3A_10 : f32 to vector<64x16xf32>
    %get3A_12 = arith.constant 0 : index
    %get3A_13 = arith.constant 0 : index
    %get3A_14 = vector.load %arg2[%get3A_12, %get3A_13] : memref<32x64xf32, #tpu.memory_space<vmem>>, vector<32x64xf32>
    %dot_general3A = arith.constant dense<0.000000e+00> : vector<64x64xf32>
    %dot_general3A_15 = tpu.matmul %broadcast_in_dim3A_7, %get3A_14, %dot_general3A {dimension_numbers = #tpu.dot_dimension_numbers<[1], [0], [0], [1], [0, 0, 1, 1], [], []>, transpose_lhs_hint = false} : vector<64x32xf32>, vector<32x64xf32>, vector<64x64xf32> -> vector<64x64xf32>
    %get3A_16 = arith.constant 0 : index
    %get3A_17 = arith.constant 0 : index
    %get3A_18 = vector.load %arg4[%get3A_16, %get3A_17] : memref<1x64xf32, #tpu.memory_space<vmem>>, vector<1x64xf32>
    %add3A = vector.broadcast %get3A_18 : vector<1x64xf32> to vector<64x64xf32>
    %add3A_19 = arith.addf %dot_general3A_15, %add3A : vector<64x64xf32>
    %get3A_20 = arith.constant 0 : index
    %get3A_21 = arith.constant 0 : index
    %get3A_22 = vector.load %arg3[%get3A_20, %get3A_21] : memref<16x64xf32, #tpu.memory_space<vmem>>, vector<16x64xf32>
    %dot_general3A_23 = arith.constant dense<0.000000e+00> : vector<64x64xf32>
    %dot_general3A_24 = tpu.matmul %broadcast_in_dim3A_9, %get3A_22, %dot_general3A_23 {dimension_numbers = #tpu.dot_dimension_numbers<[1], [0], [0], [1], [0, 0, 1, 1], [], []>, transpose_lhs_hint = false} : vector<64x16xf32>, vector<16x64xf32>, vector<64x64xf32> -> vector<64x64xf32>
    %add3A_25 = arith.addf %add3A_19, %dot_general3A_24 : vector<64x64xf32>
    %get3A_26 = arith.constant 0 : index
    %get3A_27 = arith.constant 0 : index
    %get3A_28 = vector.load %arg5[%get3A_26, %get3A_27] : memref<1x64xf32, #tpu.memory_space<vmem>>, vector<1x64xf32>
    %add3A_29 = vector.broadcast %get3A_28 : vector<1x64xf32> to vector<64x64xf32>
    %add3A_30 = arith.addf %add3A_25, %add3A_29 : vector<64x64xf32>
    %slice3A = vector.extract_strided_slice %add3A_30 {offsets = [0, 0], sizes = [64, 16], strides = [1, 1]} : vector<64x64xf32> to vector<64x16xf32>
    %logistic3A = arith.negf %slice3A : vector<64x16xf32>
    %logistic3A_31 = math.exp %logistic3A : vector<64x16xf32>
    %logistic3A_32 = arith.constant 1.000000e+00 : f32
    %logistic3A_33 = vector.broadcast %logistic3A_32 : f32 to vector<64x16xf32>
    %logistic3A_34 = arith.addf %logistic3A_33, %logistic3A_31 : vector<64x16xf32>
    %logistic3A_35 = arith.divf %logistic3A_33, %logistic3A_34 : vector<64x16xf32>
    %slice3A_36 = vector.extract_strided_slice %add3A_30 {offsets = [0, 16], sizes = [64, 16], strides = [1, 1]} : vector<64x64xf32> to vector<64x16xf32>
    %logistic3A_37 = arith.negf %slice3A_36 : vector<64x16xf32>
    %logistic3A_38 = math.exp %logistic3A_37 : vector<64x16xf32>
    %logistic3A_39 = arith.constant 1.000000e+00 : f32
    %logistic3A_40 = vector.broadcast %logistic3A_39 : f32 to vector<64x16xf32>
    %logistic3A_41 = arith.addf %logistic3A_40, %logistic3A_38 : vector<64x16xf32>
    %logistic3A_42 = arith.divf %logistic3A_40, %logistic3A_41 : vector<64x16xf32>
    %slice3A_43 = vector.extract_strided_slice %add3A_30 {offsets = [0, 32], sizes = [64, 16], strides = [1, 1]} : vector<64x64xf32> to vector<64x16xf32>
    %tanh3A = math.tanh %slice3A_43 : vector<64x16xf32>
    %slice3A_44 = vector.extract_strided_slice %add3A_30 {offsets = [0, 48], sizes = [64, 16], strides = [1, 1]} : vector<64x64xf32> to vector<64x16xf32>
    %logistic3A_45 = arith.negf %slice3A_44 : vector<64x16xf32>
    %logistic3A_46 = math.exp %logistic3A_45 : vector<64x16xf32>
    %logistic3A_47 = arith.constant 1.000000e+00 : f32
    %logistic3A_48 = vector.broadcast %logistic3A_47 : f32 to vector<64x16xf32>
    %logistic3A_49 = arith.addf %logistic3A_48, %logistic3A_46 : vector<64x16xf32>
    %logistic3A_50 = arith.divf %logistic3A_48, %logistic3A_49 : vector<64x16xf32>
    %mul3A = arith.mulf %logistic3A_42, %broadcast_in_dim3A_11 : vector<64x16xf32>
    %mul3A_51 = arith.mulf %logistic3A_35, %tanh3A : vector<64x16xf32>
    %add3A_52 = arith.addf %mul3A, %mul3A_51 : vector<64x16xf32>
    %tanh3A_53 = math.tanh %add3A_52 : vector<64x16xf32>
    %mul3A_54 = arith.mulf %logistic3A_50, %tanh3A_53 : vector<64x16xf32>
    %dot_general3A_55 = arith.constant dense<0.000000e+00> : vector<10000x16xf32>
    %dot_general3A_56 = tpu.matmul %convert_element_type3A_6, %mul3A_54, %dot_general3A_55 {dimension_numbers = #tpu.dot_dimension_numbers<[1], [0], [0], [1], [0, 0, 1, 1], [], []>, transpose_lhs_hint = false} : vector<10000x64xf32>, vector<64x16xf32>, vector<10000x16xf32> -> vector<10000x16xf32>
    %mul3A_57 = arith.mulf %get3A_1, %dot_general3A_56 : vector<10000x16xf32>
    %reduce_sum3A = arith.constant dense<0.000000e+00> : vector<10000xf32>
    %reduce_sum3A_58 = vector.multi_reduction <add>, %mul3A_57, %reduce_sum3A [1] : vector<10000x16xf32> to vector<10000xf32>
    %broadcast_in_dim3A_59 = vector.shape_cast %reduce_sum3A_58 : vector<10000xf32> to vector<10000x1xf32>
    %gt3A = arith.constant 0.000000e+00 : f32
    %gt3A_60 = vector.broadcast %gt3A : f32 to vector<10000x64xf32>
    %gt3A_61 = arith.cmpf ogt, %convert_element_type3A_6, %gt3A_60 : vector<10000x64xf32>
    %jit3A = arith.constant -1.000000e+30 : f32
    %broadcast_in_dim3A_62 = vector.shape_cast %broadcast_in_dim3A_59 : vector<10000x1xf32> to vector<10000x1xf32>
    %broadcast_in_dim3A_63 = vector.broadcast %broadcast_in_dim3A_62 : vector<10000x1xf32> to vector<10000x64xf32>
    %broadcast_in_dim3A_64 = vector.broadcast %jit3A : f32 to vector<10000x64xf32>
    %select_n3A = arith.select %gt3A_61, %broadcast_in_dim3A_63, %broadcast_in_dim3A_64 : vector<10000x64xi1>, vector<10000x64xf32>
    %reduce_max3A = arith.constant dense<0xFF800000> : vector<64xf32>
    %reduce_max3A_65 = vector.multi_reduction <maximumf>, %select_n3A, %reduce_max3A [0] : vector<10000x64xf32> to vector<64xf32>
    %broadcast_in_dim3A_66 = vector.shape_cast %reduce_max3A_65 : vector<64xf32> to vector<1x64xf32>
    %transpose3A = tpu.transpose %broadcast_in_dim3A_66, [1, 0] : vector<1x64xf32> -> vector<64x1xf32>
    %dot_general3A_67 = arith.constant dense<0.000000e+00> : vector<10000x1xf32>
    %dot_general3A_68 = tpu.matmul %convert_element_type3A_6, %transpose3A, %dot_general3A_67 {dimension_numbers = #tpu.dot_dimension_numbers<[1], [0], [0], [1], [0, 0, 1, 1], [], []>, transpose_lhs_hint = false} : vector<10000x64xf32>, vector<64x1xf32>, vector<10000x1xf32> -> vector<10000x1xf32>
    %sub3A = arith.subf %broadcast_in_dim3A_59, %dot_general3A_68 : vector<10000x1xf32>
    %exp3A = math.exp %sub3A : vector<10000x1xf32>
    %dot_general3A_69 = arith.constant dense<0.000000e+00> : vector<64x1xf32>
    %dot_general3A_70 = tpu.matmul %convert_element_type3A_6, %exp3A, %dot_general3A_69 {dimension_numbers = #tpu.dot_dimension_numbers<[0], [0], [1], [1], [0, 1, 1, 1], [], []>, transpose_lhs_hint = false} : vector<10000x64xf32>, vector<10000x1xf32>, vector<64x1xf32> -> vector<64x1xf32>
    %dot_general3A_71 = arith.constant dense<0.000000e+00> : vector<10000x1xf32>
    %dot_general3A_72 = tpu.matmul %convert_element_type3A_6, %dot_general3A_70, %dot_general3A_71 {dimension_numbers = #tpu.dot_dimension_numbers<[1], [0], [0], [1], [0, 0, 1, 1], [], []>, transpose_lhs_hint = false} : vector<10000x64xf32>, vector<64x1xf32>, vector<10000x1xf32> -> vector<10000x1xf32>
    %add3A_73 = arith.constant 1.000000e-16 : f32
    %add3A_74 = vector.broadcast %add3A_73 : f32 to vector<10000x1xf32>
    %add3A_75 = arith.addf %dot_general3A_72, %add3A_74 : vector<10000x1xf32>
    %div3A = arith.divf %exp3A, %add3A_75 : vector<10000x1xf32>
    %mul3A_76 = vector.broadcast %div3A : vector<10000x1xf32> to vector<10000x16xf32>
    %mul3A_77 = arith.mulf %mul3A_76, %get3A_1 : vector<10000x16xf32>
    %dot_general3A_78 = arith.constant dense<0.000000e+00> : vector<64x16xf32>
    %dot_general3A_79 = tpu.matmul %convert_element_type3A_6, %mul3A_77, %dot_general3A_78 {dimension_numbers = #tpu.dot_dimension_numbers<[0], [0], [1], [1], [0, 1, 1, 1], [], []>, transpose_lhs_hint = false} : vector<10000x64xf32>, vector<10000x16xf32>, vector<64x16xf32> -> vector<64x16xf32>
    %concatenate3A = tpu.concatenate %mul3A_54, %dot_general3A_79 in 1 : vector<64x16xf32>, vector<64x16xf32> -> vector<64x32xf32>
    %get3A_80 = arith.constant 0 : index
    %get3A_81 = arith.constant 0 : index
    %get3A_82 = vector.load %arg2[%get3A_80, %get3A_81] : memref<32x64xf32, #tpu.memory_space<vmem>>, vector<32x64xf32>
    %dot_general3A_83 = arith.constant dense<0.000000e+00> : vector<64x64xf32>
    %dot_general3A_84 = tpu.matmul %concatenate3A, %get3A_82, %dot_general3A_83 {dimension_numbers = #tpu.dot_dimension_numbers<[1], [0], [0], [1], [0, 0, 1, 1], [], []>, transpose_lhs_hint = false} : vector<64x32xf32>, vector<32x64xf32>, vector<64x64xf32> -> vector<64x64xf32>
    %get3A_85 = arith.constant 0 : index
    %get3A_86 = arith.constant 0 : index
    %get3A_87 = vector.load %arg4[%get3A_85, %get3A_86] : memref<1x64xf32, #tpu.memory_space<vmem>>, vector<1x64xf32>
    %add3A_88 = vector.broadcast %get3A_87 : vector<1x64xf32> to vector<64x64xf32>
    %add3A_89 = arith.addf %dot_general3A_84, %add3A_88 : vector<64x64xf32>
    %get3A_90 = arith.constant 0 : index
    %get3A_91 = arith.constant 0 : index
    %get3A_92 = vector.load %arg3[%get3A_90, %get3A_91] : memref<16x64xf32, #tpu.memory_space<vmem>>, vector<16x64xf32>
    %dot_general3A_93 = arith.constant dense<0.000000e+00> : vector<64x64xf32>
    %dot_general3A_94 = tpu.matmul %mul3A_54, %get3A_92, %dot_general3A_93 {dimension_numbers = #tpu.dot_dimension_numbers<[1], [0], [0], [1], [0, 0, 1, 1], [], []>, transpose_lhs_hint = false} : vector<64x16xf32>, vector<16x64xf32>, vector<64x64xf32> -> vector<64x64xf32>
    %add3A_95 = arith.addf %add3A_89, %dot_general3A_94 : vector<64x64xf32>
    %get3A_96 = arith.constant 0 : index
    %get3A_97 = arith.constant 0 : index
    %get3A_98 = vector.load %arg5[%get3A_96, %get3A_97] : memref<1x64xf32, #tpu.memory_space<vmem>>, vector<1x64xf32>
    %add3A_99 = vector.broadcast %get3A_98 : vector<1x64xf32> to vector<64x64xf32>
    %add3A_100 = arith.addf %add3A_95, %add3A_99 : vector<64x64xf32>
    %slice3A_101 = vector.extract_strided_slice %add3A_100 {offsets = [0, 0], sizes = [64, 16], strides = [1, 1]} : vector<64x64xf32> to vector<64x16xf32>
    %logistic3A_102 = arith.negf %slice3A_101 : vector<64x16xf32>
    %logistic3A_103 = math.exp %logistic3A_102 : vector<64x16xf32>
    %logistic3A_104 = arith.constant 1.000000e+00 : f32
    %logistic3A_105 = vector.broadcast %logistic3A_104 : f32 to vector<64x16xf32>
    %logistic3A_106 = arith.addf %logistic3A_105, %logistic3A_103 : vector<64x16xf32>
    %logistic3A_107 = arith.divf %logistic3A_105, %logistic3A_106 : vector<64x16xf32>
    %slice3A_108 = vector.extract_strided_slice %add3A_100 {offsets = [0, 16], sizes = [64, 16], strides = [1, 1]} : vector<64x64xf32> to vector<64x16xf32>
    %logistic3A_109 = arith.negf %slice3A_108 : vector<64x16xf32>
    %logistic3A_110 = math.exp %logistic3A_109 : vector<64x16xf32>
    %logistic3A_111 = arith.constant 1.000000e+00 : f32
    %logistic3A_112 = vector.broadcast %logistic3A_111 : f32 to vector<64x16xf32>
    %logistic3A_113 = arith.addf %logistic3A_112, %logistic3A_110 : vector<64x16xf32>
    %logistic3A_114 = arith.divf %logistic3A_112, %logistic3A_113 : vector<64x16xf32>
    %slice3A_115 = vector.extract_strided_slice %add3A_100 {offsets = [0, 32], sizes = [64, 16], strides = [1, 1]} : vector<64x64xf32> to vector<64x16xf32>
    %tanh3A_116 = math.tanh %slice3A_115 : vector<64x16xf32>
    %slice3A_117 = vector.extract_strided_slice %add3A_100 {offsets = [0, 48], sizes = [64, 16], strides = [1, 1]} : vector<64x64xf32> to vector<64x16xf32>
    %logistic3A_118 = arith.negf %slice3A_117 : vector<64x16xf32>
    %logistic3A_119 = math.exp %logistic3A_118 : vector<64x16xf32>
    %logistic3A_120 = arith.constant 1.000000e+00 : f32
    %logistic3A_121 = vector.broadcast %logistic3A_120 : f32 to vector<64x16xf32>
    %logistic3A_122 = arith.addf %logistic3A_121, %logistic3A_119 : vector<64x16xf32>
    %logistic3A_123 = arith.divf %logistic3A_121, %logistic3A_122 : vector<64x16xf32>
    %mul3A_124 = arith.mulf %logistic3A_114, %add3A_52 : vector<64x16xf32>
    %mul3A_125 = arith.mulf %logistic3A_107, %tanh3A_116 : vector<64x16xf32>
    %add3A_126 = arith.addf %mul3A_124, %mul3A_125 : vector<64x16xf32>
    %tanh3A_127 = math.tanh %add3A_126 : vector<64x16xf32>
    %mul3A_128 = arith.mulf %logistic3A_123, %tanh3A_127 : vector<64x16xf32>
    %dot_general3A_129 = arith.constant dense<0.000000e+00> : vector<10000x16xf32>
    %dot_general3A_130 = tpu.matmul %convert_element_type3A_6, %mul3A_128, %dot_general3A_129 {dimension_numbers = #tpu.dot_dimension_numbers<[1], [0], [0], [1], [0, 0, 1, 1], [], []>, transpose_lhs_hint = false} : vector<10000x64xf32>, vector<64x16xf32>, vector<10000x16xf32> -> vector<10000x16xf32>
    %mul3A_131 = arith.mulf %get3A_1, %dot_general3A_130 : vector<10000x16xf32>
    %reduce_sum3A_132 = arith.constant dense<0.000000e+00> : vector<10000xf32>
    %reduce_sum3A_133 = vector.multi_reduction <add>, %mul3A_131, %reduce_sum3A_132 [1] : vector<10000x16xf32> to vector<10000xf32>
    %broadcast_in_dim3A_134 = vector.shape_cast %reduce_sum3A_133 : vector<10000xf32> to vector<10000x1xf32>
    %gt3A_135 = arith.constant 0.000000e+00 : f32
    %gt3A_136 = vector.broadcast %gt3A_135 : f32 to vector<10000x64xf32>
    %gt3A_137 = arith.cmpf ogt, %convert_element_type3A_6, %gt3A_136 : vector<10000x64xf32>
    %jit3A_138 = arith.constant -1.000000e+30 : f32
    %broadcast_in_dim3A_139 = vector.shape_cast %broadcast_in_dim3A_134 : vector<10000x1xf32> to vector<10000x1xf32>
    %broadcast_in_dim3A_140 = vector.broadcast %broadcast_in_dim3A_139 : vector<10000x1xf32> to vector<10000x64xf32>
    %broadcast_in_dim3A_141 = vector.broadcast %jit3A_138 : f32 to vector<10000x64xf32>
    %select_n3A_142 = arith.select %gt3A_137, %broadcast_in_dim3A_140, %broadcast_in_dim3A_141 : vector<10000x64xi1>, vector<10000x64xf32>
    %reduce_max3A_143 = arith.constant dense<0xFF800000> : vector<64xf32>
    %reduce_max3A_144 = vector.multi_reduction <maximumf>, %select_n3A_142, %reduce_max3A_143 [0] : vector<10000x64xf32> to vector<64xf32>
    %broadcast_in_dim3A_145 = vector.shape_cast %reduce_max3A_144 : vector<64xf32> to vector<1x64xf32>
    %transpose3A_146 = tpu.transpose %broadcast_in_dim3A_145, [1, 0] : vector<1x64xf32> -> vector<64x1xf32>
    %dot_general3A_147 = arith.constant dense<0.000000e+00> : vector<10000x1xf32>
    %dot_general3A_148 = tpu.matmul %convert_element_type3A_6, %transpose3A_146, %dot_general3A_147 {dimension_numbers = #tpu.dot_dimension_numbers<[1], [0], [0], [1], [0, 0, 1, 1], [], []>, transpose_lhs_hint = false} : vector<10000x64xf32>, vector<64x1xf32>, vector<10000x1xf32> -> vector<10000x1xf32>
    %sub3A_149 = arith.subf %broadcast_in_dim3A_134, %dot_general3A_148 : vector<10000x1xf32>
    %exp3A_150 = math.exp %sub3A_149 : vector<10000x1xf32>
    %dot_general3A_151 = arith.constant dense<0.000000e+00> : vector<64x1xf32>
    %dot_general3A_152 = tpu.matmul %convert_element_type3A_6, %exp3A_150, %dot_general3A_151 {dimension_numbers = #tpu.dot_dimension_numbers<[0], [0], [1], [1], [0, 1, 1, 1], [], []>, transpose_lhs_hint = false} : vector<10000x64xf32>, vector<10000x1xf32>, vector<64x1xf32> -> vector<64x1xf32>
    %dot_general3A_153 = arith.constant dense<0.000000e+00> : vector<10000x1xf32>
    %dot_general3A_154 = tpu.matmul %convert_element_type3A_6, %dot_general3A_152, %dot_general3A_153 {dimension_numbers = #tpu.dot_dimension_numbers<[1], [0], [0], [1], [0, 0, 1, 1], [], []>, transpose_lhs_hint = false} : vector<10000x64xf32>, vector<64x1xf32>, vector<10000x1xf32> -> vector<10000x1xf32>
    %add3A_155 = arith.constant 1.000000e-16 : f32
    %add3A_156 = vector.broadcast %add3A_155 : f32 to vector<10000x1xf32>
    %add3A_157 = arith.addf %dot_general3A_154, %add3A_156 : vector<10000x1xf32>
    %div3A_158 = arith.divf %exp3A_150, %add3A_157 : vector<10000x1xf32>
    %mul3A_159 = vector.broadcast %div3A_158 : vector<10000x1xf32> to vector<10000x16xf32>
    %mul3A_160 = arith.mulf %mul3A_159, %get3A_1 : vector<10000x16xf32>
    %dot_general3A_161 = arith.constant dense<0.000000e+00> : vector<64x16xf32>
    %dot_general3A_162 = tpu.matmul %convert_element_type3A_6, %mul3A_160, %dot_general3A_161 {dimension_numbers = #tpu.dot_dimension_numbers<[0], [0], [1], [1], [0, 1, 1, 1], [], []>, transpose_lhs_hint = false} : vector<10000x64xf32>, vector<10000x16xf32>, vector<64x16xf32> -> vector<64x16xf32>
    %concatenate3A_163 = tpu.concatenate %mul3A_128, %dot_general3A_162 in 1 : vector<64x16xf32>, vector<64x16xf32> -> vector<64x32xf32>
    %get3A_164 = arith.constant 0 : index
    %get3A_165 = arith.constant 0 : index
    %get3A_166 = vector.load %arg2[%get3A_164, %get3A_165] : memref<32x64xf32, #tpu.memory_space<vmem>>, vector<32x64xf32>
    %dot_general3A_167 = arith.constant dense<0.000000e+00> : vector<64x64xf32>
    %dot_general3A_168 = tpu.matmul %concatenate3A_163, %get3A_166, %dot_general3A_167 {dimension_numbers = #tpu.dot_dimension_numbers<[1], [0], [0], [1], [0, 0, 1, 1], [], []>, transpose_lhs_hint = false} : vector<64x32xf32>, vector<32x64xf32>, vector<64x64xf32> -> vector<64x64xf32>
    %get3A_169 = arith.constant 0 : index
    %get3A_170 = arith.constant 0 : index
    %get3A_171 = vector.load %arg4[%get3A_169, %get3A_170] : memref<1x64xf32, #tpu.memory_space<vmem>>, vector<1x64xf32>
    %add3A_172 = vector.broadcast %get3A_171 : vector<1x64xf32> to vector<64x64xf32>
    %add3A_173 = arith.addf %dot_general3A_168, %add3A_172 : vector<64x64xf32>
    %get3A_174 = arith.constant 0 : index
    %get3A_175 = arith.constant 0 : index
    %get3A_176 = vector.load %arg3[%get3A_174, %get3A_175] : memref<16x64xf32, #tpu.memory_space<vmem>>, vector<16x64xf32>
    %dot_general3A_177 = arith.constant dense<0.000000e+00> : vector<64x64xf32>
    %dot_general3A_178 = tpu.matmul %mul3A_128, %get3A_176, %dot_general3A_177 {dimension_numbers = #tpu.dot_dimension_numbers<[1], [0], [0], [1], [0, 0, 1, 1], [], []>, transpose_lhs_hint = false} : vector<64x16xf32>, vector<16x64xf32>, vector<64x64xf32> -> vector<64x64xf32>
    %add3A_179 = arith.addf %add3A_173, %dot_general3A_178 : vector<64x64xf32>
    %get3A_180 = arith.constant 0 : index
    %get3A_181 = arith.constant 0 : index
    %get3A_182 = vector.load %arg5[%get3A_180, %get3A_181] : memref<1x64xf32, #tpu.memory_space<vmem>>, vector<1x64xf32>
    %add3A_183 = vector.broadcast %get3A_182 : vector<1x64xf32> to vector<64x64xf32>
    %add3A_184 = arith.addf %add3A_179, %add3A_183 : vector<64x64xf32>
    %slice3A_185 = vector.extract_strided_slice %add3A_184 {offsets = [0, 0], sizes = [64, 16], strides = [1, 1]} : vector<64x64xf32> to vector<64x16xf32>
    %logistic3A_186 = arith.negf %slice3A_185 : vector<64x16xf32>
    %logistic3A_187 = math.exp %logistic3A_186 : vector<64x16xf32>
    %logistic3A_188 = arith.constant 1.000000e+00 : f32
    %logistic3A_189 = vector.broadcast %logistic3A_188 : f32 to vector<64x16xf32>
    %logistic3A_190 = arith.addf %logistic3A_189, %logistic3A_187 : vector<64x16xf32>
    %logistic3A_191 = arith.divf %logistic3A_189, %logistic3A_190 : vector<64x16xf32>
    %slice3A_192 = vector.extract_strided_slice %add3A_184 {offsets = [0, 16], sizes = [64, 16], strides = [1, 1]} : vector<64x64xf32> to vector<64x16xf32>
    %logistic3A_193 = arith.negf %slice3A_192 : vector<64x16xf32>
    %logistic3A_194 = math.exp %logistic3A_193 : vector<64x16xf32>
    %logistic3A_195 = arith.constant 1.000000e+00 : f32
    %logistic3A_196 = vector.broadcast %logistic3A_195 : f32 to vector<64x16xf32>
    %logistic3A_197 = arith.addf %logistic3A_196, %logistic3A_194 : vector<64x16xf32>
    %logistic3A_198 = arith.divf %logistic3A_196, %logistic3A_197 : vector<64x16xf32>
    %slice3A_199 = vector.extract_strided_slice %add3A_184 {offsets = [0, 32], sizes = [64, 16], strides = [1, 1]} : vector<64x64xf32> to vector<64x16xf32>
    %tanh3A_200 = math.tanh %slice3A_199 : vector<64x16xf32>
    %slice3A_201 = vector.extract_strided_slice %add3A_184 {offsets = [0, 48], sizes = [64, 16], strides = [1, 1]} : vector<64x64xf32> to vector<64x16xf32>
    %logistic3A_202 = arith.negf %slice3A_201 : vector<64x16xf32>
    %logistic3A_203 = math.exp %logistic3A_202 : vector<64x16xf32>
    %logistic3A_204 = arith.constant 1.000000e+00 : f32
    %logistic3A_205 = vector.broadcast %logistic3A_204 : f32 to vector<64x16xf32>
    %logistic3A_206 = arith.addf %logistic3A_205, %logistic3A_203 : vector<64x16xf32>
    %logistic3A_207 = arith.divf %logistic3A_205, %logistic3A_206 : vector<64x16xf32>
    %mul3A_208 = arith.mulf %logistic3A_198, %add3A_126 : vector<64x16xf32>
    %mul3A_209 = arith.mulf %logistic3A_191, %tanh3A_200 : vector<64x16xf32>
    %add3A_210 = arith.addf %mul3A_208, %mul3A_209 : vector<64x16xf32>
    %tanh3A_211 = math.tanh %add3A_210 : vector<64x16xf32>
    %mul3A_212 = arith.mulf %logistic3A_207, %tanh3A_211 : vector<64x16xf32>
    %dot_general3A_213 = arith.constant dense<0.000000e+00> : vector<10000x16xf32>
    %dot_general3A_214 = tpu.matmul %convert_element_type3A_6, %mul3A_212, %dot_general3A_213 {dimension_numbers = #tpu.dot_dimension_numbers<[1], [0], [0], [1], [0, 0, 1, 1], [], []>, transpose_lhs_hint = false} : vector<10000x64xf32>, vector<64x16xf32>, vector<10000x16xf32> -> vector<10000x16xf32>
    %mul3A_215 = arith.mulf %get3A_1, %dot_general3A_214 : vector<10000x16xf32>
    %reduce_sum3A_216 = arith.constant dense<0.000000e+00> : vector<10000xf32>
    %reduce_sum3A_217 = vector.multi_reduction <add>, %mul3A_215, %reduce_sum3A_216 [1] : vector<10000x16xf32> to vector<10000xf32>
    %broadcast_in_dim3A_218 = vector.shape_cast %reduce_sum3A_217 : vector<10000xf32> to vector<10000x1xf32>
    %gt3A_219 = arith.constant 0.000000e+00 : f32
    %gt3A_220 = vector.broadcast %gt3A_219 : f32 to vector<10000x64xf32>
    %gt3A_221 = arith.cmpf ogt, %convert_element_type3A_6, %gt3A_220 : vector<10000x64xf32>
    %jit3A_222 = arith.constant -1.000000e+30 : f32
    %broadcast_in_dim3A_223 = vector.shape_cast %broadcast_in_dim3A_218 : vector<10000x1xf32> to vector<10000x1xf32>
    %broadcast_in_dim3A_224 = vector.broadcast %broadcast_in_dim3A_223 : vector<10000x1xf32> to vector<10000x64xf32>
    %broadcast_in_dim3A_225 = vector.broadcast %jit3A_222 : f32 to vector<10000x64xf32>
    %select_n3A_226 = arith.select %gt3A_221, %broadcast_in_dim3A_224, %broadcast_in_dim3A_225 : vector<10000x64xi1>, vector<10000x64xf32>
    %reduce_max3A_227 = arith.constant dense<0xFF800000> : vector<64xf32>
    %reduce_max3A_228 = vector.multi_reduction <maximumf>, %select_n3A_226, %reduce_max3A_227 [0] : vector<10000x64xf32> to vector<64xf32>
    %broadcast_in_dim3A_229 = vector.shape_cast %reduce_max3A_228 : vector<64xf32> to vector<1x64xf32>
    %transpose3A_230 = tpu.transpose %broadcast_in_dim3A_229, [1, 0] : vector<1x64xf32> -> vector<64x1xf32>
    %dot_general3A_231 = arith.constant dense<0.000000e+00> : vector<10000x1xf32>
    %dot_general3A_232 = tpu.matmul %convert_element_type3A_6, %transpose3A_230, %dot_general3A_231 {dimension_numbers = #tpu.dot_dimension_numbers<[1], [0], [0], [1], [0, 0, 1, 1], [], []>, transpose_lhs_hint = false} : vector<10000x64xf32>, vector<64x1xf32>, vector<10000x1xf32> -> vector<10000x1xf32>
    %sub3A_233 = arith.subf %broadcast_in_dim3A_218, %dot_general3A_232 : vector<10000x1xf32>
    %exp3A_234 = math.exp %sub3A_233 : vector<10000x1xf32>
    %dot_general3A_235 = arith.constant dense<0.000000e+00> : vector<64x1xf32>
    %dot_general3A_236 = tpu.matmul %convert_element_type3A_6, %exp3A_234, %dot_general3A_235 {dimension_numbers = #tpu.dot_dimension_numbers<[0], [0], [1], [1], [0, 1, 1, 1], [], []>, transpose_lhs_hint = false} : vector<10000x64xf32>, vector<10000x1xf32>, vector<64x1xf32> -> vector<64x1xf32>
    %dot_general3A_237 = arith.constant dense<0.000000e+00> : vector<10000x1xf32>
    %dot_general3A_238 = tpu.matmul %convert_element_type3A_6, %dot_general3A_236, %dot_general3A_237 {dimension_numbers = #tpu.dot_dimension_numbers<[1], [0], [0], [1], [0, 0, 1, 1], [], []>, transpose_lhs_hint = false} : vector<10000x64xf32>, vector<64x1xf32>, vector<10000x1xf32> -> vector<10000x1xf32>
    %add3A_239 = arith.constant 1.000000e-16 : f32
    %add3A_240 = vector.broadcast %add3A_239 : f32 to vector<10000x1xf32>
    %add3A_241 = arith.addf %dot_general3A_238, %add3A_240 : vector<10000x1xf32>
    %div3A_242 = arith.divf %exp3A_234, %add3A_241 : vector<10000x1xf32>
    %mul3A_243 = vector.broadcast %div3A_242 : vector<10000x1xf32> to vector<10000x16xf32>
    %mul3A_244 = arith.mulf %mul3A_243, %get3A_1 : vector<10000x16xf32>
    %dot_general3A_245 = arith.constant dense<0.000000e+00> : vector<64x16xf32>
    %dot_general3A_246 = tpu.matmul %convert_element_type3A_6, %mul3A_244, %dot_general3A_245 {dimension_numbers = #tpu.dot_dimension_numbers<[0], [0], [1], [1], [0, 1, 1, 1], [], []>, transpose_lhs_hint = false} : vector<10000x64xf32>, vector<10000x16xf32>, vector<64x16xf32> -> vector<64x16xf32>
    %concatenate3A_247 = tpu.concatenate %mul3A_212, %dot_general3A_246 in 1 : vector<64x16xf32>, vector<64x16xf32> -> vector<64x32xf32>
    %swap3A = arith.constant 0 : index
    %swap3A_248 = arith.constant 0 : index
    %swap3A_249 = vector.load %arg6[%swap3A, %swap3A_248] : memref<64x32xf32, #tpu.memory_space<vmem>>, vector<64x32xf32>
    tpu.vector_store %arg6[%swap3A, %swap3A_248], %concatenate3A_247 {strides = array<i32>} : memref<64x32xf32, #tpu.memory_space<vmem>>, vector<64x32xf32>,
    return
  }
}

</mosaic_0001>

<sc_bundles>
// kernel: kernel.10.cloned.1.call-start
scs
__scs_entry_jumppad:
0x0: {  	(pc) =	sbr.rel $0x88, $3  }
0x1: {  	(tag) =	ssettag $0x0;
	lr =	simm.s32 $0x1  }
0x2: {  	[smem:$0x3F8F] =	sst lr;
	_ =	strace $0xD0000000  }
0x3: {  	_ = 	snop  }
0x4: {  	_ = 	snop  }
0x5: {  	_ = 	snop  }
0x6: {  	_ = 	snop  }
0x7: {  	_ = 	snop  }
__scs_overlays_trampoline_lowered:
0x8: {  	[smem:$0x3F9E] =	sst s0  }
0x9: {  	[smem:$0x3F9F] =	sst s1  }
0xa: {  	[smem:$0x3FA0] =	sst s2  }
0xb: {  	[smem:$0x3FA1] =	sst s3  }
0xc: {  	[smem:$0x3FA2] =	sst s4  }
0xd: {  	[smem:$0x3FA3] =	sst s5  }
0xe: {  	[smem:$0x3FA4] =	sst s6  }
0xf: {  	[smem:$0x3FA5] =	sst s7  }
0x10: {  	[smem:$0x3FA6] =	sst s8  }
0x11: {  	[smem:$0x3FA7] =	sst s9;
	s0 =	simm.s32 @!p0 $0x0  }
0x12: {  	s1 =	sld [smem:$0x3F8D];
	s0 =	simm.s32 @p0 $0x1  }
0x13: {  	[smem:$0x3FA8] =	sst s0;
	s0 =	simm.s32 @!p1 $0x0  }
0x14: {  	s2 =	sld [smem:$0x3F8C];
	s0 =	simm.s32 @p1 $0x1  }
0x15: {  	[smem:$0x3FA9] =	sst s0;
	s0 =	simm.s32 @!p2 $0x0  }
0x16: {  	s3 =	sld [smem:$0x3FDB];
	s0 =	simm.s32 @p2 $0x1  }
0x17: {  	s4 =	simm.s32 $0x1BF5;
	[smem:$0x3FAB] =	sst s0  }
0x18: {  	s0 =	sld [smem:$0x3F8E];
	_ =	swait.ge [sflag:s4], $0x0  }
0x19: {  	s7 =	sld [smem:$0x3F8F]  }
0x1a: {  	s8 =	sadd.s32 $0xFFFFE003, lr  }
0x1b: {  	s9 =	sadd.s32 $0xFFFFFEF7, lr;
	s5 =	simm.s32 $0xFFFFFFFF;
	p2 =	slt.u32 s8, $0xFFFFF086  }
0x1c: {  	p1 =	slt.u32 s9, $0xF7A;
	s5 =	simm.s32 @!p2 $0x0  }
0x1d: {  	s5 =	simm.s32 @p1 $0x1;
	p0 =	seq.s32 s7, s2  }
0x1e: {  	s7 =	smul.u32 @!p0 $0xF7A, s2;
	p2 =	seq.s32 @!p0 s5, $0x0  }
0x1f: {  	s9 =	smul.u32 $0xF7A, s1;
	s8 =	simm.s32 @!p0 $0x1BF5;
	p2 =	por !p2, p0  }
0x20: {  	[sflag:s8] =	ssyncset.s32 @!p0 $0xFFFFF086;
	s6 =	sadd.s32 @!p0 s3, s7;
	s7 =	simm.s32 @!p0 $0x108  }
0x21: {  	s3 =	sadd.s32 s3, s9;
	s6 =	sadd.s32 @!p0 $0x88, s6;
	s7 =	simm.s32 @p2 $0x1082  }
0x22: {  	[simem:s7], [sflag:s8] =	dma.local @!p0 [hbm:s6], $0xF7A  }
0x23: {  	s9 =	sor.u32 $0xD0000000, s2;
	s6 =	simm.s32 $0x108;
	_ =	swait.ge @!p0 [sflag:s8], $0x0  }
0x24: {  	s3 =	sadd.s32 $0x88, s3;
	s6 =	simm.s32 @!p1 $0x1082;
	[sflag:s4] =	ssyncset.s32 $0xFFFFF086  }
0x25: {  	[simem:s6], [sflag:s4] =	dma.local [hbm:s3], $0xF7A  }
0x26: {  	[smem:$0x3F8F] =	sst s1;
	(tag) =	ssettag s2;
	_ =	strace s9  }
0x27: {  	s1 =	sld [smem:$0x3F9F]  }
0x28: {  	s2 =	sld [smem:$0x3FA0]  }
0x29: {  	s4 =	sld [smem:$0x3FA2]  }
0x2a: {  	p0 =	seq.s32 s5, $0x0;
	s5 =	sld [smem:$0x3FA3]  }
0x2b: {  	s6 =	sld [smem:$0x3FA4]  }
0x2c: {  	s7 =	sld [smem:$0x3FA5]  }
0x2d: {  	s3 =	simm.s32 $0x108;
	s8 =	sld [smem:$0x3FA6]  }
0x2e: {  	s3 =	simm.s32 @!p0 $0x1082;
	s9 =	sld [smem:$0x3FA7]  }
0x2f: {  	lr =	sadd.s32 s0, s3;
	s0 =	sld [smem:$0x3F9E]  }
0x30: {  	s3 =	sld [smem:$0x3FA1]  }
0x31: {  	[smem:$0x3FAA] =	sst s10  }
0x32: {  	s10 =	sld [smem:$0x3FA8];
	_ =	sdelay $0x3  }
0x33: {  	p0 =	seq.s32 s10, $0x1;
	s10 =	sld [smem:$0x3FAA];
	_ =	sdelay $0x3  }
0x34: {  	[smem:$0x3FAA] =	sst s10  }
0x35: {  	s10 =	sld [smem:$0x3FA9];
	_ =	sdelay $0x3  }
0x36: {  	p1 =	seq.s32 s10, $0x1;
	s10 =	sld [smem:$0x3FAA];
	_ =	sdelay $0x3  }
0x37: {  	[smem:$0x3FAA] =	sst s10  }
0x38: {  	s10 =	sld [smem:$0x3FAB]  }
0x39: {  	_ = 	snop;
	(pc) =	sbr.ind lr, $3  }
0x3a: {  	_ = 	snop  }
0x3b: {  	_ = 	snop  }
0x3c: {  	p2 =	seq.s32 s10, $0x1;
	s10 =	sld [smem:$0x3FAA]  }
0x3d: {  	_ =	shalt  }
0x3e: {  	_ =	shalt  }
0x3f: {  	_ =	shalt  }
0x40: {  	_ =	shalt  }
0x41: {  	_ =	shalt  }
0x42: {  	_ =	shalt  }
0x43: {  	_ =	shalt  }
0x44: {  	_ =	shalt  }
0x45: {  	_ =	shalt  }
0x46: {  	_ =	shalt  }
0x47: {  	_ =	shalt  }
0x48: {  	_ =	shalt  }
0x49: {  	_ =	shalt  }
0x4a: {  	_ =	shalt  }
0x4b: {  	_ =	shalt  }
0x4c: {  	_ =	shalt  }
0x4d: {  	_ =	shalt  }
0x4e: {  	_ =	shalt  }
0x4f: {  	_ =	shalt  }
0x50: {  	_ =	shalt  }
0x51: {  	_ =	shalt  }
0x52: {  	_ =	shalt  }
0x53: {  	_ =	shalt  }
0x54: {  	_ =	shalt  }
0x55: {  	_ =	shalt  }
0x56: {  	_ =	shalt  }
0x57: {  	_ =	shalt  }
0x58: {  	_ =	shalt  }
0x59: {  	_ =	shalt  }
0x5a: {  	_ =	shalt  }
0x5b: {  	_ =	shalt  }
0x5c: {  	_ =	shalt  }
0x5d: {  	_ =	shalt  }
0x5e: {  	_ =	shalt  }
0x5f: {  	_ =	shalt  }
0x60: {  	_ =	shalt  }
0x61: {  	_ =	shalt  }
0x62: {  	_ =	shalt  }
0x63: {  	_ =	shalt  }
0x64: {  	_ =	shalt  }
0x65: {  	_ =	shalt  }
0x66: {  	_ =	shalt  }
0x67: {  	_ =	shalt  }
0x68: {  	_ =	shalt  }
0x69: {  	_ =	shalt  }
0x6a: {  	_ =	shalt  }
0x6b: {  	_ =	shalt  }
0x6c: {  	_ =	shalt  }
0x6d: {  	_ =	shalt  }
0x6e: {  	_ =	shalt  }
0x6f: {  	_ =	shalt  }
0x70: {  	_ =	shalt  }
0x71: {  	_ =	shalt  }
0x72: {  	_ =	shalt  }
0x73: {  	_ =	shalt  }
0x74: {  	_ =	shalt  }
0x75: {  	_ =	shalt  }
0x76: {  	_ =	shalt  }
0x77: {  	_ =	shalt  }
0x78: {  	_ =	shalt  }
0x79: {  	_ =	shalt  }
0x7a: {  	_ =	shalt  }
0x7b: {  	_ =	shalt  }
0x7c: {  	_ =	shalt  }
0x7d: {  	_ =	shalt  }
0x7e: {  	_ =	shalt  }
0x7f: {  	_ =	shalt  }
0x80: {  	_ =	shalt  }
0x81: {  	_ =	shalt  }
0x82: {  	_ =	shalt  }
0x83: {  	_ =	shalt  }
0x84: {  	_ =	shalt  }
0x85: {  	_ =	shalt  }
0x86: {  	_ =	shalt  }
0x87: {  	_ =	shalt  }
.Lfunc_end0:
.L_simem_size_0:
called_computation_lowered:
.L_overlay_start_0:
0x88: {  	s2 =	sld [smem:$0x3FD9]  }
0x89: {  	s3 =	sld [smem:$0x3FFE];
	_ =	sdelay $0x1  }
0x8a: {  	s1 =	srdreg.scid  }
0x8b: {  	s0 =	sand.u32 $0x1, s1  }
0x8c: {  	s14 =	sshll.u32 s0, $0xA;
	s2 =	sadd.s32 s3, s2  }
0x8d: {  	s2 =	sadd.s32 s2, s14  }
0x8e: {  	[smem:$0x3FB6] =	sst s2  }
0x8f: {  	_ = 	snop  }
0x90: {  	s2 =	sld [smem:$0x3FD0];
	_ =	sdelay $0x2  }
0x91: {  	s15 =	simm.s32 $0xA;
	s4 =	simm.s32 $0x10  }
0x92: {  	[smem:s4], [sflag:s15] =	dma.local [hbm:s2], $0x1  }
0x93: {  	_ =	swait.eq [sflag:s15], $0x1  }
0x94: {  	[sflag:s15] =	ssyncset.done $0x0  }
0x95: {  	[sflag:s15] =	ssyncadd.s32 $0xFFFFFFFF  }
0x96: {  	s16 =	sld [smem:$0x11];
	(tm) =	ssettm $0x1  }
0x97: {  	s17 =	sld [smem:$0x3FFB];
	_ =	sdelay $0x3  }
0x98: {  	_ =	strace s17  }
0x99: {  	s3 =	sld [smem:$0x3FFC];
	_ =	sdelay $0x3  }
0x9a: {  	_ =	strace s3  }
0x9b: {  	s3 =	sld [smem:$0x3FFD];
	_ =	sdelay $0x3  }
0x9c: {  	_ =	strace s3  }
0x9d: {  	_ =	strace $0x8FFFFFFF  }
0x9e: {  	s18 =	sld [smem:$0x3FDB];
	_ =	sdelay $0x1  }
0x9f: {  	s19 =	simm.s32 $_scs_section_size  }
0xa0: {  	s5 =	simm.s32 $_size__tile_overlayer_lowered;
	s6 =	simm.s32 $_tile_overlayer_lowered  }
0xa1: {  	s22 =	simm.s32 $0x1BFF;
	s21 =	sshll.u32 s6, $0x1;
	s3 =	sadd.s32 s19, s18  }
0xa2: {  	s7 =	simm.s32 $0x0;
	s20 =	sshll.u32 s5, $0x1;
	s5 =	sadd.s32 s21, s3  }
0xa3: {  	[timem:s7], [sflag:s22] =	dma.local [hbm:s5], s20  }
0xa4: {  	_ =	swait.ge [sflag:s22], s20  }
0xa5: {  	s4 =	ssub.s32 $0x0, s20;
	[sflag:s22] =	ssyncset.done $0x0  }
0xa6: {  	[sflag:s22] =	ssyncadd.s32 s4;
	_ =	sdelay $0x1  }
0xa7: {  	s23 =	simm.s32 $0x1B8B  }
0xa8: {  	_ =	swait.ge [sflag:s23], $0x1  }
0xa9: {  	[sflag:s23] =	ssyncset.done $0x0  }
0xaa: {  	s25 =	simm.s32 $0x1B8E;
	s24 =	sld [smem:$0x3FFE];
	[sflag:s23] =	ssyncadd.s32 $0xFFFFFFFF  }
0xab: {  	s26 =	simm.s32 $execute0_lowered;
	[smem:$0x3FD2] =	sst s25  }
0xac: {  	s5 =	sshll.u32 s26, $0x1;
	_ =	strace $0x80000046;
	[dreg:$0x1] =	wrdreg $0xFFFFFFFF  }
0xad: {  	s28 =	simm.s32 $_size_execute0_lowered;
	s3 =	sadd.s32 s3, s5;
	[dreg:$0x0] =	wrdreg $0x0  }
0xae: {  	s5 =	sshll.u32 s28, $0x1;
	[dreg:$0x2] =	wrdreg s3  }
0xaf: {  	[dreg:$0x3] =	wrdreg s5  }
0xb0: {  	[dreg:$0x4] =	wrdreg $0xC0  }
0xb1: {  	_ =	task [dreg:s7], $0x5FFFF  }
0xb2: {  	[dreg:$0x1] =	wrdreg $0xFFFFFFFF  }
0xb3: {  	[dreg:$0x0] =	wrdreg $0x60  }
0xb4: {  	[dreg:$0x2] =	wrdreg s16  }
0xb5: {  	[dreg:$0x3] =	wrdreg s24  }
0xb6: {  	[dreg:$0x4] =	wrdreg $0xE7000  }
0xb7: {  	[dreg:$0x5] =	wrdreg $0x10E800  }
0xb8: {  	[dreg:$0x6] =	wrdreg $0xBF800  }
0xb9: {  	[dreg:$0x7] =	wrdreg $0x9  }
0xba: {  	_ =	task.clear_ibuf [dreg:s7], $0x8FFFF;
	_ =	strace $0x90000046  }
0xbb: {  	s29 =	simm.s32 $0x9;
	_ =	strace $0x80000048  }
0xbc: {  	_ =	swait.ge [sflag:s29], $0x1  }
0xbd: {  	[sflag:s29] =	ssyncadd.s32 $0xFFFFFFFF  }
0xbe: {  	_ =	strace $0x90000048  }
0xbf: {  	_ =	sfence  }
0xc0: {  	s30 =	sld [smem:$0x0];
	_ =	sdelay $0x2  }
0xc1: {  	s31 =	sshll.u32 s1, $0xD;
	s1 =	sshrl.u32 s1, $0x2  }
0xc2: {  	s3 =	sand.u32 $0x4000, s31;
	s1 =	sadd.s32 s1, s30  }
0xc3: {  	s0 =	sor.u32 s3, s0;
	s1 =	sshll.u32 s1, $0x11  }
0xc4: {  	s0 =	sor.u32 s1, s0  }
0xc5: {  	s0 =	sadd.s32 $0x8F2B, s0  }
0xc6: {  	[sflag:s0] =	ssyncadd.remote.s32 $0x1  }
0xc7: {  	_ =	sfence.sel $0xFFFF  }
0xc8: {  	[dreg:$0x0] =	wrdreg $0xFFFFFFFF;
	(pc) =	sbr.abs _section_cstart, $3  }
0xc9: {  	[dreg:$0x1] =	wrdreg $0xFFFFFFFF  }
0xca: {  	_ =	task.clear_ibuf [dreg:s7], $0x2FFFF;
	_ =	strace $0x9FFFFFFF  }
0xcb: {  	(tm) =	ssettm $0x7FFFFFFF  }
tec
execute0_lowered:
.L_overlay_start_1:
0x0: {  	(tag) =	ssettag $0x1  }
0x1: {  	s0 =	rddreg [dreg:$0x0]  }
0x2: {  	s2 =	rddreg [dreg:$0x1]  }
0x3: {  	s1 =	rddreg [dreg:$0x2];
	s4 =	srdreg.scid  }
0x4: {  	s5 =	stileid.u32;
	s3 =	rddreg [dreg:$0x3]  }
0x5: {  	s11 =	simm.s32 $0x0;
	s15 =	simm.s32 $0x19;
	s28 =	simm.s32 $0x7000  }
0x6: {  	s16 =	simm.s32 $0x8800;
	s29 =	simm.s32 $0x3;
	s30 =	simm.s32 $0x4  }
0x7: {  	s31 =	simm.s32 $0x5;
	s13 =	simm.s32 $0xB;
	s18 =	simm.s32 $0x13  }
0x8: {  	s14 =	simm.s32 $0x14;
	s6 =	sand.u32 $0x1, s4;
	s4 =	rddreg [dreg:$0x4]  }
0x9: {  	s8 =	smul.u32 $0x2780, s5;
	s7 =	sshll.u32 s5, $0x1;
	[smem:$0x7FF] =	sst s11  }
0xa: {  	s25 =	sshll.u32 s5, $0x6;
	s9 =	smul.u32 $0x27800, s6;
	s7 =	sor.u32 s6, s7  }
0xb: {  	_ =	strace $0x80000047;
	s6 =	ssub.s32 $0x2, s6;
	s17 =	sor.u32 $0x1C19, s25  }
0xc: {  	s25 =	simm.s32 $0x6800;
	s7 =	smul.u32 $0x500, s7;
	s19 =	sshrl.u32 s6, $0x1  }
0xd: {  	s21 =	sshrl.u32 s8, $0x3;
	[dreg:$0xf] =	wrdreg s17;
	s9 =	sadd.s32 s8, s9  }
0xe: {  	s20 =	ssub.s32 s6, s19;
	s6 =	sadd.s32 s8, s1;
	s0 =	sadd.s32 s0, s21  }
0xf: {  	s19 =	simm.s32 $0x80;
	s21 =	simm.s32 $0x5800;
	s9 =	sshrl.u32 s9, $0x3  }
0x10: {  	s10 =	sadd.s32 s7, s2;
	s7 =	sadd.s32 s8, s3;
	s8 =	sadd.s32 s8, s4  }
0x11: {  	[dreg:$0xb] =	wrdreg s0;
	s24 =	smax.u32 s20, $0x1;
	s20 =	simm.s32 $0x5000  }
0x12: {  	s0 =	simm.s32 $0x7;
	[dreg:$0x7] =	wrdreg s6;
	s2 =	sadd.s32 s9, s2  }
0x13: {  	s12 =	sadd.s32 $0xC600, s10;
	s10 =	sadd.s32 $0x2600, s10;
	[dreg:$0xe] =	wrdreg s24  }
0x14: {  	s26 =	sshrl.u32 s8, $0x3;
	s24 =	simm.s32 $0x9000;
	[dreg:$0x8] =	wrdreg s7  }
.Ltmp0:
0x15: {  	s8 =	simm.s32 $0x8;
	[dreg:$0x9] =	wrdreg s12;
	(pc) =	sbr.rel .LBB2_1-.Ltmp0, $4  }
0x16: {  	s9 =	simm.s32 $0xC;
	[dreg:$0xa] =	wrdreg s10;
	s22 =	sadd.s32 $0x20400, s2  }
0x17: {  	s23 =	sadd.s32 $0x16600, s2;
	s12 =	simm.s32 $0x9800;
	[dreg:$0x10] =	wrdreg s26  }
0x18: {  	s2 =	simm.s32 $0x8000;
	s26 =	simm.s32 $0x2;
	[dreg:$0xc] =	wrdreg s22  }
0x19: {  	v0 =	vimm.f32 $0.0e+00;
	v1 =	vimm.f32 $1.000000000e+00;
	[dreg:$0xd] =	wrdreg s23;
	s23 =	simm.s32 $0x6000;
	s22 =	simm.s32 $0x1  }
.LBB2_8:
0x1a: {  	_ =	swait.ge [sflag:s8], $0x800  }
0x1b: {  	[sflag:s8] =	ssyncset.done $0x0  }
0x1c: {  	s5 =	simm.s32 $0x4F80;
	[sflag:s8] =	ssyncadd.s32 $0xFFFFF800  }
0x1d: {  	[spmem:s1] =	stream.indirect.scatter.add.f32 [tilespmem:s16], [sflag:$0x10], $0x10, s5, s19, $0xb8;
	[tilespmem:$0x13600] =	vst v63  }
0x1e: {  	s10 =	simm.s32 $0x9  }
0x1f: {  	[spmem:s3] =	stream.indirect.scatter.add.f32 [tilespmem:s24], [sflag:$0x18], $0x10, s5, s19, $0xb8;
	[tilespmem:$0x13600] =	vst v63  }
0x20: {  	_ =	swait.ge [sflag:s10], $0x800  }
0x21: {  	[sflag:s10] =	ssyncset.done $0x0  }
0x22: {  	s11 =	simm.s32 $0x11;
	[sflag:s10] =	ssyncadd.s32 $0xFFFFF800  }
0x23: {  	_ =	swait.ge [sflag:s11], $0x800  }
0x24: {  	[sflag:s11] =	ssyncset.done $0x0  }
0x25: {  	s12 =	simm.s32 $0xA;
	[sflag:s11] =	ssyncadd.s32 $0xFFFFF800  }
0x26: {  	_ =	swait.ge [sflag:s12], $0x800  }
0x27: {  	[sflag:s12] =	ssyncset.done $0x0  }
0x28: {  	s17 =	simm.s32 $0x12;
	[sflag:s12] =	ssyncadd.s32 $0xFFFFF800  }
0x29: {  	_ =	swait.ge [sflag:s17], $0x800  }
0x2a: {  	[sflag:s17] =	ssyncset.done $0x0  }
0x2b: {  	[sflag:s17] =	ssyncadd.s32 $0xFFFFF800  }
0x2c: {  	_ =	swait.ge [sflag:s13], $0x800  }
0x2d: {  	[sflag:s13] =	ssyncset.done $0x0  }
0x2e: {  	[sflag:s13] =	ssyncadd.s32 $0xFFFFF800  }
0x2f: {  	_ =	swait.ge [sflag:s18], $0x800  }
0x30: {  	[sflag:s18] =	ssyncset.done $0x0  }
0x31: {  	[sflag:s18] =	ssyncadd.s32 $0xFFFFF800  }
0x32: {  	_ =	swait.ge [sflag:s9], $0x800  }
0x33: {  	[sflag:s9] =	ssyncset.done $0x0  }
0x34: {  	[sflag:s9] =	ssyncadd.s32 $0xFFFFF800  }
0x35: {  	_ =	swait.ge [sflag:s14], $0x800  }
0x36: {  	[sflag:s14] =	ssyncset.done $0x0  }
0x37: {  	s6 =	simm.s32 $0xD;
	[sflag:s14] =	ssyncadd.s32 $0xFFFFF800  }
0x38: {  	_ =	swait.ge [sflag:s6], $0x800  }
0x39: {  	[sflag:s6] =	ssyncset.done $0x0  }
0x3a: {  	s7 =	simm.s32 $0x15;
	[sflag:s6] =	ssyncadd.s32 $0xFFFFF800  }
0x3b: {  	_ =	swait.ge [sflag:s7], $0x800  }
0x3c: {  	[sflag:s7] =	ssyncset.done $0x0  }
0x3d: {  	s10 =	simm.s32 $0xE;
	[sflag:s7] =	ssyncadd.s32 $0xFFFFF800  }
0x3e: {  	_ =	swait.ge [sflag:s10], $0x800  }
0x3f: {  	[sflag:s10] =	ssyncset.done $0x0  }
0x40: {  	s11 =	simm.s32 $0x16;
	[sflag:s10] =	ssyncadd.s32 $0xFFFFF800  }
0x41: {  	_ =	swait.ge [sflag:s11], $0x800  }
0x42: {  	[sflag:s11] =	ssyncset.done $0x0  }
0x43: {  	s12 =	simm.s32 $0xF;
	[sflag:s11] =	ssyncadd.s32 $0xFFFFF800  }
0x44: {  	_ =	swait.ge [sflag:s12], $0x800  }
0x45: {  	[sflag:s12] =	ssyncset.done $0x0  }
0x46: {  	s17 =	simm.s32 $0x17;
	[sflag:s12] =	ssyncadd.s32 $0xFFFFF800  }
0x47: {  	_ =	swait.ge [sflag:s17], $0x800  }
0x48: {  	[sflag:s17] =	ssyncset.done $0x0  }
0x49: {  	s6 =	simm.s32 $0x10;
	[sflag:s17] =	ssyncadd.s32 $0xFFFFF800  }
0x4a: {  	_ =	swait.ge [sflag:s6], $0x800  }
0x4b: {  	[sflag:s6] =	ssyncset.done $0x0  }
0x4c: {  	s7 =	simm.s32 $0x18;
	[sflag:s6] =	ssyncadd.s32 $0xFFFFF800  }
0x4d: {  	_ =	swait.ge [sflag:s7], $0x800  }
0x4e: {  	[sflag:s7] =	ssyncset.done $0x0  }
0x4f: {  	[sflag:s7] =	ssyncadd.s32 $0xFFFFF800  }
0x50: {  	[bflag:$0x0] =	sbarrier.arrive $0xFFFF  }
0x51: {  	s6 =	rddreg [dreg:$0x7]  }
0x52: {  	s7 =	rddreg [dreg:$0xc]  }
0x53: {  	s17 =	rddreg [dreg:$0xf];
	s10 =	sshrl.u32 s6, $0x3  }
0x54: {  	[hbm:s7], [sflag:s17] =	dma.local [spmem:s10], $0x4F0  }
0x55: {  	_ =	swait.ge [sflag:s15], $0x4F0  }
0x56: {  	[sflag:s15] =	ssyncset.done $0x0;
	s7 =	rddreg [dreg:$0x8]  }
0x57: {  	s10 =	rddreg [dreg:$0xd];
	[sflag:s15] =	ssyncadd.s32 $0xFFFFFB10;
	s11 =	sshrl.u32 s7, $0x3  }
0x58: {  	[hbm:s10], [sflag:s17] =	dma.local [spmem:s11], $0x4F0  }
0x59: {  	_ =	swait.ge [sflag:s15], $0x4F0  }
0x5a: {  	s11 =	rddreg [dreg:$0x6]  }
0x5b: {  	s12 =	rddreg [dreg:$0xe];
	s11 =	sadd.s32 $0x1, s11  }
0x5c: {  	p0 =	sne.s32 s11, s12  }
.Ltmp1:
0x5d: {  	_ = 	snop;
	(pc) =	sbr.rel @!p0 .LBB2_9-.Ltmp1, $3  }
0x5e: {  	_ =	sdelay $0x1  }
0x5f: {  	[sflag:s15] =	ssyncset.done $0x0  }
0x60: {  	[sflag:s15] =	ssyncadd.s32 $0xFFFFFB10;
	s12 =	simm.s32 $0x9800  }
.LBB2_1:
0x61: {  	[dreg:$0x6] =	wrdreg s11;
	s10 =	simm.s32 $0x40;
	s11 =	simm.s32 $0x0  }
.LBB2_2:
0x62: {  	p0 =	sne.s32 s10, $0x9DC0;
	[tilespmem:s11+$0x9800] =	vst v0;
	s11 =	smov.u32 s10;
	s10 =	sadd.s32 $0x40, s10  }
.Ltmp2:
0x63: {  	(pc) =	sbr.rel @p0 .LBB2_2-.Ltmp2, $2  }
0x64: {  	_ =	sdelay $0x2  }
0x65: {  	s11 =	sshra.s32 s11, $0x2  }
0x66: {  	[tilespmem:s11+$0x9800] =	vst v0  }
0x67: {  	[spmem:s6] =	stream.linear.scatter [tilespmem:s12], [sflag:$0x19], $0x2780, $0x38;
	[tilespmem:$0x13600] =	vst v63  }
0x68: {  	_ =	swait.ge [sflag:s15], $0x2780  }
0x69: {  	[sflag:s15] =	ssyncset.done $0x0  }
0x6a: {  	s10 =	simm.s32 $0x40;
	s11 =	simm.s32 $0x0;
	[sflag:s15] =	ssyncadd.s32 $0xFFFFD880  }
.LBB2_4:
0x6b: {  	p0 =	sne.s32 s10, $0x1FC0;
	[tilespmem:s11+$0x9000] =	vst v1;
	s11 =	smov.u32 s10;
	s10 =	sadd.s32 $0x40, s10  }
.Ltmp3:
0x6c: {  	(pc) =	sbr.rel @p0 .LBB2_4-.Ltmp3, $2  }
0x6d: {  	_ =	sdelay $0x2  }
0x6e: {  	s11 =	sshra.s32 s11, $0x2  }
0x6f: {  	[tilespmem:s11+$0x9000] =	vst v1  }
0x70: {  	[spmem:s7] =	stream.linear.scatter [tilespmem:s12], [sflag:$0x19], $0x2780, $0x38;
	[tilespmem:$0x13600] =	vst v63  }
0x71: {  	_ =	swait.ge [sflag:s15], $0x2780  }
0x72: {  	[sflag:s15] =	ssyncset.done $0x0  }
0x73: {  	s12 =	simm.s32 $0x0;
	s5 =	rddreg [dreg:$0x9];
	[sflag:s15] =	ssyncadd.s32 $0xFFFFD880  }
0x74: {  	[tilespmem:s12], [sflag:$0x19] =	stream.linear.gather [hbm4b:s5+s12], $0x2800, $0x38;
	[tilespmem:$0x13600] =	vst v63  }
0x75: {  	_ =	swait.ge [sflag:s15], $0x2800  }
0x76: {  	[sflag:s15] =	ssyncset.done $0x0  }
0x77: {  	s6 =	simm.s32 $0x2800;
	s11 =	rddreg [dreg:$0xa];
	[sflag:s15] =	ssyncadd.s32 $0xFFFFD800  }
0x78: {  	[tilespmem:s6], [sflag:$0x19] =	stream.linear.gather [hbm4b:s11+s12], $0x2800, $0x38;
	[tilespmem:$0x13600] =	vst v63  }
0x79: {  	_ =	swait.ge [sflag:s15], $0x2800  }
0x7a: {  	[sflag:s15] =	ssyncset.done $0x0;
	s7 =	rddreg [dreg:$0xb]  }
0x7b: {  	s10 =	rddreg [dreg:$0x10];
	[sflag:s15] =	ssyncadd.s32 $0xFFFFD800  }
0x7c: {  	[spmem:s10], [sflag:s17] =	dma.local [hbm:s7], $0x4F0  }
0x7d: {  	_ =	swait.ge [sflag:s15], $0x4F0  }
0x7e: {  	[sflag:s15] =	ssyncset.done $0x0  }
0x7f: {  	[sflag:s15] =	ssyncadd.s32 $0xFFFFFB10  }
0x80: {  	[bflag:$0x0] =	sbarrier.arrive $0xFFFF  }
0x81: {  	[tilespmem:s20], [sflag:$0x1] =	stream.indirect.gather [spmem:s4], $0x10, s12, s19, $0xb8;
	[tilespmem:$0x13600] =	vst v63  }
0x82: {  	_ = 	snop  }
0x83: {  	[tilespmem:s21], [sflag:$0x2] =	stream.indirect.gather [spmem:s4], $0x10, s19, s19, $0xb8;
	[tilespmem:$0x13600] =	vst v63  }
0x84: {  	s11 =	simm.s32 $0x100  }
0x85: {  	[tilespmem:s23], [sflag:$0x3] =	stream.indirect.gather [spmem:s4], $0x10, s11, s19, $0xb8;
	[tilespmem:$0x13600] =	vst v63  }
0x86: {  	s17 =	simm.s32 $0x180  }
0x87: {  	[tilespmem:s25], [sflag:$0x4] =	stream.indirect.gather [spmem:s4], $0x10, s17, s19, $0xb8;
	[tilespmem:$0x13600] =	vst v63  }
0x88: {  	s6 =	simm.s32 $0x200  }
0x89: {  	[tilespmem:s28], [sflag:$0x5] =	stream.indirect.gather [spmem:s4], $0x10, s6, s19, $0xb8;
	[tilespmem:$0x13600] =	vst v63  }
0x8a: {  	s7 =	simm.s32 $0x280;
	s10 =	simm.s32 $0x7800  }
0x8b: {  	[tilespmem:s10], [sflag:$0x6] =	stream.indirect.gather [spmem:s4], $0x10, s7, s19, $0xb8;
	[tilespmem:$0x13600] =	vst v63  }
0x8c: {  	s11 =	simm.s32 $0x300  }
0x8d: {  	[tilespmem:s2], [sflag:$0x7] =	stream.indirect.gather [spmem:s4], $0x10, s11, s19, $0xb8;
	[tilespmem:$0x13600] =	vst v63  }
0x8e: {  	s17 =	simm.s32 $0x380;
	s10 =	simm.s32 $0xFFFFFFF8  }
0x8f: {  	[tilespmem:s16], [sflag:$0x8] =	stream.indirect.gather [spmem:s4], $0x10, s17, s19, $0xb8;
	[tilespmem:$0x13600] =	vst v63  }
.LBB2_6:
0x90: {  	_ =	swait.ge [sflag:s22], $0x800  }
0x91: {  	s11 =	sshra.s32 s12, $0x2;
	[sflag:s22] =	ssyncset.done $0x0  }
0x92: {  	s6 =	sadd.s32 $0x2800, s11;
	[sflag:s22] =	ssyncadd.s32 $0xFFFFF800  }
0x93: {  	[spmem:s1] =	stream.indirect.scatter.add.f32 [tilespmem:s20], [sflag:$0x9], $0x10, s6, s19, $0xb8;
	[tilespmem:$0x13600] =	vst v63  }
0x94: {  	p0 =	sgt.u32 s10, $0x47  }
0x95: {  	[spmem:s3] =	stream.indirect.scatter.add.f32 [tilespmem:s24], [sflag:$0x11], $0x10, s6, s19, $0xb8;
	[tilespmem:$0x13600] =	vst v63  }
0x96: {  	s6 =	simm.s32 @!p0 $0xD  }
0x97: {  	_ =	swait.ge @!p0 [sflag:s6], $0x800  }
0x98: {  	[sflag:s6] =	ssyncset.done @!p0 $0x0  }
0x99: {  	[sflag:s6] =	ssyncadd.s32 @!p0 $0xFFFFF800;
	s6 =	simm.s32 @!p0 $0x15  }
0x9a: {  	_ =	swait.ge @!p0 [sflag:s6], $0x800  }
0x9b: {  	[sflag:s6] =	ssyncset.done @!p0 $0x0  }
0x9c: {  	[sflag:s6] =	ssyncadd.s32 @!p0 $0xFFFFF800;
	s6 =	sshra.s32 @!p0 s12, $0x2  }
0x9d: {  	s17 =	simm.s32 @!p0 $0x80;
	s5 =	simm.s32 @!p0 $0x7000;
	s7 =	sadd.s32 @!p0 $0x200, s6  }
0x9e: {  	[tilespmem:s5], [sflag:$0x5] =	stream.indirect.gather @!p0 [spmem:s4], $0x10, s7, s17, $0xb8;
	[tilespmem:$0x13600] =	vst v63  }
0x9f: {  	_ =	swait.ge [sflag:s26], $0x800  }
0xa0: {  	[sflag:s26] =	ssyncset.done $0x0  }
0xa1: {  	s7 =	sadd.s32 $0x2880, s11;
	[sflag:s26] =	ssyncadd.s32 $0xFFFFF800  }
0xa2: {  	[spmem:s1] =	stream.indirect.scatter.add.f32 [tilespmem:s21], [sflag:$0xA], $0x10, s7, s19, $0xb8;
	[tilespmem:$0x13600] =	vst v63  }
0xa3: {  	s5 =	simm.s32 @!p0 $0xE  }
0xa4: {  	[spmem:s3] =	stream.indirect.scatter.add.f32 [tilespmem:s24], [sflag:$0x12], $0x10, s7, s19, $0xb8;
	[tilespmem:$0x13600] =	vst v63  }
0xa5: {  	_ =	swait.ge @!p0 [sflag:s5], $0x800  }
0xa6: {  	[sflag:s5] =	ssyncset.done @!p0 $0x0  }
0xa7: {  	[sflag:s5] =	ssyncadd.s32 @!p0 $0xFFFFF800;
	s5 =	simm.s32 @!p0 $0x16  }
0xa8: {  	_ =	swait.ge @!p0 [sflag:s5], $0x800  }
0xa9: {  	[sflag:s5] =	ssyncset.done @!p0 $0x0  }
0xaa: {  	s7 =	simm.s32 @!p0 $0x7800;
	[sflag:s5] =	ssyncadd.s32 @!p0 $0xFFFFF800;
	s5 =	sadd.s32 @!p0 $0x280, s6  }
0xab: {  	[tilespmem:s7], [sflag:$0x6] =	stream.indirect.gather @!p0 [spmem:s4], $0x10, s5, s17, $0xb8;
	[tilespmem:$0x13600] =	vst v63  }
0xac: {  	_ =	swait.ge [sflag:s29], $0x800  }
0xad: {  	[sflag:s29] =	ssyncset.done $0x0  }
0xae: {  	s7 =	sadd.s32 $0x2900, s11;
	[sflag:s29] =	ssyncadd.s32 $0xFFFFF800  }
0xaf: {  	[spmem:s1] =	stream.indirect.scatter.add.f32 [tilespmem:s23], [sflag:$0xB], $0x10, s7, s19, $0xb8;
	[tilespmem:$0x13600] =	vst v63  }
0xb0: {  	s5 =	simm.s32 @!p0 $0xF  }
0xb1: {  	[spmem:s3] =	stream.indirect.scatter.add.f32 [tilespmem:s24], [sflag:$0x13], $0x10, s7, s19, $0xb8;
	[tilespmem:$0x13600] =	vst v63  }
0xb2: {  	_ =	swait.ge @!p0 [sflag:s5], $0x800  }
0xb3: {  	[sflag:s5] =	ssyncset.done @!p0 $0x0  }
0xb4: {  	[sflag:s5] =	ssyncadd.s32 @!p0 $0xFFFFF800;
	s5 =	simm.s32 @!p0 $0x17  }
0xb5: {  	_ =	swait.ge @!p0 [sflag:s5], $0x800  }
0xb6: {  	[sflag:s5] =	ssyncset.done @!p0 $0x0  }
0xb7: {  	[sflag:s5] =	ssyncadd.s32 @!p0 $0xFFFFF800;
	s5 =	sadd.s32 @!p0 $0x300, s6;
	s6 =	simm.s32 @!p0 $0x8000  }
0xb8: {  	[tilespmem:s6], [sflag:$0x7] =	stream.indirect.gather @!p0 [spmem:s4], $0x10, s5, s17, $0xb8;
	[tilespmem:$0x13600] =	vst v63  }
0xb9: {  	_ =	swait.ge [sflag:s30], $0x800  }
0xba: {  	[sflag:s30] =	ssyncset.done $0x0  }
0xbb: {  	s6 =	sadd.s32 $0x2980, s11;
	p0 =	seq.s32 s12, $0x0;
	[sflag:s30] =	ssyncadd.s32 $0xFFFFF800  }
0xbc: {  	[spmem:s1] =	stream.indirect.scatter.add.f32 [tilespmem:s25], [sflag:$0xC], $0x10, s6, s19, $0xb8;
	[tilespmem:$0x13600] =	vst v63  }
0xbd: {  	s5 =	simm.s32 @!p0 $0x10  }
0xbe: {  	[spmem:s3] =	stream.indirect.scatter.add.f32 [tilespmem:s24], [sflag:$0x14], $0x10, s6, s19, $0xb8;
	[tilespmem:$0x13600] =	vst v63  }
0xbf: {  	_ =	swait.ge @!p0 [sflag:s5], $0x800  }
0xc0: {  	[sflag:s5] =	ssyncset.done @!p0 $0x0  }
0xc1: {  	[sflag:s5] =	ssyncadd.s32 @!p0 $0xFFFFF800;
	s5 =	simm.s32 @!p0 $0x18  }
0xc2: {  	_ =	swait.ge @!p0 [sflag:s5], $0x800  }
0xc3: {  	[sflag:s5] =	ssyncset.done @!p0 $0x0  }
0xc4: {  	[sflag:s5] =	ssyncadd.s32 @!p0 $0xFFFFF800;
	s5 =	sshra.s32 @!p0 s12, $0x2  }
0xc5: {  	s7 =	simm.s32 @!p0 $0x8800;
	s6 =	simm.s32 @!p0 $0x80;
	s5 =	sadd.s32 @!p0 $0x380, s5  }
0xc6: {  	[tilespmem:s7], [sflag:$0x8] =	stream.indirect.gather @!p0 [spmem:s4], $0x10, s5, s6, $0xb8;
	[tilespmem:$0x13600] =	vst v63  }
0xc7: {  	_ =	swait.ge [sflag:s31], $0x800  }
0xc8: {  	[sflag:s31] =	ssyncset.done $0x0  }
0xc9: {  	s7 =	sadd.s32 $0x2A00, s11;
	p0 =	seq.s32 s12, $0x9000;
	[sflag:s31] =	ssyncadd.s32 $0xFFFFF800  }
0xca: {  	[spmem:s1] =	stream.indirect.scatter.add.f32 [tilespmem:s28], [sflag:$0xD], $0x10, s7, s19, $0xb8;
	[tilespmem:$0x13600] =	vst v63  }
0xcb: {  	s5 =	simm.s32 @p0 $0x6  }
0xcc: {  	[spmem:s3] =	stream.indirect.scatter.add.f32 [tilespmem:s24], [sflag:$0x15], $0x10, s7, s19, $0xb8;
	[tilespmem:$0x13600] =	vst v63  }
0xcd: {  	_ =	swait.ge @p0 [sflag:s5], $0x800  }
0xce: {  	s6 =	simm.s32 @p0 $0x4E80;
	[sflag:s5] =	ssyncset.done @p0 $0x0  }
0xcf: {  	s7 =	simm.s32 @p0 $0x7800;
	[sflag:s5] =	ssyncadd.s32 @p0 $0xFFFFF800;
	s5 =	simm.s32 @p0 $0x80  }
0xd0: {  	[spmem:s1] =	stream.indirect.scatter.add.f32 @p0 [tilespmem:s7], [sflag:$0xE], $0x10, s6, s5, $0xb8;
	[tilespmem:$0x13600] =	vst v63  }
0xd1: {  	s7 =	simm.s32 @p0 $0x9000  }
0xd2: {  	[spmem:s3] =	stream.indirect.scatter.add.f32 @p0 [tilespmem:s7], [sflag:$0x16], $0x10, s6, s5, $0xb8;
	[tilespmem:$0x13600] =	vst v63  }
0xd3: {  	s5 =	simm.s32 @!p0 $0x9  }
0xd4: {  	_ =	swait.ge @!p0 [sflag:s5], $0x800  }
0xd5: {  	[sflag:s5] =	ssyncset.done @!p0 $0x0  }
0xd6: {  	[sflag:s5] =	ssyncadd.s32 @!p0 $0xFFFFF800;
	s5 =	simm.s32 @!p0 $0x11  }
0xd7: {  	_ =	swait.ge @!p0 [sflag:s5], $0x800  }
0xd8: {  	[sflag:s5] =	ssyncset.done @!p0 $0x0  }
0xd9: {  	[sflag:s5] =	ssyncadd.s32 @!p0 $0xFFFFF800;
	s5 =	sshra.s32 @!p0 s12, $0x2  }
0xda: {  	s17 =	simm.s32 @!p0 $0x5000;
	s7 =	simm.s32 @!p0 $0x80;
	s6 =	sadd.s32 @!p0 $0x400, s5  }
0xdb: {  	[tilespmem:s17], [sflag:$0x1] =	stream.indirect.gather @!p0 [spmem:s4], $0x10, s6, s7, $0xb8;
	[tilespmem:$0x13600] =	vst v63  }
0xdc: {  	s6 =	simm.s32 @!p0 $0x6  }
0xdd: {  	_ =	swait.ge @!p0 [sflag:s6], $0x800  }
0xde: {  	[sflag:s6] =	ssyncset.done @!p0 $0x0  }
0xdf: {  	s17 =	simm.s32 @!p0 $0x7800;
	[sflag:s6] =	ssyncadd.s32 @!p0 $0xFFFFF800;
	s6 =	sadd.s32 @!p0 $0x2A80, s5  }
0xe0: {  	[spmem:s1] =	stream.indirect.scatter.add.f32 @!p0 [tilespmem:s17], [sflag:$0xE], $0x10, s6, s7, $0xb8;
	[tilespmem:$0x13600] =	vst v63  }
0xe1: {  	s17 =	simm.s32 @!p0 $0x9000  }
0xe2: {  	[spmem:s3] =	stream.indirect.scatter.add.f32 @!p0 [tilespmem:s17], [sflag:$0x16], $0x10, s6, s7, $0xb8;
	[tilespmem:$0x13600] =	vst v63  }
0xe3: {  	s6 =	simm.s32 @!p0 $0xA  }
0xe4: {  	_ =	swait.ge @!p0 [sflag:s6], $0x800  }
0xe5: {  	[sflag:s6] =	ssyncset.done @!p0 $0x0  }
0xe6: {  	[sflag:s6] =	ssyncadd.s32 @!p0 $0xFFFFF800;
	s6 =	simm.s32 @!p0 $0x12  }
0xe7: {  	_ =	swait.ge @!p0 [sflag:s6], $0x800  }
0xe8: {  	[sflag:s6] =	ssyncset.done @!p0 $0x0  }
0xe9: {  	s5 =	sadd.s32 @!p0 $0x480, s5;
	[sflag:s6] =	ssyncadd.s32 @!p0 $0xFFFFF800;
	s6 =	simm.s32 @!p0 $0x5800  }
0xea: {  	[tilespmem:s6], [sflag:$0x2] =	stream.indirect.gather @!p0 [spmem:s4], $0x10, s5, s7, $0xb8;
	[tilespmem:$0x13600] =	vst v63  }
0xeb: {  	_ =	swait.ge [sflag:s0], $0x800  }
.Ltmp4:
0xec: {  	[sflag:s0] =	ssyncset.done $0x0;
	(pc) =	sbr.rel @p0 .LBB2_8-.Ltmp4, $4  }
0xed: {  	s17 =	sadd.s32 $0x2B00, s11;
	[sflag:s0] =	ssyncadd.s32 $0xFFFFF800  }
0xee: {  	[spmem:s1] =	stream.indirect.scatter.add.f32 [tilespmem:s2], [sflag:$0xF], $0x10, s17, s19, $0xb8;
	[tilespmem:$0x13600] =	vst v63  }
0xef: {  	_ = 	snop  }
0xf0: {  	[spmem:s3] =	stream.indirect.scatter.add.f32 [tilespmem:s24], [sflag:$0x17], $0x10, s17, s19, $0xb8;
	[tilespmem:$0x13600] =	vst v63  }
0xf1: {  	_ =	swait.ge [sflag:s13], $0x800  }
0xf2: {  	[sflag:s13] =	ssyncset.done $0x0  }
0xf3: {  	[sflag:s13] =	ssyncadd.s32 $0xFFFFF800  }
0xf4: {  	_ =	swait.ge [sflag:s18], $0x800  }
0xf5: {  	[sflag:s18] =	ssyncset.done $0x0  }
0xf6: {  	s5 =	sadd.s32 $0x500, s11;
	[sflag:s18] =	ssyncadd.s32 $0xFFFFF800  }
0xf7: {  	[tilespmem:s23], [sflag:$0x3] =	stream.indirect.gather [spmem:s4], $0x10, s5, s19, $0xb8;
	[tilespmem:$0x13600] =	vst v63  }
0xf8: {  	_ =	swait.ge [sflag:s8], $0x800  }
0xf9: {  	[sflag:s8] =	ssyncset.done $0x0  }
0xfa: {  	s7 =	sadd.s32 $0x2B80, s11;
	[sflag:s8] =	ssyncadd.s32 $0xFFFFF800  }
0xfb: {  	[spmem:s1] =	stream.indirect.scatter.add.f32 [tilespmem:s16], [sflag:$0x10], $0x10, s7, s19, $0xb8;
	[tilespmem:$0x13600] =	vst v63  }
0xfc: {  	_ = 	snop  }
0xfd: {  	[spmem:s3] =	stream.indirect.scatter.add.f32 [tilespmem:s24], [sflag:$0x18], $0x10, s7, s19, $0xb8;
	[tilespmem:$0x13600] =	vst v63  }
0xfe: {  	_ =	swait.ge [sflag:s9], $0x800  }
0xff: {  	[sflag:s9] =	ssyncset.done $0x0  }
.Ltmp5:
0x100: {  	[sflag:s9] =	ssyncadd.s32 $0xFFFFF800;
	(pc) =	sbr.rel .LBB2_6-.Ltmp5, $4  }
0x101: {  	_ =	swait.ge [sflag:s14], $0x800  }
0x102: {  	s17 =	sadd.s32 $0x580, s11;
	[sflag:s14] =	ssyncset.done $0x0  }
0x103: {  	s12 =	sadd.s32 $0x1000, s12;
	s10 =	sadd.s32 $0x8, s10;
	[sflag:s14] =	ssyncadd.s32 $0xFFFFF800  }
0x104: {  	[tilespmem:s25], [sflag:$0x4] =	stream.indirect.gather [spmem:s4], $0x10, s17, s19, $0xb8;
	[tilespmem:$0x13600] =	vst v63  }
.LBB2_9:
0x105: {  	_ =	sfence.sel $0x180000  }
0x106: {  	[bflag:$0x0] =	sbarrier.arrive $0xFFFF  }
0x107: {  	_ =	strace $0x90000047  }
0x108: {  	s0 =	stileid.u32;
	[bflag:$0x2] =	sbarrier.arrive $0xFFFF  }
0x109: {  	p0 =	sne.s32 s0, $0x0;
	s0 =	rddreg [dreg:$0x5]  }
0x10a: {  	s0 =	sadd.s32 @!p0 $0x100000, s0  }
0x10b: {  	[sflag:s0] =	ssyncadd.tile.s32 @!p0 $0x1;
	_ =	shalt  }
.Lfunc_end2:
_tile_overlayer_lowered:
.L_overlay_start_2:
0x10c: {  	(tag) =	ssettag $0x2  }
0x10d: {  	s0 =	rddreg [dreg:$0x0];
	s2 =	stileid.u32  }
0x10e: {  	s1 =	rddreg [dreg:$0x1];
	p0 =	sne.s32 s2, $0x0  }
0x10f: {  	s3 =	rddreg [dreg:$0x2];
	[bflag:$0x3] =	sbarrier.arrive $0xFFFF;
	s2 =	simm.s32 @!p0 $0x1C19  }
0x110: {  	[timem:s3], [sflag:s2] =	dma.local @!p0 [hbm:s0], s1  }
0x111: {  	s0 =	simm.s32 @!p0 $0x19  }
0x112: {  	_ =	swait.ge @!p0 [sflag:s0], s1  }
0x113: {  	s1 =	ssub.s32 @!p0 $0x0, s1;
	[sflag:s0] =	ssyncset.done @!p0 $0x0  }
0x114: {  	[sflag:s0] =	ssyncadd.s32 @!p0 s1  }
0x115: {  	[bflag:$0x3] =	sbarrier.arrive $0xFFFF  }
0x116: {  	_ =	shalt  }

// kernel: kernel.13.cloned.1.call-start
scs
__scs_entry_jumppad:
0x0: {  	(pc) =	sbr.rel $0x88, $3  }
0x1: {  	(tag) =	ssettag $0x0;
	lr =	simm.s32 $0x1  }
0x2: {  	[smem:$0x3F8F] =	sst lr;
	_ =	strace $0xD0000000  }
0x3: {  	_ = 	snop  }
0x4: {  	_ = 	snop  }
0x5: {  	_ = 	snop  }
0x6: {  	_ = 	snop  }
0x7: {  	_ = 	snop  }
__scs_overlays_trampoline_lowered:
0x8: {  	[smem:$0x3F9E] =	sst s0  }
0x9: {  	[smem:$0x3F9F] =	sst s1  }
0xa: {  	[smem:$0x3FA0] =	sst s2  }
0xb: {  	[smem:$0x3FA1] =	sst s3  }
0xc: {  	[smem:$0x3FA2] =	sst s4  }
0xd: {  	[smem:$0x3FA3] =	sst s5  }
0xe: {  	[smem:$0x3FA4] =	sst s6  }
0xf: {  	[smem:$0x3FA5] =	sst s7  }
0x10: {  	[smem:$0x3FA6] =	sst s8  }
0x11: {  	[smem:$0x3FA7] =	sst s9;
	s0 =	simm.s32 @!p0 $0x0  }
0x12: {  	s1 =	sld [smem:$0x3F8D];
	s0 =	simm.s32 @p0 $0x1  }
0x13: {  	[smem:$0x3FA8] =	sst s0;
	s0 =	simm.s32 @!p1 $0x0  }
0x14: {  	s2 =	sld [smem:$0x3F8C];
	s0 =	simm.s32 @p1 $0x1  }
0x15: {  	[smem:$0x3FA9] =	sst s0;
	s0 =	simm.s32 @!p2 $0x0  }
0x16: {  	s3 =	sld [smem:$0x3FDB];
	s0 =	simm.s32 @p2 $0x1  }
0x17: {  	s4 =	simm.s32 $0x1BF5;
	[smem:$0x3FAB] =	sst s0  }
0x18: {  	s0 =	sld [smem:$0x3F8E];
	_ =	swait.ge [sflag:s4], $0x0  }
0x19: {  	s7 =	sld [smem:$0x3F8F]  }
0x1a: {  	s8 =	sadd.s32 $0xFFFFE003, lr  }
0x1b: {  	s9 =	sadd.s32 $0xFFFFFEF7, lr;
	s5 =	simm.s32 $0xFFFFFFFF;
	p2 =	slt.u32 s8, $0xFFFFF086  }
0x1c: {  	p1 =	slt.u32 s9, $0xF7A;
	s5 =	simm.s32 @!p2 $0x0  }
0x1d: {  	s5 =	simm.s32 @p1 $0x1;
	p0 =	seq.s32 s7, s2  }
0x1e: {  	s7 =	smul.u32 @!p0 $0xF7A, s2;
	p2 =	seq.s32 @!p0 s5, $0x0  }
0x1f: {  	s9 =	smul.u32 $0xF7A, s1;
	s8 =	simm.s32 @!p0 $0x1BF5;
	p2 =	por !p2, p0  }
0x20: {  	[sflag:s8] =	ssyncset.s32 @!p0 $0xFFFFF086;
	s6 =	sadd.s32 @!p0 s3, s7;
	s7 =	simm.s32 @!p0 $0x108  }
0x21: {  	s3 =	sadd.s32 s3, s9;
	s6 =	sadd.s32 @!p0 $0x88, s6;
	s7 =	simm.s32 @p2 $0x1082  }
0x22: {  	[simem:s7], [sflag:s8] =	dma.local @!p0 [hbm:s6], $0xF7A  }
0x23: {  	s9 =	sor.u32 $0xD0000000, s2;
	s6 =	simm.s32 $0x108;
	_ =	swait.ge @!p0 [sflag:s8], $0x0  }
0x24: {  	s3 =	sadd.s32 $0x88, s3;
	s6 =	simm.s32 @!p1 $0x1082;
	[sflag:s4] =	ssyncset.s32 $0xFFFFF086  }
0x25: {  	[simem:s6], [sflag:s4] =	dma.local [hbm:s3], $0xF7A  }
0x26: {  	[smem:$0x3F8F] =	sst s1;
	(tag) =	ssettag s2;
	_ =	strace s9  }
0x27: {  	s1 =	sld [smem:$0x3F9F]  }
0x28: {  	s2 =	sld [smem:$0x3FA0]  }
0x29: {  	s4 =	sld [smem:$0x3FA2]  }
0x2a: {  	p0 =	seq.s32 s5, $0x0;
	s5 =	sld [smem:$0x3FA3]  }
0x2b: {  	s6 =	sld [smem:$0x3FA4]  }
0x2c: {  	s7 =	sld [smem:$0x3FA5]  }
0x2d: {  	s3 =	simm.s32 $0x108;
	s8 =	sld [smem:$0x3FA6]  }
0x2e: {  	s3 =	simm.s32 @!p0 $0x1082;
	s9 =	sld [smem:$0x3FA7]  }
0x2f: {  	lr =	sadd.s32 s0, s3;
	s0 =	sld [smem:$0x3F9E]  }
0x30: {  	s3 =	sld [smem:$0x3FA1]  }
0x31: {  	[smem:$0x3FAA] =	sst s10  }
0x32: {  	s10 =	sld [smem:$0x3FA8];
	_ =	sdelay $0x3  }
0x33: {  	p0 =	seq.s32 s10, $0x1;
	s10 =	sld [smem:$0x3FAA];
	_ =	sdelay $0x3  }
0x34: {  	[smem:$0x3FAA] =	sst s10  }
0x35: {  	s10 =	sld [smem:$0x3FA9];
	_ =	sdelay $0x3  }
0x36: {  	p1 =	seq.s32 s10, $0x1;
	s10 =	sld [smem:$0x3FAA];
	_ =	sdelay $0x3  }
0x37: {  	[smem:$0x3FAA] =	sst s10  }
0x38: {  	s10 =	sld [smem:$0x3FAB]  }
0x39: {  	_ = 	snop;
	(pc) =	sbr.ind lr, $3  }
0x3a: {  	_ = 	snop  }
0x3b: {  	_ = 	snop  }
0x3c: {  	p2 =	seq.s32 s10, $0x1;
	s10 =	sld [smem:$0x3FAA]  }
0x3d: {  	_ =	shalt  }
0x3e: {  	_ =	shalt  }
0x3f: {  	_ =	shalt  }
0x40: {  	_ =	shalt  }
0x41: {  	_ =	shalt  }
0x42: {  	_ =	shalt  }
0x43: {  	_ =	shalt  }
0x44: {  	_ =	shalt  }
0x45: {  	_ =	shalt  }
0x46: {  	_ =	shalt  }
0x47: {  	_ =	shalt  }
0x48: {  	_ =	shalt  }
0x49: {  	_ =	shalt  }
0x4a: {  	_ =	shalt  }
0x4b: {  	_ =	shalt  }
0x4c: {  	_ =	shalt  }
0x4d: {  	_ =	shalt  }
0x4e: {  	_ =	shalt  }
0x4f: {  	_ =	shalt  }
0x50: {  	_ =	shalt  }
0x51: {  	_ =	shalt  }
0x52: {  	_ =	shalt  }
0x53: {  	_ =	shalt  }
0x54: {  	_ =	shalt  }
0x55: {  	_ =	shalt  }
0x56: {  	_ =	shalt  }
0x57: {  	_ =	shalt  }
0x58: {  	_ =	shalt  }
0x59: {  	_ =	shalt  }
0x5a: {  	_ =	shalt  }
0x5b: {  	_ =	shalt  }
0x5c: {  	_ =	shalt  }
0x5d: {  	_ =	shalt  }
0x5e: {  	_ =	shalt  }
0x5f: {  	_ =	shalt  }
0x60: {  	_ =	shalt  }
0x61: {  	_ =	shalt  }
0x62: {  	_ =	shalt  }
0x63: {  	_ =	shalt  }
0x64: {  	_ =	shalt  }
0x65: {  	_ =	shalt  }
0x66: {  	_ =	shalt  }
0x67: {  	_ =	shalt  }
0x68: {  	_ =	shalt  }
0x69: {  	_ =	shalt  }
0x6a: {  	_ =	shalt  }
0x6b: {  	_ =	shalt  }
0x6c: {  	_ =	shalt  }
0x6d: {  	_ =	shalt  }
0x6e: {  	_ =	shalt  }
0x6f: {  	_ =	shalt  }
0x70: {  	_ =	shalt  }
0x71: {  	_ =	shalt  }
0x72: {  	_ =	shalt  }
0x73: {  	_ =	shalt  }
0x74: {  	_ =	shalt  }
0x75: {  	_ =	shalt  }
0x76: {  	_ =	shalt  }
0x77: {  	_ =	shalt  }
0x78: {  	_ =	shalt  }
0x79: {  	_ =	shalt  }
0x7a: {  	_ =	shalt  }
0x7b: {  	_ =	shalt  }
0x7c: {  	_ =	shalt  }
0x7d: {  	_ =	shalt  }
0x7e: {  	_ =	shalt  }
0x7f: {  	_ =	shalt  }
0x80: {  	_ =	shalt  }
0x81: {  	_ =	shalt  }
0x82: {  	_ =	shalt  }
0x83: {  	_ =	shalt  }
0x84: {  	_ =	shalt  }
0x85: {  	_ =	shalt  }
0x86: {  	_ =	shalt  }
0x87: {  	_ =	shalt  }
.Lfunc_end0:
.L_simem_size_0:
called_computation.1_lowered:
.L_overlay_start_0:
0x88: {  	s2 =	sld [smem:$0x3FD9]  }
0x89: {  	s3 =	sld [smem:$0x3FFE];
	_ =	sdelay $0x1  }
0x8a: {  	s1 =	srdreg.scid  }
0x8b: {  	s0 =	sand.u32 $0x1, s1  }
0x8c: {  	s14 =	sshll.u32 s0, $0xA;
	s2 =	sadd.s32 s3, s2  }
0x8d: {  	s2 =	sadd.s32 s2, s14  }
0x8e: {  	[smem:$0x3FB6] =	sst s2  }
0x8f: {  	_ = 	snop  }
0x90: {  	s2 =	sld [smem:$0x3FD0];
	_ =	sdelay $0x2  }
0x91: {  	s15 =	simm.s32 $0xA;
	s4 =	simm.s32 $0x10  }
0x92: {  	[smem:s4], [sflag:s15] =	dma.local [hbm:s2], $0x1  }
0x93: {  	_ =	swait.eq [sflag:s15], $0x1  }
0x94: {  	[sflag:s15] =	ssyncset.done $0x0  }
0x95: {  	[sflag:s15] =	ssyncadd.s32 $0xFFFFFFFF  }
0x96: {  	s16 =	sld [smem:$0x11];
	(tm) =	ssettm $0x1  }
0x97: {  	s17 =	sld [smem:$0x3FFB];
	_ =	sdelay $0x3  }
0x98: {  	_ =	strace s17  }
0x99: {  	s3 =	sld [smem:$0x3FFC];
	_ =	sdelay $0x3  }
0x9a: {  	_ =	strace s3  }
0x9b: {  	s3 =	sld [smem:$0x3FFD];
	_ =	sdelay $0x3  }
0x9c: {  	_ =	strace s3  }
0x9d: {  	_ =	strace $0x8FFFFFFF  }
0x9e: {  	s18 =	sld [smem:$0x3FDB];
	_ =	sdelay $0x1  }
0x9f: {  	s19 =	simm.s32 $_scs_section_size  }
0xa0: {  	s5 =	simm.s32 $_size__tile_overlayer_lowered;
	s6 =	simm.s32 $_tile_overlayer_lowered  }
0xa1: {  	s22 =	simm.s32 $0x1BFF;
	s21 =	sshll.u32 s6, $0x1;
	s3 =	sadd.s32 s19, s18  }
0xa2: {  	s7 =	simm.s32 $0x0;
	s20 =	sshll.u32 s5, $0x1;
	s5 =	sadd.s32 s21, s3  }
0xa3: {  	[timem:s7], [sflag:s22] =	dma.local [hbm:s5], s20  }
0xa4: {  	_ =	swait.ge [sflag:s22], s20  }
0xa5: {  	s4 =	ssub.s32 $0x0, s20;
	[sflag:s22] =	ssyncset.done $0x0  }
0xa6: {  	[sflag:s22] =	ssyncadd.s32 s4;
	_ =	sdelay $0x1  }
0xa7: {  	s23 =	simm.s32 $0x1B8B  }
0xa8: {  	_ =	swait.ge [sflag:s23], $0x1  }
0xa9: {  	[sflag:s23] =	ssyncset.done $0x0  }
0xaa: {  	s25 =	simm.s32 $0x1B8E;
	s24 =	sld [smem:$0x3FFE];
	[sflag:s23] =	ssyncadd.s32 $0xFFFFFFFF  }
0xab: {  	s26 =	simm.s32 $execute0_lowered;
	[smem:$0x3FD2] =	sst s25  }
0xac: {  	s5 =	sshll.u32 s26, $0x1;
	_ =	strace $0x80000049;
	[dreg:$0x1] =	wrdreg $0xFFFFFFFF  }
0xad: {  	s28 =	simm.s32 $_size_execute0_lowered;
	s3 =	sadd.s32 s3, s5;
	[dreg:$0x0] =	wrdreg $0x0  }
0xae: {  	s5 =	sshll.u32 s28, $0x1;
	[dreg:$0x2] =	wrdreg s3  }
0xaf: {  	[dreg:$0x3] =	wrdreg s5  }
0xb0: {  	[dreg:$0x4] =	wrdreg $0xC0  }
0xb1: {  	_ =	task [dreg:s7], $0x5FFFF  }
0xb2: {  	[dreg:$0x1] =	wrdreg $0xFFFFFFFF  }
0xb3: {  	[dreg:$0x0] =	wrdreg $0x60  }
0xb4: {  	[dreg:$0x2] =	wrdreg s16  }
0xb5: {  	[dreg:$0x3] =	wrdreg s24  }
0xb6: {  	[dreg:$0x4] =	wrdreg $0xDF000  }
0xb7: {  	[dreg:$0x5] =	wrdreg $0xB7800  }
0xb8: {  	[dreg:$0x6] =	wrdreg $0x9  }
0xb9: {  	_ =	task.clear_ibuf [dreg:s7], $0x7FFFF;
	_ =	strace $0x90000049  }
0xba: {  	s29 =	simm.s32 $0x9;
	_ =	strace $0x8000004B  }
0xbb: {  	_ =	swait.ge [sflag:s29], $0x1  }
0xbc: {  	[sflag:s29] =	ssyncadd.s32 $0xFFFFFFFF  }
0xbd: {  	_ =	strace $0x9000004B  }
0xbe: {  	_ =	sfence  }
0xbf: {  	s30 =	sld [smem:$0x0];
	_ =	sdelay $0x2  }
0xc0: {  	s31 =	sshll.u32 s1, $0xD;
	s1 =	sshrl.u32 s1, $0x2  }
0xc1: {  	s3 =	sand.u32 $0x4000, s31;
	s1 =	sadd.s32 s1, s30  }
0xc2: {  	s0 =	sor.u32 s3, s0;
	s1 =	sshll.u32 s1, $0x11  }
0xc3: {  	s0 =	sor.u32 s1, s0  }
0xc4: {  	s0 =	sadd.s32 $0x8F2B, s0  }
0xc5: {  	[sflag:s0] =	ssyncadd.remote.s32 $0x1  }
0xc6: {  	_ =	sfence.sel $0xFFFF  }
0xc7: {  	[dreg:$0x0] =	wrdreg $0xFFFFFFFF;
	(pc) =	sbr.abs _section_cstart, $3  }
0xc8: {  	[dreg:$0x1] =	wrdreg $0xFFFFFFFF  }
0xc9: {  	_ =	task.clear_ibuf [dreg:s7], $0x2FFFF;
	_ =	strace $0x9FFFFFFF  }
0xca: {  	(tm) =	ssettm $0x7FFFFFFF  }
0xcb: {  	_ =	shalt  }
tec
execute0_lowered:
.L_overlay_start_1:
0x0: {  	(tag) =	ssettag $0x1  }
0x1: {  	s0 =	rddreg [dreg:$0x0]  }
0x2: {  	s1 =	rddreg [dreg:$0x1]  }
0x3: {  	s2 =	rddreg [dreg:$0x2]  }
0x4: {  	s3 =	rddreg [dreg:$0x3];
	s4 =	srdreg.scid  }
0x5: {  	s10 =	stileid.u32;
	s12 =	simm.s32 $0x11;
	s16 =	simm.s32 $0x80  }
0x6: {  	s17 =	simm.s32 $0x5000;
	s18 =	simm.s32 $0x5800;
	s20 =	simm.s32 $0x6000  }
0x7: {  	s29 =	simm.s32 $0x8000;
	s31 =	simm.s32 $0x8800;
	s11 =	simm.s32 $0x3  }
0x8: {  	s13 =	simm.s32 $0x4;
	s19 =	simm.s32 $0x5;
	s30 =	simm.s32 $0xB  }
0x9: {  	s5 =	sand.u32 $0x1, s4;
	s6 =	smul.u32 $0x2780, s10;
	s4 =	simm.s32 $0x0  }
0xa: {  	s7 =	sshll.u32 s10, $0x1;
	s26 =	sshll.u32 s10, $0x6;
	s8 =	smul.u32 $0x27800, s5  }
0xb: {  	[smem:$0x7FF] =	sst s4;
	s7 =	sor.u32 s5, s7;
	s5 =	ssub.s32 $0x2, s5  }
0xc: {  	s14 =	sor.u32 $0x1C11, s26;
	s7 =	smul.u32 $0x500, s7;
	_ =	strace $0x8000004A  }
0xd: {  	s9 =	sshrl.u32 s5, $0x1;
	s23 =	sshrl.u32 s6, $0x3;
	s8 =	sadd.s32 s6, s8  }
0xe: {  	s21 =	ssub.s32 s5, s9;
	s5 =	sadd.s32 s6, s2;
	s6 =	sadd.s32 s6, s3  }
0xf: {  	s0 =	sadd.s32 s0, s23;
	s23 =	simm.s32 $0x8;
	s9 =	simm.s32 $0x10  }
0x10: {  	s8 =	sshrl.u32 s8, $0x3;
	s7 =	sadd.s32 s7, s1;
	[dreg:$0x7] =	wrdreg s0  }
0x11: {  	s25 =	smax.u32 s21, $0x1;
	s28 =	sshrl.u32 s6, $0x3;
	s0 =	simm.s32 $0x1  }
.Ltmp0:
0x12: {  	s21 =	simm.s32 $0x7;
	[dreg:$0x9] =	wrdreg s25;
	(pc) =	sbr.rel .LBB2_1-.Ltmp0, $4  }
0x13: {  	s1 =	sadd.s32 s8, s1;
	s22 =	sadd.s32 $0xC600, s7;
	[dreg:$0xa] =	wrdreg s28  }
0x14: {  	s7 =	sadd.s32 $0x2600, s7;
	s25 =	simm.s32 $0xC;
	[dreg:$0x5] =	wrdreg s22  }
0x15: {  	[dreg:$0x6] =	wrdreg s7;
	s24 =	sadd.s32 $0x16600, s1;
	s22 =	simm.s32 $0x6800  }
0x16: {  	v0 =	vimm.f32 $0.0e+00;
	s1 =	simm.s32 $0x2;
	[dreg:$0x8] =	wrdreg s24;
	s24 =	simm.s32 $0x7000  }
.LBB2_6:
0x17: {  	_ =	swait.ge [sflag:s23], $0x800  }
0x18: {  	[sflag:s23] =	ssyncset.done $0x0  }
0x19: {  	s6 =	simm.s32 $0x4F80;
	s28 =	simm.s32 $0x9;
	[sflag:s23] =	ssyncadd.s32 $0xFFFFF800  }
0x1a: {  	[spmem:s2] =	stream.indirect.scatter.add.f32 [tilespmem:s31], [sflag:$0x10], $0x10, s6, s16, $0xb8;
	[tilespmem:$0x10680] =	vst v63  }
0x1b: {  	_ =	swait.ge [sflag:s28], $0x800  }
0x1c: {  	[sflag:s28] =	ssyncset.done $0x0  }
0x1d: {  	s7 =	simm.s32 $0xA;
	[sflag:s28] =	ssyncadd.s32 $0xFFFFF800  }
0x1e: {  	_ =	swait.ge [sflag:s7], $0x800  }
0x1f: {  	[sflag:s7] =	ssyncset.done $0x0  }
0x20: {  	[sflag:s7] =	ssyncadd.s32 $0xFFFFF800  }
0x21: {  	_ =	swait.ge [sflag:s30], $0x800  }
0x22: {  	[sflag:s30] =	ssyncset.done $0x0  }
0x23: {  	[sflag:s30] =	ssyncadd.s32 $0xFFFFF800  }
0x24: {  	_ =	swait.ge [sflag:s25], $0x800  }
0x25: {  	[sflag:s25] =	ssyncset.done $0x0  }
0x26: {  	s8 =	simm.s32 $0xD;
	[sflag:s25] =	ssyncadd.s32 $0xFFFFF800  }
0x27: {  	_ =	swait.ge [sflag:s8], $0x800  }
0x28: {  	[sflag:s8] =	ssyncset.done $0x0  }
0x29: {  	s10 =	simm.s32 $0xE;
	[sflag:s8] =	ssyncadd.s32 $0xFFFFF800  }
0x2a: {  	_ =	swait.ge [sflag:s10], $0x800  }
0x2b: {  	[sflag:s10] =	ssyncset.done $0x0  }
0x2c: {  	s15 =	simm.s32 $0xF;
	[sflag:s10] =	ssyncadd.s32 $0xFFFFF800  }
0x2d: {  	_ =	swait.ge [sflag:s15], $0x800  }
0x2e: {  	[sflag:s15] =	ssyncset.done $0x0  }
0x2f: {  	[sflag:s15] =	ssyncadd.s32 $0xFFFFF800  }
0x30: {  	_ =	swait.ge [sflag:s9], $0x800  }
0x31: {  	[sflag:s9] =	ssyncset.done $0x0  }
0x32: {  	[sflag:s9] =	ssyncadd.s32 $0xFFFFF800  }
0x33: {  	[bflag:$0x0] =	sbarrier.arrive $0xFFFF  }
0x34: {  	s26 =	sshrl.u32 s5, $0x3;
	s7 =	rddreg [dreg:$0x8]  }
0x35: {  	[hbm:s7], [sflag:s14] =	dma.local [spmem:s26], $0x4F0  }
0x36: {  	_ =	swait.ge [sflag:s12], $0x4F0  }
0x37: {  	s4 =	sadd.s32 $0x1, s4;
	s28 =	rddreg [dreg:$0x9]  }
0x38: {  	p0 =	sne.s32 s4, s28  }
.Ltmp1:
0x39: {  	_ = 	snop;
	(pc) =	sbr.rel @!p0 .LBB2_7-.Ltmp1, $3  }
0x3a: {  	_ =	sdelay $0x1  }
0x3b: {  	[sflag:s12] =	ssyncset.done $0x0  }
0x3c: {  	[sflag:s12] =	ssyncadd.s32 $0xFFFFFB10  }
.LBB2_1:
0x3d: {  	s10 =	simm.s32 $0x40;
	s15 =	simm.s32 $0x0  }
.LBB2_2:
0x3e: {  	p0 =	sne.s32 s10, $0x9DC0;
	[tilespmem:s15+$0x9000] =	vst v0;
	s15 =	smov.u32 s10;
	s10 =	sadd.s32 $0x40, s10  }
.Ltmp2:
0x3f: {  	(pc) =	sbr.rel @p0 .LBB2_2-.Ltmp2, $2  }
0x40: {  	_ =	sdelay $0x2  }
0x41: {  	s15 =	sshra.s32 s15, $0x2  }
0x42: {  	[tilespmem:s15+$0x9000] =	vst v0;
	s6 =	simm.s32 $0x9000  }
0x43: {  	[spmem:s5] =	stream.linear.scatter [tilespmem:s6], [sflag:$0x11], $0x2780, $0x38;
	[tilespmem:$0x10680] =	vst v63  }
0x44: {  	_ =	swait.ge [sflag:s12], $0x2780  }
0x45: {  	[sflag:s12] =	ssyncset.done $0x0  }
0x46: {  	s10 =	simm.s32 $0x0;
	s26 =	rddreg [dreg:$0x5];
	[sflag:s12] =	ssyncadd.s32 $0xFFFFD880  }
0x47: {  	[tilespmem:s10], [sflag:$0x11] =	stream.linear.gather [hbm4b:s26+s10], $0x2800, $0x38;
	[tilespmem:$0x10680] =	vst v63  }
0x48: {  	_ =	swait.ge [sflag:s12], $0x2800  }
0x49: {  	[sflag:s12] =	ssyncset.done $0x0  }
0x4a: {  	s7 =	simm.s32 $0x2800;
	s28 =	rddreg [dreg:$0x6];
	[sflag:s12] =	ssyncadd.s32 $0xFFFFD800  }
0x4b: {  	[tilespmem:s7], [sflag:$0x11] =	stream.linear.gather [hbm4b:s28+s10], $0x2800, $0x38;
	[tilespmem:$0x10680] =	vst v63  }
0x4c: {  	_ =	swait.ge [sflag:s12], $0x2800  }
0x4d: {  	[sflag:s12] =	ssyncset.done $0x0;
	s8 =	rddreg [dreg:$0x7]  }
0x4e: {  	s15 =	rddreg [dreg:$0xa];
	[sflag:s12] =	ssyncadd.s32 $0xFFFFD800  }
0x4f: {  	[spmem:s15], [sflag:s14] =	dma.local [hbm:s8], $0x4F0  }
0x50: {  	_ =	swait.ge [sflag:s12], $0x4F0  }
0x51: {  	[sflag:s12] =	ssyncset.done $0x0  }
0x52: {  	[sflag:s12] =	ssyncadd.s32 $0xFFFFFB10  }
0x53: {  	[bflag:$0x0] =	sbarrier.arrive $0xFFFF  }
0x54: {  	[tilespmem:s17], [sflag:$0x1] =	stream.indirect.gather [spmem:s3], $0x10, s10, s16, $0xb8;
	[tilespmem:$0x10680] =	vst v63  }
0x55: {  	_ = 	snop  }
0x56: {  	[tilespmem:s18], [sflag:$0x2] =	stream.indirect.gather [spmem:s3], $0x10, s16, s16, $0xb8;
	[tilespmem:$0x10680] =	vst v63  }
0x57: {  	s26 =	simm.s32 $0x100  }
0x58: {  	[tilespmem:s20], [sflag:$0x3] =	stream.indirect.gather [spmem:s3], $0x10, s26, s16, $0xb8;
	[tilespmem:$0x10680] =	vst v63  }
0x59: {  	s28 =	simm.s32 $0x180  }
0x5a: {  	[tilespmem:s22], [sflag:$0x4] =	stream.indirect.gather [spmem:s3], $0x10, s28, s16, $0xb8;
	[tilespmem:$0x10680] =	vst v63  }
0x5b: {  	s7 =	simm.s32 $0x200  }
0x5c: {  	[tilespmem:s24], [sflag:$0x5] =	stream.indirect.gather [spmem:s3], $0x10, s7, s16, $0xb8;
	[tilespmem:$0x10680] =	vst v63  }
0x5d: {  	s8 =	simm.s32 $0x280;
	s15 =	simm.s32 $0x7800  }
0x5e: {  	[tilespmem:s15], [sflag:$0x6] =	stream.indirect.gather [spmem:s3], $0x10, s8, s16, $0xb8;
	[tilespmem:$0x10680] =	vst v63  }
0x5f: {  	s26 =	simm.s32 $0x300  }
0x60: {  	[tilespmem:s29], [sflag:$0x7] =	stream.indirect.gather [spmem:s3], $0x10, s26, s16, $0xb8;
	[tilespmem:$0x10680] =	vst v63  }
0x61: {  	s28 =	simm.s32 $0x380;
	s15 =	simm.s32 $0xFFFFFFF8  }
0x62: {  	[tilespmem:s31], [sflag:$0x8] =	stream.indirect.gather [spmem:s3], $0x10, s28, s16, $0xb8;
	[tilespmem:$0x10680] =	vst v63  }
.LBB2_4:
0x63: {  	_ =	swait.ge [sflag:s0], $0x800  }
0x64: {  	s26 =	sshra.s32 s10, $0x2;
	[sflag:s0] =	ssyncset.done $0x0  }
0x65: {  	p0 =	sgt.u32 s15, $0x47;
	s28 =	sadd.s32 $0x2800, s26;
	[sflag:s0] =	ssyncadd.s32 $0xFFFFF800  }
0x66: {  	[spmem:s2] =	stream.indirect.scatter.add.f32 [tilespmem:s17], [sflag:$0x9], $0x10, s28, s16, $0xb8;
	[tilespmem:$0x10680] =	vst v63  }
0x67: {  	s28 =	simm.s32 @!p0 $0xD  }
0x68: {  	_ =	swait.ge @!p0 [sflag:s28], $0x800  }
0x69: {  	[sflag:s28] =	ssyncset.done @!p0 $0x0  }
0x6a: {  	[sflag:s28] =	ssyncadd.s32 @!p0 $0xFFFFF800;
	s28 =	sshra.s32 @!p0 s10, $0x2  }
0x6b: {  	s7 =	simm.s32 @!p0 $0x80;
	s8 =	simm.s32 @!p0 $0x7000;
	s6 =	sadd.s32 @!p0 $0x200, s28  }
0x6c: {  	[tilespmem:s8], [sflag:$0x5] =	stream.indirect.gather @!p0 [spmem:s3], $0x10, s6, s7, $0xb8;
	[tilespmem:$0x10680] =	vst v63  }
0x6d: {  	_ =	swait.ge [sflag:s1], $0x800  }
0x6e: {  	[sflag:s1] =	ssyncset.done $0x0  }
0x6f: {  	s8 =	sadd.s32 $0x2880, s26;
	s6 =	simm.s32 @!p0 $0xE;
	[sflag:s1] =	ssyncadd.s32 $0xFFFFF800  }
0x70: {  	[spmem:s2] =	stream.indirect.scatter.add.f32 [tilespmem:s18], [sflag:$0xA], $0x10, s8, s16, $0xb8;
	[tilespmem:$0x10680] =	vst v63  }
0x71: {  	_ =	swait.ge @!p0 [sflag:s6], $0x800  }
0x72: {  	[sflag:s6] =	ssyncset.done @!p0 $0x0  }
0x73: {  	s8 =	simm.s32 @!p0 $0x7800;
	[sflag:s6] =	ssyncadd.s32 @!p0 $0xFFFFF800;
	s6 =	sadd.s32 @!p0 $0x280, s28  }
0x74: {  	[tilespmem:s8], [sflag:$0x6] =	stream.indirect.gather @!p0 [spmem:s3], $0x10, s6, s7, $0xb8;
	[tilespmem:$0x10680] =	vst v63  }
0x75: {  	_ =	swait.ge [sflag:s11], $0x800  }
0x76: {  	[sflag:s11] =	ssyncset.done $0x0  }
0x77: {  	s8 =	sadd.s32 $0x2900, s26;
	s6 =	simm.s32 @!p0 $0xF;
	[sflag:s11] =	ssyncadd.s32 $0xFFFFF800  }
0x78: {  	[spmem:s2] =	stream.indirect.scatter.add.f32 [tilespmem:s20], [sflag:$0xB], $0x10, s8, s16, $0xb8;
	[tilespmem:$0x10680] =	vst v63  }
0x79: {  	_ =	swait.ge @!p0 [sflag:s6], $0x800  }
0x7a: {  	[sflag:s6] =	ssyncset.done @!p0 $0x0  }
0x7b: {  	s8 =	simm.s32 @!p0 $0x8000;
	[sflag:s6] =	ssyncadd.s32 @!p0 $0xFFFFF800;
	s6 =	sadd.s32 @!p0 $0x300, s28  }
0x7c: {  	[tilespmem:s8], [sflag:$0x7] =	stream.indirect.gather @!p0 [spmem:s3], $0x10, s6, s7, $0xb8;
	[tilespmem:$0x10680] =	vst v63  }
0x7d: {  	_ =	swait.ge [sflag:s13], $0x800  }
0x7e: {  	p0 =	seq.s32 s10, $0x0;
	[sflag:s13] =	ssyncset.done $0x0  }
0x7f: {  	s7 =	sadd.s32 $0x2980, s26;
	s6 =	simm.s32 @!p0 $0x10;
	[sflag:s13] =	ssyncadd.s32 $0xFFFFF800  }
0x80: {  	[spmem:s2] =	stream.indirect.scatter.add.f32 [tilespmem:s22], [sflag:$0xC], $0x10, s7, s16, $0xb8;
	[tilespmem:$0x10680] =	vst v63  }
0x81: {  	_ =	swait.ge @!p0 [sflag:s6], $0x800  }
0x82: {  	[sflag:s6] =	ssyncset.done @!p0 $0x0  }
0x83: {  	[sflag:s6] =	ssyncadd.s32 @!p0 $0xFFFFF800;
	s6 =	sshra.s32 @!p0 s10, $0x2  }
0x84: {  	s8 =	simm.s32 @!p0 $0x8800;
	s7 =	simm.s32 @!p0 $0x80;
	s6 =	sadd.s32 @!p0 $0x380, s6  }
0x85: {  	[tilespmem:s8], [sflag:$0x8] =	stream.indirect.gather @!p0 [spmem:s3], $0x10, s6, s7, $0xb8;
	[tilespmem:$0x10680] =	vst v63  }
0x86: {  	_ =	swait.ge [sflag:s19], $0x800  }
0x87: {  	p0 =	seq.s32 s10, $0x9000;
	[sflag:s19] =	ssyncset.done $0x0  }
0x88: {  	s8 =	sadd.s32 $0x2A00, s26;
	s6 =	simm.s32 @p0 $0x6;
	[sflag:s19] =	ssyncadd.s32 $0xFFFFF800  }
0x89: {  	[spmem:s2] =	stream.indirect.scatter.add.f32 [tilespmem:s24], [sflag:$0xD], $0x10, s8, s16, $0xb8;
	[tilespmem:$0x10680] =	vst v63  }
0x8a: {  	_ =	swait.ge @p0 [sflag:s6], $0x800  }
0x8b: {  	s7 =	simm.s32 @p0 $0x4E80;
	[sflag:s6] =	ssyncset.done @p0 $0x0  }
0x8c: {  	s8 =	simm.s32 @p0 $0x7800;
	[sflag:s6] =	ssyncadd.s32 @p0 $0xFFFFF800;
	s6 =	simm.s32 @p0 $0x80  }
0x8d: {  	[spmem:s2] =	stream.indirect.scatter.add.f32 @p0 [tilespmem:s8], [sflag:$0xE], $0x10, s7, s6, $0xb8;
	[tilespmem:$0x10680] =	vst v63  }
0x8e: {  	s6 =	simm.s32 @!p0 $0x9  }
0x8f: {  	_ =	swait.ge @!p0 [sflag:s6], $0x800  }
0x90: {  	[sflag:s6] =	ssyncset.done @!p0 $0x0  }
0x91: {  	[sflag:s6] =	ssyncadd.s32 @!p0 $0xFFFFF800;
	s6 =	sshra.s32 @!p0 s10, $0x2  }
0x92: {  	s28 =	simm.s32 @!p0 $0x5000;
	s8 =	simm.s32 @!p0 $0x80;
	s7 =	sadd.s32 @!p0 $0x400, s6  }
0x93: {  	[tilespmem:s28], [sflag:$0x1] =	stream.indirect.gather @!p0 [spmem:s3], $0x10, s7, s8, $0xb8;
	[tilespmem:$0x10680] =	vst v63  }
0x94: {  	s7 =	simm.s32 @!p0 $0x6  }
0x95: {  	_ =	swait.ge @!p0 [sflag:s7], $0x800  }
0x96: {  	[sflag:s7] =	ssyncset.done @!p0 $0x0  }
0x97: {  	s28 =	simm.s32 @!p0 $0x7800;
	[sflag:s7] =	ssyncadd.s32 @!p0 $0xFFFFF800;
	s7 =	sadd.s32 @!p0 $0x2A80, s6  }
0x98: {  	[spmem:s2] =	stream.indirect.scatter.add.f32 @!p0 [tilespmem:s28], [sflag:$0xE], $0x10, s7, s8, $0xb8;
	[tilespmem:$0x10680] =	vst v63  }
0x99: {  	s7 =	simm.s32 @!p0 $0xA  }
0x9a: {  	_ =	swait.ge @!p0 [sflag:s7], $0x800  }
0x9b: {  	[sflag:s7] =	ssyncset.done @!p0 $0x0  }
0x9c: {  	s6 =	sadd.s32 @!p0 $0x480, s6;
	[sflag:s7] =	ssyncadd.s32 @!p0 $0xFFFFF800;
	s7 =	simm.s32 @!p0 $0x5800  }
0x9d: {  	[tilespmem:s7], [sflag:$0x2] =	stream.indirect.gather @!p0 [spmem:s3], $0x10, s6, s8, $0xb8;
	[tilespmem:$0x10680] =	vst v63  }
.Ltmp3:
0x9e: {  	_ = 	snop;
	(pc) =	sbr.rel @p0 .LBB2_6-.Ltmp3, $4  }
0x9f: {  	_ =	swait.ge [sflag:s21], $0x800  }
0xa0: {  	[sflag:s21] =	ssyncset.done $0x0  }
0xa1: {  	s28 =	sadd.s32 $0x2B00, s26;
	[sflag:s21] =	ssyncadd.s32 $0xFFFFF800  }
0xa2: {  	[spmem:s2] =	stream.indirect.scatter.add.f32 [tilespmem:s29], [sflag:$0xF], $0x10, s28, s16, $0xb8;
	[tilespmem:$0x10680] =	vst v63  }
0xa3: {  	_ =	swait.ge [sflag:s30], $0x800  }
0xa4: {  	[sflag:s30] =	ssyncset.done $0x0  }
0xa5: {  	s6 =	sadd.s32 $0x500, s26;
	[sflag:s30] =	ssyncadd.s32 $0xFFFFF800  }
0xa6: {  	[tilespmem:s20], [sflag:$0x3] =	stream.indirect.gather [spmem:s3], $0x10, s6, s16, $0xb8;
	[tilespmem:$0x10680] =	vst v63  }
0xa7: {  	_ =	swait.ge [sflag:s23], $0x800  }
0xa8: {  	[sflag:s23] =	ssyncset.done $0x0  }
0xa9: {  	s8 =	sadd.s32 $0x2B80, s26;
	[sflag:s23] =	ssyncadd.s32 $0xFFFFF800  }
0xaa: {  	[spmem:s2] =	stream.indirect.scatter.add.f32 [tilespmem:s31], [sflag:$0x10], $0x10, s8, s16, $0xb8;
	[tilespmem:$0x10680] =	vst v63  }
.Ltmp4:
0xab: {  	_ = 	snop;
	(pc) =	sbr.rel .LBB2_4-.Ltmp4, $4  }
0xac: {  	_ =	swait.ge [sflag:s25], $0x800  }
0xad: {  	s28 =	sadd.s32 $0x580, s26;
	[sflag:s25] =	ssyncset.done $0x0  }
0xae: {  	s10 =	sadd.s32 $0x1000, s10;
	s15 =	sadd.s32 $0x8, s15;
	[sflag:s25] =	ssyncadd.s32 $0xFFFFF800  }
0xaf: {  	[tilespmem:s22], [sflag:$0x4] =	stream.indirect.gather [spmem:s3], $0x10, s28, s16, $0xb8;
	[tilespmem:$0x10680] =	vst v63  }
.LBB2_7:
0xb0: {  	_ =	sfence.sel $0x180000  }
0xb1: {  	[bflag:$0x0] =	sbarrier.arrive $0xFFFF  }
0xb2: {  	_ =	strace $0x9000004A  }
0xb3: {  	s0 =	stileid.u32;
	[bflag:$0x2] =	sbarrier.arrive $0xFFFF  }
0xb4: {  	p0 =	sne.s32 s0, $0x0;
	s0 =	rddreg [dreg:$0x4]  }
0xb5: {  	s0 =	sadd.s32 @!p0 $0x100000, s0  }
0xb6: {  	[sflag:s0] =	ssyncadd.tile.s32 @!p0 $0x1;
	_ =	shalt  }
.Lfunc_end2:
_tile_overlayer_lowered:
.L_overlay_start_2:
0xb7: {  	(tag) =	ssettag $0x2  }
0xb8: {  	s0 =	rddreg [dreg:$0x0];
	s2 =	stileid.u32  }
0xb9: {  	s1 =	rddreg [dreg:$0x1];
	p0 =	sne.s32 s2, $0x0  }
0xba: {  	s3 =	rddreg [dreg:$0x2];
	[bflag:$0x3] =	sbarrier.arrive $0xFFFF;
	s2 =	simm.s32 @!p0 $0x1C11  }
0xbb: {  	[timem:s3], [sflag:s2] =	dma.local @!p0 [hbm:s0], s1  }
0xbc: {  	s0 =	simm.s32 @!p0 $0x11  }
0xbd: {  	_ =	swait.ge @!p0 [sflag:s0], s1  }
0xbe: {  	s1 =	ssub.s32 @!p0 $0x0, s1;
	[sflag:s0] =	ssyncset.done @!p0 $0x0  }
0xbf: {  	[sflag:s0] =	ssyncadd.s32 @!p0 s1  }
0xc0: {  	[bflag:$0x3] =	sbarrier.arrive $0xFFFF  }
0xc1: {  	_ =	shalt  }

// kernel: kernel.16.cloned.1.call-start
scs
__scs_entry_jumppad:
0x0: {  	(pc) =	sbr.rel $0x88, $3  }
0x1: {  	(tag) =	ssettag $0x0;
	lr =	simm.s32 $0x1  }
0x2: {  	[smem:$0x3F8F] =	sst lr;
	_ =	strace $0xD0000000  }
0x3: {  	_ = 	snop  }
0x4: {  	_ = 	snop  }
0x5: {  	_ = 	snop  }
0x6: {  	_ = 	snop  }
0x7: {  	_ = 	snop  }
__scs_overlays_trampoline_lowered:
0x8: {  	[smem:$0x3F9E] =	sst s0  }
0x9: {  	[smem:$0x3F9F] =	sst s1  }
0xa: {  	[smem:$0x3FA0] =	sst s2  }
0xb: {  	[smem:$0x3FA1] =	sst s3  }
0xc: {  	[smem:$0x3FA2] =	sst s4  }
0xd: {  	[smem:$0x3FA3] =	sst s5  }
0xe: {  	[smem:$0x3FA4] =	sst s6  }
0xf: {  	[smem:$0x3FA5] =	sst s7  }
0x10: {  	[smem:$0x3FA6] =	sst s8  }
0x11: {  	[smem:$0x3FA7] =	sst s9;
	s0 =	simm.s32 @!p0 $0x0  }
0x12: {  	s1 =	sld [smem:$0x3F8D];
	s0 =	simm.s32 @p0 $0x1  }
0x13: {  	[smem:$0x3FA8] =	sst s0;
	s0 =	simm.s32 @!p1 $0x0  }
0x14: {  	s2 =	sld [smem:$0x3F8C];
	s0 =	simm.s32 @p1 $0x1  }
0x15: {  	[smem:$0x3FA9] =	sst s0;
	s0 =	simm.s32 @!p2 $0x0  }
0x16: {  	s3 =	sld [smem:$0x3FDB];
	s0 =	simm.s32 @p2 $0x1  }
0x17: {  	s4 =	simm.s32 $0x1BF5;
	[smem:$0x3FAB] =	sst s0  }
0x18: {  	s0 =	sld [smem:$0x3F8E];
	_ =	swait.ge [sflag:s4], $0x0  }
0x19: {  	s7 =	sld [smem:$0x3F8F]  }
0x1a: {  	s8 =	sadd.s32 $0xFFFFE003, lr  }
0x1b: {  	s9 =	sadd.s32 $0xFFFFFEF7, lr;
	s5 =	simm.s32 $0xFFFFFFFF;
	p2 =	slt.u32 s8, $0xFFFFF086  }
0x1c: {  	p1 =	slt.u32 s9, $0xF7A;
	s5 =	simm.s32 @!p2 $0x0  }
0x1d: {  	s5 =	simm.s32 @p1 $0x1;
	p0 =	seq.s32 s7, s2  }
0x1e: {  	s7 =	smul.u32 @!p0 $0xF7A, s2;
	p2 =	seq.s32 @!p0 s5, $0x0  }
0x1f: {  	s9 =	smul.u32 $0xF7A, s1;
	s8 =	simm.s32 @!p0 $0x1BF5;
	p2 =	por !p2, p0  }
0x20: {  	[sflag:s8] =	ssyncset.s32 @!p0 $0xFFFFF086;
	s6 =	sadd.s32 @!p0 s3, s7;
	s7 =	simm.s32 @!p0 $0x108  }
0x21: {  	s3 =	sadd.s32 s3, s9;
	s6 =	sadd.s32 @!p0 $0x88, s6;
	s7 =	simm.s32 @p2 $0x1082  }
0x22: {  	[simem:s7], [sflag:s8] =	dma.local @!p0 [hbm:s6], $0xF7A  }
0x23: {  	s9 =	sor.u32 $0xD0000000, s2;
	s6 =	simm.s32 $0x108;
	_ =	swait.ge @!p0 [sflag:s8], $0x0  }
0x24: {  	s3 =	sadd.s32 $0x88, s3;
	s6 =	simm.s32 @!p1 $0x1082;
	[sflag:s4] =	ssyncset.s32 $0xFFFFF086  }
0x25: {  	[simem:s6], [sflag:s4] =	dma.local [hbm:s3], $0xF7A  }
0x26: {  	[smem:$0x3F8F] =	sst s1;
	(tag) =	ssettag s2;
	_ =	strace s9  }
0x27: {  	s1 =	sld [smem:$0x3F9F]  }
0x28: {  	s2 =	sld [smem:$0x3FA0]  }
0x29: {  	s4 =	sld [smem:$0x3FA2]  }
0x2a: {  	p0 =	seq.s32 s5, $0x0;
	s5 =	sld [smem:$0x3FA3]  }
0x2b: {  	s6 =	sld [smem:$0x3FA4]  }
0x2c: {  	s7 =	sld [smem:$0x3FA5]  }
0x2d: {  	s3 =	simm.s32 $0x108;
	s8 =	sld [smem:$0x3FA6]  }
0x2e: {  	s3 =	simm.s32 @!p0 $0x1082;
	s9 =	sld [smem:$0x3FA7]  }
0x2f: {  	lr =	sadd.s32 s0, s3;
	s0 =	sld [smem:$0x3F9E]  }
0x30: {  	s3 =	sld [smem:$0x3FA1]  }
0x31: {  	[smem:$0x3FAA] =	sst s10  }
0x32: {  	s10 =	sld [smem:$0x3FA8];
	_ =	sdelay $0x3  }
0x33: {  	p0 =	seq.s32 s10, $0x1;
	s10 =	sld [smem:$0x3FAA];
	_ =	sdelay $0x3  }
0x34: {  	[smem:$0x3FAA] =	sst s10  }
0x35: {  	s10 =	sld [smem:$0x3FA9];
	_ =	sdelay $0x3  }
0x36: {  	p1 =	seq.s32 s10, $0x1;
	s10 =	sld [smem:$0x3FAA];
	_ =	sdelay $0x3  }
0x37: {  	[smem:$0x3FAA] =	sst s10  }
0x38: {  	s10 =	sld [smem:$0x3FAB]  }
0x39: {  	_ = 	snop;
	(pc) =	sbr.ind lr, $3  }
0x3a: {  	_ = 	snop  }
0x3b: {  	_ = 	snop  }
0x3c: {  	p2 =	seq.s32 s10, $0x1;
	s10 =	sld [smem:$0x3FAA]  }
0x3d: {  	_ =	shalt  }
0x3e: {  	_ =	shalt  }
0x3f: {  	_ =	shalt  }
0x40: {  	_ =	shalt  }
0x41: {  	_ =	shalt  }
0x42: {  	_ =	shalt  }
0x43: {  	_ =	shalt  }
0x44: {  	_ =	shalt  }
0x45: {  	_ =	shalt  }
0x46: {  	_ =	shalt  }
0x47: {  	_ =	shalt  }
0x48: {  	_ =	shalt  }
0x49: {  	_ =	shalt  }
0x4a: {  	_ =	shalt  }
0x4b: {  	_ =	shalt  }
0x4c: {  	_ =	shalt  }
0x4d: {  	_ =	shalt  }
0x4e: {  	_ =	shalt  }
0x4f: {  	_ =	shalt  }
0x50: {  	_ =	shalt  }
0x51: {  	_ =	shalt  }
0x52: {  	_ =	shalt  }
0x53: {  	_ =	shalt  }
0x54: {  	_ =	shalt  }
0x55: {  	_ =	shalt  }
0x56: {  	_ =	shalt  }
0x57: {  	_ =	shalt  }
0x58: {  	_ =	shalt  }
0x59: {  	_ =	shalt  }
0x5a: {  	_ =	shalt  }
0x5b: {  	_ =	shalt  }
0x5c: {  	_ =	shalt  }
0x5d: {  	_ =	shalt  }
0x5e: {  	_ =	shalt  }
0x5f: {  	_ =	shalt  }
0x60: {  	_ =	shalt  }
0x61: {  	_ =	shalt  }
0x62: {  	_ =	shalt  }
0x63: {  	_ =	shalt  }
0x64: {  	_ =	shalt  }
0x65: {  	_ =	shalt  }
0x66: {  	_ =	shalt  }
0x67: {  	_ =	shalt  }
0x68: {  	_ =	shalt  }
0x69: {  	_ =	shalt  }
0x6a: {  	_ =	shalt  }
0x6b: {  	_ =	shalt  }
0x6c: {  	_ =	shalt  }
0x6d: {  	_ =	shalt  }
0x6e: {  	_ =	shalt  }
0x6f: {  	_ =	shalt  }
0x70: {  	_ =	shalt  }
0x71: {  	_ =	shalt  }
0x72: {  	_ =	shalt  }
0x73: {  	_ =	shalt  }
0x74: {  	_ =	shalt  }
0x75: {  	_ =	shalt  }
0x76: {  	_ =	shalt  }
0x77: {  	_ =	shalt  }
0x78: {  	_ =	shalt  }
0x79: {  	_ =	shalt  }
0x7a: {  	_ =	shalt  }
0x7b: {  	_ =	shalt  }
0x7c: {  	_ =	shalt  }
0x7d: {  	_ =	shalt  }
0x7e: {  	_ =	shalt  }
0x7f: {  	_ =	shalt  }
0x80: {  	_ =	shalt  }
0x81: {  	_ =	shalt  }
0x82: {  	_ =	shalt  }
0x83: {  	_ =	shalt  }
0x84: {  	_ =	shalt  }
0x85: {  	_ =	shalt  }
0x86: {  	_ =	shalt  }
0x87: {  	_ =	shalt  }
.Lfunc_end0:
.L_simem_size_0:
called_computation.2_lowered:
.L_overlay_start_0:
0x88: {  	s2 =	sld [smem:$0x3FD9]  }
0x89: {  	s3 =	sld [smem:$0x3FFE];
	_ =	sdelay $0x1  }
0x8a: {  	s1 =	srdreg.scid  }
0x8b: {  	s0 =	sand.u32 $0x1, s1  }
0x8c: {  	s14 =	sshll.u32 s0, $0xA;
	s2 =	sadd.s32 s3, s2  }
0x8d: {  	s2 =	sadd.s32 s2, s14  }
0x8e: {  	[smem:$0x3FB6] =	sst s2  }
0x8f: {  	_ = 	snop  }
0x90: {  	s2 =	sld [smem:$0x3FD0];
	_ =	sdelay $0x2  }
0x91: {  	s15 =	simm.s32 $0xA;
	s4 =	simm.s32 $0x10  }
0x92: {  	[smem:s4], [sflag:s15] =	dma.local [hbm:s2], $0x1  }
0x93: {  	_ =	swait.eq [sflag:s15], $0x1  }
0x94: {  	[sflag:s15] =	ssyncset.done $0x0  }
0x95: {  	[sflag:s15] =	ssyncadd.s32 $0xFFFFFFFF  }
0x96: {  	s16 =	sld [smem:$0x11];
	(tm) =	ssettm $0x1  }
0x97: {  	s17 =	sld [smem:$0x3FFB];
	_ =	sdelay $0x3  }
0x98: {  	_ =	strace s17  }
0x99: {  	s3 =	sld [smem:$0x3FFC];
	_ =	sdelay $0x3  }
0x9a: {  	_ =	strace s3  }
0x9b: {  	s3 =	sld [smem:$0x3FFD];
	_ =	sdelay $0x3  }
0x9c: {  	_ =	strace s3  }
0x9d: {  	_ =	strace $0x8FFFFFFF  }
0x9e: {  	s18 =	sld [smem:$0x3FDB];
	_ =	sdelay $0x1  }
0x9f: {  	s19 =	simm.s32 $_scs_section_size  }
0xa0: {  	s5 =	simm.s32 $_size__tile_overlayer_lowered;
	s6 =	simm.s32 $_tile_overlayer_lowered  }
0xa1: {  	s22 =	simm.s32 $0x1BFF;
	s21 =	sshll.u32 s6, $0x1;
	s3 =	sadd.s32 s19, s18  }
0xa2: {  	s7 =	simm.s32 $0x0;
	s20 =	sshll.u32 s5, $0x1;
	s5 =	sadd.s32 s21, s3  }
0xa3: {  	[timem:s7], [sflag:s22] =	dma.local [hbm:s5], s20  }
0xa4: {  	_ =	swait.ge [sflag:s22], s20  }
0xa5: {  	s4 =	ssub.s32 $0x0, s20;
	[sflag:s22] =	ssyncset.done $0x0  }
0xa6: {  	[sflag:s22] =	ssyncadd.s32 s4;
	_ =	sdelay $0x1  }
0xa7: {  	s23 =	simm.s32 $0x1B8B  }
0xa8: {  	_ =	swait.ge [sflag:s23], $0x1  }
0xa9: {  	[sflag:s23] =	ssyncset.done $0x0  }
0xaa: {  	s25 =	simm.s32 $0x1B8E;
	s24 =	sld [smem:$0x3FFE];
	[sflag:s23] =	ssyncadd.s32 $0xFFFFFFFF  }
0xab: {  	s26 =	simm.s32 $execute0_lowered;
	[smem:$0x3FD2] =	sst s25  }
0xac: {  	s5 =	sshll.u32 s26, $0x1;
	_ =	strace $0x8000004C;
	[dreg:$0x1] =	wrdreg $0xFFFFFFFF  }
0xad: {  	s28 =	simm.s32 $_size_execute0_lowered;
	s3 =	sadd.s32 s3, s5;
	[dreg:$0x0] =	wrdreg $0x0  }
0xae: {  	s5 =	sshll.u32 s28, $0x1;
	[dreg:$0x2] =	wrdreg s3  }
0xaf: {  	[dreg:$0x3] =	wrdreg s5  }
0xb0: {  	[dreg:$0x4] =	wrdreg $0xC0  }
0xb1: {  	_ =	task [dreg:s7], $0x5FFFF  }
0xb2: {  	[dreg:$0x1] =	wrdreg $0xFFFFFFFF  }
0xb3: {  	[dreg:$0x0] =	wrdreg $0x60  }
0xb4: {  	[dreg:$0x2] =	wrdreg s16  }
0xb5: {  	[dreg:$0x3] =	wrdreg s24  }
0xb6: {  	[dreg:$0x4] =	wrdreg $0xDF000  }
0xb7: {  	[dreg:$0x5] =	wrdreg $0xB7800  }
0xb8: {  	[dreg:$0x6] =	wrdreg $0x9  }
0xb9: {  	_ =	task.clear_ibuf [dreg:s7], $0x7FFFF;
	_ =	strace $0x9000004C  }
0xba: {  	s29 =	simm.s32 $0x9;
	_ =	strace $0x8000004E  }
0xbb: {  	_ =	swait.ge [sflag:s29], $0x1  }
0xbc: {  	[sflag:s29] =	ssyncadd.s32 $0xFFFFFFFF  }
0xbd: {  	_ =	strace $0x9000004E  }
0xbe: {  	_ =	sfence  }
0xbf: {  	s30 =	sld [smem:$0x0];
	_ =	sdelay $0x2  }
0xc0: {  	s31 =	sshll.u32 s1, $0xD;
	s1 =	sshrl.u32 s1, $0x2  }
0xc1: {  	s3 =	sand.u32 $0x4000, s31;
	s1 =	sadd.s32 s1, s30  }
0xc2: {  	s0 =	sor.u32 s3, s0;
	s1 =	sshll.u32 s1, $0x11  }
0xc3: {  	s0 =	sor.u32 s1, s0  }
0xc4: {  	s0 =	sadd.s32 $0x8F2B, s0  }
0xc5: {  	[sflag:s0] =	ssyncadd.remote.s32 $0x1  }
0xc6: {  	_ =	sfence.sel $0xFFFF  }
0xc7: {  	[dreg:$0x0] =	wrdreg $0xFFFFFFFF;
	(pc) =	sbr.abs _section_cstart, $3  }
0xc8: {  	[dreg:$0x1] =	wrdreg $0xFFFFFFFF  }
0xc9: {  	_ =	task.clear_ibuf [dreg:s7], $0x2FFFF;
	_ =	strace $0x9FFFFFFF  }
0xca: {  	(tm) =	ssettm $0x7FFFFFFF  }
0xcb: {  	_ =	shalt  }
tec
execute0_lowered:
.L_overlay_start_1:
0x0: {  	(tag) =	ssettag $0x1  }
0x1: {  	s0 =	rddreg [dreg:$0x0]  }
0x2: {  	s1 =	rddreg [dreg:$0x1]  }
0x3: {  	s2 =	rddreg [dreg:$0x2]  }
0x4: {  	s3 =	rddreg [dreg:$0x3];
	s4 =	srdreg.scid  }
0x5: {  	s10 =	stileid.u32;
	s12 =	simm.s32 $0x11;
	s16 =	simm.s32 $0x80  }
0x6: {  	s17 =	simm.s32 $0x5000;
	s18 =	simm.s32 $0x5800;
	s20 =	simm.s32 $0x6000  }
0x7: {  	s29 =	simm.s32 $0x8000;
	s31 =	simm.s32 $0x8800;
	s11 =	simm.s32 $0x3  }
0x8: {  	s13 =	simm.s32 $0x4;
	s19 =	simm.s32 $0x5;
	s30 =	simm.s32 $0xB  }
0x9: {  	s5 =	sand.u32 $0x1, s4;
	s6 =	smul.u32 $0x2780, s10;
	s4 =	simm.s32 $0x0  }
0xa: {  	s7 =	sshll.u32 s10, $0x1;
	s26 =	sshll.u32 s10, $0x6;
	s8 =	smul.u32 $0x27800, s5  }
0xb: {  	[smem:$0x7FF] =	sst s4;
	s7 =	sor.u32 s5, s7;
	s5 =	ssub.s32 $0x2, s5  }
0xc: {  	s14 =	sor.u32 $0x1C11, s26;
	s7 =	smul.u32 $0x500, s7;
	_ =	strace $0x8000004D  }
0xd: {  	s9 =	sshrl.u32 s5, $0x1;
	s23 =	sshrl.u32 s6, $0x3;
	s8 =	sadd.s32 s6, s8  }
0xe: {  	s21 =	ssub.s32 s5, s9;
	s5 =	sadd.s32 s6, s2;
	s6 =	sadd.s32 s6, s3  }
0xf: {  	s0 =	sadd.s32 s0, s23;
	s23 =	simm.s32 $0x8;
	s9 =	simm.s32 $0x10  }
0x10: {  	s8 =	sshrl.u32 s8, $0x3;
	s7 =	sadd.s32 s7, s1;
	[dreg:$0x7] =	wrdreg s0  }
0x11: {  	s25 =	smax.u32 s21, $0x1;
	s28 =	sshrl.u32 s6, $0x3;
	s0 =	simm.s32 $0x1  }
.Ltmp0:
0x12: {  	s21 =	simm.s32 $0x7;
	[dreg:$0x9] =	wrdreg s25;
	(pc) =	sbr.rel .LBB2_1-.Ltmp0, $4  }
0x13: {  	s1 =	sadd.s32 s8, s1;
	s22 =	sadd.s32 $0xC600, s7;
	[dreg:$0xa] =	wrdreg s28  }
0x14: {  	s7 =	sadd.s32 $0x2600, s7;
	s25 =	simm.s32 $0xC;
	[dreg:$0x5] =	wrdreg s22  }
0x15: {  	[dreg:$0x6] =	wrdreg s7;
	s24 =	sadd.s32 $0x16600, s1;
	s22 =	simm.s32 $0x6800  }
0x16: {  	v0 =	vimm.f32 $0.0e+00;
	s1 =	simm.s32 $0x2;
	[dreg:$0x8] =	wrdreg s24;
	s24 =	simm.s32 $0x7000  }
.LBB2_6:
0x17: {  	_ =	swait.ge [sflag:s23], $0x800  }
0x18: {  	[sflag:s23] =	ssyncset.done $0x0  }
0x19: {  	s6 =	simm.s32 $0x4F80;
	s28 =	simm.s32 $0x9;
	[sflag:s23] =	ssyncadd.s32 $0xFFFFF800  }
0x1a: {  	[spmem:s2] =	stream.indirect.scatter.add.f32 [tilespmem:s31], [sflag:$0x10], $0x10, s6, s16, $0xb8;
	[tilespmem:$0x10680] =	vst v63  }
0x1b: {  	_ =	swait.ge [sflag:s28], $0x800  }
0x1c: {  	[sflag:s28] =	ssyncset.done $0x0  }
0x1d: {  	s7 =	simm.s32 $0xA;
	[sflag:s28] =	ssyncadd.s32 $0xFFFFF800  }
0x1e: {  	_ =	swait.ge [sflag:s7], $0x800  }
0x1f: {  	[sflag:s7] =	ssyncset.done $0x0  }
0x20: {  	[sflag:s7] =	ssyncadd.s32 $0xFFFFF800  }
0x21: {  	_ =	swait.ge [sflag:s30], $0x800  }
0x22: {  	[sflag:s30] =	ssyncset.done $0x0  }
0x23: {  	[sflag:s30] =	ssyncadd.s32 $0xFFFFF800  }
0x24: {  	_ =	swait.ge [sflag:s25], $0x800  }
0x25: {  	[sflag:s25] =	ssyncset.done $0x0  }
0x26: {  	s8 =	simm.s32 $0xD;
	[sflag:s25] =	ssyncadd.s32 $0xFFFFF800  }
0x27: {  	_ =	swait.ge [sflag:s8], $0x800  }
0x28: {  	[sflag:s8] =	ssyncset.done $0x0  }
0x29: {  	s10 =	simm.s32 $0xE;
	[sflag:s8] =	ssyncadd.s32 $0xFFFFF800  }
0x2a: {  	_ =	swait.ge [sflag:s10], $0x800  }
0x2b: {  	[sflag:s10] =	ssyncset.done $0x0  }
0x2c: {  	s15 =	simm.s32 $0xF;
	[sflag:s10] =	ssyncadd.s32 $0xFFFFF800  }
0x2d: {  	_ =	swait.ge [sflag:s15], $0x800  }
0x2e: {  	[sflag:s15] =	ssyncset.done $0x0  }
0x2f: {  	[sflag:s15] =	ssyncadd.s32 $0xFFFFF800  }
0x30: {  	_ =	swait.ge [sflag:s9], $0x800  }
0x31: {  	[sflag:s9] =	ssyncset.done $0x0  }
0x32: {  	[sflag:s9] =	ssyncadd.s32 $0xFFFFF800  }
0x33: {  	[bflag:$0x0] =	sbarrier.arrive $0xFFFF  }
0x34: {  	s26 =	sshrl.u32 s5, $0x3;
	s7 =	rddreg [dreg:$0x8]  }
0x35: {  	[hbm:s7], [sflag:s14] =	dma.local [spmem:s26], $0x4F0  }
0x36: {  	_ =	swait.ge [sflag:s12], $0x4F0  }
0x37: {  	s4 =	sadd.s32 $0x1, s4;
	s28 =	rddreg [dreg:$0x9]  }
0x38: {  	p0 =	sne.s32 s4, s28  }
.Ltmp1:
0x39: {  	_ = 	snop;
	(pc) =	sbr.rel @!p0 .LBB2_7-.Ltmp1, $3  }
0x3a: {  	_ =	sdelay $0x1  }
0x3b: {  	[sflag:s12] =	ssyncset.done $0x0  }
0x3c: {  	[sflag:s12] =	ssyncadd.s32 $0xFFFFFB10  }
.LBB2_1:
0x3d: {  	s10 =	simm.s32 $0x40;
	s15 =	simm.s32 $0x0  }
.LBB2_2:
0x3e: {  	p0 =	sne.s32 s10, $0x9DC0;
	[tilespmem:s15+$0x9000] =	vst v0;
	s15 =	smov.u32 s10;
	s10 =	sadd.s32 $0x40, s10  }
.Ltmp2:
0x3f: {  	(pc) =	sbr.rel @p0 .LBB2_2-.Ltmp2, $2  }
0x40: {  	_ =	sdelay $0x2  }
0x41: {  	s15 =	sshra.s32 s15, $0x2  }
0x42: {  	[tilespmem:s15+$0x9000] =	vst v0;
	s6 =	simm.s32 $0x9000  }
0x43: {  	[spmem:s5] =	stream.linear.scatter [tilespmem:s6], [sflag:$0x11], $0x2780, $0x38;
	[tilespmem:$0x10680] =	vst v63  }
0x44: {  	_ =	swait.ge [sflag:s12], $0x2780  }
0x45: {  	[sflag:s12] =	ssyncset.done $0x0  }
0x46: {  	s10 =	simm.s32 $0x0;
	s26 =	rddreg [dreg:$0x5];
	[sflag:s12] =	ssyncadd.s32 $0xFFFFD880  }
0x47: {  	[tilespmem:s10], [sflag:$0x11] =	stream.linear.gather [hbm4b:s26+s10], $0x2800, $0x38;
	[tilespmem:$0x10680] =	vst v63  }
0x48: {  	_ =	swait.ge [sflag:s12], $0x2800  }
0x49: {  	[sflag:s12] =	ssyncset.done $0x0  }
0x4a: {  	s7 =	simm.s32 $0x2800;
	s28 =	rddreg [dreg:$0x6];
	[sflag:s12] =	ssyncadd.s32 $0xFFFFD800  }
0x4b: {  	[tilespmem:s7], [sflag:$0x11] =	stream.linear.gather [hbm4b:s28+s10], $0x2800, $0x38;
	[tilespmem:$0x10680] =	vst v63  }
0x4c: {  	_ =	swait.ge [sflag:s12], $0x2800  }
0x4d: {  	[sflag:s12] =	ssyncset.done $0x0;
	s8 =	rddreg [dreg:$0x7]  }
0x4e: {  	s15 =	rddreg [dreg:$0xa];
	[sflag:s12] =	ssyncadd.s32 $0xFFFFD800  }
0x4f: {  	[spmem:s15], [sflag:s14] =	dma.local [hbm:s8], $0x4F0  }
0x50: {  	_ =	swait.ge [sflag:s12], $0x4F0  }
0x51: {  	[sflag:s12] =	ssyncset.done $0x0  }
0x52: {  	[sflag:s12] =	ssyncadd.s32 $0xFFFFFB10  }
0x53: {  	[bflag:$0x0] =	sbarrier.arrive $0xFFFF  }
0x54: {  	[tilespmem:s17], [sflag:$0x1] =	stream.indirect.gather [spmem:s3], $0x10, s10, s16, $0xb8;
	[tilespmem:$0x10680] =	vst v63  }
0x55: {  	_ = 	snop  }
0x56: {  	[tilespmem:s18], [sflag:$0x2] =	stream.indirect.gather [spmem:s3], $0x10, s16, s16, $0xb8;
	[tilespmem:$0x10680] =	vst v63  }
0x57: {  	s26 =	simm.s32 $0x100  }
0x58: {  	[tilespmem:s20], [sflag:$0x3] =	stream.indirect.gather [spmem:s3], $0x10, s26, s16, $0xb8;
	[tilespmem:$0x10680] =	vst v63  }
0x59: {  	s28 =	simm.s32 $0x180  }
0x5a: {  	[tilespmem:s22], [sflag:$0x4] =	stream.indirect.gather [spmem:s3], $0x10, s28, s16, $0xb8;
	[tilespmem:$0x10680] =	vst v63  }
0x5b: {  	s7 =	simm.s32 $0x200  }
0x5c: {  	[tilespmem:s24], [sflag:$0x5] =	stream.indirect.gather [spmem:s3], $0x10, s7, s16, $0xb8;
	[tilespmem:$0x10680] =	vst v63  }
0x5d: {  	s8 =	simm.s32 $0x280;
	s15 =	simm.s32 $0x7800  }
0x5e: {  	[tilespmem:s15], [sflag:$0x6] =	stream.indirect.gather [spmem:s3], $0x10, s8, s16, $0xb8;
	[tilespmem:$0x10680] =	vst v63  }
0x5f: {  	s26 =	simm.s32 $0x300  }
0x60: {  	[tilespmem:s29], [sflag:$0x7] =	stream.indirect.gather [spmem:s3], $0x10, s26, s16, $0xb8;
	[tilespmem:$0x10680] =	vst v63  }
0x61: {  	s28 =	simm.s32 $0x380;
	s15 =	simm.s32 $0xFFFFFFF8  }
0x62: {  	[tilespmem:s31], [sflag:$0x8] =	stream.indirect.gather [spmem:s3], $0x10, s28, s16, $0xb8;
	[tilespmem:$0x10680] =	vst v63  }
.LBB2_4:
0x63: {  	_ =	swait.ge [sflag:s0], $0x800  }
0x64: {  	s26 =	sshra.s32 s10, $0x2;
	[sflag:s0] =	ssyncset.done $0x0  }
0x65: {  	p0 =	sgt.u32 s15, $0x47;
	s28 =	sadd.s32 $0x2800, s26;
	[sflag:s0] =	ssyncadd.s32 $0xFFFFF800  }
0x66: {  	[spmem:s2] =	stream.indirect.scatter.add.f32 [tilespmem:s17], [sflag:$0x9], $0x10, s28, s16, $0xb8;
	[tilespmem:$0x10680] =	vst v63  }
0x67: {  	s28 =	simm.s32 @!p0 $0xD  }
0x68: {  	_ =	swait.ge @!p0 [sflag:s28], $0x800  }
0x69: {  	[sflag:s28] =	ssyncset.done @!p0 $0x0  }
0x6a: {  	[sflag:s28] =	ssyncadd.s32 @!p0 $0xFFFFF800;
	s28 =	sshra.s32 @!p0 s10, $0x2  }
0x6b: {  	s7 =	simm.s32 @!p0 $0x80;
	s8 =	simm.s32 @!p0 $0x7000;
	s6 =	sadd.s32 @!p0 $0x200, s28  }
0x6c: {  	[tilespmem:s8], [sflag:$0x5] =	stream.indirect.gather @!p0 [spmem:s3], $0x10, s6, s7, $0xb8;
	[tilespmem:$0x10680] =	vst v63  }
0x6d: {  	_ =	swait.ge [sflag:s1], $0x800  }
0x6e: {  	[sflag:s1] =	ssyncset.done $0x0  }
0x6f: {  	s8 =	sadd.s32 $0x2880, s26;
	s6 =	simm.s32 @!p0 $0xE;
	[sflag:s1] =	ssyncadd.s32 $0xFFFFF800  }
0x70: {  	[spmem:s2] =	stream.indirect.scatter.add.f32 [tilespmem:s18], [sflag:$0xA], $0x10, s8, s16, $0xb8;
	[tilespmem:$0x10680] =	vst v63  }
0x71: {  	_ =	swait.ge @!p0 [sflag:s6], $0x800  }
0x72: {  	[sflag:s6] =	ssyncset.done @!p0 $0x0  }
0x73: {  	s8 =	simm.s32 @!p0 $0x7800;
	[sflag:s6] =	ssyncadd.s32 @!p0 $0xFFFFF800;
	s6 =	sadd.s32 @!p0 $0x280, s28  }
0x74: {  	[tilespmem:s8], [sflag:$0x6] =	stream.indirect.gather @!p0 [spmem:s3], $0x10, s6, s7, $0xb8;
	[tilespmem:$0x10680] =	vst v63  }
0x75: {  	_ =	swait.ge [sflag:s11], $0x800  }
0x76: {  	[sflag:s11] =	ssyncset.done $0x0  }
0x77: {  	s8 =	sadd.s32 $0x2900, s26;
	s6 =	simm.s32 @!p0 $0xF;
	[sflag:s11] =	ssyncadd.s32 $0xFFFFF800  }
0x78: {  	[spmem:s2] =	stream.indirect.scatter.add.f32 [tilespmem:s20], [sflag:$0xB], $0x10, s8, s16, $0xb8;
	[tilespmem:$0x10680] =	vst v63  }
0x79: {  	_ =	swait.ge @!p0 [sflag:s6], $0x800  }
0x7a: {  	[sflag:s6] =	ssyncset.done @!p0 $0x0  }
0x7b: {  	s8 =	simm.s32 @!p0 $0x8000;
	[sflag:s6] =	ssyncadd.s32 @!p0 $0xFFFFF800;
	s6 =	sadd.s32 @!p0 $0x300, s28  }
0x7c: {  	[tilespmem:s8], [sflag:$0x7] =	stream.indirect.gather @!p0 [spmem:s3], $0x10, s6, s7, $0xb8;
	[tilespmem:$0x10680] =	vst v63  }
0x7d: {  	_ =	swait.ge [sflag:s13], $0x800  }
0x7e: {  	p0 =	seq.s32 s10, $0x0;
	[sflag:s13] =	ssyncset.done $0x0  }
0x7f: {  	s7 =	sadd.s32 $0x2980, s26;
	s6 =	simm.s32 @!p0 $0x10;
	[sflag:s13] =	ssyncadd.s32 $0xFFFFF800  }
0x80: {  	[spmem:s2] =	stream.indirect.scatter.add.f32 [tilespmem:s22], [sflag:$0xC], $0x10, s7, s16, $0xb8;
	[tilespmem:$0x10680] =	vst v63  }
0x81: {  	_ =	swait.ge @!p0 [sflag:s6], $0x800  }
0x82: {  	[sflag:s6] =	ssyncset.done @!p0 $0x0  }
0x83: {  	[sflag:s6] =	ssyncadd.s32 @!p0 $0xFFFFF800;
	s6 =	sshra.s32 @!p0 s10, $0x2  }
0x84: {  	s8 =	simm.s32 @!p0 $0x8800;
	s7 =	simm.s32 @!p0 $0x80;
	s6 =	sadd.s32 @!p0 $0x380, s6  }
0x85: {  	[tilespmem:s8], [sflag:$0x8] =	stream.indirect.gather @!p0 [spmem:s3], $0x10, s6, s7, $0xb8;
	[tilespmem:$0x10680] =	vst v63  }
0x86: {  	_ =	swait.ge [sflag:s19], $0x800  }
0x87: {  	p0 =	seq.s32 s10, $0x9000;
	[sflag:s19] =	ssyncset.done $0x0  }
0x88: {  	s8 =	sadd.s32 $0x2A00, s26;
	s6 =	simm.s32 @p0 $0x6;
	[sflag:s19] =	ssyncadd.s32 $0xFFFFF800  }
0x89: {  	[spmem:s2] =	stream.indirect.scatter.add.f32 [tilespmem:s24], [sflag:$0xD], $0x10, s8, s16, $0xb8;
	[tilespmem:$0x10680] =	vst v63  }
0x8a: {  	_ =	swait.ge @p0 [sflag:s6], $0x800  }
0x8b: {  	s7 =	simm.s32 @p0 $0x4E80;
	[sflag:s6] =	ssyncset.done @p0 $0x0  }
0x8c: {  	s8 =	simm.s32 @p0 $0x7800;
	[sflag:s6] =	ssyncadd.s32 @p0 $0xFFFFF800;
	s6 =	simm.s32 @p0 $0x80  }
0x8d: {  	[spmem:s2] =	stream.indirect.scatter.add.f32 @p0 [tilespmem:s8], [sflag:$0xE], $0x10, s7, s6, $0xb8;
	[tilespmem:$0x10680] =	vst v63  }
0x8e: {  	s6 =	simm.s32 @!p0 $0x9  }
0x8f: {  	_ =	swait.ge @!p0 [sflag:s6], $0x800  }
0x90: {  	[sflag:s6] =	ssyncset.done @!p0 $0x0  }
0x91: {  	[sflag:s6] =	ssyncadd.s32 @!p0 $0xFFFFF800;
	s6 =	sshra.s32 @!p0 s10, $0x2  }
0x92: {  	s28 =	simm.s32 @!p0 $0x5000;
	s8 =	simm.s32 @!p0 $0x80;
	s7 =	sadd.s32 @!p0 $0x400, s6  }
0x93: {  	[tilespmem:s28], [sflag:$0x1] =	stream.indirect.gather @!p0 [spmem:s3], $0x10, s7, s8, $0xb8;
	[tilespmem:$0x10680] =	vst v63  }
0x94: {  	s7 =	simm.s32 @!p0 $0x6  }
0x95: {  	_ =	swait.ge @!p0 [sflag:s7], $0x800  }
0x96: {  	[sflag:s7] =	ssyncset.done @!p0 $0x0  }
0x97: {  	s28 =	simm.s32 @!p0 $0x7800;
	[sflag:s7] =	ssyncadd.s32 @!p0 $0xFFFFF800;
	s7 =	sadd.s32 @!p0 $0x2A80, s6  }
0x98: {  	[spmem:s2] =	stream.indirect.scatter.add.f32 @!p0 [tilespmem:s28], [sflag:$0xE], $0x10, s7, s8, $0xb8;
	[tilespmem:$0x10680] =	vst v63  }
0x99: {  	s7 =	simm.s32 @!p0 $0xA  }
0x9a: {  	_ =	swait.ge @!p0 [sflag:s7], $0x800  }
0x9b: {  	[sflag:s7] =	ssyncset.done @!p0 $0x0  }
0x9c: {  	s6 =	sadd.s32 @!p0 $0x480, s6;
	[sflag:s7] =	ssyncadd.s32 @!p0 $0xFFFFF800;
	s7 =	simm.s32 @!p0 $0x5800  }
0x9d: {  	[tilespmem:s7], [sflag:$0x2] =	stream.indirect.gather @!p0 [spmem:s3], $0x10, s6, s8, $0xb8;
	[tilespmem:$0x10680] =	vst v63  }
.Ltmp3:
0x9e: {  	_ = 	snop;
	(pc) =	sbr.rel @p0 .LBB2_6-.Ltmp3, $4  }
0x9f: {  	_ =	swait.ge [sflag:s21], $0x800  }
0xa0: {  	[sflag:s21] =	ssyncset.done $0x0  }
0xa1: {  	s28 =	sadd.s32 $0x2B00, s26;
	[sflag:s21] =	ssyncadd.s32 $0xFFFFF800  }
0xa2: {  	[spmem:s2] =	stream.indirect.scatter.add.f32 [tilespmem:s29], [sflag:$0xF], $0x10, s28, s16, $0xb8;
	[tilespmem:$0x10680] =	vst v63  }
0xa3: {  	_ =	swait.ge [sflag:s30], $0x800  }
0xa4: {  	[sflag:s30] =	ssyncset.done $0x0  }
0xa5: {  	s6 =	sadd.s32 $0x500, s26;
	[sflag:s30] =	ssyncadd.s32 $0xFFFFF800  }
0xa6: {  	[tilespmem:s20], [sflag:$0x3] =	stream.indirect.gather [spmem:s3], $0x10, s6, s16, $0xb8;
	[tilespmem:$0x10680] =	vst v63  }
0xa7: {  	_ =	swait.ge [sflag:s23], $0x800  }
0xa8: {  	[sflag:s23] =	ssyncset.done $0x0  }
0xa9: {  	s8 =	sadd.s32 $0x2B80, s26;
	[sflag:s23] =	ssyncadd.s32 $0xFFFFF800  }
0xaa: {  	[spmem:s2] =	stream.indirect.scatter.add.f32 [tilespmem:s31], [sflag:$0x10], $0x10, s8, s16, $0xb8;
	[tilespmem:$0x10680] =	vst v63  }
.Ltmp4:
0xab: {  	_ = 	snop;
	(pc) =	sbr.rel .LBB2_4-.Ltmp4, $4  }
0xac: {  	_ =	swait.ge [sflag:s25], $0x800  }
0xad: {  	s28 =	sadd.s32 $0x580, s26;
	[sflag:s25] =	ssyncset.done $0x0  }
0xae: {  	s10 =	sadd.s32 $0x1000, s10;
	s15 =	sadd.s32 $0x8, s15;
	[sflag:s25] =	ssyncadd.s32 $0xFFFFF800  }
0xaf: {  	[tilespmem:s22], [sflag:$0x4] =	stream.indirect.gather [spmem:s3], $0x10, s28, s16, $0xb8;
	[tilespmem:$0x10680] =	vst v63  }
.LBB2_7:
0xb0: {  	_ =	sfence.sel $0x180000  }
0xb1: {  	[bflag:$0x0] =	sbarrier.arrive $0xFFFF  }
0xb2: {  	_ =	strace $0x9000004D  }
0xb3: {  	s0 =	stileid.u32;
	[bflag:$0x2] =	sbarrier.arrive $0xFFFF  }
0xb4: {  	p0 =	sne.s32 s0, $0x0;
	s0 =	rddreg [dreg:$0x4]  }
0xb5: {  	s0 =	sadd.s32 @!p0 $0x100000, s0  }
0xb6: {  	[sflag:s0] =	ssyncadd.tile.s32 @!p0 $0x1;
	_ =	shalt  }
.Lfunc_end2:
_tile_overlayer_lowered:
.L_overlay_start_2:
0xb7: {  	(tag) =	ssettag $0x2  }
0xb8: {  	s0 =	rddreg [dreg:$0x0];
	s2 =	stileid.u32  }
0xb9: {  	s1 =	rddreg [dreg:$0x1];
	p0 =	sne.s32 s2, $0x0  }
0xba: {  	s3 =	rddreg [dreg:$0x2];
	[bflag:$0x3] =	sbarrier.arrive $0xFFFF;
	s2 =	simm.s32 @!p0 $0x1C11  }
0xbb: {  	[timem:s3], [sflag:s2] =	dma.local @!p0 [hbm:s0], s1  }
0xbc: {  	s0 =	simm.s32 @!p0 $0x11  }
0xbd: {  	_ =	swait.ge @!p0 [sflag:s0], s1  }
0xbe: {  	s1 =	ssub.s32 @!p0 $0x0, s1;
	[sflag:s0] =	ssyncset.done @!p0 $0x0  }
0xbf: {  	[sflag:s0] =	ssyncadd.s32 @!p0 s1  }
0xc0: {  	[bflag:$0x3] =	sbarrier.arrive $0xFFFF  }
0xc1: {  	_ =	shalt  }

</sc_bundles>
